<compile_context>
chip_gen: v7x
topology: tpu7x:2x2x1
jax: 0.10.2.dev20260603
libtpu: 0.0.44.dev20260713+nightly
codegen_flags: <defaults>
</compile_context>

<pallas_src>
import functools

import jax
import jax.numpy as jnp
from jax import lax
from jax.experimental import pallas as pl
from jax.experimental.pallas import tpu as pltpu
from jax.experimental.pallas import tpu_sc as plsc

C = 256
HW = 960
NX = 200
NY = 200
NVOX = NX * NY
GROWS = 8
GRID = NX // GROWS

NCORE = 2
NSUB = 16
NW = NCORE * NSUB
WROWS = 7
WIN = WROWS * 128
STRIDE = 768
GBLK = 2048
GPAD = GBLK - GROWS * NY
ACC = GRID * GBLK
TRASH = ACC - 64
ZCH = ACC // NSUB
ZBUF = ZCH


def _make_sc_body(s_last, oob_n):
    def _sc_body(idx2_hbm, geom_hbm, sorts_hbm, depth_hbm, dep_out, hw_out,
                 idx2_v, p_v, dep_v, hwp_v, v_v, geom_v, zbuf,
                 acc_dep, acc_hw, sem):
        cid = lax.axis_index("c")
        sid = lax.axis_index("s")
        wid = cid * NSUB + sid
        iota16 = lax.iota(jnp.int32, 16)

        def _fill(i, _):
            zbuf[pl.ds(i * 16, 16)] = jnp.zeros((16,), jnp.float32)
            return 0
        lax.fori_loop(0, ZBUF // 16, _fill, 0)
        zbase = pl.multiple_of(sid * ZCH, 8)
        pltpu.sync_copy(zbuf.at[pl.ds(0, ZCH)],
                        acc_dep.at[pl.ds(zbase, ZCH)])
        pltpu.sync_copy(zbuf.at[pl.ds(0, ZCH)],
                        acc_hw.at[pl.ds(zbase, ZCH)])

        start = jnp.where(wid == NW - 1, s_last, wid * STRIDE)
        start = pl.multiple_of(start, 8)
        pltpu.sync_copy(idx2_hbm.at[pl.ds(start, WIN)], idx2_v)
        pltpu.sync_copy(geom_hbm.at[pl.ds(start * 4, WIN * 4)], geom_v)
        if oob_n:
            @pl.when(wid == NW - 1)
            def _patch():
                g = idx2_v[pl.ds(WIN - 16, 16)]
                idx2_v[pl.ds(WIN - 16, 16)] = jnp.where(
                    iota16 >= 16 - oob_n, 0, g)
        cps = [pltpu.async_copy(sorts_hbm.at[idx2_v.at[pl.ds(j * 128, 128)]],
                                p_v.at[pl.ds(j * 128, 128)], sem)
               for j in range(WROWS)]
        for cp in cps:
            cp.wait()
        cps = [pltpu.async_copy(depth_hbm.at[p_v.at[pl.ds(j * 128, 128)]],
                                dep_v.at[pl.ds(j * 128, 128)], sem)
               for j in range(WROWS)]
        for cp in cps:
            cp.wait()

        for i in range(WIN // 16):
            p16 = p_v[pl.ds(i * 16, 16)]
            q16 = (p16.astype(jnp.float32) * (1.0 / HW)).astype(jnp.int32)
            hw16 = p16 - q16 * HW
            hw16 = jnp.where(hw16 < 0, hw16 + HW, hw16)
            hw16 = jnp.where(hw16 >= HW, hw16 - HW, hw16)
            hwp_v[pl.ds(i * 16, 16)] = hw16.astype(jnp.float32) + 1.0
            gidx = (iota16 + i * 16) * 4
            gx16 = plsc.load_gather(geom_v, [gidx])
            gy16 = plsc.load_gather(geom_v, [gidx + 1])
            v16 = (gx16 * NY + gy16
                   + lax.shift_right_logical(gx16, 3) * GPAD)
            if oob_n and i == WIN // 16 - 1:
                v16 = jnp.where(
                    jnp.logical_and(wid == NW - 1, iota16 >= 16 - oob_n),
                    TRASH, v16)
            v_v[i // 8, pl.ds((i % 8) * 16, 16)] = v16

        plsc.subcore_barrier()
        for j in range(WROWS):
            pltpu.sync_copy(dep_v.at[pl.ds(j * 128, 128)],
                            acc_dep.at[v_v.at[j]])
            pltpu.sync_copy(hwp_v.at[pl.ds(j * 128, 128)],
                            acc_hw.at[v_v.at[j]])
        plsc.subcore_barrier()

        obase = pl.multiple_of(cid * ACC + sid * ZCH, 8)
        pltpu.sync_copy(acc_dep.at[pl.ds(zbase, ZCH)],
                        zbuf.at[pl.ds(0, ZCH)])
        pltpu.sync_copy(zbuf.at[pl.ds(0, ZCH)], dep_out.at[pl.ds(obase, ZCH)])
        pltpu.sync_copy(acc_hw.at[pl.ds(zbase, ZCH)],
                        zbuf.at[pl.ds(0, ZCH)])
        pltpu.sync_copy(zbuf.at[pl.ds(0, ZCH)], hw_out.at[pl.ds(obase, ZCH)])

    return _sc_body


@functools.lru_cache(maxsize=None)
def _sc_call(s_last, oob_n):
  return functools.partial(
    pl.kernel,
    out_type=(
        jax.ShapeDtypeStruct((NCORE * ACC,), jnp.float32),
        jax.ShapeDtypeStruct((NCORE * ACC,), jnp.float32),
    ),
    mesh=plsc.VectorSubcoreMesh(core_axis_name="c", subcore_axis_name="s",
                                num_cores=NCORE, num_subcores=NSUB),
    compiler_params=pltpu.CompilerParams(needs_layout_passes=False),
    scratch_types=[
        pltpu.VMEM((WIN,), jnp.int32),
        pltpu.VMEM((WIN,), jnp.int32),
        pltpu.VMEM((WIN,), jnp.float32),
        pltpu.VMEM((WIN,), jnp.float32),
        pltpu.VMEM((WROWS, 128), jnp.int32),
        pltpu.VMEM((WIN * 4,), jnp.int32),
        pltpu.VMEM((ZBUF,), jnp.float32),
        pltpu.VMEM_SHARED((ACC,), jnp.float32),
        pltpu.VMEM_SHARED((ACC,), jnp.float32),
        pltpu.SemaphoreType.DMA,
    ],
  )(_make_sc_body(s_last, oob_n))


GVOX = GROWS * NY


def _tc_body(featT_ref, hwm0_ref, hwm1_ref, depm0_ref, depm1_ref, out_ref):
    fT = featT_ref[...]
    iota = lax.broadcasted_iota(jnp.int32, (GVOX, HW), 1)
    hw0 = hwm0_ref[pl.ds(0, GVOX)].astype(jnp.int32)
    hw1 = hwm1_ref[pl.ds(0, GVOX)].astype(jnp.int32)
    occ0 = hw0 > 0
    hwc = jnp.where(occ0, hw0, hw1) - 1
    p = jnp.where(iota == hwc[:, None], 1.0, 0.0)
    mm = jnp.dot(p.astype(jnp.bfloat16), fT,
                 preferred_element_type=jnp.float32)
    dep = jnp.where(occ0, depm0_ref[pl.ds(0, GVOX)],
                    depm1_ref[pl.ds(0, GVOX)])
    out_ref[...] = mm * dep[:, None]


def _tc_call(featT_bf, hwm, depm, interpret=False):
    return pl.pallas_call(
        _tc_body,
        grid=(GRID,),
        in_specs=[
            pl.BlockSpec((HW, C), lambda i: (0, 0)),
            pl.BlockSpec((GBLK,), lambda i: (i,)),
            pl.BlockSpec((GBLK,), lambda i: (i + GRID,)),
            pl.BlockSpec((GBLK,), lambda i: (i,)),
            pl.BlockSpec((GBLK,), lambda i: (i + GRID,)),
        ],
        out_specs=pl.BlockSpec((GVOX, C), lambda i: (i, 0)),
        out_shape=jax.ShapeDtypeStruct((NX * NY, C), jnp.float32),
        interpret=interpret,
    )(featT_bf, hwm, hwm, depm, depm)


@jax.jit
def kernel(feat, depth, sorts_t, idx2, geom):
    featT_bf = jnp.transpose(feat.reshape(C, HW)).astype(jnp.bfloat16)
    depth_flat = depth.reshape(-1)
    nv = idx2.shape[0]
    s_last = max(0, -(-(nv - WIN) // 8) * 8)
    oob_n = s_last + WIN - nv
    dep_maps, hw_maps = _sc_call(s_last, oob_n)(
        idx2, geom.reshape(-1), sorts_t, depth_flat)
    out = _tc_call(featT_bf, hw_maps, dep_maps)
    return jnp.transpose(out.reshape(NX, NY, C), (2, 0, 1))[None]

# --- scband reference (transcript-rebuilt; emitter-appended) ---
"""Pipeline reference for scband-lift-splat-shoot-20641612825470 (READ-ONLY COPY).

The authoritative reference and input builder live on the scoring server;
editing this copy changes nothing except your own understanding.
"""

import jax, jax.numpy as jnp
import numpy as np

XB = [-50.0, 50.0, 0.5]
YB = [-50.0, 50.0, 0.5]
ZB = [0.0, 100.0, 100.0]
DB = [4.0, 84.0, 1.0]


def _gen_dx_bx():
    rows = [XB, YB, ZB]
    dx = np.array([r[2] for r in rows], dtype=np.float64)
    bx = np.array([r[0] + r[2] / 2.0 for r in rows], dtype=np.float64)
    nx = np.array([(r[1] - r[0]) / r[2] for r in rows]).astype(np.int64)
    return dx, bx, nx


def _geometry():
    # Replicates LiftSplatShoot.__init__ precomputation (frustum, _get_geometry)
    # with the default camera params (rots=I, trans=0, intrins fixed, post=identity).
    dx, bx, nx = _gen_dx_bx()
    downsample = 16
    ogfH, ogfW = 384, 640
    fH, fW = ogfH // downsample, ogfW // downsample
    ds = np.arange(DB[0], DB[1], DB[2], dtype=np.float64).reshape(-1, 1, 1) * np.ones((1, fH, fW))
    D = ds.shape[0]
    xs = np.linspace(0, ogfW - 1, fW).reshape(1, 1, fW) * np.ones((D, fH, 1))
    ys = np.linspace(0, ogfH - 1, fH).reshape(1, fH, 1) * np.ones((D, 1, fW))
    frustum = np.stack((xs, ys, ds), -1)  # (D, fH, fW, 3)
    # post_trans = 0, post_rots = I  ->  points = frustum
    points = frustum.copy()
    points = np.concatenate((points[..., :2] * points[..., 2:3], points[..., 2:3]), -1)
    intrins = np.array([[320.0, 0.0, 320.0], [0.0, 320.0, 180.0], [0.0, 0.0, 1.0]])
    combine = np.linalg.inv(intrins)  # rots = I
    points = points @ combine.T  # trans = 0
    B = 1
    Nprime = B * D * fH * fW
    # torch .long() truncates toward zero; numpy astype(int64) matches
    pts = ((points - (bx - dx / 2.0)) / dx).astype(np.int64)
    pts = pts.reshape(Nprime, 3)
    batch_ix = np.concatenate([np.full((Nprime // B, 1), ix, dtype=np.int64) for ix in range(B)], 0)
    pts = np.concatenate((pts, batch_ix), 1)
    kept = ((pts[:, 0] >= 0) & (pts[:, 0] < nx[0]) & (pts[:, 1] >= 0) & (pts[:, 1] < nx[1])
            & (pts[:, 2] >= 0) & (pts[:, 2] < nx[2]))
    pts_k = pts[kept]
    ranks = pts_k[:, 0] * (nx[1] * nx[2] * B) + pts_k[:, 1] * (nx[2] * B) + pts_k[:, 2] * B + pts_k[:, 3]
    sorts = np.argsort(ranks, kind='stable')
    pts_k = pts_k[sorts]
    ranks = ranks[sorts]
    kept2 = np.ones(len(ranks), dtype=bool)
    kept2[:-1] = ranks[1:] != ranks[:-1]
    geom = pts_k[kept2]
    kept_idx = np.nonzero(kept)[0]
    sorts_t = kept_idx[sorts]  # == (kept_t[cat(sorts, tail)])[:lens]
    idx2 = np.nonzero(kept2)[0]
    return sorts_t, idx2, geom, nx, B


def setup_inputs(seed: int = 0) -> dict:
    key = jax.random.key(seed)
    k1, k2 = jax.random.split(key)
    feat = jax.random.normal(k1, (1, 256, 24, 40), dtype=jnp.float32)
    depth = jax.random.uniform(k2, (1, 80, 24, 40), dtype=jnp.float32)
    sorts_t, idx2, geom, nx, B = _geometry()
    return {
        'feat': feat,
        'depth': depth,
        'sorts_t': jnp.asarray(sorts_t, dtype=jnp.int32),
        'idx2': jnp.asarray(idx2, dtype=jnp.int32),
        'geom': jnp.asarray(geom, dtype=jnp.int32),
    }


def reference(feat, depth, sorts_t, idx2, geom):
    # outer product lift: (B,1,D,H,W) * (B,C,1,H,W) -> (B,C,D,H,W)
    x = depth[:, None, ...] * feat[:, :, None]
    x = jnp.transpose(x, (1, 0, 2, 3, 4))  # (C, B, D, H, W)
    C, BN = x.shape[0], x.shape[1]
    x = x.reshape(C, -1)
    # gather kept points in voxel-rank order (x[:, sorts_t][:, :lens])
    x = jnp.take(x, sorts_t, axis=1)
    # literal translation of _cumsum_trick_slice (cumsum over dim 0 as written)
    x = jnp.cumsum(x, axis=0)
    x = jnp.take(x, idx2, axis=1)  # x[:, kept2]
    x = jnp.concatenate([x[:1], x[1:] - x[:-1]], axis=0)
    x = jnp.transpose(x, (1, 0))  # (n_unique_voxels, C)
    final = jnp.zeros((200, 200, 1, BN, C), dtype=x.dtype)
    final = final.at[geom[:, 0], geom[:, 1], geom[:, 2], geom[:, 3]].set(x)
    final = jnp.transpose(final, (3, 4, 2, 0, 1))[:, :, 0, :, :]
    return final

if __name__ == "__main__":
    import jax
    _d = setup_inputs()
    print(jax.jit(kernel)(*tuple(_d.values())))

</pallas_src>

<mosaic_0001>
#map = affine_map<(d0, d1) -> (0)>
module attributes {stable_mosaic.version = 14 : i64} {
  func.func @_sc_body(%arg0: i32, %arg1: i32, %arg2: memref<24743xi32, #tpu.memory_space<hbm>>, %arg3: memref<98972xi32, #tpu.memory_space<hbm>>, %arg4: memref<68664xi32, #tpu.memory_space<hbm>>, %arg5: memref<76800xf32, #tpu.memory_space<hbm>>, %arg6: memref<102400xf32, #tpu.memory_space<hbm>>, %arg7: memref<102400xf32, #tpu.memory_space<hbm>>, %arg8: memref<896xi32, #tpu.memory_space<vmem>>, %arg9: memref<896xi32, #tpu.memory_space<vmem>>, %arg10: memref<896xf32, #tpu.memory_space<vmem>>, %arg11: memref<896xf32, #tpu.memory_space<vmem>>, %arg12: memref<7x128xi32, #tpu.memory_space<vmem>>, %arg13: memref<3584xi32, #tpu.memory_space<vmem>>, %arg14: memref<3200xf32, #tpu.memory_space<vmem>>, %arg15: memref<51200xf32, #tpu.memory_space<vmem_shared>>, %arg16: memref<51200xf32, #tpu.memory_space<vmem_shared>>, %arg17: memref<!tpu.dma_semaphore, #tpu.memory_space<semaphore_mem>>) attributes {dimension_semantics = [#tpu.dimension_semantics<core_parallel>, #tpu.dimension_semantics<subcore_parallel>], iteration_bounds = array<i64: 2, 16>, scalar_prefetch = 0 : i64, scratch_operands = 10 : i64, tpu.core_type = #tpu.core_type<sc_vector_subcore>, window_params = [{transform_indices = #map}, {transform_indices = #map}, {transform_indices = #map}, {transform_indices = #map}, {transform_indices = #map}, {transform_indices = #map}]} {
    %mul3A = arith.constant 16 : i32
    %mul3A_0 = arith.muli %arg0, %mul3A : i32
    %add3A = arith.addi %mul3A_0, %arg1 : i32
    %iota3A = tpu.iota {dimensions = array<i32: 0>} : vector<16xi32>
    %scan3A = arith.constant 0 : i32
    %scan3A_1 = arith.constant 0 : i32
    %scan3A_2 = arith.constant 200 : i32
    %scan3A_3 = arith.addi %scan3A_1, %scan3A_2 : i32
    %scan3A_4 = arith.constant 1 : i32
    %scan3A_5 = scf.for %scan3A_3397 = %scan3A_1 to %scan3A_3 step %scan3A_4 iter_args(%scan3A_3398 = %scan3A) -> (i32)  : i32 {
      %broadcast_in_dim3A_3399 = arith.constant 0.000000e+00 : f32
      %broadcast_in_dim3A_3400 = vector.broadcast %broadcast_in_dim3A_3399 : f32 to vector<16xf32>
      %mul3A_3401 = arith.constant 16 : i32
      %mul3A_3402 = arith.muli %scan3A_3397, %mul3A_3401 : i32
      %swap3A_3403 = arith.index_cast %mul3A_3402 : i32 to index
      %swap3A_3404 = tpu.vector_load %arg14[%swap3A_3403] {strides = array<i32>} : memref<3200xf32, #tpu.memory_space<vmem>>, vector<16xf32>,
      tpu.vector_store %arg14[%swap3A_3403], %broadcast_in_dim3A_3400 {strides = array<i32>} : memref<3200xf32, #tpu.memory_space<vmem>>, vector<16xf32>,
      %scan3A_3405 = arith.constant 0 : i32
      scf.yield %scan3A_3405 : i32
    }
    %scan3A_6 = arith.constant 200 : i32
    %mul3A_7 = arith.constant 3200 : i32
    %mul3A_8 = arith.muli %arg1, %mul3A_7 : i32
    %multiple_of3A = tpu.assume_multiple %mul3A_8, 8 : i32
    "tpu.region"() ({
      %run_scoped3A_3397 = tpu.sem_alloc : memref<!tpu.dma_semaphore, #tpu.memory_space<semaphore_mem>>
      %dma_start3A_3398 = arith.constant 0 : i32
      %dma_start3A_3399 = tpu.memref_slice %arg14[%dma_start3A_3398] : memref<3200xf32, #tpu.memory_space<vmem>> -> memref<3200xf32, #tpu.memory_space<vmem>>
      %dma_start3A_3400 = tpu.memref_slice %arg15[%multiple_of3A] : memref<51200xf32, #tpu.memory_space<vmem_shared>> -> memref<3200xf32, #tpu.memory_space<vmem_shared>>
      %dma_start3A_3401 = tpu.memref_slice %arg15[%multiple_of3A] : memref<51200xf32, #tpu.memory_space<vmem_shared>> -> memref<3200xf32, #tpu.memory_space<vmem_shared>>
      %dma_start3A_3402 = arith.constant 0 : i32
      %dma_start3A_3403 = tpu.memref_slice %arg14[%dma_start3A_3402] : memref<3200xf32, #tpu.memory_space<vmem>> -> memref<3200xf32, #tpu.memory_space<vmem>>
      tpu.enqueue_dma source(%dma_start3A_3403 : memref<3200xf32, #tpu.memory_space<vmem>>) target(%dma_start3A_3401 : memref<3200xf32, #tpu.memory_space<vmem_shared>>) target_semaphore(%run_scoped3A_3397 : memref<!tpu.dma_semaphore, #tpu.memory_space<semaphore_mem>>)
      %dma_wait3A_3404 = arith.constant 0 : i32
      %dma_wait3A_3405 = tpu.memref_slice %arg14[%dma_wait3A_3404] : memref<3200xf32, #tpu.memory_space<vmem>> -> memref<3200xf32, #tpu.memory_space<vmem>>
      %dma_wait3A_3406 = tpu.memref_slice %arg15[%multiple_of3A] : memref<51200xf32, #tpu.memory_space<vmem_shared>> -> memref<3200xf32, #tpu.memory_space<vmem_shared>>
      %dma_wait3A_3407 = tpu.memref_slice %arg15[%multiple_of3A] : memref<51200xf32, #tpu.memory_space<vmem_shared>> -> memref<3200xf32, #tpu.memory_space<vmem_shared>>
      %dma_wait3A_3408 = arith.constant 0 : i32
      %dma_wait3A_3409 = tpu.memref_slice %arg14[%dma_wait3A_3408] : memref<3200xf32, #tpu.memory_space<vmem>> -> memref<3200xf32, #tpu.memory_space<vmem>>
      tpu.wait_dma2 semaphore(%run_scoped3A_3397 : memref<!tpu.dma_semaphore, #tpu.memory_space<semaphore_mem>>) src(%dma_wait3A_3409 : memref<3200xf32, #tpu.memory_space<vmem>>) dst(%dma_wait3A_3407 : memref<3200xf32, #tpu.memory_space<vmem_shared>>)
      tpu.yield
    }) : () -> ()
    "tpu.region"() ({
      %run_scoped3A_3397 = tpu.sem_alloc : memref<!tpu.dma_semaphore, #tpu.memory_space<semaphore_mem>>
      %dma_start3A_3398 = arith.constant 0 : i32
      %dma_start3A_3399 = tpu.memref_slice %arg14[%dma_start3A_3398] : memref<3200xf32, #tpu.memory_space<vmem>> -> memref<3200xf32, #tpu.memory_space<vmem>>
      %dma_start3A_3400 = tpu.memref_slice %arg16[%multiple_of3A] : memref<51200xf32, #tpu.memory_space<vmem_shared>> -> memref<3200xf32, #tpu.memory_space<vmem_shared>>
      %dma_start3A_3401 = tpu.memref_slice %arg16[%multiple_of3A] : memref<51200xf32, #tpu.memory_space<vmem_shared>> -> memref<3200xf32, #tpu.memory_space<vmem_shared>>
      %dma_start3A_3402 = arith.constant 0 : i32
      %dma_start3A_3403 = tpu.memref_slice %arg14[%dma_start3A_3402] : memref<3200xf32, #tpu.memory_space<vmem>> -> memref<3200xf32, #tpu.memory_space<vmem>>
      tpu.enqueue_dma source(%dma_start3A_3403 : memref<3200xf32, #tpu.memory_space<vmem>>) target(%dma_start3A_3401 : memref<3200xf32, #tpu.memory_space<vmem_shared>>) target_semaphore(%run_scoped3A_3397 : memref<!tpu.dma_semaphore, #tpu.memory_space<semaphore_mem>>)
      %dma_wait3A_3404 = arith.constant 0 : i32
      %dma_wait3A_3405 = tpu.memref_slice %arg14[%dma_wait3A_3404] : memref<3200xf32, #tpu.memory_space<vmem>> -> memref<3200xf32, #tpu.memory_space<vmem>>
      %dma_wait3A_3406 = tpu.memref_slice %arg16[%multiple_of3A] : memref<51200xf32, #tpu.memory_space<vmem_shared>> -> memref<3200xf32, #tpu.memory_space<vmem_shared>>
      %dma_wait3A_3407 = tpu.memref_slice %arg16[%multiple_of3A] : memref<51200xf32, #tpu.memory_space<vmem_shared>> -> memref<3200xf32, #tpu.memory_space<vmem_shared>>
      %dma_wait3A_3408 = arith.constant 0 : i32
      %dma_wait3A_3409 = tpu.memref_slice %arg14[%dma_wait3A_3408] : memref<3200xf32, #tpu.memory_space<vmem>> -> memref<3200xf32, #tpu.memory_space<vmem>>
      tpu.wait_dma2 semaphore(%run_scoped3A_3397 : memref<!tpu.dma_semaphore, #tpu.memory_space<semaphore_mem>>) src(%dma_wait3A_3409 : memref<3200xf32, #tpu.memory_space<vmem>>) dst(%dma_wait3A_3407 : memref<3200xf32, #tpu.memory_space<vmem_shared>>)
      tpu.yield
    }) : () -> ()
    %eq3A = arith.constant 31 : i32
    %eq3A_9 = arith.cmpi eq, %add3A, %eq3A : i32
    %mul3A_10 = arith.constant 768 : i32
    %mul3A_11 = arith.muli %add3A, %mul3A_10 : i32
    %jit3A = arith.constant 23848 : i32
    %select_n3A = arith.select %eq3A_9, %jit3A, %mul3A_11 : i32
    %multiple_of3A_12 = tpu.assume_multiple %select_n3A, 8 : i32
    "tpu.region"() ({
      %run_scoped3A_3397 = tpu.sem_alloc : memref<!tpu.dma_semaphore, #tpu.memory_space<semaphore_mem>>
      %dma_start3A_3398 = tpu.memref_slice %arg2[%multiple_of3A_12] : memref<24743xi32, #tpu.memory_space<hbm>> -> memref<896xi32, #tpu.memory_space<hbm>>
      %dma_start3A_3399 = tpu.memref_slice %arg2[%multiple_of3A_12] : memref<24743xi32, #tpu.memory_space<hbm>> -> memref<896xi32, #tpu.memory_space<hbm>>
      tpu.enqueue_dma source(%dma_start3A_3399 : memref<896xi32, #tpu.memory_space<hbm>>) target(%arg8 : memref<896xi32, #tpu.memory_space<vmem>>) target_semaphore(%run_scoped3A_3397 : memref<!tpu.dma_semaphore, #tpu.memory_space<semaphore_mem>>)
      %dma_wait3A_3400 = tpu.memref_slice %arg2[%multiple_of3A_12] : memref<24743xi32, #tpu.memory_space<hbm>> -> memref<896xi32, #tpu.memory_space<hbm>>
      %dma_wait3A_3401 = tpu.memref_slice %arg2[%multiple_of3A_12] : memref<24743xi32, #tpu.memory_space<hbm>> -> memref<896xi32, #tpu.memory_space<hbm>>
      tpu.wait_dma2 semaphore(%run_scoped3A_3397 : memref<!tpu.dma_semaphore, #tpu.memory_space<semaphore_mem>>) src(%dma_wait3A_3401 : memref<896xi32, #tpu.memory_space<hbm>>) dst(%arg8 : memref<896xi32, #tpu.memory_space<vmem>>)
      tpu.yield
    }) : () -> ()
    %mul3A_13 = arith.constant 4 : i32
    %mul3A_14 = arith.muli %multiple_of3A_12, %mul3A_13 : i32
    "tpu.region"() ({
      %run_scoped3A_3397 = tpu.sem_alloc : memref<!tpu.dma_semaphore, #tpu.memory_space<semaphore_mem>>
      %dma_start3A_3398 = tpu.memref_slice %arg3[%mul3A_14] : memref<98972xi32, #tpu.memory_space<hbm>> -> memref<3584xi32, #tpu.memory_space<hbm>>
      %dma_start3A_3399 = tpu.memref_slice %arg3[%mul3A_14] : memref<98972xi32, #tpu.memory_space<hbm>> -> memref<3584xi32, #tpu.memory_space<hbm>>
      tpu.enqueue_dma source(%dma_start3A_3399 : memref<3584xi32, #tpu.memory_space<hbm>>) target(%arg13 : memref<3584xi32, #tpu.memory_space<vmem>>) target_semaphore(%run_scoped3A_3397 : memref<!tpu.dma_semaphore, #tpu.memory_space<semaphore_mem>>)
      %dma_wait3A_3400 = tpu.memref_slice %arg3[%mul3A_14] : memref<98972xi32, #tpu.memory_space<hbm>> -> memref<3584xi32, #tpu.memory_space<hbm>>
      %dma_wait3A_3401 = tpu.memref_slice %arg3[%mul3A_14] : memref<98972xi32, #tpu.memory_space<hbm>> -> memref<3584xi32, #tpu.memory_space<hbm>>
      tpu.wait_dma2 semaphore(%run_scoped3A_3397 : memref<!tpu.dma_semaphore, #tpu.memory_space<semaphore_mem>>) src(%dma_wait3A_3401 : memref<3584xi32, #tpu.memory_space<hbm>>) dst(%arg13 : memref<3584xi32, #tpu.memory_space<vmem>>)
      tpu.yield
    }) : () -> ()
    %eq3A_15 = arith.constant 31 : i32
    %eq3A_16 = arith.cmpi eq, %add3A, %eq3A_15 : i32
    %convert_element_type3A = arith.extui %eq3A_16 : i1 to i32
    %cond3A = arith.constant 0 : i32
    %cond3A_17 = arith.cmpi ne, %convert_element_type3A, %cond3A : i32
    scf.if %cond3A_17 {
      %get3A_3397 = arith.constant 880 : index
      %get3A_3398 = tpu.vector_load %arg8[%get3A_3397] {strides = array<i32>} : memref<896xi32, #tpu.memory_space<vmem>>, vector<16xi32>,
      %ge3A_3399 = arith.constant 15 : i32
      %ge3A_3400 = vector.broadcast %ge3A_3399 : i32 to vector<16xi32>
      %ge3A_3401 = arith.cmpi sge, %iota3A, %ge3A_3400 : vector<16xi32>
      %jit3A_3402 = arith.constant 0 : i32
      %broadcast_in_dim3A_3403 = vector.broadcast %jit3A_3402 : i32 to vector<16xi32>
      %select_n3A_3404 = arith.select %ge3A_3401, %broadcast_in_dim3A_3403, %get3A_3398 : vector<16xi1>, vector<16xi32>
      %swap3A_3405 = arith.constant 880 : index
      %swap3A_3406 = tpu.vector_load %arg8[%swap3A_3405] {strides = array<i32>} : memref<896xi32, #tpu.memory_space<vmem>>, vector<16xi32>,
      tpu.vector_store %arg8[%swap3A_3405], %select_n3A_3404 {strides = array<i32>} : memref<896xi32, #tpu.memory_space<vmem>>, vector<16xi32>,
    } else {
    }
    %dma_start3A = arith.constant 0 : i32
    %dma_start3A_18 = tpu.memref_slice %arg9[%dma_start3A] : memref<896xi32, #tpu.memory_space<vmem>> -> memref<128xi32, #tpu.memory_space<vmem>>
    %dma_start3A_19 = arith.constant 0 : i32
    %dma_start3A_20 = tpu.memref_slice %arg8[%dma_start3A_19] : memref<896xi32, #tpu.memory_space<vmem>> -> memref<128xi32, #tpu.memory_space<vmem>>
    %dma_start3A_21 = arith.constant 0 : i32
    %dma_start3A_22 = tpu.memref_slice %arg4[%dma_start3A_21] : memref<68664xi32, #tpu.memory_space<hbm>> -> memref<68664xi32, #tpu.memory_space<hbm>>
    tpu.enqueue_indirect_dma source(%dma_start3A_22 : memref<68664xi32, #tpu.memory_space<hbm>>) target(%dma_start3A_18 : memref<128xi32, #tpu.memory_space<vmem>>) offsets(%dma_start3A_20 : memref<128xi32, #tpu.memory_space<vmem>>) semaphore(%arg17 : memref<!tpu.dma_semaphore, #tpu.memory_space<semaphore_mem>>)
    %dma_start3A_23 = arith.constant 128 : i32
    %dma_start3A_24 = tpu.memref_slice %arg9[%dma_start3A_23] : memref<896xi32, #tpu.memory_space<vmem>> -> memref<128xi32, #tpu.memory_space<vmem>>
    %dma_start3A_25 = arith.constant 128 : i32
    %dma_start3A_26 = tpu.memref_slice %arg8[%dma_start3A_25] : memref<896xi32, #tpu.memory_space<vmem>> -> memref<128xi32, #tpu.memory_space<vmem>>
    %dma_start3A_27 = arith.constant 0 : i32
    %dma_start3A_28 = tpu.memref_slice %arg4[%dma_start3A_27] : memref<68664xi32, #tpu.memory_space<hbm>> -> memref<68664xi32, #tpu.memory_space<hbm>>
    tpu.enqueue_indirect_dma source(%dma_start3A_28 : memref<68664xi32, #tpu.memory_space<hbm>>) target(%dma_start3A_24 : memref<128xi32, #tpu.memory_space<vmem>>) offsets(%dma_start3A_26 : memref<128xi32, #tpu.memory_space<vmem>>) semaphore(%arg17 : memref<!tpu.dma_semaphore, #tpu.memory_space<semaphore_mem>>)
    %dma_start3A_29 = arith.constant 256 : i32
    %dma_start3A_30 = tpu.memref_slice %arg9[%dma_start3A_29] : memref<896xi32, #tpu.memory_space<vmem>> -> memref<128xi32, #tpu.memory_space<vmem>>
    %dma_start3A_31 = arith.constant 256 : i32
    %dma_start3A_32 = tpu.memref_slice %arg8[%dma_start3A_31] : memref<896xi32, #tpu.memory_space<vmem>> -> memref<128xi32, #tpu.memory_space<vmem>>
    %dma_start3A_33 = arith.constant 0 : i32
    %dma_start3A_34 = tpu.memref_slice %arg4[%dma_start3A_33] : memref<68664xi32, #tpu.memory_space<hbm>> -> memref<68664xi32, #tpu.memory_space<hbm>>
    tpu.enqueue_indirect_dma source(%dma_start3A_34 : memref<68664xi32, #tpu.memory_space<hbm>>) target(%dma_start3A_30 : memref<128xi32, #tpu.memory_space<vmem>>) offsets(%dma_start3A_32 : memref<128xi32, #tpu.memory_space<vmem>>) semaphore(%arg17 : memref<!tpu.dma_semaphore, #tpu.memory_space<semaphore_mem>>)
    %dma_start3A_35 = arith.constant 384 : i32
    %dma_start3A_36 = tpu.memref_slice %arg9[%dma_start3A_35] : memref<896xi32, #tpu.memory_space<vmem>> -> memref<128xi32, #tpu.memory_space<vmem>>
    %dma_start3A_37 = arith.constant 384 : i32
    %dma_start3A_38 = tpu.memref_slice %arg8[%dma_start3A_37] : memref<896xi32, #tpu.memory_space<vmem>> -> memref<128xi32, #tpu.memory_space<vmem>>
    %dma_start3A_39 = arith.constant 0 : i32
    %dma_start3A_40 = tpu.memref_slice %arg4[%dma_start3A_39] : memref<68664xi32, #tpu.memory_space<hbm>> -> memref<68664xi32, #tpu.memory_space<hbm>>
    tpu.enqueue_indirect_dma source(%dma_start3A_40 : memref<68664xi32, #tpu.memory_space<hbm>>) target(%dma_start3A_36 : memref<128xi32, #tpu.memory_space<vmem>>) offsets(%dma_start3A_38 : memref<128xi32, #tpu.memory_space<vmem>>) semaphore(%arg17 : memref<!tpu.dma_semaphore, #tpu.memory_space<semaphore_mem>>)
    %dma_start3A_41 = arith.constant 512 : i32
    %dma_start3A_42 = tpu.memref_slice %arg9[%dma_start3A_41] : memref<896xi32, #tpu.memory_space<vmem>> -> memref<128xi32, #tpu.memory_space<vmem>>
    %dma_start3A_43 = arith.constant 512 : i32
    %dma_start3A_44 = tpu.memref_slice %arg8[%dma_start3A_43] : memref<896xi32, #tpu.memory_space<vmem>> -> memref<128xi32, #tpu.memory_space<vmem>>
    %dma_start3A_45 = arith.constant 0 : i32
    %dma_start3A_46 = tpu.memref_slice %arg4[%dma_start3A_45] : memref<68664xi32, #tpu.memory_space<hbm>> -> memref<68664xi32, #tpu.memory_space<hbm>>
    tpu.enqueue_indirect_dma source(%dma_start3A_46 : memref<68664xi32, #tpu.memory_space<hbm>>) target(%dma_start3A_42 : memref<128xi32, #tpu.memory_space<vmem>>) offsets(%dma_start3A_44 : memref<128xi32, #tpu.memory_space<vmem>>) semaphore(%arg17 : memref<!tpu.dma_semaphore, #tpu.memory_space<semaphore_mem>>)
    %dma_start3A_47 = arith.constant 640 : i32
    %dma_start3A_48 = tpu.memref_slice %arg9[%dma_start3A_47] : memref<896xi32, #tpu.memory_space<vmem>> -> memref<128xi32, #tpu.memory_space<vmem>>
    %dma_start3A_49 = arith.constant 640 : i32
    %dma_start3A_50 = tpu.memref_slice %arg8[%dma_start3A_49] : memref<896xi32, #tpu.memory_space<vmem>> -> memref<128xi32, #tpu.memory_space<vmem>>
    %dma_start3A_51 = arith.constant 0 : i32
    %dma_start3A_52 = tpu.memref_slice %arg4[%dma_start3A_51] : memref<68664xi32, #tpu.memory_space<hbm>> -> memref<68664xi32, #tpu.memory_space<hbm>>
    tpu.enqueue_indirect_dma source(%dma_start3A_52 : memref<68664xi32, #tpu.memory_space<hbm>>) target(%dma_start3A_48 : memref<128xi32, #tpu.memory_space<vmem>>) offsets(%dma_start3A_50 : memref<128xi32, #tpu.memory_space<vmem>>) semaphore(%arg17 : memref<!tpu.dma_semaphore, #tpu.memory_space<semaphore_mem>>)
    %dma_start3A_53 = arith.constant 768 : i32
    %dma_start3A_54 = tpu.memref_slice %arg9[%dma_start3A_53] : memref<896xi32, #tpu.memory_space<vmem>> -> memref<128xi32, #tpu.memory_space<vmem>>
    %dma_start3A_55 = arith.constant 768 : i32
    %dma_start3A_56 = tpu.memref_slice %arg8[%dma_start3A_55] : memref<896xi32, #tpu.memory_space<vmem>> -> memref<128xi32, #tpu.memory_space<vmem>>
    %dma_start3A_57 = arith.constant 0 : i32
    %dma_start3A_58 = tpu.memref_slice %arg4[%dma_start3A_57] : memref<68664xi32, #tpu.memory_space<hbm>> -> memref<68664xi32, #tpu.memory_space<hbm>>
    tpu.enqueue_indirect_dma source(%dma_start3A_58 : memref<68664xi32, #tpu.memory_space<hbm>>) target(%dma_start3A_54 : memref<128xi32, #tpu.memory_space<vmem>>) offsets(%dma_start3A_56 : memref<128xi32, #tpu.memory_space<vmem>>) semaphore(%arg17 : memref<!tpu.dma_semaphore, #tpu.memory_space<semaphore_mem>>)
    %dma_wait3A = arith.constant 0 : i32
    %dma_wait3A_59 = tpu.memref_slice %arg9[%dma_wait3A] : memref<896xi32, #tpu.memory_space<vmem>> -> memref<128xi32, #tpu.memory_space<vmem>>
    %dma_wait3A_60 = arith.constant 0 : i32
    %dma_wait3A_61 = tpu.memref_slice %arg8[%dma_wait3A_60] : memref<896xi32, #tpu.memory_space<vmem>> -> memref<128xi32, #tpu.memory_space<vmem>>
    %dma_wait3A_62 = arith.constant 0 : i32
    %dma_wait3A_63 = tpu.memref_slice %arg4[%dma_wait3A_62] : memref<68664xi32, #tpu.memory_space<hbm>> -> memref<68664xi32, #tpu.memory_space<hbm>>
    tpu.wait_indirect_dma semaphore(%arg17 : memref<!tpu.dma_semaphore, #tpu.memory_space<semaphore_mem>>) src(%dma_wait3A_63 : memref<68664xi32, #tpu.memory_space<hbm>>) dst(%dma_wait3A_59 : memref<128xi32, #tpu.memory_space<vmem>>)
    %dma_wait3A_64 = arith.constant 128 : i32
    %dma_wait3A_65 = tpu.memref_slice %arg9[%dma_wait3A_64] : memref<896xi32, #tpu.memory_space<vmem>> -> memref<128xi32, #tpu.memory_space<vmem>>
    %dma_wait3A_66 = arith.constant 128 : i32
    %dma_wait3A_67 = tpu.memref_slice %arg8[%dma_wait3A_66] : memref<896xi32, #tpu.memory_space<vmem>> -> memref<128xi32, #tpu.memory_space<vmem>>
    %dma_wait3A_68 = arith.constant 0 : i32
    %dma_wait3A_69 = tpu.memref_slice %arg4[%dma_wait3A_68] : memref<68664xi32, #tpu.memory_space<hbm>> -> memref<68664xi32, #tpu.memory_space<hbm>>
    tpu.wait_indirect_dma semaphore(%arg17 : memref<!tpu.dma_semaphore, #tpu.memory_space<semaphore_mem>>) src(%dma_wait3A_69 : memref<68664xi32, #tpu.memory_space<hbm>>) dst(%dma_wait3A_65 : memref<128xi32, #tpu.memory_space<vmem>>)
    %dma_wait3A_70 = arith.constant 256 : i32
    %dma_wait3A_71 = tpu.memref_slice %arg9[%dma_wait3A_70] : memref<896xi32, #tpu.memory_space<vmem>> -> memref<128xi32, #tpu.memory_space<vmem>>
    %dma_wait3A_72 = arith.constant 256 : i32
    %dma_wait3A_73 = tpu.memref_slice %arg8[%dma_wait3A_72] : memref<896xi32, #tpu.memory_space<vmem>> -> memref<128xi32, #tpu.memory_space<vmem>>
    %dma_wait3A_74 = arith.constant 0 : i32
    %dma_wait3A_75 = tpu.memref_slice %arg4[%dma_wait3A_74] : memref<68664xi32, #tpu.memory_space<hbm>> -> memref<68664xi32, #tpu.memory_space<hbm>>
    tpu.wait_indirect_dma semaphore(%arg17 : memref<!tpu.dma_semaphore, #tpu.memory_space<semaphore_mem>>) src(%dma_wait3A_75 : memref<68664xi32, #tpu.memory_space<hbm>>) dst(%dma_wait3A_71 : memref<128xi32, #tpu.memory_space<vmem>>)
    %dma_wait3A_76 = arith.constant 384 : i32
    %dma_wait3A_77 = tpu.memref_slice %arg9[%dma_wait3A_76] : memref<896xi32, #tpu.memory_space<vmem>> -> memref<128xi32, #tpu.memory_space<vmem>>
    %dma_wait3A_78 = arith.constant 384 : i32
    %dma_wait3A_79 = tpu.memref_slice %arg8[%dma_wait3A_78] : memref<896xi32, #tpu.memory_space<vmem>> -> memref<128xi32, #tpu.memory_space<vmem>>
    %dma_wait3A_80 = arith.constant 0 : i32
    %dma_wait3A_81 = tpu.memref_slice %arg4[%dma_wait3A_80] : memref<68664xi32, #tpu.memory_space<hbm>> -> memref<68664xi32, #tpu.memory_space<hbm>>
    tpu.wait_indirect_dma semaphore(%arg17 : memref<!tpu.dma_semaphore, #tpu.memory_space<semaphore_mem>>) src(%dma_wait3A_81 : memref<68664xi32, #tpu.memory_space<hbm>>) dst(%dma_wait3A_77 : memref<128xi32, #tpu.memory_space<vmem>>)
    %dma_wait3A_82 = arith.constant 512 : i32
    %dma_wait3A_83 = tpu.memref_slice %arg9[%dma_wait3A_82] : memref<896xi32, #tpu.memory_space<vmem>> -> memref<128xi32, #tpu.memory_space<vmem>>
    %dma_wait3A_84 = arith.constant 512 : i32
    %dma_wait3A_85 = tpu.memref_slice %arg8[%dma_wait3A_84] : memref<896xi32, #tpu.memory_space<vmem>> -> memref<128xi32, #tpu.memory_space<vmem>>
    %dma_wait3A_86 = arith.constant 0 : i32
    %dma_wait3A_87 = tpu.memref_slice %arg4[%dma_wait3A_86] : memref<68664xi32, #tpu.memory_space<hbm>> -> memref<68664xi32, #tpu.memory_space<hbm>>
    tpu.wait_indirect_dma semaphore(%arg17 : memref<!tpu.dma_semaphore, #tpu.memory_space<semaphore_mem>>) src(%dma_wait3A_87 : memref<68664xi32, #tpu.memory_space<hbm>>) dst(%dma_wait3A_83 : memref<128xi32, #tpu.memory_space<vmem>>)
    %dma_wait3A_88 = arith.constant 640 : i32
    %dma_wait3A_89 = tpu.memref_slice %arg9[%dma_wait3A_88] : memref<896xi32, #tpu.memory_space<vmem>> -> memref<128xi32, #tpu.memory_space<vmem>>
    %dma_wait3A_90 = arith.constant 640 : i32
    %dma_wait3A_91 = tpu.memref_slice %arg8[%dma_wait3A_90] : memref<896xi32, #tpu.memory_space<vmem>> -> memref<128xi32, #tpu.memory_space<vmem>>
    %dma_wait3A_92 = arith.constant 0 : i32
    %dma_wait3A_93 = tpu.memref_slice %arg4[%dma_wait3A_92] : memref<68664xi32, #tpu.memory_space<hbm>> -> memref<68664xi32, #tpu.memory_space<hbm>>
    tpu.wait_indirect_dma semaphore(%arg17 : memref<!tpu.dma_semaphore, #tpu.memory_space<semaphore_mem>>) src(%dma_wait3A_93 : memref<68664xi32, #tpu.memory_space<hbm>>) dst(%dma_wait3A_89 : memref<128xi32, #tpu.memory_space<vmem>>)
    %dma_wait3A_94 = arith.constant 768 : i32
    %dma_wait3A_95 = tpu.memref_slice %arg9[%dma_wait3A_94] : memref<896xi32, #tpu.memory_space<vmem>> -> memref<128xi32, #tpu.memory_space<vmem>>
    %dma_wait3A_96 = arith.constant 768 : i32
    %dma_wait3A_97 = tpu.memref_slice %arg8[%dma_wait3A_96] : memref<896xi32, #tpu.memory_space<vmem>> -> memref<128xi32, #tpu.memory_space<vmem>>
    %dma_wait3A_98 = arith.constant 0 : i32
    %dma_wait3A_99 = tpu.memref_slice %arg4[%dma_wait3A_98] : memref<68664xi32, #tpu.memory_space<hbm>> -> memref<68664xi32, #tpu.memory_space<hbm>>
    tpu.wait_indirect_dma semaphore(%arg17 : memref<!tpu.dma_semaphore, #tpu.memory_space<semaphore_mem>>) src(%dma_wait3A_99 : memref<68664xi32, #tpu.memory_space<hbm>>) dst(%dma_wait3A_95 : memref<128xi32, #tpu.memory_space<vmem>>)
    %dma_start3A_100 = arith.constant 0 : i32
    %dma_start3A_101 = tpu.memref_slice %arg10[%dma_start3A_100] : memref<896xf32, #tpu.memory_space<vmem>> -> memref<128xf32, #tpu.memory_space<vmem>>
    %dma_start3A_102 = arith.constant 0 : i32
    %dma_start3A_103 = tpu.memref_slice %arg9[%dma_start3A_102] : memref<896xi32, #tpu.memory_space<vmem>> -> memref<128xi32, #tpu.memory_space<vmem>>
    %dma_start3A_104 = arith.constant 0 : i32
    %dma_start3A_105 = tpu.memref_slice %arg5[%dma_start3A_104] : memref<76800xf32, #tpu.memory_space<hbm>> -> memref<76800xf32, #tpu.memory_space<hbm>>
    tpu.enqueue_indirect_dma source(%dma_start3A_105 : memref<76800xf32, #tpu.memory_space<hbm>>) target(%dma_start3A_101 : memref<128xf32, #tpu.memory_space<vmem>>) offsets(%dma_start3A_103 : memref<128xi32, #tpu.memory_space<vmem>>) semaphore(%arg17 : memref<!tpu.dma_semaphore, #tpu.memory_space<semaphore_mem>>)
    %dma_start3A_106 = arith.constant 128 : i32
    %dma_start3A_107 = tpu.memref_slice %arg10[%dma_start3A_106] : memref<896xf32, #tpu.memory_space<vmem>> -> memref<128xf32, #tpu.memory_space<vmem>>
    %dma_start3A_108 = arith.constant 128 : i32
    %dma_start3A_109 = tpu.memref_slice %arg9[%dma_start3A_108] : memref<896xi32, #tpu.memory_space<vmem>> -> memref<128xi32, #tpu.memory_space<vmem>>
    %dma_start3A_110 = arith.constant 0 : i32
    %dma_start3A_111 = tpu.memref_slice %arg5[%dma_start3A_110] : memref<76800xf32, #tpu.memory_space<hbm>> -> memref<76800xf32, #tpu.memory_space<hbm>>
    tpu.enqueue_indirect_dma source(%dma_start3A_111 : memref<76800xf32, #tpu.memory_space<hbm>>) target(%dma_start3A_107 : memref<128xf32, #tpu.memory_space<vmem>>) offsets(%dma_start3A_109 : memref<128xi32, #tpu.memory_space<vmem>>) semaphore(%arg17 : memref<!tpu.dma_semaphore, #tpu.memory_space<semaphore_mem>>)
    %dma_start3A_112 = arith.constant 256 : i32
    %dma_start3A_113 = tpu.memref_slice %arg10[%dma_start3A_112] : memref<896xf32, #tpu.memory_space<vmem>> -> memref<128xf32, #tpu.memory_space<vmem>>
    %dma_start3A_114 = arith.constant 256 : i32
    %dma_start3A_115 = tpu.memref_slice %arg9[%dma_start3A_114] : memref<896xi32, #tpu.memory_space<vmem>> -> memref<128xi32, #tpu.memory_space<vmem>>
    %dma_start3A_116 = arith.constant 0 : i32
    %dma_start3A_117 = tpu.memref_slice %arg5[%dma_start3A_116] : memref<76800xf32, #tpu.memory_space<hbm>> -> memref<76800xf32, #tpu.memory_space<hbm>>
    tpu.enqueue_indirect_dma source(%dma_start3A_117 : memref<76800xf32, #tpu.memory_space<hbm>>) target(%dma_start3A_113 : memref<128xf32, #tpu.memory_space<vmem>>) offsets(%dma_start3A_115 : memref<128xi32, #tpu.memory_space<vmem>>) semaphore(%arg17 : memref<!tpu.dma_semaphore, #tpu.memory_space<semaphore_mem>>)
    %dma_start3A_118 = arith.constant 384 : i32
    %dma_start3A_119 = tpu.memref_slice %arg10[%dma_start3A_118] : memref<896xf32, #tpu.memory_space<vmem>> -> memref<128xf32, #tpu.memory_space<vmem>>
    %dma_start3A_120 = arith.constant 384 : i32
    %dma_start3A_121 = tpu.memref_slice %arg9[%dma_start3A_120] : memref<896xi32, #tpu.memory_space<vmem>> -> memref<128xi32, #tpu.memory_space<vmem>>
    %dma_start3A_122 = arith.constant 0 : i32
    %dma_start3A_123 = tpu.memref_slice %arg5[%dma_start3A_122] : memref<76800xf32, #tpu.memory_space<hbm>> -> memref<76800xf32, #tpu.memory_space<hbm>>
    tpu.enqueue_indirect_dma source(%dma_start3A_123 : memref<76800xf32, #tpu.memory_space<hbm>>) target(%dma_start3A_119 : memref<128xf32, #tpu.memory_space<vmem>>) offsets(%dma_start3A_121 : memref<128xi32, #tpu.memory_space<vmem>>) semaphore(%arg17 : memref<!tpu.dma_semaphore, #tpu.memory_space<semaphore_mem>>)
    %dma_start3A_124 = arith.constant 512 : i32
    %dma_start3A_125 = tpu.memref_slice %arg10[%dma_start3A_124] : memref<896xf32, #tpu.memory_space<vmem>> -> memref<128xf32, #tpu.memory_space<vmem>>
    %dma_start3A_126 = arith.constant 512 : i32
    %dma_start3A_127 = tpu.memref_slice %arg9[%dma_start3A_126] : memref<896xi32, #tpu.memory_space<vmem>> -> memref<128xi32, #tpu.memory_space<vmem>>
    %dma_start3A_128 = arith.constant 0 : i32
    %dma_start3A_129 = tpu.memref_slice %arg5[%dma_start3A_128] : memref<76800xf32, #tpu.memory_space<hbm>> -> memref<76800xf32, #tpu.memory_space<hbm>>
    tpu.enqueue_indirect_dma source(%dma_start3A_129 : memref<76800xf32, #tpu.memory_space<hbm>>) target(%dma_start3A_125 : memref<128xf32, #tpu.memory_space<vmem>>) offsets(%dma_start3A_127 : memref<128xi32, #tpu.memory_space<vmem>>) semaphore(%arg17 : memref<!tpu.dma_semaphore, #tpu.memory_space<semaphore_mem>>)
    %dma_start3A_130 = arith.constant 640 : i32
    %dma_start3A_131 = tpu.memref_slice %arg10[%dma_start3A_130] : memref<896xf32, #tpu.memory_space<vmem>> -> memref<128xf32, #tpu.memory_space<vmem>>
    %dma_start3A_132 = arith.constant 640 : i32
    %dma_start3A_133 = tpu.memref_slice %arg9[%dma_start3A_132] : memref<896xi32, #tpu.memory_space<vmem>> -> memref<128xi32, #tpu.memory_space<vmem>>
    %dma_start3A_134 = arith.constant 0 : i32
    %dma_start3A_135 = tpu.memref_slice %arg5[%dma_start3A_134] : memref<76800xf32, #tpu.memory_space<hbm>> -> memref<76800xf32, #tpu.memory_space<hbm>>
    tpu.enqueue_indirect_dma source(%dma_start3A_135 : memref<76800xf32, #tpu.memory_space<hbm>>) target(%dma_start3A_131 : memref<128xf32, #tpu.memory_space<vmem>>) offsets(%dma_start3A_133 : memref<128xi32, #tpu.memory_space<vmem>>) semaphore(%arg17 : memref<!tpu.dma_semaphore, #tpu.memory_space<semaphore_mem>>)
    %dma_start3A_136 = arith.constant 768 : i32
    %dma_start3A_137 = tpu.memref_slice %arg10[%dma_start3A_136] : memref<896xf32, #tpu.memory_space<vmem>> -> memref<128xf32, #tpu.memory_space<vmem>>
    %dma_start3A_138 = arith.constant 768 : i32
    %dma_start3A_139 = tpu.memref_slice %arg9[%dma_start3A_138] : memref<896xi32, #tpu.memory_space<vmem>> -> memref<128xi32, #tpu.memory_space<vmem>>
    %dma_start3A_140 = arith.constant 0 : i32
    %dma_start3A_141 = tpu.memref_slice %arg5[%dma_start3A_140] : memref<76800xf32, #tpu.memory_space<hbm>> -> memref<76800xf32, #tpu.memory_space<hbm>>
    tpu.enqueue_indirect_dma source(%dma_start3A_141 : memref<76800xf32, #tpu.memory_space<hbm>>) target(%dma_start3A_137 : memref<128xf32, #tpu.memory_space<vmem>>) offsets(%dma_start3A_139 : memref<128xi32, #tpu.memory_space<vmem>>) semaphore(%arg17 : memref<!tpu.dma_semaphore, #tpu.memory_space<semaphore_mem>>)
    %dma_wait3A_142 = arith.constant 0 : i32
    %dma_wait3A_143 = tpu.memref_slice %arg10[%dma_wait3A_142] : memref<896xf32, #tpu.memory_space<vmem>> -> memref<128xf32, #tpu.memory_space<vmem>>
    %dma_wait3A_144 = arith.constant 0 : i32
    %dma_wait3A_145 = tpu.memref_slice %arg9[%dma_wait3A_144] : memref<896xi32, #tpu.memory_space<vmem>> -> memref<128xi32, #tpu.memory_space<vmem>>
    %dma_wait3A_146 = arith.constant 0 : i32
    %dma_wait3A_147 = tpu.memref_slice %arg5[%dma_wait3A_146] : memref<76800xf32, #tpu.memory_space<hbm>> -> memref<76800xf32, #tpu.memory_space<hbm>>
    tpu.wait_indirect_dma semaphore(%arg17 : memref<!tpu.dma_semaphore, #tpu.memory_space<semaphore_mem>>) src(%dma_wait3A_147 : memref<76800xf32, #tpu.memory_space<hbm>>) dst(%dma_wait3A_143 : memref<128xf32, #tpu.memory_space<vmem>>)
    %dma_wait3A_148 = arith.constant 128 : i32
    %dma_wait3A_149 = tpu.memref_slice %arg10[%dma_wait3A_148] : memref<896xf32, #tpu.memory_space<vmem>> -> memref<128xf32, #tpu.memory_space<vmem>>
    %dma_wait3A_150 = arith.constant 128 : i32
    %dma_wait3A_151 = tpu.memref_slice %arg9[%dma_wait3A_150] : memref<896xi32, #tpu.memory_space<vmem>> -> memref<128xi32, #tpu.memory_space<vmem>>
    %dma_wait3A_152 = arith.constant 0 : i32
    %dma_wait3A_153 = tpu.memref_slice %arg5[%dma_wait3A_152] : memref<76800xf32, #tpu.memory_space<hbm>> -> memref<76800xf32, #tpu.memory_space<hbm>>
    tpu.wait_indirect_dma semaphore(%arg17 : memref<!tpu.dma_semaphore, #tpu.memory_space<semaphore_mem>>) src(%dma_wait3A_153 : memref<76800xf32, #tpu.memory_space<hbm>>) dst(%dma_wait3A_149 : memref<128xf32, #tpu.memory_space<vmem>>)
    %dma_wait3A_154 = arith.constant 256 : i32
    %dma_wait3A_155 = tpu.memref_slice %arg10[%dma_wait3A_154] : memref<896xf32, #tpu.memory_space<vmem>> -> memref<128xf32, #tpu.memory_space<vmem>>
    %dma_wait3A_156 = arith.constant 256 : i32
    %dma_wait3A_157 = tpu.memref_slice %arg9[%dma_wait3A_156] : memref<896xi32, #tpu.memory_space<vmem>> -> memref<128xi32, #tpu.memory_space<vmem>>
    %dma_wait3A_158 = arith.constant 0 : i32
    %dma_wait3A_159 = tpu.memref_slice %arg5[%dma_wait3A_158] : memref<76800xf32, #tpu.memory_space<hbm>> -> memref<76800xf32, #tpu.memory_space<hbm>>
    tpu.wait_indirect_dma semaphore(%arg17 : memref<!tpu.dma_semaphore, #tpu.memory_space<semaphore_mem>>) src(%dma_wait3A_159 : memref<76800xf32, #tpu.memory_space<hbm>>) dst(%dma_wait3A_155 : memref<128xf32, #tpu.memory_space<vmem>>)
    %dma_wait3A_160 = arith.constant 384 : i32
    %dma_wait3A_161 = tpu.memref_slice %arg10[%dma_wait3A_160] : memref<896xf32, #tpu.memory_space<vmem>> -> memref<128xf32, #tpu.memory_space<vmem>>
    %dma_wait3A_162 = arith.constant 384 : i32
    %dma_wait3A_163 = tpu.memref_slice %arg9[%dma_wait3A_162] : memref<896xi32, #tpu.memory_space<vmem>> -> memref<128xi32, #tpu.memory_space<vmem>>
    %dma_wait3A_164 = arith.constant 0 : i32
    %dma_wait3A_165 = tpu.memref_slice %arg5[%dma_wait3A_164] : memref<76800xf32, #tpu.memory_space<hbm>> -> memref<76800xf32, #tpu.memory_space<hbm>>
    tpu.wait_indirect_dma semaphore(%arg17 : memref<!tpu.dma_semaphore, #tpu.memory_space<semaphore_mem>>) src(%dma_wait3A_165 : memref<76800xf32, #tpu.memory_space<hbm>>) dst(%dma_wait3A_161 : memref<128xf32, #tpu.memory_space<vmem>>)
    %dma_wait3A_166 = arith.constant 512 : i32
    %dma_wait3A_167 = tpu.memref_slice %arg10[%dma_wait3A_166] : memref<896xf32, #tpu.memory_space<vmem>> -> memref<128xf32, #tpu.memory_space<vmem>>
    %dma_wait3A_168 = arith.constant 512 : i32
    %dma_wait3A_169 = tpu.memref_slice %arg9[%dma_wait3A_168] : memref<896xi32, #tpu.memory_space<vmem>> -> memref<128xi32, #tpu.memory_space<vmem>>
    %dma_wait3A_170 = arith.constant 0 : i32
    %dma_wait3A_171 = tpu.memref_slice %arg5[%dma_wait3A_170] : memref<76800xf32, #tpu.memory_space<hbm>> -> memref<76800xf32, #tpu.memory_space<hbm>>
    tpu.wait_indirect_dma semaphore(%arg17 : memref<!tpu.dma_semaphore, #tpu.memory_space<semaphore_mem>>) src(%dma_wait3A_171 : memref<76800xf32, #tpu.memory_space<hbm>>) dst(%dma_wait3A_167 : memref<128xf32, #tpu.memory_space<vmem>>)
    %dma_wait3A_172 = arith.constant 640 : i32
    %dma_wait3A_173 = tpu.memref_slice %arg10[%dma_wait3A_172] : memref<896xf32, #tpu.memory_space<vmem>> -> memref<128xf32, #tpu.memory_space<vmem>>
    %dma_wait3A_174 = arith.constant 640 : i32
    %dma_wait3A_175 = tpu.memref_slice %arg9[%dma_wait3A_174] : memref<896xi32, #tpu.memory_space<vmem>> -> memref<128xi32, #tpu.memory_space<vmem>>
    %dma_wait3A_176 = arith.constant 0 : i32
    %dma_wait3A_177 = tpu.memref_slice %arg5[%dma_wait3A_176] : memref<76800xf32, #tpu.memory_space<hbm>> -> memref<76800xf32, #tpu.memory_space<hbm>>
    tpu.wait_indirect_dma semaphore(%arg17 : memref<!tpu.dma_semaphore, #tpu.memory_space<semaphore_mem>>) src(%dma_wait3A_177 : memref<76800xf32, #tpu.memory_space<hbm>>) dst(%dma_wait3A_173 : memref<128xf32, #tpu.memory_space<vmem>>)
    %dma_wait3A_178 = arith.constant 768 : i32
    %dma_wait3A_179 = tpu.memref_slice %arg10[%dma_wait3A_178] : memref<896xf32, #tpu.memory_space<vmem>> -> memref<128xf32, #tpu.memory_space<vmem>>
    %dma_wait3A_180 = arith.constant 768 : i32
    %dma_wait3A_181 = tpu.memref_slice %arg9[%dma_wait3A_180] : memref<896xi32, #tpu.memory_space<vmem>> -> memref<128xi32, #tpu.memory_space<vmem>>
    %dma_wait3A_182 = arith.constant 0 : i32
    %dma_wait3A_183 = tpu.memref_slice %arg5[%dma_wait3A_182] : memref<76800xf32, #tpu.memory_space<hbm>> -> memref<76800xf32, #tpu.memory_space<hbm>>
    tpu.wait_indirect_dma semaphore(%arg17 : memref<!tpu.dma_semaphore, #tpu.memory_space<semaphore_mem>>) src(%dma_wait3A_183 : memref<76800xf32, #tpu.memory_space<hbm>>) dst(%dma_wait3A_179 : memref<128xf32, #tpu.memory_space<vmem>>)
    %get3A = arith.constant 0 : index
    %get3A_184 = tpu.vector_load %arg9[%get3A] {strides = array<i32>} : memref<896xi32, #tpu.memory_space<vmem>>, vector<16xi32>,
    %convert_element_type3A_185 = arith.sitofp %get3A_184 : vector<16xi32> to vector<16xf32>
    %mul3A_186 = arith.constant 0.00104166672 : f32
    %mul3A_187 = vector.broadcast %mul3A_186 : f32 to vector<16xf32>
    %mul3A_188 = arith.mulf %convert_element_type3A_185, %mul3A_187 : vector<16xf32>
    %convert_element_type3A_189 = arith.fptosi %mul3A_188 : vector<16xf32> to vector<16xi32>
    %mul3A_190 = arith.constant 960 : i32
    %mul3A_191 = vector.broadcast %mul3A_190 : i32 to vector<16xi32>
    %mul3A_192 = arith.muli %convert_element_type3A_189, %mul3A_191 : vector<16xi32>
    %sub3A = arith.subi %get3A_184, %mul3A_192 : vector<16xi32>
    %lt3A = arith.constant 0 : i32
    %lt3A_193 = vector.broadcast %lt3A : i32 to vector<16xi32>
    %lt3A_194 = arith.cmpi slt, %sub3A, %lt3A_193 : vector<16xi32>
    %add3A_195 = arith.constant 960 : i32
    %add3A_196 = vector.broadcast %add3A_195 : i32 to vector<16xi32>
    %add3A_197 = arith.addi %sub3A, %add3A_196 : vector<16xi32>
    %select_n3A_198 = arith.select %lt3A_194, %add3A_197, %sub3A : vector<16xi1>, vector<16xi32>
    %ge3A = arith.constant 960 : i32
    %ge3A_199 = vector.broadcast %ge3A : i32 to vector<16xi32>
    %ge3A_200 = arith.cmpi sge, %select_n3A_198, %ge3A_199 : vector<16xi32>
    %sub3A_201 = arith.constant 960 : i32
    %sub3A_202 = vector.broadcast %sub3A_201 : i32 to vector<16xi32>
    %sub3A_203 = arith.subi %select_n3A_198, %sub3A_202 : vector<16xi32>
    %select_n3A_204 = arith.select %ge3A_200, %sub3A_203, %select_n3A_198 : vector<16xi1>, vector<16xi32>
    %convert_element_type3A_205 = arith.sitofp %select_n3A_204 : vector<16xi32> to vector<16xf32>
    %add3A_206 = arith.constant 1.000000e+00 : f32
    %add3A_207 = vector.broadcast %add3A_206 : f32 to vector<16xf32>
    %add3A_208 = arith.addf %convert_element_type3A_205, %add3A_207 : vector<16xf32>
    %swap3A = arith.constant 0 : index
    %swap3A_209 = tpu.vector_load %arg11[%swap3A] {strides = array<i32>} : memref<896xf32, #tpu.memory_space<vmem>>, vector<16xf32>,
    tpu.vector_store %arg11[%swap3A], %add3A_208 {strides = array<i32>} : memref<896xf32, #tpu.memory_space<vmem>>, vector<16xf32>,
    %add3A_210 = arith.constant 0 : i32
    %add3A_211 = vector.broadcast %add3A_210 : i32 to vector<16xi32>
    %add3A_212 = arith.addi %iota3A, %add3A_211 : vector<16xi32>
    %mul3A_213 = arith.constant 4 : i32
    %mul3A_214 = vector.broadcast %mul3A_213 : i32 to vector<16xi32>
    %mul3A_215 = arith.muli %add3A_212, %mul3A_214 : vector<16xi32>
    %gather3A = tpu.vector_load_idx %arg13[%mul3A_215] : memref<3584xi32, #tpu.memory_space<vmem>>[vector<16xi32>], vector<16xi32>,
    %add3A_216 = arith.constant 1 : i32
    %add3A_217 = vector.broadcast %add3A_216 : i32 to vector<16xi32>
    %add3A_218 = arith.addi %mul3A_215, %add3A_217 : vector<16xi32>
    %gather3A_219 = tpu.vector_load_idx %arg13[%add3A_218] : memref<3584xi32, #tpu.memory_space<vmem>>[vector<16xi32>], vector<16xi32>,
    %mul3A_220 = arith.constant 200 : i32
    %mul3A_221 = vector.broadcast %mul3A_220 : i32 to vector<16xi32>
    %mul3A_222 = arith.muli %gather3A, %mul3A_221 : vector<16xi32>
    %add3A_223 = arith.addi %mul3A_222, %gather3A_219 : vector<16xi32>
    %shift_right_logical3A = arith.constant 3 : i32
    %shift_right_logical3A_224 = vector.broadcast %shift_right_logical3A : i32 to vector<16xi32>
    %shift_right_logical3A_225 = arith.shrui %gather3A, %shift_right_logical3A_224 : vector<16xi32>
    %mul3A_226 = arith.constant 448 : i32
    %mul3A_227 = vector.broadcast %mul3A_226 : i32 to vector<16xi32>
    %mul3A_228 = arith.muli %shift_right_logical3A_225, %mul3A_227 : vector<16xi32>
    %add3A_229 = arith.addi %add3A_223, %mul3A_228 : vector<16xi32>
    %swap3A_230 = arith.constant 0 : i32
    %swap3A_231 = arith.index_cast %swap3A_230 : i32 to index
    %swap3A_232 = arith.constant 0 : index
    %swap3A_233 = tpu.vector_load %arg12[%swap3A_231, %swap3A_232] {strides = array<i32>} : memref<7x128xi32, #tpu.memory_space<vmem>>, vector<16xi32>,
    tpu.vector_store %arg12[%swap3A_231, %swap3A_232], %add3A_229 {strides = array<i32>} : memref<7x128xi32, #tpu.memory_space<vmem>>, vector<16xi32>,
    %get3A_234 = arith.constant 16 : index
    %get3A_235 = tpu.vector_load %arg9[%get3A_234] {strides = array<i32>} : memref<896xi32, #tpu.memory_space<vmem>>, vector<16xi32>,
    %convert_element_type3A_236 = arith.sitofp %get3A_235 : vector<16xi32> to vector<16xf32>
    %mul3A_237 = arith.constant 0.00104166672 : f32
    %mul3A_238 = vector.broadcast %mul3A_237 : f32 to vector<16xf32>
    %mul3A_239 = arith.mulf %convert_element_type3A_236, %mul3A_238 : vector<16xf32>
    %convert_element_type3A_240 = arith.fptosi %mul3A_239 : vector<16xf32> to vector<16xi32>
    %mul3A_241 = arith.constant 960 : i32
    %mul3A_242 = vector.broadcast %mul3A_241 : i32 to vector<16xi32>
    %mul3A_243 = arith.muli %convert_element_type3A_240, %mul3A_242 : vector<16xi32>
    %sub3A_244 = arith.subi %get3A_235, %mul3A_243 : vector<16xi32>
    %lt3A_245 = arith.constant 0 : i32
    %lt3A_246 = vector.broadcast %lt3A_245 : i32 to vector<16xi32>
    %lt3A_247 = arith.cmpi slt, %sub3A_244, %lt3A_246 : vector<16xi32>
    %add3A_248 = arith.constant 960 : i32
    %add3A_249 = vector.broadcast %add3A_248 : i32 to vector<16xi32>
    %add3A_250 = arith.addi %sub3A_244, %add3A_249 : vector<16xi32>
    %select_n3A_251 = arith.select %lt3A_247, %add3A_250, %sub3A_244 : vector<16xi1>, vector<16xi32>
    %ge3A_252 = arith.constant 960 : i32
    %ge3A_253 = vector.broadcast %ge3A_252 : i32 to vector<16xi32>
    %ge3A_254 = arith.cmpi sge, %select_n3A_251, %ge3A_253 : vector<16xi32>
    %sub3A_255 = arith.constant 960 : i32
    %sub3A_256 = vector.broadcast %sub3A_255 : i32 to vector<16xi32>
    %sub3A_257 = arith.subi %select_n3A_251, %sub3A_256 : vector<16xi32>
    %select_n3A_258 = arith.select %ge3A_254, %sub3A_257, %select_n3A_251 : vector<16xi1>, vector<16xi32>
    %convert_element_type3A_259 = arith.sitofp %select_n3A_258 : vector<16xi32> to vector<16xf32>
    %add3A_260 = arith.constant 1.000000e+00 : f32
    %add3A_261 = vector.broadcast %add3A_260 : f32 to vector<16xf32>
    %add3A_262 = arith.addf %convert_element_type3A_259, %add3A_261 : vector<16xf32>
    %swap3A_263 = arith.constant 16 : index
    %swap3A_264 = tpu.vector_load %arg11[%swap3A_263] {strides = array<i32>} : memref<896xf32, #tpu.memory_space<vmem>>, vector<16xf32>,
    tpu.vector_store %arg11[%swap3A_263], %add3A_262 {strides = array<i32>} : memref<896xf32, #tpu.memory_space<vmem>>, vector<16xf32>,
    %add3A_265 = arith.constant 16 : i32
    %add3A_266 = vector.broadcast %add3A_265 : i32 to vector<16xi32>
    %add3A_267 = arith.addi %iota3A, %add3A_266 : vector<16xi32>
    %mul3A_268 = arith.constant 4 : i32
    %mul3A_269 = vector.broadcast %mul3A_268 : i32 to vector<16xi32>
    %mul3A_270 = arith.muli %add3A_267, %mul3A_269 : vector<16xi32>
    %gather3A_271 = tpu.vector_load_idx %arg13[%mul3A_270] : memref<3584xi32, #tpu.memory_space<vmem>>[vector<16xi32>], vector<16xi32>,
    %add3A_272 = arith.constant 1 : i32
    %add3A_273 = vector.broadcast %add3A_272 : i32 to vector<16xi32>
    %add3A_274 = arith.addi %mul3A_270, %add3A_273 : vector<16xi32>
    %gather3A_275 = tpu.vector_load_idx %arg13[%add3A_274] : memref<3584xi32, #tpu.memory_space<vmem>>[vector<16xi32>], vector<16xi32>,
    %mul3A_276 = arith.constant 200 : i32
    %mul3A_277 = vector.broadcast %mul3A_276 : i32 to vector<16xi32>
    %mul3A_278 = arith.muli %gather3A_271, %mul3A_277 : vector<16xi32>
    %add3A_279 = arith.addi %mul3A_278, %gather3A_275 : vector<16xi32>
    %shift_right_logical3A_280 = arith.constant 3 : i32
    %shift_right_logical3A_281 = vector.broadcast %shift_right_logical3A_280 : i32 to vector<16xi32>
    %shift_right_logical3A_282 = arith.shrui %gather3A_271, %shift_right_logical3A_281 : vector<16xi32>
    %mul3A_283 = arith.constant 448 : i32
    %mul3A_284 = vector.broadcast %mul3A_283 : i32 to vector<16xi32>
    %mul3A_285 = arith.muli %shift_right_logical3A_282, %mul3A_284 : vector<16xi32>
    %add3A_286 = arith.addi %add3A_279, %mul3A_285 : vector<16xi32>
    %swap3A_287 = arith.constant 0 : i32
    %swap3A_288 = arith.index_cast %swap3A_287 : i32 to index
    %swap3A_289 = arith.constant 16 : index
    %swap3A_290 = tpu.vector_load %arg12[%swap3A_288, %swap3A_289] {strides = array<i32>} : memref<7x128xi32, #tpu.memory_space<vmem>>, vector<16xi32>,
    tpu.vector_store %arg12[%swap3A_288, %swap3A_289], %add3A_286 {strides = array<i32>} : memref<7x128xi32, #tpu.memory_space<vmem>>, vector<16xi32>,
    %get3A_291 = arith.constant 32 : index
    %get3A_292 = tpu.vector_load %arg9[%get3A_291] {strides = array<i32>} : memref<896xi32, #tpu.memory_space<vmem>>, vector<16xi32>,
    %convert_element_type3A_293 = arith.sitofp %get3A_292 : vector<16xi32> to vector<16xf32>
    %mul3A_294 = arith.constant 0.00104166672 : f32
    %mul3A_295 = vector.broadcast %mul3A_294 : f32 to vector<16xf32>
    %mul3A_296 = arith.mulf %convert_element_type3A_293, %mul3A_295 : vector<16xf32>
    %convert_element_type3A_297 = arith.fptosi %mul3A_296 : vector<16xf32> to vector<16xi32>
    %mul3A_298 = arith.constant 960 : i32
    %mul3A_299 = vector.broadcast %mul3A_298 : i32 to vector<16xi32>
    %mul3A_300 = arith.muli %convert_element_type3A_297, %mul3A_299 : vector<16xi32>
    %sub3A_301 = arith.subi %get3A_292, %mul3A_300 : vector<16xi32>
    %lt3A_302 = arith.constant 0 : i32
    %lt3A_303 = vector.broadcast %lt3A_302 : i32 to vector<16xi32>
    %lt3A_304 = arith.cmpi slt, %sub3A_301, %lt3A_303 : vector<16xi32>
    %add3A_305 = arith.constant 960 : i32
    %add3A_306 = vector.broadcast %add3A_305 : i32 to vector<16xi32>
    %add3A_307 = arith.addi %sub3A_301, %add3A_306 : vector<16xi32>
    %select_n3A_308 = arith.select %lt3A_304, %add3A_307, %sub3A_301 : vector<16xi1>, vector<16xi32>
    %ge3A_309 = arith.constant 960 : i32
    %ge3A_310 = vector.broadcast %ge3A_309 : i32 to vector<16xi32>
    %ge3A_311 = arith.cmpi sge, %select_n3A_308, %ge3A_310 : vector<16xi32>
    %sub3A_312 = arith.constant 960 : i32
    %sub3A_313 = vector.broadcast %sub3A_312 : i32 to vector<16xi32>
    %sub3A_314 = arith.subi %select_n3A_308, %sub3A_313 : vector<16xi32>
    %select_n3A_315 = arith.select %ge3A_311, %sub3A_314, %select_n3A_308 : vector<16xi1>, vector<16xi32>
    %convert_element_type3A_316 = arith.sitofp %select_n3A_315 : vector<16xi32> to vector<16xf32>
    %add3A_317 = arith.constant 1.000000e+00 : f32
    %add3A_318 = vector.broadcast %add3A_317 : f32 to vector<16xf32>
    %add3A_319 = arith.addf %convert_element_type3A_316, %add3A_318 : vector<16xf32>
    %swap3A_320 = arith.constant 32 : index
    %swap3A_321 = tpu.vector_load %arg11[%swap3A_320] {strides = array<i32>} : memref<896xf32, #tpu.memory_space<vmem>>, vector<16xf32>,
    tpu.vector_store %arg11[%swap3A_320], %add3A_319 {strides = array<i32>} : memref<896xf32, #tpu.memory_space<vmem>>, vector<16xf32>,
    %add3A_322 = arith.constant 32 : i32
    %add3A_323 = vector.broadcast %add3A_322 : i32 to vector<16xi32>
    %add3A_324 = arith.addi %iota3A, %add3A_323 : vector<16xi32>
    %mul3A_325 = arith.constant 4 : i32
    %mul3A_326 = vector.broadcast %mul3A_325 : i32 to vector<16xi32>
    %mul3A_327 = arith.muli %add3A_324, %mul3A_326 : vector<16xi32>
    %gather3A_328 = tpu.vector_load_idx %arg13[%mul3A_327] : memref<3584xi32, #tpu.memory_space<vmem>>[vector<16xi32>], vector<16xi32>,
    %add3A_329 = arith.constant 1 : i32
    %add3A_330 = vector.broadcast %add3A_329 : i32 to vector<16xi32>
    %add3A_331 = arith.addi %mul3A_327, %add3A_330 : vector<16xi32>
    %gather3A_332 = tpu.vector_load_idx %arg13[%add3A_331] : memref<3584xi32, #tpu.memory_space<vmem>>[vector<16xi32>], vector<16xi32>,
    %mul3A_333 = arith.constant 200 : i32
    %mul3A_334 = vector.broadcast %mul3A_333 : i32 to vector<16xi32>
    %mul3A_335 = arith.muli %gather3A_328, %mul3A_334 : vector<16xi32>
    %add3A_336 = arith.addi %mul3A_335, %gather3A_332 : vector<16xi32>
    %shift_right_logical3A_337 = arith.constant 3 : i32
    %shift_right_logical3A_338 = vector.broadcast %shift_right_logical3A_337 : i32 to vector<16xi32>
    %shift_right_logical3A_339 = arith.shrui %gather3A_328, %shift_right_logical3A_338 : vector<16xi32>
    %mul3A_340 = arith.constant 448 : i32
    %mul3A_341 = vector.broadcast %mul3A_340 : i32 to vector<16xi32>
    %mul3A_342 = arith.muli %shift_right_logical3A_339, %mul3A_341 : vector<16xi32>
    %add3A_343 = arith.addi %add3A_336, %mul3A_342 : vector<16xi32>
    %swap3A_344 = arith.constant 0 : i32
    %swap3A_345 = arith.index_cast %swap3A_344 : i32 to index
    %swap3A_346 = arith.constant 32 : index
    %swap3A_347 = tpu.vector_load %arg12[%swap3A_345, %swap3A_346] {strides = array<i32>} : memref<7x128xi32, #tpu.memory_space<vmem>>, vector<16xi32>,
    tpu.vector_store %arg12[%swap3A_345, %swap3A_346], %add3A_343 {strides = array<i32>} : memref<7x128xi32, #tpu.memory_space<vmem>>, vector<16xi32>,
    %get3A_348 = arith.constant 48 : index
    %get3A_349 = tpu.vector_load %arg9[%get3A_348] {strides = array<i32>} : memref<896xi32, #tpu.memory_space<vmem>>, vector<16xi32>,
    %convert_element_type3A_350 = arith.sitofp %get3A_349 : vector<16xi32> to vector<16xf32>
    %mul3A_351 = arith.constant 0.00104166672 : f32
    %mul3A_352 = vector.broadcast %mul3A_351 : f32 to vector<16xf32>
    %mul3A_353 = arith.mulf %convert_element_type3A_350, %mul3A_352 : vector<16xf32>
    %convert_element_type3A_354 = arith.fptosi %mul3A_353 : vector<16xf32> to vector<16xi32>
    %mul3A_355 = arith.constant 960 : i32
    %mul3A_356 = vector.broadcast %mul3A_355 : i32 to vector<16xi32>
    %mul3A_357 = arith.muli %convert_element_type3A_354, %mul3A_356 : vector<16xi32>
    %sub3A_358 = arith.subi %get3A_349, %mul3A_357 : vector<16xi32>
    %lt3A_359 = arith.constant 0 : i32
    %lt3A_360 = vector.broadcast %lt3A_359 : i32 to vector<16xi32>
    %lt3A_361 = arith.cmpi slt, %sub3A_358, %lt3A_360 : vector<16xi32>
    %add3A_362 = arith.constant 960 : i32
    %add3A_363 = vector.broadcast %add3A_362 : i32 to vector<16xi32>
    %add3A_364 = arith.addi %sub3A_358, %add3A_363 : vector<16xi32>
    %select_n3A_365 = arith.select %lt3A_361, %add3A_364, %sub3A_358 : vector<16xi1>, vector<16xi32>
    %ge3A_366 = arith.constant 960 : i32
    %ge3A_367 = vector.broadcast %ge3A_366 : i32 to vector<16xi32>
    %ge3A_368 = arith.cmpi sge, %select_n3A_365, %ge3A_367 : vector<16xi32>
    %sub3A_369 = arith.constant 960 : i32
    %sub3A_370 = vector.broadcast %sub3A_369 : i32 to vector<16xi32>
    %sub3A_371 = arith.subi %select_n3A_365, %sub3A_370 : vector<16xi32>
    %select_n3A_372 = arith.select %ge3A_368, %sub3A_371, %select_n3A_365 : vector<16xi1>, vector<16xi32>
    %convert_element_type3A_373 = arith.sitofp %select_n3A_372 : vector<16xi32> to vector<16xf32>
    %add3A_374 = arith.constant 1.000000e+00 : f32
    %add3A_375 = vector.broadcast %add3A_374 : f32 to vector<16xf32>
    %add3A_376 = arith.addf %convert_element_type3A_373, %add3A_375 : vector<16xf32>
    %swap3A_377 = arith.constant 48 : index
    %swap3A_378 = tpu.vector_load %arg11[%swap3A_377] {strides = array<i32>} : memref<896xf32, #tpu.memory_space<vmem>>, vector<16xf32>,
    tpu.vector_store %arg11[%swap3A_377], %add3A_376 {strides = array<i32>} : memref<896xf32, #tpu.memory_space<vmem>>, vector<16xf32>,
    %add3A_379 = arith.constant 48 : i32
    %add3A_380 = vector.broadcast %add3A_379 : i32 to vector<16xi32>
    %add3A_381 = arith.addi %iota3A, %add3A_380 : vector<16xi32>
    %mul3A_382 = arith.constant 4 : i32
    %mul3A_383 = vector.broadcast %mul3A_382 : i32 to vector<16xi32>
    %mul3A_384 = arith.muli %add3A_381, %mul3A_383 : vector<16xi32>
    %gather3A_385 = tpu.vector_load_idx %arg13[%mul3A_384] : memref<3584xi32, #tpu.memory_space<vmem>>[vector<16xi32>], vector<16xi32>,
    %add3A_386 = arith.constant 1 : i32
    %add3A_387 = vector.broadcast %add3A_386 : i32 to vector<16xi32>
    %add3A_388 = arith.addi %mul3A_384, %add3A_387 : vector<16xi32>
    %gather3A_389 = tpu.vector_load_idx %arg13[%add3A_388] : memref<3584xi32, #tpu.memory_space<vmem>>[vector<16xi32>], vector<16xi32>,
    %mul3A_390 = arith.constant 200 : i32
    %mul3A_391 = vector.broadcast %mul3A_390 : i32 to vector<16xi32>
    %mul3A_392 = arith.muli %gather3A_385, %mul3A_391 : vector<16xi32>
    %add3A_393 = arith.addi %mul3A_392, %gather3A_389 : vector<16xi32>
    %shift_right_logical3A_394 = arith.constant 3 : i32
    %shift_right_logical3A_395 = vector.broadcast %shift_right_logical3A_394 : i32 to vector<16xi32>
    %shift_right_logical3A_396 = arith.shrui %gather3A_385, %shift_right_logical3A_395 : vector<16xi32>
    %mul3A_397 = arith.constant 448 : i32
    %mul3A_398 = vector.broadcast %mul3A_397 : i32 to vector<16xi32>
    %mul3A_399 = arith.muli %shift_right_logical3A_396, %mul3A_398 : vector<16xi32>
    %add3A_400 = arith.addi %add3A_393, %mul3A_399 : vector<16xi32>
    %swap3A_401 = arith.constant 0 : i32
    %swap3A_402 = arith.index_cast %swap3A_401 : i32 to index
    %swap3A_403 = arith.constant 48 : index
    %swap3A_404 = tpu.vector_load %arg12[%swap3A_402, %swap3A_403] {strides = array<i32>} : memref<7x128xi32, #tpu.memory_space<vmem>>, vector<16xi32>,
    tpu.vector_store %arg12[%swap3A_402, %swap3A_403], %add3A_400 {strides = array<i32>} : memref<7x128xi32, #tpu.memory_space<vmem>>, vector<16xi32>,
    %get3A_405 = arith.constant 64 : index
    %get3A_406 = tpu.vector_load %arg9[%get3A_405] {strides = array<i32>} : memref<896xi32, #tpu.memory_space<vmem>>, vector<16xi32>,
    %convert_element_type3A_407 = arith.sitofp %get3A_406 : vector<16xi32> to vector<16xf32>
    %mul3A_408 = arith.constant 0.00104166672 : f32
    %mul3A_409 = vector.broadcast %mul3A_408 : f32 to vector<16xf32>
    %mul3A_410 = arith.mulf %convert_element_type3A_407, %mul3A_409 : vector<16xf32>
    %convert_element_type3A_411 = arith.fptosi %mul3A_410 : vector<16xf32> to vector<16xi32>
    %mul3A_412 = arith.constant 960 : i32
    %mul3A_413 = vector.broadcast %mul3A_412 : i32 to vector<16xi32>
    %mul3A_414 = arith.muli %convert_element_type3A_411, %mul3A_413 : vector<16xi32>
    %sub3A_415 = arith.subi %get3A_406, %mul3A_414 : vector<16xi32>
    %lt3A_416 = arith.constant 0 : i32
    %lt3A_417 = vector.broadcast %lt3A_416 : i32 to vector<16xi32>
    %lt3A_418 = arith.cmpi slt, %sub3A_415, %lt3A_417 : vector<16xi32>
    %add3A_419 = arith.constant 960 : i32
    %add3A_420 = vector.broadcast %add3A_419 : i32 to vector<16xi32>
    %add3A_421 = arith.addi %sub3A_415, %add3A_420 : vector<16xi32>
    %select_n3A_422 = arith.select %lt3A_418, %add3A_421, %sub3A_415 : vector<16xi1>, vector<16xi32>
    %ge3A_423 = arith.constant 960 : i32
    %ge3A_424 = vector.broadcast %ge3A_423 : i32 to vector<16xi32>
    %ge3A_425 = arith.cmpi sge, %select_n3A_422, %ge3A_424 : vector<16xi32>
    %sub3A_426 = arith.constant 960 : i32
    %sub3A_427 = vector.broadcast %sub3A_426 : i32 to vector<16xi32>
    %sub3A_428 = arith.subi %select_n3A_422, %sub3A_427 : vector<16xi32>
    %select_n3A_429 = arith.select %ge3A_425, %sub3A_428, %select_n3A_422 : vector<16xi1>, vector<16xi32>
    %convert_element_type3A_430 = arith.sitofp %select_n3A_429 : vector<16xi32> to vector<16xf32>
    %add3A_431 = arith.constant 1.000000e+00 : f32
    %add3A_432 = vector.broadcast %add3A_431 : f32 to vector<16xf32>
    %add3A_433 = arith.addf %convert_element_type3A_430, %add3A_432 : vector<16xf32>
    %swap3A_434 = arith.constant 64 : index
    %swap3A_435 = tpu.vector_load %arg11[%swap3A_434] {strides = array<i32>} : memref<896xf32, #tpu.memory_space<vmem>>, vector<16xf32>,
    tpu.vector_store %arg11[%swap3A_434], %add3A_433 {strides = array<i32>} : memref<896xf32, #tpu.memory_space<vmem>>, vector<16xf32>,
    %add3A_436 = arith.constant 64 : i32
    %add3A_437 = vector.broadcast %add3A_436 : i32 to vector<16xi32>
    %add3A_438 = arith.addi %iota3A, %add3A_437 : vector<16xi32>
    %mul3A_439 = arith.constant 4 : i32
    %mul3A_440 = vector.broadcast %mul3A_439 : i32 to vector<16xi32>
    %mul3A_441 = arith.muli %add3A_438, %mul3A_440 : vector<16xi32>
    %gather3A_442 = tpu.vector_load_idx %arg13[%mul3A_441] : memref<3584xi32, #tpu.memory_space<vmem>>[vector<16xi32>], vector<16xi32>,
    %add3A_443 = arith.constant 1 : i32
    %add3A_444 = vector.broadcast %add3A_443 : i32 to vector<16xi32>
    %add3A_445 = arith.addi %mul3A_441, %add3A_444 : vector<16xi32>
    %gather3A_446 = tpu.vector_load_idx %arg13[%add3A_445] : memref<3584xi32, #tpu.memory_space<vmem>>[vector<16xi32>], vector<16xi32>,
    %mul3A_447 = arith.constant 200 : i32
    %mul3A_448 = vector.broadcast %mul3A_447 : i32 to vector<16xi32>
    %mul3A_449 = arith.muli %gather3A_442, %mul3A_448 : vector<16xi32>
    %add3A_450 = arith.addi %mul3A_449, %gather3A_446 : vector<16xi32>
    %shift_right_logical3A_451 = arith.constant 3 : i32
    %shift_right_logical3A_452 = vector.broadcast %shift_right_logical3A_451 : i32 to vector<16xi32>
    %shift_right_logical3A_453 = arith.shrui %gather3A_442, %shift_right_logical3A_452 : vector<16xi32>
    %mul3A_454 = arith.constant 448 : i32
    %mul3A_455 = vector.broadcast %mul3A_454 : i32 to vector<16xi32>
    %mul3A_456 = arith.muli %shift_right_logical3A_453, %mul3A_455 : vector<16xi32>
    %add3A_457 = arith.addi %add3A_450, %mul3A_456 : vector<16xi32>
    %swap3A_458 = arith.constant 0 : i32
    %swap3A_459 = arith.index_cast %swap3A_458 : i32 to index
    %swap3A_460 = arith.constant 64 : index
    %swap3A_461 = tpu.vector_load %arg12[%swap3A_459, %swap3A_460] {strides = array<i32>} : memref<7x128xi32, #tpu.memory_space<vmem>>, vector<16xi32>,
    tpu.vector_store %arg12[%swap3A_459, %swap3A_460], %add3A_457 {strides = array<i32>} : memref<7x128xi32, #tpu.memory_space<vmem>>, vector<16xi32>,
    %get3A_462 = arith.constant 80 : index
    %get3A_463 = tpu.vector_load %arg9[%get3A_462] {strides = array<i32>} : memref<896xi32, #tpu.memory_space<vmem>>, vector<16xi32>,
    %convert_element_type3A_464 = arith.sitofp %get3A_463 : vector<16xi32> to vector<16xf32>
    %mul3A_465 = arith.constant 0.00104166672 : f32
    %mul3A_466 = vector.broadcast %mul3A_465 : f32 to vector<16xf32>
    %mul3A_467 = arith.mulf %convert_element_type3A_464, %mul3A_466 : vector<16xf32>
    %convert_element_type3A_468 = arith.fptosi %mul3A_467 : vector<16xf32> to vector<16xi32>
    %mul3A_469 = arith.constant 960 : i32
    %mul3A_470 = vector.broadcast %mul3A_469 : i32 to vector<16xi32>
    %mul3A_471 = arith.muli %convert_element_type3A_468, %mul3A_470 : vector<16xi32>
    %sub3A_472 = arith.subi %get3A_463, %mul3A_471 : vector<16xi32>
    %lt3A_473 = arith.constant 0 : i32
    %lt3A_474 = vector.broadcast %lt3A_473 : i32 to vector<16xi32>
    %lt3A_475 = arith.cmpi slt, %sub3A_472, %lt3A_474 : vector<16xi32>
    %add3A_476 = arith.constant 960 : i32
    %add3A_477 = vector.broadcast %add3A_476 : i32 to vector<16xi32>
    %add3A_478 = arith.addi %sub3A_472, %add3A_477 : vector<16xi32>
    %select_n3A_479 = arith.select %lt3A_475, %add3A_478, %sub3A_472 : vector<16xi1>, vector<16xi32>
    %ge3A_480 = arith.constant 960 : i32
    %ge3A_481 = vector.broadcast %ge3A_480 : i32 to vector<16xi32>
    %ge3A_482 = arith.cmpi sge, %select_n3A_479, %ge3A_481 : vector<16xi32>
    %sub3A_483 = arith.constant 960 : i32
    %sub3A_484 = vector.broadcast %sub3A_483 : i32 to vector<16xi32>
    %sub3A_485 = arith.subi %select_n3A_479, %sub3A_484 : vector<16xi32>
    %select_n3A_486 = arith.select %ge3A_482, %sub3A_485, %select_n3A_479 : vector<16xi1>, vector<16xi32>
    %convert_element_type3A_487 = arith.sitofp %select_n3A_486 : vector<16xi32> to vector<16xf32>
    %add3A_488 = arith.constant 1.000000e+00 : f32
    %add3A_489 = vector.broadcast %add3A_488 : f32 to vector<16xf32>
    %add3A_490 = arith.addf %convert_element_type3A_487, %add3A_489 : vector<16xf32>
    %swap3A_491 = arith.constant 80 : index
    %swap3A_492 = tpu.vector_load %arg11[%swap3A_491] {strides = array<i32>} : memref<896xf32, #tpu.memory_space<vmem>>, vector<16xf32>,
    tpu.vector_store %arg11[%swap3A_491], %add3A_490 {strides = array<i32>} : memref<896xf32, #tpu.memory_space<vmem>>, vector<16xf32>,
    %add3A_493 = arith.constant 80 : i32
    %add3A_494 = vector.broadcast %add3A_493 : i32 to vector<16xi32>
    %add3A_495 = arith.addi %iota3A, %add3A_494 : vector<16xi32>
    %mul3A_496 = arith.constant 4 : i32
    %mul3A_497 = vector.broadcast %mul3A_496 : i32 to vector<16xi32>
    %mul3A_498 = arith.muli %add3A_495, %mul3A_497 : vector<16xi32>
    %gather3A_499 = tpu.vector_load_idx %arg13[%mul3A_498] : memref<3584xi32, #tpu.memory_space<vmem>>[vector<16xi32>], vector<16xi32>,
    %add3A_500 = arith.constant 1 : i32
    %add3A_501 = vector.broadcast %add3A_500 : i32 to vector<16xi32>
    %add3A_502 = arith.addi %mul3A_498, %add3A_501 : vector<16xi32>
    %gather3A_503 = tpu.vector_load_idx %arg13[%add3A_502] : memref<3584xi32, #tpu.memory_space<vmem>>[vector<16xi32>], vector<16xi32>,
    %mul3A_504 = arith.constant 200 : i32
    %mul3A_505 = vector.broadcast %mul3A_504 : i32 to vector<16xi32>
    %mul3A_506 = arith.muli %gather3A_499, %mul3A_505 : vector<16xi32>
    %add3A_507 = arith.addi %mul3A_506, %gather3A_503 : vector<16xi32>
    %shift_right_logical3A_508 = arith.constant 3 : i32
    %shift_right_logical3A_509 = vector.broadcast %shift_right_logical3A_508 : i32 to vector<16xi32>
    %shift_right_logical3A_510 = arith.shrui %gather3A_499, %shift_right_logical3A_509 : vector<16xi32>
    %mul3A_511 = arith.constant 448 : i32
    %mul3A_512 = vector.broadcast %mul3A_511 : i32 to vector<16xi32>
    %mul3A_513 = arith.muli %shift_right_logical3A_510, %mul3A_512 : vector<16xi32>
    %add3A_514 = arith.addi %add3A_507, %mul3A_513 : vector<16xi32>
    %swap3A_515 = arith.constant 0 : i32
    %swap3A_516 = arith.index_cast %swap3A_515 : i32 to index
    %swap3A_517 = arith.constant 80 : index
    %swap3A_518 = tpu.vector_load %arg12[%swap3A_516, %swap3A_517] {strides = array<i32>} : memref<7x128xi32, #tpu.memory_space<vmem>>, vector<16xi32>,
    tpu.vector_store %arg12[%swap3A_516, %swap3A_517], %add3A_514 {strides = array<i32>} : memref<7x128xi32, #tpu.memory_space<vmem>>, vector<16xi32>,
    %get3A_519 = arith.constant 96 : index
    %get3A_520 = tpu.vector_load %arg9[%get3A_519] {strides = array<i32>} : memref<896xi32, #tpu.memory_space<vmem>>, vector<16xi32>,
    %convert_element_type3A_521 = arith.sitofp %get3A_520 : vector<16xi32> to vector<16xf32>
    %mul3A_522 = arith.constant 0.00104166672 : f32
    %mul3A_523 = vector.broadcast %mul3A_522 : f32 to vector<16xf32>
    %mul3A_524 = arith.mulf %convert_element_type3A_521, %mul3A_523 : vector<16xf32>
    %convert_element_type3A_525 = arith.fptosi %mul3A_524 : vector<16xf32> to vector<16xi32>
    %mul3A_526 = arith.constant 960 : i32
    %mul3A_527 = vector.broadcast %mul3A_526 : i32 to vector<16xi32>
    %mul3A_528 = arith.muli %convert_element_type3A_525, %mul3A_527 : vector<16xi32>
    %sub3A_529 = arith.subi %get3A_520, %mul3A_528 : vector<16xi32>
    %lt3A_530 = arith.constant 0 : i32
    %lt3A_531 = vector.broadcast %lt3A_530 : i32 to vector<16xi32>
    %lt3A_532 = arith.cmpi slt, %sub3A_529, %lt3A_531 : vector<16xi32>
    %add3A_533 = arith.constant 960 : i32
    %add3A_534 = vector.broadcast %add3A_533 : i32 to vector<16xi32>
    %add3A_535 = arith.addi %sub3A_529, %add3A_534 : vector<16xi32>
    %select_n3A_536 = arith.select %lt3A_532, %add3A_535, %sub3A_529 : vector<16xi1>, vector<16xi32>
    %ge3A_537 = arith.constant 960 : i32
    %ge3A_538 = vector.broadcast %ge3A_537 : i32 to vector<16xi32>
    %ge3A_539 = arith.cmpi sge, %select_n3A_536, %ge3A_538 : vector<16xi32>
    %sub3A_540 = arith.constant 960 : i32
    %sub3A_541 = vector.broadcast %sub3A_540 : i32 to vector<16xi32>
    %sub3A_542 = arith.subi %select_n3A_536, %sub3A_541 : vector<16xi32>
    %select_n3A_543 = arith.select %ge3A_539, %sub3A_542, %select_n3A_536 : vector<16xi1>, vector<16xi32>
    %convert_element_type3A_544 = arith.sitofp %select_n3A_543 : vector<16xi32> to vector<16xf32>
    %add3A_545 = arith.constant 1.000000e+00 : f32
    %add3A_546 = vector.broadcast %add3A_545 : f32 to vector<16xf32>
    %add3A_547 = arith.addf %convert_element_type3A_544, %add3A_546 : vector<16xf32>
    %swap3A_548 = arith.constant 96 : index
    %swap3A_549 = tpu.vector_load %arg11[%swap3A_548] {strides = array<i32>} : memref<896xf32, #tpu.memory_space<vmem>>, vector<16xf32>,
    tpu.vector_store %arg11[%swap3A_548], %add3A_547 {strides = array<i32>} : memref<896xf32, #tpu.memory_space<vmem>>, vector<16xf32>,
    %add3A_550 = arith.constant 96 : i32
    %add3A_551 = vector.broadcast %add3A_550 : i32 to vector<16xi32>
    %add3A_552 = arith.addi %iota3A, %add3A_551 : vector<16xi32>
    %mul3A_553 = arith.constant 4 : i32
    %mul3A_554 = vector.broadcast %mul3A_553 : i32 to vector<16xi32>
    %mul3A_555 = arith.muli %add3A_552, %mul3A_554 : vector<16xi32>
    %gather3A_556 = tpu.vector_load_idx %arg13[%mul3A_555] : memref<3584xi32, #tpu.memory_space<vmem>>[vector<16xi32>], vector<16xi32>,
    %add3A_557 = arith.constant 1 : i32
    %add3A_558 = vector.broadcast %add3A_557 : i32 to vector<16xi32>
    %add3A_559 = arith.addi %mul3A_555, %add3A_558 : vector<16xi32>
    %gather3A_560 = tpu.vector_load_idx %arg13[%add3A_559] : memref<3584xi32, #tpu.memory_space<vmem>>[vector<16xi32>], vector<16xi32>,
    %mul3A_561 = arith.constant 200 : i32
    %mul3A_562 = vector.broadcast %mul3A_561 : i32 to vector<16xi32>
    %mul3A_563 = arith.muli %gather3A_556, %mul3A_562 : vector<16xi32>
    %add3A_564 = arith.addi %mul3A_563, %gather3A_560 : vector<16xi32>
    %shift_right_logical3A_565 = arith.constant 3 : i32
    %shift_right_logical3A_566 = vector.broadcast %shift_right_logical3A_565 : i32 to vector<16xi32>
    %shift_right_logical3A_567 = arith.shrui %gather3A_556, %shift_right_logical3A_566 : vector<16xi32>
    %mul3A_568 = arith.constant 448 : i32
    %mul3A_569 = vector.broadcast %mul3A_568 : i32 to vector<16xi32>
    %mul3A_570 = arith.muli %shift_right_logical3A_567, %mul3A_569 : vector<16xi32>
    %add3A_571 = arith.addi %add3A_564, %mul3A_570 : vector<16xi32>
    %swap3A_572 = arith.constant 0 : i32
    %swap3A_573 = arith.index_cast %swap3A_572 : i32 to index
    %swap3A_574 = arith.constant 96 : index
    %swap3A_575 = tpu.vector_load %arg12[%swap3A_573, %swap3A_574] {strides = array<i32>} : memref<7x128xi32, #tpu.memory_space<vmem>>, vector<16xi32>,
    tpu.vector_store %arg12[%swap3A_573, %swap3A_574], %add3A_571 {strides = array<i32>} : memref<7x128xi32, #tpu.memory_space<vmem>>, vector<16xi32>,
    %get3A_576 = arith.constant 112 : index
    %get3A_577 = tpu.vector_load %arg9[%get3A_576] {strides = array<i32>} : memref<896xi32, #tpu.memory_space<vmem>>, vector<16xi32>,
    %convert_element_type3A_578 = arith.sitofp %get3A_577 : vector<16xi32> to vector<16xf32>
    %mul3A_579 = arith.constant 0.00104166672 : f32
    %mul3A_580 = vector.broadcast %mul3A_579 : f32 to vector<16xf32>
    %mul3A_581 = arith.mulf %convert_element_type3A_578, %mul3A_580 : vector<16xf32>
    %convert_element_type3A_582 = arith.fptosi %mul3A_581 : vector<16xf32> to vector<16xi32>
    %mul3A_583 = arith.constant 960 : i32
    %mul3A_584 = vector.broadcast %mul3A_583 : i32 to vector<16xi32>
    %mul3A_585 = arith.muli %convert_element_type3A_582, %mul3A_584 : vector<16xi32>
    %sub3A_586 = arith.subi %get3A_577, %mul3A_585 : vector<16xi32>
    %lt3A_587 = arith.constant 0 : i32
    %lt3A_588 = vector.broadcast %lt3A_587 : i32 to vector<16xi32>
    %lt3A_589 = arith.cmpi slt, %sub3A_586, %lt3A_588 : vector<16xi32>
    %add3A_590 = arith.constant 960 : i32
    %add3A_591 = vector.broadcast %add3A_590 : i32 to vector<16xi32>
    %add3A_592 = arith.addi %sub3A_586, %add3A_591 : vector<16xi32>
    %select_n3A_593 = arith.select %lt3A_589, %add3A_592, %sub3A_586 : vector<16xi1>, vector<16xi32>
    %ge3A_594 = arith.constant 960 : i32
    %ge3A_595 = vector.broadcast %ge3A_594 : i32 to vector<16xi32>
    %ge3A_596 = arith.cmpi sge, %select_n3A_593, %ge3A_595 : vector<16xi32>
    %sub3A_597 = arith.constant 960 : i32
    %sub3A_598 = vector.broadcast %sub3A_597 : i32 to vector<16xi32>
    %sub3A_599 = arith.subi %select_n3A_593, %sub3A_598 : vector<16xi32>
    %select_n3A_600 = arith.select %ge3A_596, %sub3A_599, %select_n3A_593 : vector<16xi1>, vector<16xi32>
    %convert_element_type3A_601 = arith.sitofp %select_n3A_600 : vector<16xi32> to vector<16xf32>
    %add3A_602 = arith.constant 1.000000e+00 : f32
    %add3A_603 = vector.broadcast %add3A_602 : f32 to vector<16xf32>
    %add3A_604 = arith.addf %convert_element_type3A_601, %add3A_603 : vector<16xf32>
    %swap3A_605 = arith.constant 112 : index
    %swap3A_606 = tpu.vector_load %arg11[%swap3A_605] {strides = array<i32>} : memref<896xf32, #tpu.memory_space<vmem>>, vector<16xf32>,
    tpu.vector_store %arg11[%swap3A_605], %add3A_604 {strides = array<i32>} : memref<896xf32, #tpu.memory_space<vmem>>, vector<16xf32>,
    %add3A_607 = arith.constant 112 : i32
    %add3A_608 = vector.broadcast %add3A_607 : i32 to vector<16xi32>
    %add3A_609 = arith.addi %iota3A, %add3A_608 : vector<16xi32>
    %mul3A_610 = arith.constant 4 : i32
    %mul3A_611 = vector.broadcast %mul3A_610 : i32 to vector<16xi32>
    %mul3A_612 = arith.muli %add3A_609, %mul3A_611 : vector<16xi32>
    %gather3A_613 = tpu.vector_load_idx %arg13[%mul3A_612] : memref<3584xi32, #tpu.memory_space<vmem>>[vector<16xi32>], vector<16xi32>,
    %add3A_614 = arith.constant 1 : i32
    %add3A_615 = vector.broadcast %add3A_614 : i32 to vector<16xi32>
    %add3A_616 = arith.addi %mul3A_612, %add3A_615 : vector<16xi32>
    %gather3A_617 = tpu.vector_load_idx %arg13[%add3A_616] : memref<3584xi32, #tpu.memory_space<vmem>>[vector<16xi32>], vector<16xi32>,
    %mul3A_618 = arith.constant 200 : i32
    %mul3A_619 = vector.broadcast %mul3A_618 : i32 to vector<16xi32>
    %mul3A_620 = arith.muli %gather3A_613, %mul3A_619 : vector<16xi32>
    %add3A_621 = arith.addi %mul3A_620, %gather3A_617 : vector<16xi32>
    %shift_right_logical3A_622 = arith.constant 3 : i32
    %shift_right_logical3A_623 = vector.broadcast %shift_right_logical3A_622 : i32 to vector<16xi32>
    %shift_right_logical3A_624 = arith.shrui %gather3A_613, %shift_right_logical3A_623 : vector<16xi32>
    %mul3A_625 = arith.constant 448 : i32
    %mul3A_626 = vector.broadcast %mul3A_625 : i32 to vector<16xi32>
    %mul3A_627 = arith.muli %shift_right_logical3A_624, %mul3A_626 : vector<16xi32>
    %add3A_628 = arith.addi %add3A_621, %mul3A_627 : vector<16xi32>
    %swap3A_629 = arith.constant 0 : i32
    %swap3A_630 = arith.index_cast %swap3A_629 : i32 to index
    %swap3A_631 = arith.constant 112 : index
    %swap3A_632 = tpu.vector_load %arg12[%swap3A_630, %swap3A_631] {strides = array<i32>} : memref<7x128xi32, #tpu.memory_space<vmem>>, vector<16xi32>,
    tpu.vector_store %arg12[%swap3A_630, %swap3A_631], %add3A_628 {strides = array<i32>} : memref<7x128xi32, #tpu.memory_space<vmem>>, vector<16xi32>,
    %get3A_633 = arith.constant 128 : index
    %get3A_634 = tpu.vector_load %arg9[%get3A_633] {strides = array<i32>} : memref<896xi32, #tpu.memory_space<vmem>>, vector<16xi32>,
    %convert_element_type3A_635 = arith.sitofp %get3A_634 : vector<16xi32> to vector<16xf32>
    %mul3A_636 = arith.constant 0.00104166672 : f32
    %mul3A_637 = vector.broadcast %mul3A_636 : f32 to vector<16xf32>
    %mul3A_638 = arith.mulf %convert_element_type3A_635, %mul3A_637 : vector<16xf32>
    %convert_element_type3A_639 = arith.fptosi %mul3A_638 : vector<16xf32> to vector<16xi32>
    %mul3A_640 = arith.constant 960 : i32
    %mul3A_641 = vector.broadcast %mul3A_640 : i32 to vector<16xi32>
    %mul3A_642 = arith.muli %convert_element_type3A_639, %mul3A_641 : vector<16xi32>
    %sub3A_643 = arith.subi %get3A_634, %mul3A_642 : vector<16xi32>
    %lt3A_644 = arith.constant 0 : i32
    %lt3A_645 = vector.broadcast %lt3A_644 : i32 to vector<16xi32>
    %lt3A_646 = arith.cmpi slt, %sub3A_643, %lt3A_645 : vector<16xi32>
    %add3A_647 = arith.constant 960 : i32
    %add3A_648 = vector.broadcast %add3A_647 : i32 to vector<16xi32>
    %add3A_649 = arith.addi %sub3A_643, %add3A_648 : vector<16xi32>
    %select_n3A_650 = arith.select %lt3A_646, %add3A_649, %sub3A_643 : vector<16xi1>, vector<16xi32>
    %ge3A_651 = arith.constant 960 : i32
    %ge3A_652 = vector.broadcast %ge3A_651 : i32 to vector<16xi32>
    %ge3A_653 = arith.cmpi sge, %select_n3A_650, %ge3A_652 : vector<16xi32>
    %sub3A_654 = arith.constant 960 : i32
    %sub3A_655 = vector.broadcast %sub3A_654 : i32 to vector<16xi32>
    %sub3A_656 = arith.subi %select_n3A_650, %sub3A_655 : vector<16xi32>
    %select_n3A_657 = arith.select %ge3A_653, %sub3A_656, %select_n3A_650 : vector<16xi1>, vector<16xi32>
    %convert_element_type3A_658 = arith.sitofp %select_n3A_657 : vector<16xi32> to vector<16xf32>
    %add3A_659 = arith.constant 1.000000e+00 : f32
    %add3A_660 = vector.broadcast %add3A_659 : f32 to vector<16xf32>
    %add3A_661 = arith.addf %convert_element_type3A_658, %add3A_660 : vector<16xf32>
    %swap3A_662 = arith.constant 128 : index
    %swap3A_663 = tpu.vector_load %arg11[%swap3A_662] {strides = array<i32>} : memref<896xf32, #tpu.memory_space<vmem>>, vector<16xf32>,
    tpu.vector_store %arg11[%swap3A_662], %add3A_661 {strides = array<i32>} : memref<896xf32, #tpu.memory_space<vmem>>, vector<16xf32>,
    %add3A_664 = arith.constant 128 : i32
    %add3A_665 = vector.broadcast %add3A_664 : i32 to vector<16xi32>
    %add3A_666 = arith.addi %iota3A, %add3A_665 : vector<16xi32>
    %mul3A_667 = arith.constant 4 : i32
    %mul3A_668 = vector.broadcast %mul3A_667 : i32 to vector<16xi32>
    %mul3A_669 = arith.muli %add3A_666, %mul3A_668 : vector<16xi32>
    %gather3A_670 = tpu.vector_load_idx %arg13[%mul3A_669] : memref<3584xi32, #tpu.memory_space<vmem>>[vector<16xi32>], vector<16xi32>,
    %add3A_671 = arith.constant 1 : i32
    %add3A_672 = vector.broadcast %add3A_671 : i32 to vector<16xi32>
    %add3A_673 = arith.addi %mul3A_669, %add3A_672 : vector<16xi32>
    %gather3A_674 = tpu.vector_load_idx %arg13[%add3A_673] : memref<3584xi32, #tpu.memory_space<vmem>>[vector<16xi32>], vector<16xi32>,
    %mul3A_675 = arith.constant 200 : i32
    %mul3A_676 = vector.broadcast %mul3A_675 : i32 to vector<16xi32>
    %mul3A_677 = arith.muli %gather3A_670, %mul3A_676 : vector<16xi32>
    %add3A_678 = arith.addi %mul3A_677, %gather3A_674 : vector<16xi32>
    %shift_right_logical3A_679 = arith.constant 3 : i32
    %shift_right_logical3A_680 = vector.broadcast %shift_right_logical3A_679 : i32 to vector<16xi32>
    %shift_right_logical3A_681 = arith.shrui %gather3A_670, %shift_right_logical3A_680 : vector<16xi32>
    %mul3A_682 = arith.constant 448 : i32
    %mul3A_683 = vector.broadcast %mul3A_682 : i32 to vector<16xi32>
    %mul3A_684 = arith.muli %shift_right_logical3A_681, %mul3A_683 : vector<16xi32>
    %add3A_685 = arith.addi %add3A_678, %mul3A_684 : vector<16xi32>
    %swap3A_686 = arith.constant 1 : i32
    %swap3A_687 = arith.index_cast %swap3A_686 : i32 to index
    %swap3A_688 = arith.constant 0 : index
    %swap3A_689 = tpu.vector_load %arg12[%swap3A_687, %swap3A_688] {strides = array<i32>} : memref<7x128xi32, #tpu.memory_space<vmem>>, vector<16xi32>,
    tpu.vector_store %arg12[%swap3A_687, %swap3A_688], %add3A_685 {strides = array<i32>} : memref<7x128xi32, #tpu.memory_space<vmem>>, vector<16xi32>,
    %get3A_690 = arith.constant 144 : index
    %get3A_691 = tpu.vector_load %arg9[%get3A_690] {strides = array<i32>} : memref<896xi32, #tpu.memory_space<vmem>>, vector<16xi32>,
    %convert_element_type3A_692 = arith.sitofp %get3A_691 : vector<16xi32> to vector<16xf32>
    %mul3A_693 = arith.constant 0.00104166672 : f32
    %mul3A_694 = vector.broadcast %mul3A_693 : f32 to vector<16xf32>
    %mul3A_695 = arith.mulf %convert_element_type3A_692, %mul3A_694 : vector<16xf32>
    %convert_element_type3A_696 = arith.fptosi %mul3A_695 : vector<16xf32> to vector<16xi32>
    %mul3A_697 = arith.constant 960 : i32
    %mul3A_698 = vector.broadcast %mul3A_697 : i32 to vector<16xi32>
    %mul3A_699 = arith.muli %convert_element_type3A_696, %mul3A_698 : vector<16xi32>
    %sub3A_700 = arith.subi %get3A_691, %mul3A_699 : vector<16xi32>
    %lt3A_701 = arith.constant 0 : i32
    %lt3A_702 = vector.broadcast %lt3A_701 : i32 to vector<16xi32>
    %lt3A_703 = arith.cmpi slt, %sub3A_700, %lt3A_702 : vector<16xi32>
    %add3A_704 = arith.constant 960 : i32
    %add3A_705 = vector.broadcast %add3A_704 : i32 to vector<16xi32>
    %add3A_706 = arith.addi %sub3A_700, %add3A_705 : vector<16xi32>
    %select_n3A_707 = arith.select %lt3A_703, %add3A_706, %sub3A_700 : vector<16xi1>, vector<16xi32>
    %ge3A_708 = arith.constant 960 : i32
    %ge3A_709 = vector.broadcast %ge3A_708 : i32 to vector<16xi32>
    %ge3A_710 = arith.cmpi sge, %select_n3A_707, %ge3A_709 : vector<16xi32>
    %sub3A_711 = arith.constant 960 : i32
    %sub3A_712 = vector.broadcast %sub3A_711 : i32 to vector<16xi32>
    %sub3A_713 = arith.subi %select_n3A_707, %sub3A_712 : vector<16xi32>
    %select_n3A_714 = arith.select %ge3A_710, %sub3A_713, %select_n3A_707 : vector<16xi1>, vector<16xi32>
    %convert_element_type3A_715 = arith.sitofp %select_n3A_714 : vector<16xi32> to vector<16xf32>
    %add3A_716 = arith.constant 1.000000e+00 : f32
    %add3A_717 = vector.broadcast %add3A_716 : f32 to vector<16xf32>
    %add3A_718 = arith.addf %convert_element_type3A_715, %add3A_717 : vector<16xf32>
    %swap3A_719 = arith.constant 144 : index
    %swap3A_720 = tpu.vector_load %arg11[%swap3A_719] {strides = array<i32>} : memref<896xf32, #tpu.memory_space<vmem>>, vector<16xf32>,
    tpu.vector_store %arg11[%swap3A_719], %add3A_718 {strides = array<i32>} : memref<896xf32, #tpu.memory_space<vmem>>, vector<16xf32>,
    %add3A_721 = arith.constant 144 : i32
    %add3A_722 = vector.broadcast %add3A_721 : i32 to vector<16xi32>
    %add3A_723 = arith.addi %iota3A, %add3A_722 : vector<16xi32>
    %mul3A_724 = arith.constant 4 : i32
    %mul3A_725 = vector.broadcast %mul3A_724 : i32 to vector<16xi32>
    %mul3A_726 = arith.muli %add3A_723, %mul3A_725 : vector<16xi32>
    %gather3A_727 = tpu.vector_load_idx %arg13[%mul3A_726] : memref<3584xi32, #tpu.memory_space<vmem>>[vector<16xi32>], vector<16xi32>,
    %add3A_728 = arith.constant 1 : i32
    %add3A_729 = vector.broadcast %add3A_728 : i32 to vector<16xi32>
    %add3A_730 = arith.addi %mul3A_726, %add3A_729 : vector<16xi32>
    %gather3A_731 = tpu.vector_load_idx %arg13[%add3A_730] : memref<3584xi32, #tpu.memory_space<vmem>>[vector<16xi32>], vector<16xi32>,
    %mul3A_732 = arith.constant 200 : i32
    %mul3A_733 = vector.broadcast %mul3A_732 : i32 to vector<16xi32>
    %mul3A_734 = arith.muli %gather3A_727, %mul3A_733 : vector<16xi32>
    %add3A_735 = arith.addi %mul3A_734, %gather3A_731 : vector<16xi32>
    %shift_right_logical3A_736 = arith.constant 3 : i32
    %shift_right_logical3A_737 = vector.broadcast %shift_right_logical3A_736 : i32 to vector<16xi32>
    %shift_right_logical3A_738 = arith.shrui %gather3A_727, %shift_right_logical3A_737 : vector<16xi32>
    %mul3A_739 = arith.constant 448 : i32
    %mul3A_740 = vector.broadcast %mul3A_739 : i32 to vector<16xi32>
    %mul3A_741 = arith.muli %shift_right_logical3A_738, %mul3A_740 : vector<16xi32>
    %add3A_742 = arith.addi %add3A_735, %mul3A_741 : vector<16xi32>
    %swap3A_743 = arith.constant 1 : i32
    %swap3A_744 = arith.index_cast %swap3A_743 : i32 to index
    %swap3A_745 = arith.constant 16 : index
    %swap3A_746 = tpu.vector_load %arg12[%swap3A_744, %swap3A_745] {strides = array<i32>} : memref<7x128xi32, #tpu.memory_space<vmem>>, vector<16xi32>,
    tpu.vector_store %arg12[%swap3A_744, %swap3A_745], %add3A_742 {strides = array<i32>} : memref<7x128xi32, #tpu.memory_space<vmem>>, vector<16xi32>,
    %get3A_747 = arith.constant 160 : index
    %get3A_748 = tpu.vector_load %arg9[%get3A_747] {strides = array<i32>} : memref<896xi32, #tpu.memory_space<vmem>>, vector<16xi32>,
    %convert_element_type3A_749 = arith.sitofp %get3A_748 : vector<16xi32> to vector<16xf32>
    %mul3A_750 = arith.constant 0.00104166672 : f32
    %mul3A_751 = vector.broadcast %mul3A_750 : f32 to vector<16xf32>
    %mul3A_752 = arith.mulf %convert_element_type3A_749, %mul3A_751 : vector<16xf32>
    %convert_element_type3A_753 = arith.fptosi %mul3A_752 : vector<16xf32> to vector<16xi32>
    %mul3A_754 = arith.constant 960 : i32
    %mul3A_755 = vector.broadcast %mul3A_754 : i32 to vector<16xi32>
    %mul3A_756 = arith.muli %convert_element_type3A_753, %mul3A_755 : vector<16xi32>
    %sub3A_757 = arith.subi %get3A_748, %mul3A_756 : vector<16xi32>
    %lt3A_758 = arith.constant 0 : i32
    %lt3A_759 = vector.broadcast %lt3A_758 : i32 to vector<16xi32>
    %lt3A_760 = arith.cmpi slt, %sub3A_757, %lt3A_759 : vector<16xi32>
    %add3A_761 = arith.constant 960 : i32
    %add3A_762 = vector.broadcast %add3A_761 : i32 to vector<16xi32>
    %add3A_763 = arith.addi %sub3A_757, %add3A_762 : vector<16xi32>
    %select_n3A_764 = arith.select %lt3A_760, %add3A_763, %sub3A_757 : vector<16xi1>, vector<16xi32>
    %ge3A_765 = arith.constant 960 : i32
    %ge3A_766 = vector.broadcast %ge3A_765 : i32 to vector<16xi32>
    %ge3A_767 = arith.cmpi sge, %select_n3A_764, %ge3A_766 : vector<16xi32>
    %sub3A_768 = arith.constant 960 : i32
    %sub3A_769 = vector.broadcast %sub3A_768 : i32 to vector<16xi32>
    %sub3A_770 = arith.subi %select_n3A_764, %sub3A_769 : vector<16xi32>
    %select_n3A_771 = arith.select %ge3A_767, %sub3A_770, %select_n3A_764 : vector<16xi1>, vector<16xi32>
    %convert_element_type3A_772 = arith.sitofp %select_n3A_771 : vector<16xi32> to vector<16xf32>
    %add3A_773 = arith.constant 1.000000e+00 : f32
    %add3A_774 = vector.broadcast %add3A_773 : f32 to vector<16xf32>
    %add3A_775 = arith.addf %convert_element_type3A_772, %add3A_774 : vector<16xf32>
    %swap3A_776 = arith.constant 160 : index
    %swap3A_777 = tpu.vector_load %arg11[%swap3A_776] {strides = array<i32>} : memref<896xf32, #tpu.memory_space<vmem>>, vector<16xf32>,
    tpu.vector_store %arg11[%swap3A_776], %add3A_775 {strides = array<i32>} : memref<896xf32, #tpu.memory_space<vmem>>, vector<16xf32>,
    %add3A_778 = arith.constant 160 : i32
    %add3A_779 = vector.broadcast %add3A_778 : i32 to vector<16xi32>
    %add3A_780 = arith.addi %iota3A, %add3A_779 : vector<16xi32>
    %mul3A_781 = arith.constant 4 : i32
    %mul3A_782 = vector.broadcast %mul3A_781 : i32 to vector<16xi32>
    %mul3A_783 = arith.muli %add3A_780, %mul3A_782 : vector<16xi32>
    %gather3A_784 = tpu.vector_load_idx %arg13[%mul3A_783] : memref<3584xi32, #tpu.memory_space<vmem>>[vector<16xi32>], vector<16xi32>,
    %add3A_785 = arith.constant 1 : i32
    %add3A_786 = vector.broadcast %add3A_785 : i32 to vector<16xi32>
    %add3A_787 = arith.addi %mul3A_783, %add3A_786 : vector<16xi32>
    %gather3A_788 = tpu.vector_load_idx %arg13[%add3A_787] : memref<3584xi32, #tpu.memory_space<vmem>>[vector<16xi32>], vector<16xi32>,
    %mul3A_789 = arith.constant 200 : i32
    %mul3A_790 = vector.broadcast %mul3A_789 : i32 to vector<16xi32>
    %mul3A_791 = arith.muli %gather3A_784, %mul3A_790 : vector<16xi32>
    %add3A_792 = arith.addi %mul3A_791, %gather3A_788 : vector<16xi32>
    %shift_right_logical3A_793 = arith.constant 3 : i32
    %shift_right_logical3A_794 = vector.broadcast %shift_right_logical3A_793 : i32 to vector<16xi32>
    %shift_right_logical3A_795 = arith.shrui %gather3A_784, %shift_right_logical3A_794 : vector<16xi32>
    %mul3A_796 = arith.constant 448 : i32
    %mul3A_797 = vector.broadcast %mul3A_796 : i32 to vector<16xi32>
    %mul3A_798 = arith.muli %shift_right_logical3A_795, %mul3A_797 : vector<16xi32>
    %add3A_799 = arith.addi %add3A_792, %mul3A_798 : vector<16xi32>
    %swap3A_800 = arith.constant 1 : i32
    %swap3A_801 = arith.index_cast %swap3A_800 : i32 to index
    %swap3A_802 = arith.constant 32 : index
    %swap3A_803 = tpu.vector_load %arg12[%swap3A_801, %swap3A_802] {strides = array<i32>} : memref<7x128xi32, #tpu.memory_space<vmem>>, vector<16xi32>,
    tpu.vector_store %arg12[%swap3A_801, %swap3A_802], %add3A_799 {strides = array<i32>} : memref<7x128xi32, #tpu.memory_space<vmem>>, vector<16xi32>,
    %get3A_804 = arith.constant 176 : index
    %get3A_805 = tpu.vector_load %arg9[%get3A_804] {strides = array<i32>} : memref<896xi32, #tpu.memory_space<vmem>>, vector<16xi32>,
    %convert_element_type3A_806 = arith.sitofp %get3A_805 : vector<16xi32> to vector<16xf32>
    %mul3A_807 = arith.constant 0.00104166672 : f32
    %mul3A_808 = vector.broadcast %mul3A_807 : f32 to vector<16xf32>
    %mul3A_809 = arith.mulf %convert_element_type3A_806, %mul3A_808 : vector<16xf32>
    %convert_element_type3A_810 = arith.fptosi %mul3A_809 : vector<16xf32> to vector<16xi32>
    %mul3A_811 = arith.constant 960 : i32
    %mul3A_812 = vector.broadcast %mul3A_811 : i32 to vector<16xi32>
    %mul3A_813 = arith.muli %convert_element_type3A_810, %mul3A_812 : vector<16xi32>
    %sub3A_814 = arith.subi %get3A_805, %mul3A_813 : vector<16xi32>
    %lt3A_815 = arith.constant 0 : i32
    %lt3A_816 = vector.broadcast %lt3A_815 : i32 to vector<16xi32>
    %lt3A_817 = arith.cmpi slt, %sub3A_814, %lt3A_816 : vector<16xi32>
    %add3A_818 = arith.constant 960 : i32
    %add3A_819 = vector.broadcast %add3A_818 : i32 to vector<16xi32>
    %add3A_820 = arith.addi %sub3A_814, %add3A_819 : vector<16xi32>
    %select_n3A_821 = arith.select %lt3A_817, %add3A_820, %sub3A_814 : vector<16xi1>, vector<16xi32>
    %ge3A_822 = arith.constant 960 : i32
    %ge3A_823 = vector.broadcast %ge3A_822 : i32 to vector<16xi32>
    %ge3A_824 = arith.cmpi sge, %select_n3A_821, %ge3A_823 : vector<16xi32>
    %sub3A_825 = arith.constant 960 : i32
    %sub3A_826 = vector.broadcast %sub3A_825 : i32 to vector<16xi32>
    %sub3A_827 = arith.subi %select_n3A_821, %sub3A_826 : vector<16xi32>
    %select_n3A_828 = arith.select %ge3A_824, %sub3A_827, %select_n3A_821 : vector<16xi1>, vector<16xi32>
    %convert_element_type3A_829 = arith.sitofp %select_n3A_828 : vector<16xi32> to vector<16xf32>
    %add3A_830 = arith.constant 1.000000e+00 : f32
    %add3A_831 = vector.broadcast %add3A_830 : f32 to vector<16xf32>
    %add3A_832 = arith.addf %convert_element_type3A_829, %add3A_831 : vector<16xf32>
    %swap3A_833 = arith.constant 176 : index
    %swap3A_834 = tpu.vector_load %arg11[%swap3A_833] {strides = array<i32>} : memref<896xf32, #tpu.memory_space<vmem>>, vector<16xf32>,
    tpu.vector_store %arg11[%swap3A_833], %add3A_832 {strides = array<i32>} : memref<896xf32, #tpu.memory_space<vmem>>, vector<16xf32>,
    %add3A_835 = arith.constant 176 : i32
    %add3A_836 = vector.broadcast %add3A_835 : i32 to vector<16xi32>
    %add3A_837 = arith.addi %iota3A, %add3A_836 : vector<16xi32>
    %mul3A_838 = arith.constant 4 : i32
    %mul3A_839 = vector.broadcast %mul3A_838 : i32 to vector<16xi32>
    %mul3A_840 = arith.muli %add3A_837, %mul3A_839 : vector<16xi32>
    %gather3A_841 = tpu.vector_load_idx %arg13[%mul3A_840] : memref<3584xi32, #tpu.memory_space<vmem>>[vector<16xi32>], vector<16xi32>,
    %add3A_842 = arith.constant 1 : i32
    %add3A_843 = vector.broadcast %add3A_842 : i32 to vector<16xi32>
    %add3A_844 = arith.addi %mul3A_840, %add3A_843 : vector<16xi32>
    %gather3A_845 = tpu.vector_load_idx %arg13[%add3A_844] : memref<3584xi32, #tpu.memory_space<vmem>>[vector<16xi32>], vector<16xi32>,
    %mul3A_846 = arith.constant 200 : i32
    %mul3A_847 = vector.broadcast %mul3A_846 : i32 to vector<16xi32>
    %mul3A_848 = arith.muli %gather3A_841, %mul3A_847 : vector<16xi32>
    %add3A_849 = arith.addi %mul3A_848, %gather3A_845 : vector<16xi32>
    %shift_right_logical3A_850 = arith.constant 3 : i32
    %shift_right_logical3A_851 = vector.broadcast %shift_right_logical3A_850 : i32 to vector<16xi32>
    %shift_right_logical3A_852 = arith.shrui %gather3A_841, %shift_right_logical3A_851 : vector<16xi32>
    %mul3A_853 = arith.constant 448 : i32
    %mul3A_854 = vector.broadcast %mul3A_853 : i32 to vector<16xi32>
    %mul3A_855 = arith.muli %shift_right_logical3A_852, %mul3A_854 : vector<16xi32>
    %add3A_856 = arith.addi %add3A_849, %mul3A_855 : vector<16xi32>
    %swap3A_857 = arith.constant 1 : i32
    %swap3A_858 = arith.index_cast %swap3A_857 : i32 to index
    %swap3A_859 = arith.constant 48 : index
    %swap3A_860 = tpu.vector_load %arg12[%swap3A_858, %swap3A_859] {strides = array<i32>} : memref<7x128xi32, #tpu.memory_space<vmem>>, vector<16xi32>,
    tpu.vector_store %arg12[%swap3A_858, %swap3A_859], %add3A_856 {strides = array<i32>} : memref<7x128xi32, #tpu.memory_space<vmem>>, vector<16xi32>,
    %get3A_861 = arith.constant 192 : index
    %get3A_862 = tpu.vector_load %arg9[%get3A_861] {strides = array<i32>} : memref<896xi32, #tpu.memory_space<vmem>>, vector<16xi32>,
    %convert_element_type3A_863 = arith.sitofp %get3A_862 : vector<16xi32> to vector<16xf32>
    %mul3A_864 = arith.constant 0.00104166672 : f32
    %mul3A_865 = vector.broadcast %mul3A_864 : f32 to vector<16xf32>
    %mul3A_866 = arith.mulf %convert_element_type3A_863, %mul3A_865 : vector<16xf32>
    %convert_element_type3A_867 = arith.fptosi %mul3A_866 : vector<16xf32> to vector<16xi32>
    %mul3A_868 = arith.constant 960 : i32
    %mul3A_869 = vector.broadcast %mul3A_868 : i32 to vector<16xi32>
    %mul3A_870 = arith.muli %convert_element_type3A_867, %mul3A_869 : vector<16xi32>
    %sub3A_871 = arith.subi %get3A_862, %mul3A_870 : vector<16xi32>
    %lt3A_872 = arith.constant 0 : i32
    %lt3A_873 = vector.broadcast %lt3A_872 : i32 to vector<16xi32>
    %lt3A_874 = arith.cmpi slt, %sub3A_871, %lt3A_873 : vector<16xi32>
    %add3A_875 = arith.constant 960 : i32
    %add3A_876 = vector.broadcast %add3A_875 : i32 to vector<16xi32>
    %add3A_877 = arith.addi %sub3A_871, %add3A_876 : vector<16xi32>
    %select_n3A_878 = arith.select %lt3A_874, %add3A_877, %sub3A_871 : vector<16xi1>, vector<16xi32>
    %ge3A_879 = arith.constant 960 : i32
    %ge3A_880 = vector.broadcast %ge3A_879 : i32 to vector<16xi32>
    %ge3A_881 = arith.cmpi sge, %select_n3A_878, %ge3A_880 : vector<16xi32>
    %sub3A_882 = arith.constant 960 : i32
    %sub3A_883 = vector.broadcast %sub3A_882 : i32 to vector<16xi32>
    %sub3A_884 = arith.subi %select_n3A_878, %sub3A_883 : vector<16xi32>
    %select_n3A_885 = arith.select %ge3A_881, %sub3A_884, %select_n3A_878 : vector<16xi1>, vector<16xi32>
    %convert_element_type3A_886 = arith.sitofp %select_n3A_885 : vector<16xi32> to vector<16xf32>
    %add3A_887 = arith.constant 1.000000e+00 : f32
    %add3A_888 = vector.broadcast %add3A_887 : f32 to vector<16xf32>
    %add3A_889 = arith.addf %convert_element_type3A_886, %add3A_888 : vector<16xf32>
    %swap3A_890 = arith.constant 192 : index
    %swap3A_891 = tpu.vector_load %arg11[%swap3A_890] {strides = array<i32>} : memref<896xf32, #tpu.memory_space<vmem>>, vector<16xf32>,
    tpu.vector_store %arg11[%swap3A_890], %add3A_889 {strides = array<i32>} : memref<896xf32, #tpu.memory_space<vmem>>, vector<16xf32>,
    %add3A_892 = arith.constant 192 : i32
    %add3A_893 = vector.broadcast %add3A_892 : i32 to vector<16xi32>
    %add3A_894 = arith.addi %iota3A, %add3A_893 : vector<16xi32>
    %mul3A_895 = arith.constant 4 : i32
    %mul3A_896 = vector.broadcast %mul3A_895 : i32 to vector<16xi32>
    %mul3A_897 = arith.muli %add3A_894, %mul3A_896 : vector<16xi32>
    %gather3A_898 = tpu.vector_load_idx %arg13[%mul3A_897] : memref<3584xi32, #tpu.memory_space<vmem>>[vector<16xi32>], vector<16xi32>,
    %add3A_899 = arith.constant 1 : i32
    %add3A_900 = vector.broadcast %add3A_899 : i32 to vector<16xi32>
    %add3A_901 = arith.addi %mul3A_897, %add3A_900 : vector<16xi32>
    %gather3A_902 = tpu.vector_load_idx %arg13[%add3A_901] : memref<3584xi32, #tpu.memory_space<vmem>>[vector<16xi32>], vector<16xi32>,
    %mul3A_903 = arith.constant 200 : i32
    %mul3A_904 = vector.broadcast %mul3A_903 : i32 to vector<16xi32>
    %mul3A_905 = arith.muli %gather3A_898, %mul3A_904 : vector<16xi32>
    %add3A_906 = arith.addi %mul3A_905, %gather3A_902 : vector<16xi32>
    %shift_right_logical3A_907 = arith.constant 3 : i32
    %shift_right_logical3A_908 = vector.broadcast %shift_right_logical3A_907 : i32 to vector<16xi32>
    %shift_right_logical3A_909 = arith.shrui %gather3A_898, %shift_right_logical3A_908 : vector<16xi32>
    %mul3A_910 = arith.constant 448 : i32
    %mul3A_911 = vector.broadcast %mul3A_910 : i32 to vector<16xi32>
    %mul3A_912 = arith.muli %shift_right_logical3A_909, %mul3A_911 : vector<16xi32>
    %add3A_913 = arith.addi %add3A_906, %mul3A_912 : vector<16xi32>
    %swap3A_914 = arith.constant 1 : i32
    %swap3A_915 = arith.index_cast %swap3A_914 : i32 to index
    %swap3A_916 = arith.constant 64 : index
    %swap3A_917 = tpu.vector_load %arg12[%swap3A_915, %swap3A_916] {strides = array<i32>} : memref<7x128xi32, #tpu.memory_space<vmem>>, vector<16xi32>,
    tpu.vector_store %arg12[%swap3A_915, %swap3A_916], %add3A_913 {strides = array<i32>} : memref<7x128xi32, #tpu.memory_space<vmem>>, vector<16xi32>,
    %get3A_918 = arith.constant 208 : index
    %get3A_919 = tpu.vector_load %arg9[%get3A_918] {strides = array<i32>} : memref<896xi32, #tpu.memory_space<vmem>>, vector<16xi32>,
    %convert_element_type3A_920 = arith.sitofp %get3A_919 : vector<16xi32> to vector<16xf32>
    %mul3A_921 = arith.constant 0.00104166672 : f32
    %mul3A_922 = vector.broadcast %mul3A_921 : f32 to vector<16xf32>
    %mul3A_923 = arith.mulf %convert_element_type3A_920, %mul3A_922 : vector<16xf32>
    %convert_element_type3A_924 = arith.fptosi %mul3A_923 : vector<16xf32> to vector<16xi32>
    %mul3A_925 = arith.constant 960 : i32
    %mul3A_926 = vector.broadcast %mul3A_925 : i32 to vector<16xi32>
    %mul3A_927 = arith.muli %convert_element_type3A_924, %mul3A_926 : vector<16xi32>
    %sub3A_928 = arith.subi %get3A_919, %mul3A_927 : vector<16xi32>
    %lt3A_929 = arith.constant 0 : i32
    %lt3A_930 = vector.broadcast %lt3A_929 : i32 to vector<16xi32>
    %lt3A_931 = arith.cmpi slt, %sub3A_928, %lt3A_930 : vector<16xi32>
    %add3A_932 = arith.constant 960 : i32
    %add3A_933 = vector.broadcast %add3A_932 : i32 to vector<16xi32>
    %add3A_934 = arith.addi %sub3A_928, %add3A_933 : vector<16xi32>
    %select_n3A_935 = arith.select %lt3A_931, %add3A_934, %sub3A_928 : vector<16xi1>, vector<16xi32>
    %ge3A_936 = arith.constant 960 : i32
    %ge3A_937 = vector.broadcast %ge3A_936 : i32 to vector<16xi32>
    %ge3A_938 = arith.cmpi sge, %select_n3A_935, %ge3A_937 : vector<16xi32>
    %sub3A_939 = arith.constant 960 : i32
    %sub3A_940 = vector.broadcast %sub3A_939 : i32 to vector<16xi32>
    %sub3A_941 = arith.subi %select_n3A_935, %sub3A_940 : vector<16xi32>
    %select_n3A_942 = arith.select %ge3A_938, %sub3A_941, %select_n3A_935 : vector<16xi1>, vector<16xi32>
    %convert_element_type3A_943 = arith.sitofp %select_n3A_942 : vector<16xi32> to vector<16xf32>
    %add3A_944 = arith.constant 1.000000e+00 : f32
    %add3A_945 = vector.broadcast %add3A_944 : f32 to vector<16xf32>
    %add3A_946 = arith.addf %convert_element_type3A_943, %add3A_945 : vector<16xf32>
    %swap3A_947 = arith.constant 208 : index
    %swap3A_948 = tpu.vector_load %arg11[%swap3A_947] {strides = array<i32>} : memref<896xf32, #tpu.memory_space<vmem>>, vector<16xf32>,
    tpu.vector_store %arg11[%swap3A_947], %add3A_946 {strides = array<i32>} : memref<896xf32, #tpu.memory_space<vmem>>, vector<16xf32>,
    %add3A_949 = arith.constant 208 : i32
    %add3A_950 = vector.broadcast %add3A_949 : i32 to vector<16xi32>
    %add3A_951 = arith.addi %iota3A, %add3A_950 : vector<16xi32>
    %mul3A_952 = arith.constant 4 : i32
    %mul3A_953 = vector.broadcast %mul3A_952 : i32 to vector<16xi32>
    %mul3A_954 = arith.muli %add3A_951, %mul3A_953 : vector<16xi32>
    %gather3A_955 = tpu.vector_load_idx %arg13[%mul3A_954] : memref<3584xi32, #tpu.memory_space<vmem>>[vector<16xi32>], vector<16xi32>,
    %add3A_956 = arith.constant 1 : i32
    %add3A_957 = vector.broadcast %add3A_956 : i32 to vector<16xi32>
    %add3A_958 = arith.addi %mul3A_954, %add3A_957 : vector<16xi32>
    %gather3A_959 = tpu.vector_load_idx %arg13[%add3A_958] : memref<3584xi32, #tpu.memory_space<vmem>>[vector<16xi32>], vector<16xi32>,
    %mul3A_960 = arith.constant 200 : i32
    %mul3A_961 = vector.broadcast %mul3A_960 : i32 to vector<16xi32>
    %mul3A_962 = arith.muli %gather3A_955, %mul3A_961 : vector<16xi32>
    %add3A_963 = arith.addi %mul3A_962, %gather3A_959 : vector<16xi32>
    %shift_right_logical3A_964 = arith.constant 3 : i32
    %shift_right_logical3A_965 = vector.broadcast %shift_right_logical3A_964 : i32 to vector<16xi32>
    %shift_right_logical3A_966 = arith.shrui %gather3A_955, %shift_right_logical3A_965 : vector<16xi32>
    %mul3A_967 = arith.constant 448 : i32
    %mul3A_968 = vector.broadcast %mul3A_967 : i32 to vector<16xi32>
    %mul3A_969 = arith.muli %shift_right_logical3A_966, %mul3A_968 : vector<16xi32>
    %add3A_970 = arith.addi %add3A_963, %mul3A_969 : vector<16xi32>
    %swap3A_971 = arith.constant 1 : i32
    %swap3A_972 = arith.index_cast %swap3A_971 : i32 to index
    %swap3A_973 = arith.constant 80 : index
    %swap3A_974 = tpu.vector_load %arg12[%swap3A_972, %swap3A_973] {strides = array<i32>} : memref<7x128xi32, #tpu.memory_space<vmem>>, vector<16xi32>,
    tpu.vector_store %arg12[%swap3A_972, %swap3A_973], %add3A_970 {strides = array<i32>} : memref<7x128xi32, #tpu.memory_space<vmem>>, vector<16xi32>,
    %get3A_975 = arith.constant 224 : index
    %get3A_976 = tpu.vector_load %arg9[%get3A_975] {strides = array<i32>} : memref<896xi32, #tpu.memory_space<vmem>>, vector<16xi32>,
    %convert_element_type3A_977 = arith.sitofp %get3A_976 : vector<16xi32> to vector<16xf32>
    %mul3A_978 = arith.constant 0.00104166672 : f32
    %mul3A_979 = vector.broadcast %mul3A_978 : f32 to vector<16xf32>
    %mul3A_980 = arith.mulf %convert_element_type3A_977, %mul3A_979 : vector<16xf32>
    %convert_element_type3A_981 = arith.fptosi %mul3A_980 : vector<16xf32> to vector<16xi32>
    %mul3A_982 = arith.constant 960 : i32
    %mul3A_983 = vector.broadcast %mul3A_982 : i32 to vector<16xi32>
    %mul3A_984 = arith.muli %convert_element_type3A_981, %mul3A_983 : vector<16xi32>
    %sub3A_985 = arith.subi %get3A_976, %mul3A_984 : vector<16xi32>
    %lt3A_986 = arith.constant 0 : i32
    %lt3A_987 = vector.broadcast %lt3A_986 : i32 to vector<16xi32>
    %lt3A_988 = arith.cmpi slt, %sub3A_985, %lt3A_987 : vector<16xi32>
    %add3A_989 = arith.constant 960 : i32
    %add3A_990 = vector.broadcast %add3A_989 : i32 to vector<16xi32>
    %add3A_991 = arith.addi %sub3A_985, %add3A_990 : vector<16xi32>
    %select_n3A_992 = arith.select %lt3A_988, %add3A_991, %sub3A_985 : vector<16xi1>, vector<16xi32>
    %ge3A_993 = arith.constant 960 : i32
    %ge3A_994 = vector.broadcast %ge3A_993 : i32 to vector<16xi32>
    %ge3A_995 = arith.cmpi sge, %select_n3A_992, %ge3A_994 : vector<16xi32>
    %sub3A_996 = arith.constant 960 : i32
    %sub3A_997 = vector.broadcast %sub3A_996 : i32 to vector<16xi32>
    %sub3A_998 = arith.subi %select_n3A_992, %sub3A_997 : vector<16xi32>
    %select_n3A_999 = arith.select %ge3A_995, %sub3A_998, %select_n3A_992 : vector<16xi1>, vector<16xi32>
    %convert_element_type3A_1000 = arith.sitofp %select_n3A_999 : vector<16xi32> to vector<16xf32>
    %add3A_1001 = arith.constant 1.000000e+00 : f32
    %add3A_1002 = vector.broadcast %add3A_1001 : f32 to vector<16xf32>
    %add3A_1003 = arith.addf %convert_element_type3A_1000, %add3A_1002 : vector<16xf32>
    %swap3A_1004 = arith.constant 224 : index
    %swap3A_1005 = tpu.vector_load %arg11[%swap3A_1004] {strides = array<i32>} : memref<896xf32, #tpu.memory_space<vmem>>, vector<16xf32>,
    tpu.vector_store %arg11[%swap3A_1004], %add3A_1003 {strides = array<i32>} : memref<896xf32, #tpu.memory_space<vmem>>, vector<16xf32>,
    %add3A_1006 = arith.constant 224 : i32
    %add3A_1007 = vector.broadcast %add3A_1006 : i32 to vector<16xi32>
    %add3A_1008 = arith.addi %iota3A, %add3A_1007 : vector<16xi32>
    %mul3A_1009 = arith.constant 4 : i32
    %mul3A_1010 = vector.broadcast %mul3A_1009 : i32 to vector<16xi32>
    %mul3A_1011 = arith.muli %add3A_1008, %mul3A_1010 : vector<16xi32>
    %gather3A_1012 = tpu.vector_load_idx %arg13[%mul3A_1011] : memref<3584xi32, #tpu.memory_space<vmem>>[vector<16xi32>], vector<16xi32>,
    %add3A_1013 = arith.constant 1 : i32
    %add3A_1014 = vector.broadcast %add3A_1013 : i32 to vector<16xi32>
    %add3A_1015 = arith.addi %mul3A_1011, %add3A_1014 : vector<16xi32>
    %gather3A_1016 = tpu.vector_load_idx %arg13[%add3A_1015] : memref<3584xi32, #tpu.memory_space<vmem>>[vector<16xi32>], vector<16xi32>,
    %mul3A_1017 = arith.constant 200 : i32
    %mul3A_1018 = vector.broadcast %mul3A_1017 : i32 to vector<16xi32>
    %mul3A_1019 = arith.muli %gather3A_1012, %mul3A_1018 : vector<16xi32>
    %add3A_1020 = arith.addi %mul3A_1019, %gather3A_1016 : vector<16xi32>
    %shift_right_logical3A_1021 = arith.constant 3 : i32
    %shift_right_logical3A_1022 = vector.broadcast %shift_right_logical3A_1021 : i32 to vector<16xi32>
    %shift_right_logical3A_1023 = arith.shrui %gather3A_1012, %shift_right_logical3A_1022 : vector<16xi32>
    %mul3A_1024 = arith.constant 448 : i32
    %mul3A_1025 = vector.broadcast %mul3A_1024 : i32 to vector<16xi32>
    %mul3A_1026 = arith.muli %shift_right_logical3A_1023, %mul3A_1025 : vector<16xi32>
    %add3A_1027 = arith.addi %add3A_1020, %mul3A_1026 : vector<16xi32>
    %swap3A_1028 = arith.constant 1 : i32
    %swap3A_1029 = arith.index_cast %swap3A_1028 : i32 to index
    %swap3A_1030 = arith.constant 96 : index
    %swap3A_1031 = tpu.vector_load %arg12[%swap3A_1029, %swap3A_1030] {strides = array<i32>} : memref<7x128xi32, #tpu.memory_space<vmem>>, vector<16xi32>,
    tpu.vector_store %arg12[%swap3A_1029, %swap3A_1030], %add3A_1027 {strides = array<i32>} : memref<7x128xi32, #tpu.memory_space<vmem>>, vector<16xi32>,
    %get3A_1032 = arith.constant 240 : index
    %get3A_1033 = tpu.vector_load %arg9[%get3A_1032] {strides = array<i32>} : memref<896xi32, #tpu.memory_space<vmem>>, vector<16xi32>,
    %convert_element_type3A_1034 = arith.sitofp %get3A_1033 : vector<16xi32> to vector<16xf32>
    %mul3A_1035 = arith.constant 0.00104166672 : f32
    %mul3A_1036 = vector.broadcast %mul3A_1035 : f32 to vector<16xf32>
    %mul3A_1037 = arith.mulf %convert_element_type3A_1034, %mul3A_1036 : vector<16xf32>
    %convert_element_type3A_1038 = arith.fptosi %mul3A_1037 : vector<16xf32> to vector<16xi32>
    %mul3A_1039 = arith.constant 960 : i32
    %mul3A_1040 = vector.broadcast %mul3A_1039 : i32 to vector<16xi32>
    %mul3A_1041 = arith.muli %convert_element_type3A_1038, %mul3A_1040 : vector<16xi32>
    %sub3A_1042 = arith.subi %get3A_1033, %mul3A_1041 : vector<16xi32>
    %lt3A_1043 = arith.constant 0 : i32
    %lt3A_1044 = vector.broadcast %lt3A_1043 : i32 to vector<16xi32>
    %lt3A_1045 = arith.cmpi slt, %sub3A_1042, %lt3A_1044 : vector<16xi32>
    %add3A_1046 = arith.constant 960 : i32
    %add3A_1047 = vector.broadcast %add3A_1046 : i32 to vector<16xi32>
    %add3A_1048 = arith.addi %sub3A_1042, %add3A_1047 : vector<16xi32>
    %select_n3A_1049 = arith.select %lt3A_1045, %add3A_1048, %sub3A_1042 : vector<16xi1>, vector<16xi32>
    %ge3A_1050 = arith.constant 960 : i32
    %ge3A_1051 = vector.broadcast %ge3A_1050 : i32 to vector<16xi32>
    %ge3A_1052 = arith.cmpi sge, %select_n3A_1049, %ge3A_1051 : vector<16xi32>
    %sub3A_1053 = arith.constant 960 : i32
    %sub3A_1054 = vector.broadcast %sub3A_1053 : i32 to vector<16xi32>
    %sub3A_1055 = arith.subi %select_n3A_1049, %sub3A_1054 : vector<16xi32>
    %select_n3A_1056 = arith.select %ge3A_1052, %sub3A_1055, %select_n3A_1049 : vector<16xi1>, vector<16xi32>
    %convert_element_type3A_1057 = arith.sitofp %select_n3A_1056 : vector<16xi32> to vector<16xf32>
    %add3A_1058 = arith.constant 1.000000e+00 : f32
    %add3A_1059 = vector.broadcast %add3A_1058 : f32 to vector<16xf32>
    %add3A_1060 = arith.addf %convert_element_type3A_1057, %add3A_1059 : vector<16xf32>
    %swap3A_1061 = arith.constant 240 : index
    %swap3A_1062 = tpu.vector_load %arg11[%swap3A_1061] {strides = array<i32>} : memref<896xf32, #tpu.memory_space<vmem>>, vector<16xf32>,
    tpu.vector_store %arg11[%swap3A_1061], %add3A_1060 {strides = array<i32>} : memref<896xf32, #tpu.memory_space<vmem>>, vector<16xf32>,
    %add3A_1063 = arith.constant 240 : i32
    %add3A_1064 = vector.broadcast %add3A_1063 : i32 to vector<16xi32>
    %add3A_1065 = arith.addi %iota3A, %add3A_1064 : vector<16xi32>
    %mul3A_1066 = arith.constant 4 : i32
    %mul3A_1067 = vector.broadcast %mul3A_1066 : i32 to vector<16xi32>
    %mul3A_1068 = arith.muli %add3A_1065, %mul3A_1067 : vector<16xi32>
    %gather3A_1069 = tpu.vector_load_idx %arg13[%mul3A_1068] : memref<3584xi32, #tpu.memory_space<vmem>>[vector<16xi32>], vector<16xi32>,
    %add3A_1070 = arith.constant 1 : i32
    %add3A_1071 = vector.broadcast %add3A_1070 : i32 to vector<16xi32>
    %add3A_1072 = arith.addi %mul3A_1068, %add3A_1071 : vector<16xi32>
    %gather3A_1073 = tpu.vector_load_idx %arg13[%add3A_1072] : memref<3584xi32, #tpu.memory_space<vmem>>[vector<16xi32>], vector<16xi32>,
    %mul3A_1074 = arith.constant 200 : i32
    %mul3A_1075 = vector.broadcast %mul3A_1074 : i32 to vector<16xi32>
    %mul3A_1076 = arith.muli %gather3A_1069, %mul3A_1075 : vector<16xi32>
    %add3A_1077 = arith.addi %mul3A_1076, %gather3A_1073 : vector<16xi32>
    %shift_right_logical3A_1078 = arith.constant 3 : i32
    %shift_right_logical3A_1079 = vector.broadcast %shift_right_logical3A_1078 : i32 to vector<16xi32>
    %shift_right_logical3A_1080 = arith.shrui %gather3A_1069, %shift_right_logical3A_1079 : vector<16xi32>
    %mul3A_1081 = arith.constant 448 : i32
    %mul3A_1082 = vector.broadcast %mul3A_1081 : i32 to vector<16xi32>
    %mul3A_1083 = arith.muli %shift_right_logical3A_1080, %mul3A_1082 : vector<16xi32>
    %add3A_1084 = arith.addi %add3A_1077, %mul3A_1083 : vector<16xi32>
    %swap3A_1085 = arith.constant 1 : i32
    %swap3A_1086 = arith.index_cast %swap3A_1085 : i32 to index
    %swap3A_1087 = arith.constant 112 : index
    %swap3A_1088 = tpu.vector_load %arg12[%swap3A_1086, %swap3A_1087] {strides = array<i32>} : memref<7x128xi32, #tpu.memory_space<vmem>>, vector<16xi32>,
    tpu.vector_store %arg12[%swap3A_1086, %swap3A_1087], %add3A_1084 {strides = array<i32>} : memref<7x128xi32, #tpu.memory_space<vmem>>, vector<16xi32>,
    %get3A_1089 = arith.constant 256 : index
    %get3A_1090 = tpu.vector_load %arg9[%get3A_1089] {strides = array<i32>} : memref<896xi32, #tpu.memory_space<vmem>>, vector<16xi32>,
    %convert_element_type3A_1091 = arith.sitofp %get3A_1090 : vector<16xi32> to vector<16xf32>
    %mul3A_1092 = arith.constant 0.00104166672 : f32
    %mul3A_1093 = vector.broadcast %mul3A_1092 : f32 to vector<16xf32>
    %mul3A_1094 = arith.mulf %convert_element_type3A_1091, %mul3A_1093 : vector<16xf32>
    %convert_element_type3A_1095 = arith.fptosi %mul3A_1094 : vector<16xf32> to vector<16xi32>
    %mul3A_1096 = arith.constant 960 : i32
    %mul3A_1097 = vector.broadcast %mul3A_1096 : i32 to vector<16xi32>
    %mul3A_1098 = arith.muli %convert_element_type3A_1095, %mul3A_1097 : vector<16xi32>
    %sub3A_1099 = arith.subi %get3A_1090, %mul3A_1098 : vector<16xi32>
    %lt3A_1100 = arith.constant 0 : i32
    %lt3A_1101 = vector.broadcast %lt3A_1100 : i32 to vector<16xi32>
    %lt3A_1102 = arith.cmpi slt, %sub3A_1099, %lt3A_1101 : vector<16xi32>
    %add3A_1103 = arith.constant 960 : i32
    %add3A_1104 = vector.broadcast %add3A_1103 : i32 to vector<16xi32>
    %add3A_1105 = arith.addi %sub3A_1099, %add3A_1104 : vector<16xi32>
    %select_n3A_1106 = arith.select %lt3A_1102, %add3A_1105, %sub3A_1099 : vector<16xi1>, vector<16xi32>
    %ge3A_1107 = arith.constant 960 : i32
    %ge3A_1108 = vector.broadcast %ge3A_1107 : i32 to vector<16xi32>
    %ge3A_1109 = arith.cmpi sge, %select_n3A_1106, %ge3A_1108 : vector<16xi32>
    %sub3A_1110 = arith.constant 960 : i32
    %sub3A_1111 = vector.broadcast %sub3A_1110 : i32 to vector<16xi32>
    %sub3A_1112 = arith.subi %select_n3A_1106, %sub3A_1111 : vector<16xi32>
    %select_n3A_1113 = arith.select %ge3A_1109, %sub3A_1112, %select_n3A_1106 : vector<16xi1>, vector<16xi32>
    %convert_element_type3A_1114 = arith.sitofp %select_n3A_1113 : vector<16xi32> to vector<16xf32>
    %add3A_1115 = arith.constant 1.000000e+00 : f32
    %add3A_1116 = vector.broadcast %add3A_1115 : f32 to vector<16xf32>
    %add3A_1117 = arith.addf %convert_element_type3A_1114, %add3A_1116 : vector<16xf32>
    %swap3A_1118 = arith.constant 256 : index
    %swap3A_1119 = tpu.vector_load %arg11[%swap3A_1118] {strides = array<i32>} : memref<896xf32, #tpu.memory_space<vmem>>, vector<16xf32>,
    tpu.vector_store %arg11[%swap3A_1118], %add3A_1117 {strides = array<i32>} : memref<896xf32, #tpu.memory_space<vmem>>, vector<16xf32>,
    %add3A_1120 = arith.constant 256 : i32
    %add3A_1121 = vector.broadcast %add3A_1120 : i32 to vector<16xi32>
    %add3A_1122 = arith.addi %iota3A, %add3A_1121 : vector<16xi32>
    %mul3A_1123 = arith.constant 4 : i32
    %mul3A_1124 = vector.broadcast %mul3A_1123 : i32 to vector<16xi32>
    %mul3A_1125 = arith.muli %add3A_1122, %mul3A_1124 : vector<16xi32>
    %gather3A_1126 = tpu.vector_load_idx %arg13[%mul3A_1125] : memref<3584xi32, #tpu.memory_space<vmem>>[vector<16xi32>], vector<16xi32>,
    %add3A_1127 = arith.constant 1 : i32
    %add3A_1128 = vector.broadcast %add3A_1127 : i32 to vector<16xi32>
    %add3A_1129 = arith.addi %mul3A_1125, %add3A_1128 : vector<16xi32>
    %gather3A_1130 = tpu.vector_load_idx %arg13[%add3A_1129] : memref<3584xi32, #tpu.memory_space<vmem>>[vector<16xi32>], vector<16xi32>,
    %mul3A_1131 = arith.constant 200 : i32
    %mul3A_1132 = vector.broadcast %mul3A_1131 : i32 to vector<16xi32>
    %mul3A_1133 = arith.muli %gather3A_1126, %mul3A_1132 : vector<16xi32>
    %add3A_1134 = arith.addi %mul3A_1133, %gather3A_1130 : vector<16xi32>
    %shift_right_logical3A_1135 = arith.constant 3 : i32
    %shift_right_logical3A_1136 = vector.broadcast %shift_right_logical3A_1135 : i32 to vector<16xi32>
    %shift_right_logical3A_1137 = arith.shrui %gather3A_1126, %shift_right_logical3A_1136 : vector<16xi32>
    %mul3A_1138 = arith.constant 448 : i32
    %mul3A_1139 = vector.broadcast %mul3A_1138 : i32 to vector<16xi32>
    %mul3A_1140 = arith.muli %shift_right_logical3A_1137, %mul3A_1139 : vector<16xi32>
    %add3A_1141 = arith.addi %add3A_1134, %mul3A_1140 : vector<16xi32>
    %swap3A_1142 = arith.constant 2 : i32
    %swap3A_1143 = arith.index_cast %swap3A_1142 : i32 to index
    %swap3A_1144 = arith.constant 0 : index
    %swap3A_1145 = tpu.vector_load %arg12[%swap3A_1143, %swap3A_1144] {strides = array<i32>} : memref<7x128xi32, #tpu.memory_space<vmem>>, vector<16xi32>,
    tpu.vector_store %arg12[%swap3A_1143, %swap3A_1144], %add3A_1141 {strides = array<i32>} : memref<7x128xi32, #tpu.memory_space<vmem>>, vector<16xi32>,
    %get3A_1146 = arith.constant 272 : index
    %get3A_1147 = tpu.vector_load %arg9[%get3A_1146] {strides = array<i32>} : memref<896xi32, #tpu.memory_space<vmem>>, vector<16xi32>,
    %convert_element_type3A_1148 = arith.sitofp %get3A_1147 : vector<16xi32> to vector<16xf32>
    %mul3A_1149 = arith.constant 0.00104166672 : f32
    %mul3A_1150 = vector.broadcast %mul3A_1149 : f32 to vector<16xf32>
    %mul3A_1151 = arith.mulf %convert_element_type3A_1148, %mul3A_1150 : vector<16xf32>
    %convert_element_type3A_1152 = arith.fptosi %mul3A_1151 : vector<16xf32> to vector<16xi32>
    %mul3A_1153 = arith.constant 960 : i32
    %mul3A_1154 = vector.broadcast %mul3A_1153 : i32 to vector<16xi32>
    %mul3A_1155 = arith.muli %convert_element_type3A_1152, %mul3A_1154 : vector<16xi32>
    %sub3A_1156 = arith.subi %get3A_1147, %mul3A_1155 : vector<16xi32>
    %lt3A_1157 = arith.constant 0 : i32
    %lt3A_1158 = vector.broadcast %lt3A_1157 : i32 to vector<16xi32>
    %lt3A_1159 = arith.cmpi slt, %sub3A_1156, %lt3A_1158 : vector<16xi32>
    %add3A_1160 = arith.constant 960 : i32
    %add3A_1161 = vector.broadcast %add3A_1160 : i32 to vector<16xi32>
    %add3A_1162 = arith.addi %sub3A_1156, %add3A_1161 : vector<16xi32>
    %select_n3A_1163 = arith.select %lt3A_1159, %add3A_1162, %sub3A_1156 : vector<16xi1>, vector<16xi32>
    %ge3A_1164 = arith.constant 960 : i32
    %ge3A_1165 = vector.broadcast %ge3A_1164 : i32 to vector<16xi32>
    %ge3A_1166 = arith.cmpi sge, %select_n3A_1163, %ge3A_1165 : vector<16xi32>
    %sub3A_1167 = arith.constant 960 : i32
    %sub3A_1168 = vector.broadcast %sub3A_1167 : i32 to vector<16xi32>
    %sub3A_1169 = arith.subi %select_n3A_1163, %sub3A_1168 : vector<16xi32>
    %select_n3A_1170 = arith.select %ge3A_1166, %sub3A_1169, %select_n3A_1163 : vector<16xi1>, vector<16xi32>
    %convert_element_type3A_1171 = arith.sitofp %select_n3A_1170 : vector<16xi32> to vector<16xf32>
    %add3A_1172 = arith.constant 1.000000e+00 : f32
    %add3A_1173 = vector.broadcast %add3A_1172 : f32 to vector<16xf32>
    %add3A_1174 = arith.addf %convert_element_type3A_1171, %add3A_1173 : vector<16xf32>
    %swap3A_1175 = arith.constant 272 : index
    %swap3A_1176 = tpu.vector_load %arg11[%swap3A_1175] {strides = array<i32>} : memref<896xf32, #tpu.memory_space<vmem>>, vector<16xf32>,
    tpu.vector_store %arg11[%swap3A_1175], %add3A_1174 {strides = array<i32>} : memref<896xf32, #tpu.memory_space<vmem>>, vector<16xf32>,
    %add3A_1177 = arith.constant 272 : i32
    %add3A_1178 = vector.broadcast %add3A_1177 : i32 to vector<16xi32>
    %add3A_1179 = arith.addi %iota3A, %add3A_1178 : vector<16xi32>
    %mul3A_1180 = arith.constant 4 : i32
    %mul3A_1181 = vector.broadcast %mul3A_1180 : i32 to vector<16xi32>
    %mul3A_1182 = arith.muli %add3A_1179, %mul3A_1181 : vector<16xi32>
    %gather3A_1183 = tpu.vector_load_idx %arg13[%mul3A_1182] : memref<3584xi32, #tpu.memory_space<vmem>>[vector<16xi32>], vector<16xi32>,
    %add3A_1184 = arith.constant 1 : i32
    %add3A_1185 = vector.broadcast %add3A_1184 : i32 to vector<16xi32>
    %add3A_1186 = arith.addi %mul3A_1182, %add3A_1185 : vector<16xi32>
    %gather3A_1187 = tpu.vector_load_idx %arg13[%add3A_1186] : memref<3584xi32, #tpu.memory_space<vmem>>[vector<16xi32>], vector<16xi32>,
    %mul3A_1188 = arith.constant 200 : i32
    %mul3A_1189 = vector.broadcast %mul3A_1188 : i32 to vector<16xi32>
    %mul3A_1190 = arith.muli %gather3A_1183, %mul3A_1189 : vector<16xi32>
    %add3A_1191 = arith.addi %mul3A_1190, %gather3A_1187 : vector<16xi32>
    %shift_right_logical3A_1192 = arith.constant 3 : i32
    %shift_right_logical3A_1193 = vector.broadcast %shift_right_logical3A_1192 : i32 to vector<16xi32>
    %shift_right_logical3A_1194 = arith.shrui %gather3A_1183, %shift_right_logical3A_1193 : vector<16xi32>
    %mul3A_1195 = arith.constant 448 : i32
    %mul3A_1196 = vector.broadcast %mul3A_1195 : i32 to vector<16xi32>
    %mul3A_1197 = arith.muli %shift_right_logical3A_1194, %mul3A_1196 : vector<16xi32>
    %add3A_1198 = arith.addi %add3A_1191, %mul3A_1197 : vector<16xi32>
    %swap3A_1199 = arith.constant 2 : i32
    %swap3A_1200 = arith.index_cast %swap3A_1199 : i32 to index
    %swap3A_1201 = arith.constant 16 : index
    %swap3A_1202 = tpu.vector_load %arg12[%swap3A_1200, %swap3A_1201] {strides = array<i32>} : memref<7x128xi32, #tpu.memory_space<vmem>>, vector<16xi32>,
    tpu.vector_store %arg12[%swap3A_1200, %swap3A_1201], %add3A_1198 {strides = array<i32>} : memref<7x128xi32, #tpu.memory_space<vmem>>, vector<16xi32>,
    %get3A_1203 = arith.constant 288 : index
    %get3A_1204 = tpu.vector_load %arg9[%get3A_1203] {strides = array<i32>} : memref<896xi32, #tpu.memory_space<vmem>>, vector<16xi32>,
    %convert_element_type3A_1205 = arith.sitofp %get3A_1204 : vector<16xi32> to vector<16xf32>
    %mul3A_1206 = arith.constant 0.00104166672 : f32
    %mul3A_1207 = vector.broadcast %mul3A_1206 : f32 to vector<16xf32>
    %mul3A_1208 = arith.mulf %convert_element_type3A_1205, %mul3A_1207 : vector<16xf32>
    %convert_element_type3A_1209 = arith.fptosi %mul3A_1208 : vector<16xf32> to vector<16xi32>
    %mul3A_1210 = arith.constant 960 : i32
    %mul3A_1211 = vector.broadcast %mul3A_1210 : i32 to vector<16xi32>
    %mul3A_1212 = arith.muli %convert_element_type3A_1209, %mul3A_1211 : vector<16xi32>
    %sub3A_1213 = arith.subi %get3A_1204, %mul3A_1212 : vector<16xi32>
    %lt3A_1214 = arith.constant 0 : i32
    %lt3A_1215 = vector.broadcast %lt3A_1214 : i32 to vector<16xi32>
    %lt3A_1216 = arith.cmpi slt, %sub3A_1213, %lt3A_1215 : vector<16xi32>
    %add3A_1217 = arith.constant 960 : i32
    %add3A_1218 = vector.broadcast %add3A_1217 : i32 to vector<16xi32>
    %add3A_1219 = arith.addi %sub3A_1213, %add3A_1218 : vector<16xi32>
    %select_n3A_1220 = arith.select %lt3A_1216, %add3A_1219, %sub3A_1213 : vector<16xi1>, vector<16xi32>
    %ge3A_1221 = arith.constant 960 : i32
    %ge3A_1222 = vector.broadcast %ge3A_1221 : i32 to vector<16xi32>
    %ge3A_1223 = arith.cmpi sge, %select_n3A_1220, %ge3A_1222 : vector<16xi32>
    %sub3A_1224 = arith.constant 960 : i32
    %sub3A_1225 = vector.broadcast %sub3A_1224 : i32 to vector<16xi32>
    %sub3A_1226 = arith.subi %select_n3A_1220, %sub3A_1225 : vector<16xi32>
    %select_n3A_1227 = arith.select %ge3A_1223, %sub3A_1226, %select_n3A_1220 : vector<16xi1>, vector<16xi32>
    %convert_element_type3A_1228 = arith.sitofp %select_n3A_1227 : vector<16xi32> to vector<16xf32>
    %add3A_1229 = arith.constant 1.000000e+00 : f32
    %add3A_1230 = vector.broadcast %add3A_1229 : f32 to vector<16xf32>
    %add3A_1231 = arith.addf %convert_element_type3A_1228, %add3A_1230 : vector<16xf32>
    %swap3A_1232 = arith.constant 288 : index
    %swap3A_1233 = tpu.vector_load %arg11[%swap3A_1232] {strides = array<i32>} : memref<896xf32, #tpu.memory_space<vmem>>, vector<16xf32>,
    tpu.vector_store %arg11[%swap3A_1232], %add3A_1231 {strides = array<i32>} : memref<896xf32, #tpu.memory_space<vmem>>, vector<16xf32>,
    %add3A_1234 = arith.constant 288 : i32
    %add3A_1235 = vector.broadcast %add3A_1234 : i32 to vector<16xi32>
    %add3A_1236 = arith.addi %iota3A, %add3A_1235 : vector<16xi32>
    %mul3A_1237 = arith.constant 4 : i32
    %mul3A_1238 = vector.broadcast %mul3A_1237 : i32 to vector<16xi32>
    %mul3A_1239 = arith.muli %add3A_1236, %mul3A_1238 : vector<16xi32>
    %gather3A_1240 = tpu.vector_load_idx %arg13[%mul3A_1239] : memref<3584xi32, #tpu.memory_space<vmem>>[vector<16xi32>], vector<16xi32>,
    %add3A_1241 = arith.constant 1 : i32
    %add3A_1242 = vector.broadcast %add3A_1241 : i32 to vector<16xi32>
    %add3A_1243 = arith.addi %mul3A_1239, %add3A_1242 : vector<16xi32>
    %gather3A_1244 = tpu.vector_load_idx %arg13[%add3A_1243] : memref<3584xi32, #tpu.memory_space<vmem>>[vector<16xi32>], vector<16xi32>,
    %mul3A_1245 = arith.constant 200 : i32
    %mul3A_1246 = vector.broadcast %mul3A_1245 : i32 to vector<16xi32>
    %mul3A_1247 = arith.muli %gather3A_1240, %mul3A_1246 : vector<16xi32>
    %add3A_1248 = arith.addi %mul3A_1247, %gather3A_1244 : vector<16xi32>
    %shift_right_logical3A_1249 = arith.constant 3 : i32
    %shift_right_logical3A_1250 = vector.broadcast %shift_right_logical3A_1249 : i32 to vector<16xi32>
    %shift_right_logical3A_1251 = arith.shrui %gather3A_1240, %shift_right_logical3A_1250 : vector<16xi32>
    %mul3A_1252 = arith.constant 448 : i32
    %mul3A_1253 = vector.broadcast %mul3A_1252 : i32 to vector<16xi32>
    %mul3A_1254 = arith.muli %shift_right_logical3A_1251, %mul3A_1253 : vector<16xi32>
    %add3A_1255 = arith.addi %add3A_1248, %mul3A_1254 : vector<16xi32>
    %swap3A_1256 = arith.constant 2 : i32
    %swap3A_1257 = arith.index_cast %swap3A_1256 : i32 to index
    %swap3A_1258 = arith.constant 32 : index
    %swap3A_1259 = tpu.vector_load %arg12[%swap3A_1257, %swap3A_1258] {strides = array<i32>} : memref<7x128xi32, #tpu.memory_space<vmem>>, vector<16xi32>,
    tpu.vector_store %arg12[%swap3A_1257, %swap3A_1258], %add3A_1255 {strides = array<i32>} : memref<7x128xi32, #tpu.memory_space<vmem>>, vector<16xi32>,
    %get3A_1260 = arith.constant 304 : index
    %get3A_1261 = tpu.vector_load %arg9[%get3A_1260] {strides = array<i32>} : memref<896xi32, #tpu.memory_space<vmem>>, vector<16xi32>,
    %convert_element_type3A_1262 = arith.sitofp %get3A_1261 : vector<16xi32> to vector<16xf32>
    %mul3A_1263 = arith.constant 0.00104166672 : f32
    %mul3A_1264 = vector.broadcast %mul3A_1263 : f32 to vector<16xf32>
    %mul3A_1265 = arith.mulf %convert_element_type3A_1262, %mul3A_1264 : vector<16xf32>
    %convert_element_type3A_1266 = arith.fptosi %mul3A_1265 : vector<16xf32> to vector<16xi32>
    %mul3A_1267 = arith.constant 960 : i32
    %mul3A_1268 = vector.broadcast %mul3A_1267 : i32 to vector<16xi32>
    %mul3A_1269 = arith.muli %convert_element_type3A_1266, %mul3A_1268 : vector<16xi32>
    %sub3A_1270 = arith.subi %get3A_1261, %mul3A_1269 : vector<16xi32>
    %lt3A_1271 = arith.constant 0 : i32
    %lt3A_1272 = vector.broadcast %lt3A_1271 : i32 to vector<16xi32>
    %lt3A_1273 = arith.cmpi slt, %sub3A_1270, %lt3A_1272 : vector<16xi32>
    %add3A_1274 = arith.constant 960 : i32
    %add3A_1275 = vector.broadcast %add3A_1274 : i32 to vector<16xi32>
    %add3A_1276 = arith.addi %sub3A_1270, %add3A_1275 : vector<16xi32>
    %select_n3A_1277 = arith.select %lt3A_1273, %add3A_1276, %sub3A_1270 : vector<16xi1>, vector<16xi32>
    %ge3A_1278 = arith.constant 960 : i32
    %ge3A_1279 = vector.broadcast %ge3A_1278 : i32 to vector<16xi32>
    %ge3A_1280 = arith.cmpi sge, %select_n3A_1277, %ge3A_1279 : vector<16xi32>
    %sub3A_1281 = arith.constant 960 : i32
    %sub3A_1282 = vector.broadcast %sub3A_1281 : i32 to vector<16xi32>
    %sub3A_1283 = arith.subi %select_n3A_1277, %sub3A_1282 : vector<16xi32>
    %select_n3A_1284 = arith.select %ge3A_1280, %sub3A_1283, %select_n3A_1277 : vector<16xi1>, vector<16xi32>
    %convert_element_type3A_1285 = arith.sitofp %select_n3A_1284 : vector<16xi32> to vector<16xf32>
    %add3A_1286 = arith.constant 1.000000e+00 : f32
    %add3A_1287 = vector.broadcast %add3A_1286 : f32 to vector<16xf32>
    %add3A_1288 = arith.addf %convert_element_type3A_1285, %add3A_1287 : vector<16xf32>
    %swap3A_1289 = arith.constant 304 : index
    %swap3A_1290 = tpu.vector_load %arg11[%swap3A_1289] {strides = array<i32>} : memref<896xf32, #tpu.memory_space<vmem>>, vector<16xf32>,
    tpu.vector_store %arg11[%swap3A_1289], %add3A_1288 {strides = array<i32>} : memref<896xf32, #tpu.memory_space<vmem>>, vector<16xf32>,
    %add3A_1291 = arith.constant 304 : i32
    %add3A_1292 = vector.broadcast %add3A_1291 : i32 to vector<16xi32>
    %add3A_1293 = arith.addi %iota3A, %add3A_1292 : vector<16xi32>
    %mul3A_1294 = arith.constant 4 : i32
    %mul3A_1295 = vector.broadcast %mul3A_1294 : i32 to vector<16xi32>
    %mul3A_1296 = arith.muli %add3A_1293, %mul3A_1295 : vector<16xi32>
    %gather3A_1297 = tpu.vector_load_idx %arg13[%mul3A_1296] : memref<3584xi32, #tpu.memory_space<vmem>>[vector<16xi32>], vector<16xi32>,
    %add3A_1298 = arith.constant 1 : i32
    %add3A_1299 = vector.broadcast %add3A_1298 : i32 to vector<16xi32>
    %add3A_1300 = arith.addi %mul3A_1296, %add3A_1299 : vector<16xi32>
    %gather3A_1301 = tpu.vector_load_idx %arg13[%add3A_1300] : memref<3584xi32, #tpu.memory_space<vmem>>[vector<16xi32>], vector<16xi32>,
    %mul3A_1302 = arith.constant 200 : i32
    %mul3A_1303 = vector.broadcast %mul3A_1302 : i32 to vector<16xi32>
    %mul3A_1304 = arith.muli %gather3A_1297, %mul3A_1303 : vector<16xi32>
    %add3A_1305 = arith.addi %mul3A_1304, %gather3A_1301 : vector<16xi32>
    %shift_right_logical3A_1306 = arith.constant 3 : i32
    %shift_right_logical3A_1307 = vector.broadcast %shift_right_logical3A_1306 : i32 to vector<16xi32>
    %shift_right_logical3A_1308 = arith.shrui %gather3A_1297, %shift_right_logical3A_1307 : vector<16xi32>
    %mul3A_1309 = arith.constant 448 : i32
    %mul3A_1310 = vector.broadcast %mul3A_1309 : i32 to vector<16xi32>
    %mul3A_1311 = arith.muli %shift_right_logical3A_1308, %mul3A_1310 : vector<16xi32>
    %add3A_1312 = arith.addi %add3A_1305, %mul3A_1311 : vector<16xi32>
    %swap3A_1313 = arith.constant 2 : i32
    %swap3A_1314 = arith.index_cast %swap3A_1313 : i32 to index
    %swap3A_1315 = arith.constant 48 : index
    %swap3A_1316 = tpu.vector_load %arg12[%swap3A_1314, %swap3A_1315] {strides = array<i32>} : memref<7x128xi32, #tpu.memory_space<vmem>>, vector<16xi32>,
    tpu.vector_store %arg12[%swap3A_1314, %swap3A_1315], %add3A_1312 {strides = array<i32>} : memref<7x128xi32, #tpu.memory_space<vmem>>, vector<16xi32>,
    %get3A_1317 = arith.constant 320 : index
    %get3A_1318 = tpu.vector_load %arg9[%get3A_1317] {strides = array<i32>} : memref<896xi32, #tpu.memory_space<vmem>>, vector<16xi32>,
    %convert_element_type3A_1319 = arith.sitofp %get3A_1318 : vector<16xi32> to vector<16xf32>
    %mul3A_1320 = arith.constant 0.00104166672 : f32
    %mul3A_1321 = vector.broadcast %mul3A_1320 : f32 to vector<16xf32>
    %mul3A_1322 = arith.mulf %convert_element_type3A_1319, %mul3A_1321 : vector<16xf32>
    %convert_element_type3A_1323 = arith.fptosi %mul3A_1322 : vector<16xf32> to vector<16xi32>
    %mul3A_1324 = arith.constant 960 : i32
    %mul3A_1325 = vector.broadcast %mul3A_1324 : i32 to vector<16xi32>
    %mul3A_1326 = arith.muli %convert_element_type3A_1323, %mul3A_1325 : vector<16xi32>
    %sub3A_1327 = arith.subi %get3A_1318, %mul3A_1326 : vector<16xi32>
    %lt3A_1328 = arith.constant 0 : i32
    %lt3A_1329 = vector.broadcast %lt3A_1328 : i32 to vector<16xi32>
    %lt3A_1330 = arith.cmpi slt, %sub3A_1327, %lt3A_1329 : vector<16xi32>
    %add3A_1331 = arith.constant 960 : i32
    %add3A_1332 = vector.broadcast %add3A_1331 : i32 to vector<16xi32>
    %add3A_1333 = arith.addi %sub3A_1327, %add3A_1332 : vector<16xi32>
    %select_n3A_1334 = arith.select %lt3A_1330, %add3A_1333, %sub3A_1327 : vector<16xi1>, vector<16xi32>
    %ge3A_1335 = arith.constant 960 : i32
    %ge3A_1336 = vector.broadcast %ge3A_1335 : i32 to vector<16xi32>
    %ge3A_1337 = arith.cmpi sge, %select_n3A_1334, %ge3A_1336 : vector<16xi32>
    %sub3A_1338 = arith.constant 960 : i32
    %sub3A_1339 = vector.broadcast %sub3A_1338 : i32 to vector<16xi32>
    %sub3A_1340 = arith.subi %select_n3A_1334, %sub3A_1339 : vector<16xi32>
    %select_n3A_1341 = arith.select %ge3A_1337, %sub3A_1340, %select_n3A_1334 : vector<16xi1>, vector<16xi32>
    %convert_element_type3A_1342 = arith.sitofp %select_n3A_1341 : vector<16xi32> to vector<16xf32>
    %add3A_1343 = arith.constant 1.000000e+00 : f32
    %add3A_1344 = vector.broadcast %add3A_1343 : f32 to vector<16xf32>
    %add3A_1345 = arith.addf %convert_element_type3A_1342, %add3A_1344 : vector<16xf32>
    %swap3A_1346 = arith.constant 320 : index
    %swap3A_1347 = tpu.vector_load %arg11[%swap3A_1346] {strides = array<i32>} : memref<896xf32, #tpu.memory_space<vmem>>, vector<16xf32>,
    tpu.vector_store %arg11[%swap3A_1346], %add3A_1345 {strides = array<i32>} : memref<896xf32, #tpu.memory_space<vmem>>, vector<16xf32>,
    %add3A_1348 = arith.constant 320 : i32
    %add3A_1349 = vector.broadcast %add3A_1348 : i32 to vector<16xi32>
    %add3A_1350 = arith.addi %iota3A, %add3A_1349 : vector<16xi32>
    %mul3A_1351 = arith.constant 4 : i32
    %mul3A_1352 = vector.broadcast %mul3A_1351 : i32 to vector<16xi32>
    %mul3A_1353 = arith.muli %add3A_1350, %mul3A_1352 : vector<16xi32>
    %gather3A_1354 = tpu.vector_load_idx %arg13[%mul3A_1353] : memref<3584xi32, #tpu.memory_space<vmem>>[vector<16xi32>], vector<16xi32>,
    %add3A_1355 = arith.constant 1 : i32
    %add3A_1356 = vector.broadcast %add3A_1355 : i32 to vector<16xi32>
    %add3A_1357 = arith.addi %mul3A_1353, %add3A_1356 : vector<16xi32>
    %gather3A_1358 = tpu.vector_load_idx %arg13[%add3A_1357] : memref<3584xi32, #tpu.memory_space<vmem>>[vector<16xi32>], vector<16xi32>,
    %mul3A_1359 = arith.constant 200 : i32
    %mul3A_1360 = vector.broadcast %mul3A_1359 : i32 to vector<16xi32>
    %mul3A_1361 = arith.muli %gather3A_1354, %mul3A_1360 : vector<16xi32>
    %add3A_1362 = arith.addi %mul3A_1361, %gather3A_1358 : vector<16xi32>
    %shift_right_logical3A_1363 = arith.constant 3 : i32
    %shift_right_logical3A_1364 = vector.broadcast %shift_right_logical3A_1363 : i32 to vector<16xi32>
    %shift_right_logical3A_1365 = arith.shrui %gather3A_1354, %shift_right_logical3A_1364 : vector<16xi32>
    %mul3A_1366 = arith.constant 448 : i32
    %mul3A_1367 = vector.broadcast %mul3A_1366 : i32 to vector<16xi32>
    %mul3A_1368 = arith.muli %shift_right_logical3A_1365, %mul3A_1367 : vector<16xi32>
    %add3A_1369 = arith.addi %add3A_1362, %mul3A_1368 : vector<16xi32>
    %swap3A_1370 = arith.constant 2 : i32
    %swap3A_1371 = arith.index_cast %swap3A_1370 : i32 to index
    %swap3A_1372 = arith.constant 64 : index
    %swap3A_1373 = tpu.vector_load %arg12[%swap3A_1371, %swap3A_1372] {strides = array<i32>} : memref<7x128xi32, #tpu.memory_space<vmem>>, vector<16xi32>,
    tpu.vector_store %arg12[%swap3A_1371, %swap3A_1372], %add3A_1369 {strides = array<i32>} : memref<7x128xi32, #tpu.memory_space<vmem>>, vector<16xi32>,
    %get3A_1374 = arith.constant 336 : index
    %get3A_1375 = tpu.vector_load %arg9[%get3A_1374] {strides = array<i32>} : memref<896xi32, #tpu.memory_space<vmem>>, vector<16xi32>,
    %convert_element_type3A_1376 = arith.sitofp %get3A_1375 : vector<16xi32> to vector<16xf32>
    %mul3A_1377 = arith.constant 0.00104166672 : f32
    %mul3A_1378 = vector.broadcast %mul3A_1377 : f32 to vector<16xf32>
    %mul3A_1379 = arith.mulf %convert_element_type3A_1376, %mul3A_1378 : vector<16xf32>
    %convert_element_type3A_1380 = arith.fptosi %mul3A_1379 : vector<16xf32> to vector<16xi32>
    %mul3A_1381 = arith.constant 960 : i32
    %mul3A_1382 = vector.broadcast %mul3A_1381 : i32 to vector<16xi32>
    %mul3A_1383 = arith.muli %convert_element_type3A_1380, %mul3A_1382 : vector<16xi32>
    %sub3A_1384 = arith.subi %get3A_1375, %mul3A_1383 : vector<16xi32>
    %lt3A_1385 = arith.constant 0 : i32
    %lt3A_1386 = vector.broadcast %lt3A_1385 : i32 to vector<16xi32>
    %lt3A_1387 = arith.cmpi slt, %sub3A_1384, %lt3A_1386 : vector<16xi32>
    %add3A_1388 = arith.constant 960 : i32
    %add3A_1389 = vector.broadcast %add3A_1388 : i32 to vector<16xi32>
    %add3A_1390 = arith.addi %sub3A_1384, %add3A_1389 : vector<16xi32>
    %select_n3A_1391 = arith.select %lt3A_1387, %add3A_1390, %sub3A_1384 : vector<16xi1>, vector<16xi32>
    %ge3A_1392 = arith.constant 960 : i32
    %ge3A_1393 = vector.broadcast %ge3A_1392 : i32 to vector<16xi32>
    %ge3A_1394 = arith.cmpi sge, %select_n3A_1391, %ge3A_1393 : vector<16xi32>
    %sub3A_1395 = arith.constant 960 : i32
    %sub3A_1396 = vector.broadcast %sub3A_1395 : i32 to vector<16xi32>
    %sub3A_1397 = arith.subi %select_n3A_1391, %sub3A_1396 : vector<16xi32>
    %select_n3A_1398 = arith.select %ge3A_1394, %sub3A_1397, %select_n3A_1391 : vector<16xi1>, vector<16xi32>
    %convert_element_type3A_1399 = arith.sitofp %select_n3A_1398 : vector<16xi32> to vector<16xf32>
    %add3A_1400 = arith.constant 1.000000e+00 : f32
    %add3A_1401 = vector.broadcast %add3A_1400 : f32 to vector<16xf32>
    %add3A_1402 = arith.addf %convert_element_type3A_1399, %add3A_1401 : vector<16xf32>
    %swap3A_1403 = arith.constant 336 : index
    %swap3A_1404 = tpu.vector_load %arg11[%swap3A_1403] {strides = array<i32>} : memref<896xf32, #tpu.memory_space<vmem>>, vector<16xf32>,
    tpu.vector_store %arg11[%swap3A_1403], %add3A_1402 {strides = array<i32>} : memref<896xf32, #tpu.memory_space<vmem>>, vector<16xf32>,
    %add3A_1405 = arith.constant 336 : i32
    %add3A_1406 = vector.broadcast %add3A_1405 : i32 to vector<16xi32>
    %add3A_1407 = arith.addi %iota3A, %add3A_1406 : vector<16xi32>
    %mul3A_1408 = arith.constant 4 : i32
    %mul3A_1409 = vector.broadcast %mul3A_1408 : i32 to vector<16xi32>
    %mul3A_1410 = arith.muli %add3A_1407, %mul3A_1409 : vector<16xi32>
    %gather3A_1411 = tpu.vector_load_idx %arg13[%mul3A_1410] : memref<3584xi32, #tpu.memory_space<vmem>>[vector<16xi32>], vector<16xi32>,
    %add3A_1412 = arith.constant 1 : i32
    %add3A_1413 = vector.broadcast %add3A_1412 : i32 to vector<16xi32>
    %add3A_1414 = arith.addi %mul3A_1410, %add3A_1413 : vector<16xi32>
    %gather3A_1415 = tpu.vector_load_idx %arg13[%add3A_1414] : memref<3584xi32, #tpu.memory_space<vmem>>[vector<16xi32>], vector<16xi32>,
    %mul3A_1416 = arith.constant 200 : i32
    %mul3A_1417 = vector.broadcast %mul3A_1416 : i32 to vector<16xi32>
    %mul3A_1418 = arith.muli %gather3A_1411, %mul3A_1417 : vector<16xi32>
    %add3A_1419 = arith.addi %mul3A_1418, %gather3A_1415 : vector<16xi32>
    %shift_right_logical3A_1420 = arith.constant 3 : i32
    %shift_right_logical3A_1421 = vector.broadcast %shift_right_logical3A_1420 : i32 to vector<16xi32>
    %shift_right_logical3A_1422 = arith.shrui %gather3A_1411, %shift_right_logical3A_1421 : vector<16xi32>
    %mul3A_1423 = arith.constant 448 : i32
    %mul3A_1424 = vector.broadcast %mul3A_1423 : i32 to vector<16xi32>
    %mul3A_1425 = arith.muli %shift_right_logical3A_1422, %mul3A_1424 : vector<16xi32>
    %add3A_1426 = arith.addi %add3A_1419, %mul3A_1425 : vector<16xi32>
    %swap3A_1427 = arith.constant 2 : i32
    %swap3A_1428 = arith.index_cast %swap3A_1427 : i32 to index
    %swap3A_1429 = arith.constant 80 : index
    %swap3A_1430 = tpu.vector_load %arg12[%swap3A_1428, %swap3A_1429] {strides = array<i32>} : memref<7x128xi32, #tpu.memory_space<vmem>>, vector<16xi32>,
    tpu.vector_store %arg12[%swap3A_1428, %swap3A_1429], %add3A_1426 {strides = array<i32>} : memref<7x128xi32, #tpu.memory_space<vmem>>, vector<16xi32>,
    %get3A_1431 = arith.constant 352 : index
    %get3A_1432 = tpu.vector_load %arg9[%get3A_1431] {strides = array<i32>} : memref<896xi32, #tpu.memory_space<vmem>>, vector<16xi32>,
    %convert_element_type3A_1433 = arith.sitofp %get3A_1432 : vector<16xi32> to vector<16xf32>
    %mul3A_1434 = arith.constant 0.00104166672 : f32
    %mul3A_1435 = vector.broadcast %mul3A_1434 : f32 to vector<16xf32>
    %mul3A_1436 = arith.mulf %convert_element_type3A_1433, %mul3A_1435 : vector<16xf32>
    %convert_element_type3A_1437 = arith.fptosi %mul3A_1436 : vector<16xf32> to vector<16xi32>
    %mul3A_1438 = arith.constant 960 : i32
    %mul3A_1439 = vector.broadcast %mul3A_1438 : i32 to vector<16xi32>
    %mul3A_1440 = arith.muli %convert_element_type3A_1437, %mul3A_1439 : vector<16xi32>
    %sub3A_1441 = arith.subi %get3A_1432, %mul3A_1440 : vector<16xi32>
    %lt3A_1442 = arith.constant 0 : i32
    %lt3A_1443 = vector.broadcast %lt3A_1442 : i32 to vector<16xi32>
    %lt3A_1444 = arith.cmpi slt, %sub3A_1441, %lt3A_1443 : vector<16xi32>
    %add3A_1445 = arith.constant 960 : i32
    %add3A_1446 = vector.broadcast %add3A_1445 : i32 to vector<16xi32>
    %add3A_1447 = arith.addi %sub3A_1441, %add3A_1446 : vector<16xi32>
    %select_n3A_1448 = arith.select %lt3A_1444, %add3A_1447, %sub3A_1441 : vector<16xi1>, vector<16xi32>
    %ge3A_1449 = arith.constant 960 : i32
    %ge3A_1450 = vector.broadcast %ge3A_1449 : i32 to vector<16xi32>
    %ge3A_1451 = arith.cmpi sge, %select_n3A_1448, %ge3A_1450 : vector<16xi32>
    %sub3A_1452 = arith.constant 960 : i32
    %sub3A_1453 = vector.broadcast %sub3A_1452 : i32 to vector<16xi32>
    %sub3A_1454 = arith.subi %select_n3A_1448, %sub3A_1453 : vector<16xi32>
    %select_n3A_1455 = arith.select %ge3A_1451, %sub3A_1454, %select_n3A_1448 : vector<16xi1>, vector<16xi32>
    %convert_element_type3A_1456 = arith.sitofp %select_n3A_1455 : vector<16xi32> to vector<16xf32>
    %add3A_1457 = arith.constant 1.000000e+00 : f32
    %add3A_1458 = vector.broadcast %add3A_1457 : f32 to vector<16xf32>
    %add3A_1459 = arith.addf %convert_element_type3A_1456, %add3A_1458 : vector<16xf32>
    %swap3A_1460 = arith.constant 352 : index
    %swap3A_1461 = tpu.vector_load %arg11[%swap3A_1460] {strides = array<i32>} : memref<896xf32, #tpu.memory_space<vmem>>, vector<16xf32>,
    tpu.vector_store %arg11[%swap3A_1460], %add3A_1459 {strides = array<i32>} : memref<896xf32, #tpu.memory_space<vmem>>, vector<16xf32>,
    %add3A_1462 = arith.constant 352 : i32
    %add3A_1463 = vector.broadcast %add3A_1462 : i32 to vector<16xi32>
    %add3A_1464 = arith.addi %iota3A, %add3A_1463 : vector<16xi32>
    %mul3A_1465 = arith.constant 4 : i32
    %mul3A_1466 = vector.broadcast %mul3A_1465 : i32 to vector<16xi32>
    %mul3A_1467 = arith.muli %add3A_1464, %mul3A_1466 : vector<16xi32>
    %gather3A_1468 = tpu.vector_load_idx %arg13[%mul3A_1467] : memref<3584xi32, #tpu.memory_space<vmem>>[vector<16xi32>], vector<16xi32>,
    %add3A_1469 = arith.constant 1 : i32
    %add3A_1470 = vector.broadcast %add3A_1469 : i32 to vector<16xi32>
    %add3A_1471 = arith.addi %mul3A_1467, %add3A_1470 : vector<16xi32>
    %gather3A_1472 = tpu.vector_load_idx %arg13[%add3A_1471] : memref<3584xi32, #tpu.memory_space<vmem>>[vector<16xi32>], vector<16xi32>,
    %mul3A_1473 = arith.constant 200 : i32
    %mul3A_1474 = vector.broadcast %mul3A_1473 : i32 to vector<16xi32>
    %mul3A_1475 = arith.muli %gather3A_1468, %mul3A_1474 : vector<16xi32>
    %add3A_1476 = arith.addi %mul3A_1475, %gather3A_1472 : vector<16xi32>
    %shift_right_logical3A_1477 = arith.constant 3 : i32
    %shift_right_logical3A_1478 = vector.broadcast %shift_right_logical3A_1477 : i32 to vector<16xi32>
    %shift_right_logical3A_1479 = arith.shrui %gather3A_1468, %shift_right_logical3A_1478 : vector<16xi32>
    %mul3A_1480 = arith.constant 448 : i32
    %mul3A_1481 = vector.broadcast %mul3A_1480 : i32 to vector<16xi32>
    %mul3A_1482 = arith.muli %shift_right_logical3A_1479, %mul3A_1481 : vector<16xi32>
    %add3A_1483 = arith.addi %add3A_1476, %mul3A_1482 : vector<16xi32>
    %swap3A_1484 = arith.constant 2 : i32
    %swap3A_1485 = arith.index_cast %swap3A_1484 : i32 to index
    %swap3A_1486 = arith.constant 96 : index
    %swap3A_1487 = tpu.vector_load %arg12[%swap3A_1485, %swap3A_1486] {strides = array<i32>} : memref<7x128xi32, #tpu.memory_space<vmem>>, vector<16xi32>,
    tpu.vector_store %arg12[%swap3A_1485, %swap3A_1486], %add3A_1483 {strides = array<i32>} : memref<7x128xi32, #tpu.memory_space<vmem>>, vector<16xi32>,
    %get3A_1488 = arith.constant 368 : index
    %get3A_1489 = tpu.vector_load %arg9[%get3A_1488] {strides = array<i32>} : memref<896xi32, #tpu.memory_space<vmem>>, vector<16xi32>,
    %convert_element_type3A_1490 = arith.sitofp %get3A_1489 : vector<16xi32> to vector<16xf32>
    %mul3A_1491 = arith.constant 0.00104166672 : f32
    %mul3A_1492 = vector.broadcast %mul3A_1491 : f32 to vector<16xf32>
    %mul3A_1493 = arith.mulf %convert_element_type3A_1490, %mul3A_1492 : vector<16xf32>
    %convert_element_type3A_1494 = arith.fptosi %mul3A_1493 : vector<16xf32> to vector<16xi32>
    %mul3A_1495 = arith.constant 960 : i32
    %mul3A_1496 = vector.broadcast %mul3A_1495 : i32 to vector<16xi32>
    %mul3A_1497 = arith.muli %convert_element_type3A_1494, %mul3A_1496 : vector<16xi32>
    %sub3A_1498 = arith.subi %get3A_1489, %mul3A_1497 : vector<16xi32>
    %lt3A_1499 = arith.constant 0 : i32
    %lt3A_1500 = vector.broadcast %lt3A_1499 : i32 to vector<16xi32>
    %lt3A_1501 = arith.cmpi slt, %sub3A_1498, %lt3A_1500 : vector<16xi32>
    %add3A_1502 = arith.constant 960 : i32
    %add3A_1503 = vector.broadcast %add3A_1502 : i32 to vector<16xi32>
    %add3A_1504 = arith.addi %sub3A_1498, %add3A_1503 : vector<16xi32>
    %select_n3A_1505 = arith.select %lt3A_1501, %add3A_1504, %sub3A_1498 : vector<16xi1>, vector<16xi32>
    %ge3A_1506 = arith.constant 960 : i32
    %ge3A_1507 = vector.broadcast %ge3A_1506 : i32 to vector<16xi32>
    %ge3A_1508 = arith.cmpi sge, %select_n3A_1505, %ge3A_1507 : vector<16xi32>
    %sub3A_1509 = arith.constant 960 : i32
    %sub3A_1510 = vector.broadcast %sub3A_1509 : i32 to vector<16xi32>
    %sub3A_1511 = arith.subi %select_n3A_1505, %sub3A_1510 : vector<16xi32>
    %select_n3A_1512 = arith.select %ge3A_1508, %sub3A_1511, %select_n3A_1505 : vector<16xi1>, vector<16xi32>
    %convert_element_type3A_1513 = arith.sitofp %select_n3A_1512 : vector<16xi32> to vector<16xf32>
    %add3A_1514 = arith.constant 1.000000e+00 : f32
    %add3A_1515 = vector.broadcast %add3A_1514 : f32 to vector<16xf32>
    %add3A_1516 = arith.addf %convert_element_type3A_1513, %add3A_1515 : vector<16xf32>
    %swap3A_1517 = arith.constant 368 : index
    %swap3A_1518 = tpu.vector_load %arg11[%swap3A_1517] {strides = array<i32>} : memref<896xf32, #tpu.memory_space<vmem>>, vector<16xf32>,
    tpu.vector_store %arg11[%swap3A_1517], %add3A_1516 {strides = array<i32>} : memref<896xf32, #tpu.memory_space<vmem>>, vector<16xf32>,
    %add3A_1519 = arith.constant 368 : i32
    %add3A_1520 = vector.broadcast %add3A_1519 : i32 to vector<16xi32>
    %add3A_1521 = arith.addi %iota3A, %add3A_1520 : vector<16xi32>
    %mul3A_1522 = arith.constant 4 : i32
    %mul3A_1523 = vector.broadcast %mul3A_1522 : i32 to vector<16xi32>
    %mul3A_1524 = arith.muli %add3A_1521, %mul3A_1523 : vector<16xi32>
    %gather3A_1525 = tpu.vector_load_idx %arg13[%mul3A_1524] : memref<3584xi32, #tpu.memory_space<vmem>>[vector<16xi32>], vector<16xi32>,
    %add3A_1526 = arith.constant 1 : i32
    %add3A_1527 = vector.broadcast %add3A_1526 : i32 to vector<16xi32>
    %add3A_1528 = arith.addi %mul3A_1524, %add3A_1527 : vector<16xi32>
    %gather3A_1529 = tpu.vector_load_idx %arg13[%add3A_1528] : memref<3584xi32, #tpu.memory_space<vmem>>[vector<16xi32>], vector<16xi32>,
    %mul3A_1530 = arith.constant 200 : i32
    %mul3A_1531 = vector.broadcast %mul3A_1530 : i32 to vector<16xi32>
    %mul3A_1532 = arith.muli %gather3A_1525, %mul3A_1531 : vector<16xi32>
    %add3A_1533 = arith.addi %mul3A_1532, %gather3A_1529 : vector<16xi32>
    %shift_right_logical3A_1534 = arith.constant 3 : i32
    %shift_right_logical3A_1535 = vector.broadcast %shift_right_logical3A_1534 : i32 to vector<16xi32>
    %shift_right_logical3A_1536 = arith.shrui %gather3A_1525, %shift_right_logical3A_1535 : vector<16xi32>
    %mul3A_1537 = arith.constant 448 : i32
    %mul3A_1538 = vector.broadcast %mul3A_1537 : i32 to vector<16xi32>
    %mul3A_1539 = arith.muli %shift_right_logical3A_1536, %mul3A_1538 : vector<16xi32>
    %add3A_1540 = arith.addi %add3A_1533, %mul3A_1539 : vector<16xi32>
    %swap3A_1541 = arith.constant 2 : i32
    %swap3A_1542 = arith.index_cast %swap3A_1541 : i32 to index
    %swap3A_1543 = arith.constant 112 : index
    %swap3A_1544 = tpu.vector_load %arg12[%swap3A_1542, %swap3A_1543] {strides = array<i32>} : memref<7x128xi32, #tpu.memory_space<vmem>>, vector<16xi32>,
    tpu.vector_store %arg12[%swap3A_1542, %swap3A_1543], %add3A_1540 {strides = array<i32>} : memref<7x128xi32, #tpu.memory_space<vmem>>, vector<16xi32>,
    %get3A_1545 = arith.constant 384 : index
    %get3A_1546 = tpu.vector_load %arg9[%get3A_1545] {strides = array<i32>} : memref<896xi32, #tpu.memory_space<vmem>>, vector<16xi32>,
    %convert_element_type3A_1547 = arith.sitofp %get3A_1546 : vector<16xi32> to vector<16xf32>
    %mul3A_1548 = arith.constant 0.00104166672 : f32
    %mul3A_1549 = vector.broadcast %mul3A_1548 : f32 to vector<16xf32>
    %mul3A_1550 = arith.mulf %convert_element_type3A_1547, %mul3A_1549 : vector<16xf32>
    %convert_element_type3A_1551 = arith.fptosi %mul3A_1550 : vector<16xf32> to vector<16xi32>
    %mul3A_1552 = arith.constant 960 : i32
    %mul3A_1553 = vector.broadcast %mul3A_1552 : i32 to vector<16xi32>
    %mul3A_1554 = arith.muli %convert_element_type3A_1551, %mul3A_1553 : vector<16xi32>
    %sub3A_1555 = arith.subi %get3A_1546, %mul3A_1554 : vector<16xi32>
    %lt3A_1556 = arith.constant 0 : i32
    %lt3A_1557 = vector.broadcast %lt3A_1556 : i32 to vector<16xi32>
    %lt3A_1558 = arith.cmpi slt, %sub3A_1555, %lt3A_1557 : vector<16xi32>
    %add3A_1559 = arith.constant 960 : i32
    %add3A_1560 = vector.broadcast %add3A_1559 : i32 to vector<16xi32>
    %add3A_1561 = arith.addi %sub3A_1555, %add3A_1560 : vector<16xi32>
    %select_n3A_1562 = arith.select %lt3A_1558, %add3A_1561, %sub3A_1555 : vector<16xi1>, vector<16xi32>
    %ge3A_1563 = arith.constant 960 : i32
    %ge3A_1564 = vector.broadcast %ge3A_1563 : i32 to vector<16xi32>
    %ge3A_1565 = arith.cmpi sge, %select_n3A_1562, %ge3A_1564 : vector<16xi32>
    %sub3A_1566 = arith.constant 960 : i32
    %sub3A_1567 = vector.broadcast %sub3A_1566 : i32 to vector<16xi32>
    %sub3A_1568 = arith.subi %select_n3A_1562, %sub3A_1567 : vector<16xi32>
    %select_n3A_1569 = arith.select %ge3A_1565, %sub3A_1568, %select_n3A_1562 : vector<16xi1>, vector<16xi32>
    %convert_element_type3A_1570 = arith.sitofp %select_n3A_1569 : vector<16xi32> to vector<16xf32>
    %add3A_1571 = arith.constant 1.000000e+00 : f32
    %add3A_1572 = vector.broadcast %add3A_1571 : f32 to vector<16xf32>
    %add3A_1573 = arith.addf %convert_element_type3A_1570, %add3A_1572 : vector<16xf32>
    %swap3A_1574 = arith.constant 384 : index
    %swap3A_1575 = tpu.vector_load %arg11[%swap3A_1574] {strides = array<i32>} : memref<896xf32, #tpu.memory_space<vmem>>, vector<16xf32>,
    tpu.vector_store %arg11[%swap3A_1574], %add3A_1573 {strides = array<i32>} : memref<896xf32, #tpu.memory_space<vmem>>, vector<16xf32>,
    %add3A_1576 = arith.constant 384 : i32
    %add3A_1577 = vector.broadcast %add3A_1576 : i32 to vector<16xi32>
    %add3A_1578 = arith.addi %iota3A, %add3A_1577 : vector<16xi32>
    %mul3A_1579 = arith.constant 4 : i32
    %mul3A_1580 = vector.broadcast %mul3A_1579 : i32 to vector<16xi32>
    %mul3A_1581 = arith.muli %add3A_1578, %mul3A_1580 : vector<16xi32>
    %gather3A_1582 = tpu.vector_load_idx %arg13[%mul3A_1581] : memref<3584xi32, #tpu.memory_space<vmem>>[vector<16xi32>], vector<16xi32>,
    %add3A_1583 = arith.constant 1 : i32
    %add3A_1584 = vector.broadcast %add3A_1583 : i32 to vector<16xi32>
    %add3A_1585 = arith.addi %mul3A_1581, %add3A_1584 : vector<16xi32>
    %gather3A_1586 = tpu.vector_load_idx %arg13[%add3A_1585] : memref<3584xi32, #tpu.memory_space<vmem>>[vector<16xi32>], vector<16xi32>,
    %mul3A_1587 = arith.constant 200 : i32
    %mul3A_1588 = vector.broadcast %mul3A_1587 : i32 to vector<16xi32>
    %mul3A_1589 = arith.muli %gather3A_1582, %mul3A_1588 : vector<16xi32>
    %add3A_1590 = arith.addi %mul3A_1589, %gather3A_1586 : vector<16xi32>
    %shift_right_logical3A_1591 = arith.constant 3 : i32
    %shift_right_logical3A_1592 = vector.broadcast %shift_right_logical3A_1591 : i32 to vector<16xi32>
    %shift_right_logical3A_1593 = arith.shrui %gather3A_1582, %shift_right_logical3A_1592 : vector<16xi32>
    %mul3A_1594 = arith.constant 448 : i32
    %mul3A_1595 = vector.broadcast %mul3A_1594 : i32 to vector<16xi32>
    %mul3A_1596 = arith.muli %shift_right_logical3A_1593, %mul3A_1595 : vector<16xi32>
    %add3A_1597 = arith.addi %add3A_1590, %mul3A_1596 : vector<16xi32>
    %swap3A_1598 = arith.constant 3 : i32
    %swap3A_1599 = arith.index_cast %swap3A_1598 : i32 to index
    %swap3A_1600 = arith.constant 0 : index
    %swap3A_1601 = tpu.vector_load %arg12[%swap3A_1599, %swap3A_1600] {strides = array<i32>} : memref<7x128xi32, #tpu.memory_space<vmem>>, vector<16xi32>,
    tpu.vector_store %arg12[%swap3A_1599, %swap3A_1600], %add3A_1597 {strides = array<i32>} : memref<7x128xi32, #tpu.memory_space<vmem>>, vector<16xi32>,
    %get3A_1602 = arith.constant 400 : index
    %get3A_1603 = tpu.vector_load %arg9[%get3A_1602] {strides = array<i32>} : memref<896xi32, #tpu.memory_space<vmem>>, vector<16xi32>,
    %convert_element_type3A_1604 = arith.sitofp %get3A_1603 : vector<16xi32> to vector<16xf32>
    %mul3A_1605 = arith.constant 0.00104166672 : f32
    %mul3A_1606 = vector.broadcast %mul3A_1605 : f32 to vector<16xf32>
    %mul3A_1607 = arith.mulf %convert_element_type3A_1604, %mul3A_1606 : vector<16xf32>
    %convert_element_type3A_1608 = arith.fptosi %mul3A_1607 : vector<16xf32> to vector<16xi32>
    %mul3A_1609 = arith.constant 960 : i32
    %mul3A_1610 = vector.broadcast %mul3A_1609 : i32 to vector<16xi32>
    %mul3A_1611 = arith.muli %convert_element_type3A_1608, %mul3A_1610 : vector<16xi32>
    %sub3A_1612 = arith.subi %get3A_1603, %mul3A_1611 : vector<16xi32>
    %lt3A_1613 = arith.constant 0 : i32
    %lt3A_1614 = vector.broadcast %lt3A_1613 : i32 to vector<16xi32>
    %lt3A_1615 = arith.cmpi slt, %sub3A_1612, %lt3A_1614 : vector<16xi32>
    %add3A_1616 = arith.constant 960 : i32
    %add3A_1617 = vector.broadcast %add3A_1616 : i32 to vector<16xi32>
    %add3A_1618 = arith.addi %sub3A_1612, %add3A_1617 : vector<16xi32>
    %select_n3A_1619 = arith.select %lt3A_1615, %add3A_1618, %sub3A_1612 : vector<16xi1>, vector<16xi32>
    %ge3A_1620 = arith.constant 960 : i32
    %ge3A_1621 = vector.broadcast %ge3A_1620 : i32 to vector<16xi32>
    %ge3A_1622 = arith.cmpi sge, %select_n3A_1619, %ge3A_1621 : vector<16xi32>
    %sub3A_1623 = arith.constant 960 : i32
    %sub3A_1624 = vector.broadcast %sub3A_1623 : i32 to vector<16xi32>
    %sub3A_1625 = arith.subi %select_n3A_1619, %sub3A_1624 : vector<16xi32>
    %select_n3A_1626 = arith.select %ge3A_1622, %sub3A_1625, %select_n3A_1619 : vector<16xi1>, vector<16xi32>
    %convert_element_type3A_1627 = arith.sitofp %select_n3A_1626 : vector<16xi32> to vector<16xf32>
    %add3A_1628 = arith.constant 1.000000e+00 : f32
    %add3A_1629 = vector.broadcast %add3A_1628 : f32 to vector<16xf32>
    %add3A_1630 = arith.addf %convert_element_type3A_1627, %add3A_1629 : vector<16xf32>
    %swap3A_1631 = arith.constant 400 : index
    %swap3A_1632 = tpu.vector_load %arg11[%swap3A_1631] {strides = array<i32>} : memref<896xf32, #tpu.memory_space<vmem>>, vector<16xf32>,
    tpu.vector_store %arg11[%swap3A_1631], %add3A_1630 {strides = array<i32>} : memref<896xf32, #tpu.memory_space<vmem>>, vector<16xf32>,
    %add3A_1633 = arith.constant 400 : i32
    %add3A_1634 = vector.broadcast %add3A_1633 : i32 to vector<16xi32>
    %add3A_1635 = arith.addi %iota3A, %add3A_1634 : vector<16xi32>
    %mul3A_1636 = arith.constant 4 : i32
    %mul3A_1637 = vector.broadcast %mul3A_1636 : i32 to vector<16xi32>
    %mul3A_1638 = arith.muli %add3A_1635, %mul3A_1637 : vector<16xi32>
    %gather3A_1639 = tpu.vector_load_idx %arg13[%mul3A_1638] : memref<3584xi32, #tpu.memory_space<vmem>>[vector<16xi32>], vector<16xi32>,
    %add3A_1640 = arith.constant 1 : i32
    %add3A_1641 = vector.broadcast %add3A_1640 : i32 to vector<16xi32>
    %add3A_1642 = arith.addi %mul3A_1638, %add3A_1641 : vector<16xi32>
    %gather3A_1643 = tpu.vector_load_idx %arg13[%add3A_1642] : memref<3584xi32, #tpu.memory_space<vmem>>[vector<16xi32>], vector<16xi32>,
    %mul3A_1644 = arith.constant 200 : i32
    %mul3A_1645 = vector.broadcast %mul3A_1644 : i32 to vector<16xi32>
    %mul3A_1646 = arith.muli %gather3A_1639, %mul3A_1645 : vector<16xi32>
    %add3A_1647 = arith.addi %mul3A_1646, %gather3A_1643 : vector<16xi32>
    %shift_right_logical3A_1648 = arith.constant 3 : i32
    %shift_right_logical3A_1649 = vector.broadcast %shift_right_logical3A_1648 : i32 to vector<16xi32>
    %shift_right_logical3A_1650 = arith.shrui %gather3A_1639, %shift_right_logical3A_1649 : vector<16xi32>
    %mul3A_1651 = arith.constant 448 : i32
    %mul3A_1652 = vector.broadcast %mul3A_1651 : i32 to vector<16xi32>
    %mul3A_1653 = arith.muli %shift_right_logical3A_1650, %mul3A_1652 : vector<16xi32>
    %add3A_1654 = arith.addi %add3A_1647, %mul3A_1653 : vector<16xi32>
    %swap3A_1655 = arith.constant 3 : i32
    %swap3A_1656 = arith.index_cast %swap3A_1655 : i32 to index
    %swap3A_1657 = arith.constant 16 : index
    %swap3A_1658 = tpu.vector_load %arg12[%swap3A_1656, %swap3A_1657] {strides = array<i32>} : memref<7x128xi32, #tpu.memory_space<vmem>>, vector<16xi32>,
    tpu.vector_store %arg12[%swap3A_1656, %swap3A_1657], %add3A_1654 {strides = array<i32>} : memref<7x128xi32, #tpu.memory_space<vmem>>, vector<16xi32>,
    %get3A_1659 = arith.constant 416 : index
    %get3A_1660 = tpu.vector_load %arg9[%get3A_1659] {strides = array<i32>} : memref<896xi32, #tpu.memory_space<vmem>>, vector<16xi32>,
    %convert_element_type3A_1661 = arith.sitofp %get3A_1660 : vector<16xi32> to vector<16xf32>
    %mul3A_1662 = arith.constant 0.00104166672 : f32
    %mul3A_1663 = vector.broadcast %mul3A_1662 : f32 to vector<16xf32>
    %mul3A_1664 = arith.mulf %convert_element_type3A_1661, %mul3A_1663 : vector<16xf32>
    %convert_element_type3A_1665 = arith.fptosi %mul3A_1664 : vector<16xf32> to vector<16xi32>
    %mul3A_1666 = arith.constant 960 : i32
    %mul3A_1667 = vector.broadcast %mul3A_1666 : i32 to vector<16xi32>
    %mul3A_1668 = arith.muli %convert_element_type3A_1665, %mul3A_1667 : vector<16xi32>
    %sub3A_1669 = arith.subi %get3A_1660, %mul3A_1668 : vector<16xi32>
    %lt3A_1670 = arith.constant 0 : i32
    %lt3A_1671 = vector.broadcast %lt3A_1670 : i32 to vector<16xi32>
    %lt3A_1672 = arith.cmpi slt, %sub3A_1669, %lt3A_1671 : vector<16xi32>
    %add3A_1673 = arith.constant 960 : i32
    %add3A_1674 = vector.broadcast %add3A_1673 : i32 to vector<16xi32>
    %add3A_1675 = arith.addi %sub3A_1669, %add3A_1674 : vector<16xi32>
    %select_n3A_1676 = arith.select %lt3A_1672, %add3A_1675, %sub3A_1669 : vector<16xi1>, vector<16xi32>
    %ge3A_1677 = arith.constant 960 : i32
    %ge3A_1678 = vector.broadcast %ge3A_1677 : i32 to vector<16xi32>
    %ge3A_1679 = arith.cmpi sge, %select_n3A_1676, %ge3A_1678 : vector<16xi32>
    %sub3A_1680 = arith.constant 960 : i32
    %sub3A_1681 = vector.broadcast %sub3A_1680 : i32 to vector<16xi32>
    %sub3A_1682 = arith.subi %select_n3A_1676, %sub3A_1681 : vector<16xi32>
    %select_n3A_1683 = arith.select %ge3A_1679, %sub3A_1682, %select_n3A_1676 : vector<16xi1>, vector<16xi32>
    %convert_element_type3A_1684 = arith.sitofp %select_n3A_1683 : vector<16xi32> to vector<16xf32>
    %add3A_1685 = arith.constant 1.000000e+00 : f32
    %add3A_1686 = vector.broadcast %add3A_1685 : f32 to vector<16xf32>
    %add3A_1687 = arith.addf %convert_element_type3A_1684, %add3A_1686 : vector<16xf32>
    %swap3A_1688 = arith.constant 416 : index
    %swap3A_1689 = tpu.vector_load %arg11[%swap3A_1688] {strides = array<i32>} : memref<896xf32, #tpu.memory_space<vmem>>, vector<16xf32>,
    tpu.vector_store %arg11[%swap3A_1688], %add3A_1687 {strides = array<i32>} : memref<896xf32, #tpu.memory_space<vmem>>, vector<16xf32>,
    %add3A_1690 = arith.constant 416 : i32
    %add3A_1691 = vector.broadcast %add3A_1690 : i32 to vector<16xi32>
    %add3A_1692 = arith.addi %iota3A, %add3A_1691 : vector<16xi32>
    %mul3A_1693 = arith.constant 4 : i32
    %mul3A_1694 = vector.broadcast %mul3A_1693 : i32 to vector<16xi32>
    %mul3A_1695 = arith.muli %add3A_1692, %mul3A_1694 : vector<16xi32>
    %gather3A_1696 = tpu.vector_load_idx %arg13[%mul3A_1695] : memref<3584xi32, #tpu.memory_space<vmem>>[vector<16xi32>], vector<16xi32>,
    %add3A_1697 = arith.constant 1 : i32
    %add3A_1698 = vector.broadcast %add3A_1697 : i32 to vector<16xi32>
    %add3A_1699 = arith.addi %mul3A_1695, %add3A_1698 : vector<16xi32>
    %gather3A_1700 = tpu.vector_load_idx %arg13[%add3A_1699] : memref<3584xi32, #tpu.memory_space<vmem>>[vector<16xi32>], vector<16xi32>,
    %mul3A_1701 = arith.constant 200 : i32
    %mul3A_1702 = vector.broadcast %mul3A_1701 : i32 to vector<16xi32>
    %mul3A_1703 = arith.muli %gather3A_1696, %mul3A_1702 : vector<16xi32>
    %add3A_1704 = arith.addi %mul3A_1703, %gather3A_1700 : vector<16xi32>
    %shift_right_logical3A_1705 = arith.constant 3 : i32
    %shift_right_logical3A_1706 = vector.broadcast %shift_right_logical3A_1705 : i32 to vector<16xi32>
    %shift_right_logical3A_1707 = arith.shrui %gather3A_1696, %shift_right_logical3A_1706 : vector<16xi32>
    %mul3A_1708 = arith.constant 448 : i32
    %mul3A_1709 = vector.broadcast %mul3A_1708 : i32 to vector<16xi32>
    %mul3A_1710 = arith.muli %shift_right_logical3A_1707, %mul3A_1709 : vector<16xi32>
    %add3A_1711 = arith.addi %add3A_1704, %mul3A_1710 : vector<16xi32>
    %swap3A_1712 = arith.constant 3 : i32
    %swap3A_1713 = arith.index_cast %swap3A_1712 : i32 to index
    %swap3A_1714 = arith.constant 32 : index
    %swap3A_1715 = tpu.vector_load %arg12[%swap3A_1713, %swap3A_1714] {strides = array<i32>} : memref<7x128xi32, #tpu.memory_space<vmem>>, vector<16xi32>,
    tpu.vector_store %arg12[%swap3A_1713, %swap3A_1714], %add3A_1711 {strides = array<i32>} : memref<7x128xi32, #tpu.memory_space<vmem>>, vector<16xi32>,
    %get3A_1716 = arith.constant 432 : index
    %get3A_1717 = tpu.vector_load %arg9[%get3A_1716] {strides = array<i32>} : memref<896xi32, #tpu.memory_space<vmem>>, vector<16xi32>,
    %convert_element_type3A_1718 = arith.sitofp %get3A_1717 : vector<16xi32> to vector<16xf32>
    %mul3A_1719 = arith.constant 0.00104166672 : f32
    %mul3A_1720 = vector.broadcast %mul3A_1719 : f32 to vector<16xf32>
    %mul3A_1721 = arith.mulf %convert_element_type3A_1718, %mul3A_1720 : vector<16xf32>
    %convert_element_type3A_1722 = arith.fptosi %mul3A_1721 : vector<16xf32> to vector<16xi32>
    %mul3A_1723 = arith.constant 960 : i32
    %mul3A_1724 = vector.broadcast %mul3A_1723 : i32 to vector<16xi32>
    %mul3A_1725 = arith.muli %convert_element_type3A_1722, %mul3A_1724 : vector<16xi32>
    %sub3A_1726 = arith.subi %get3A_1717, %mul3A_1725 : vector<16xi32>
    %lt3A_1727 = arith.constant 0 : i32
    %lt3A_1728 = vector.broadcast %lt3A_1727 : i32 to vector<16xi32>
    %lt3A_1729 = arith.cmpi slt, %sub3A_1726, %lt3A_1728 : vector<16xi32>
    %add3A_1730 = arith.constant 960 : i32
    %add3A_1731 = vector.broadcast %add3A_1730 : i32 to vector<16xi32>
    %add3A_1732 = arith.addi %sub3A_1726, %add3A_1731 : vector<16xi32>
    %select_n3A_1733 = arith.select %lt3A_1729, %add3A_1732, %sub3A_1726 : vector<16xi1>, vector<16xi32>
    %ge3A_1734 = arith.constant 960 : i32
    %ge3A_1735 = vector.broadcast %ge3A_1734 : i32 to vector<16xi32>
    %ge3A_1736 = arith.cmpi sge, %select_n3A_1733, %ge3A_1735 : vector<16xi32>
    %sub3A_1737 = arith.constant 960 : i32
    %sub3A_1738 = vector.broadcast %sub3A_1737 : i32 to vector<16xi32>
    %sub3A_1739 = arith.subi %select_n3A_1733, %sub3A_1738 : vector<16xi32>
    %select_n3A_1740 = arith.select %ge3A_1736, %sub3A_1739, %select_n3A_1733 : vector<16xi1>, vector<16xi32>
    %convert_element_type3A_1741 = arith.sitofp %select_n3A_1740 : vector<16xi32> to vector<16xf32>
    %add3A_1742 = arith.constant 1.000000e+00 : f32
    %add3A_1743 = vector.broadcast %add3A_1742 : f32 to vector<16xf32>
    %add3A_1744 = arith.addf %convert_element_type3A_1741, %add3A_1743 : vector<16xf32>
    %swap3A_1745 = arith.constant 432 : index
    %swap3A_1746 = tpu.vector_load %arg11[%swap3A_1745] {strides = array<i32>} : memref<896xf32, #tpu.memory_space<vmem>>, vector<16xf32>,
    tpu.vector_store %arg11[%swap3A_1745], %add3A_1744 {strides = array<i32>} : memref<896xf32, #tpu.memory_space<vmem>>, vector<16xf32>,
    %add3A_1747 = arith.constant 432 : i32
    %add3A_1748 = vector.broadcast %add3A_1747 : i32 to vector<16xi32>
    %add3A_1749 = arith.addi %iota3A, %add3A_1748 : vector<16xi32>
    %mul3A_1750 = arith.constant 4 : i32
    %mul3A_1751 = vector.broadcast %mul3A_1750 : i32 to vector<16xi32>
    %mul3A_1752 = arith.muli %add3A_1749, %mul3A_1751 : vector<16xi32>
    %gather3A_1753 = tpu.vector_load_idx %arg13[%mul3A_1752] : memref<3584xi32, #tpu.memory_space<vmem>>[vector<16xi32>], vector<16xi32>,
    %add3A_1754 = arith.constant 1 : i32
    %add3A_1755 = vector.broadcast %add3A_1754 : i32 to vector<16xi32>
    %add3A_1756 = arith.addi %mul3A_1752, %add3A_1755 : vector<16xi32>
    %gather3A_1757 = tpu.vector_load_idx %arg13[%add3A_1756] : memref<3584xi32, #tpu.memory_space<vmem>>[vector<16xi32>], vector<16xi32>,
    %mul3A_1758 = arith.constant 200 : i32
    %mul3A_1759 = vector.broadcast %mul3A_1758 : i32 to vector<16xi32>
    %mul3A_1760 = arith.muli %gather3A_1753, %mul3A_1759 : vector<16xi32>
    %add3A_1761 = arith.addi %mul3A_1760, %gather3A_1757 : vector<16xi32>
    %shift_right_logical3A_1762 = arith.constant 3 : i32
    %shift_right_logical3A_1763 = vector.broadcast %shift_right_logical3A_1762 : i32 to vector<16xi32>
    %shift_right_logical3A_1764 = arith.shrui %gather3A_1753, %shift_right_logical3A_1763 : vector<16xi32>
    %mul3A_1765 = arith.constant 448 : i32
    %mul3A_1766 = vector.broadcast %mul3A_1765 : i32 to vector<16xi32>
    %mul3A_1767 = arith.muli %shift_right_logical3A_1764, %mul3A_1766 : vector<16xi32>
    %add3A_1768 = arith.addi %add3A_1761, %mul3A_1767 : vector<16xi32>
    %swap3A_1769 = arith.constant 3 : i32
    %swap3A_1770 = arith.index_cast %swap3A_1769 : i32 to index
    %swap3A_1771 = arith.constant 48 : index
    %swap3A_1772 = tpu.vector_load %arg12[%swap3A_1770, %swap3A_1771] {strides = array<i32>} : memref<7x128xi32, #tpu.memory_space<vmem>>, vector<16xi32>,
    tpu.vector_store %arg12[%swap3A_1770, %swap3A_1771], %add3A_1768 {strides = array<i32>} : memref<7x128xi32, #tpu.memory_space<vmem>>, vector<16xi32>,
    %get3A_1773 = arith.constant 448 : index
    %get3A_1774 = tpu.vector_load %arg9[%get3A_1773] {strides = array<i32>} : memref<896xi32, #tpu.memory_space<vmem>>, vector<16xi32>,
    %convert_element_type3A_1775 = arith.sitofp %get3A_1774 : vector<16xi32> to vector<16xf32>
    %mul3A_1776 = arith.constant 0.00104166672 : f32
    %mul3A_1777 = vector.broadcast %mul3A_1776 : f32 to vector<16xf32>
    %mul3A_1778 = arith.mulf %convert_element_type3A_1775, %mul3A_1777 : vector<16xf32>
    %convert_element_type3A_1779 = arith.fptosi %mul3A_1778 : vector<16xf32> to vector<16xi32>
    %mul3A_1780 = arith.constant 960 : i32
    %mul3A_1781 = vector.broadcast %mul3A_1780 : i32 to vector<16xi32>
    %mul3A_1782 = arith.muli %convert_element_type3A_1779, %mul3A_1781 : vector<16xi32>
    %sub3A_1783 = arith.subi %get3A_1774, %mul3A_1782 : vector<16xi32>
    %lt3A_1784 = arith.constant 0 : i32
    %lt3A_1785 = vector.broadcast %lt3A_1784 : i32 to vector<16xi32>
    %lt3A_1786 = arith.cmpi slt, %sub3A_1783, %lt3A_1785 : vector<16xi32>
    %add3A_1787 = arith.constant 960 : i32
    %add3A_1788 = vector.broadcast %add3A_1787 : i32 to vector<16xi32>
    %add3A_1789 = arith.addi %sub3A_1783, %add3A_1788 : vector<16xi32>
    %select_n3A_1790 = arith.select %lt3A_1786, %add3A_1789, %sub3A_1783 : vector<16xi1>, vector<16xi32>
    %ge3A_1791 = arith.constant 960 : i32
    %ge3A_1792 = vector.broadcast %ge3A_1791 : i32 to vector<16xi32>
    %ge3A_1793 = arith.cmpi sge, %select_n3A_1790, %ge3A_1792 : vector<16xi32>
    %sub3A_1794 = arith.constant 960 : i32
    %sub3A_1795 = vector.broadcast %sub3A_1794 : i32 to vector<16xi32>
    %sub3A_1796 = arith.subi %select_n3A_1790, %sub3A_1795 : vector<16xi32>
    %select_n3A_1797 = arith.select %ge3A_1793, %sub3A_1796, %select_n3A_1790 : vector<16xi1>, vector<16xi32>
    %convert_element_type3A_1798 = arith.sitofp %select_n3A_1797 : vector<16xi32> to vector<16xf32>
    %add3A_1799 = arith.constant 1.000000e+00 : f32
    %add3A_1800 = vector.broadcast %add3A_1799 : f32 to vector<16xf32>
    %add3A_1801 = arith.addf %convert_element_type3A_1798, %add3A_1800 : vector<16xf32>
    %swap3A_1802 = arith.constant 448 : index
    %swap3A_1803 = tpu.vector_load %arg11[%swap3A_1802] {strides = array<i32>} : memref<896xf32, #tpu.memory_space<vmem>>, vector<16xf32>,
    tpu.vector_store %arg11[%swap3A_1802], %add3A_1801 {strides = array<i32>} : memref<896xf32, #tpu.memory_space<vmem>>, vector<16xf32>,
    %add3A_1804 = arith.constant 448 : i32
    %add3A_1805 = vector.broadcast %add3A_1804 : i32 to vector<16xi32>
    %add3A_1806 = arith.addi %iota3A, %add3A_1805 : vector<16xi32>
    %mul3A_1807 = arith.constant 4 : i32
    %mul3A_1808 = vector.broadcast %mul3A_1807 : i32 to vector<16xi32>
    %mul3A_1809 = arith.muli %add3A_1806, %mul3A_1808 : vector<16xi32>
    %gather3A_1810 = tpu.vector_load_idx %arg13[%mul3A_1809] : memref<3584xi32, #tpu.memory_space<vmem>>[vector<16xi32>], vector<16xi32>,
    %add3A_1811 = arith.constant 1 : i32
    %add3A_1812 = vector.broadcast %add3A_1811 : i32 to vector<16xi32>
    %add3A_1813 = arith.addi %mul3A_1809, %add3A_1812 : vector<16xi32>
    %gather3A_1814 = tpu.vector_load_idx %arg13[%add3A_1813] : memref<3584xi32, #tpu.memory_space<vmem>>[vector<16xi32>], vector<16xi32>,
    %mul3A_1815 = arith.constant 200 : i32
    %mul3A_1816 = vector.broadcast %mul3A_1815 : i32 to vector<16xi32>
    %mul3A_1817 = arith.muli %gather3A_1810, %mul3A_1816 : vector<16xi32>
    %add3A_1818 = arith.addi %mul3A_1817, %gather3A_1814 : vector<16xi32>
    %shift_right_logical3A_1819 = arith.constant 3 : i32
    %shift_right_logical3A_1820 = vector.broadcast %shift_right_logical3A_1819 : i32 to vector<16xi32>
    %shift_right_logical3A_1821 = arith.shrui %gather3A_1810, %shift_right_logical3A_1820 : vector<16xi32>
    %mul3A_1822 = arith.constant 448 : i32
    %mul3A_1823 = vector.broadcast %mul3A_1822 : i32 to vector<16xi32>
    %mul3A_1824 = arith.muli %shift_right_logical3A_1821, %mul3A_1823 : vector<16xi32>
    %add3A_1825 = arith.addi %add3A_1818, %mul3A_1824 : vector<16xi32>
    %swap3A_1826 = arith.constant 3 : i32
    %swap3A_1827 = arith.index_cast %swap3A_1826 : i32 to index
    %swap3A_1828 = arith.constant 64 : index
    %swap3A_1829 = tpu.vector_load %arg12[%swap3A_1827, %swap3A_1828] {strides = array<i32>} : memref<7x128xi32, #tpu.memory_space<vmem>>, vector<16xi32>,
    tpu.vector_store %arg12[%swap3A_1827, %swap3A_1828], %add3A_1825 {strides = array<i32>} : memref<7x128xi32, #tpu.memory_space<vmem>>, vector<16xi32>,
    %get3A_1830 = arith.constant 464 : index
    %get3A_1831 = tpu.vector_load %arg9[%get3A_1830] {strides = array<i32>} : memref<896xi32, #tpu.memory_space<vmem>>, vector<16xi32>,
    %convert_element_type3A_1832 = arith.sitofp %get3A_1831 : vector<16xi32> to vector<16xf32>
    %mul3A_1833 = arith.constant 0.00104166672 : f32
    %mul3A_1834 = vector.broadcast %mul3A_1833 : f32 to vector<16xf32>
    %mul3A_1835 = arith.mulf %convert_element_type3A_1832, %mul3A_1834 : vector<16xf32>
    %convert_element_type3A_1836 = arith.fptosi %mul3A_1835 : vector<16xf32> to vector<16xi32>
    %mul3A_1837 = arith.constant 960 : i32
    %mul3A_1838 = vector.broadcast %mul3A_1837 : i32 to vector<16xi32>
    %mul3A_1839 = arith.muli %convert_element_type3A_1836, %mul3A_1838 : vector<16xi32>
    %sub3A_1840 = arith.subi %get3A_1831, %mul3A_1839 : vector<16xi32>
    %lt3A_1841 = arith.constant 0 : i32
    %lt3A_1842 = vector.broadcast %lt3A_1841 : i32 to vector<16xi32>
    %lt3A_1843 = arith.cmpi slt, %sub3A_1840, %lt3A_1842 : vector<16xi32>
    %add3A_1844 = arith.constant 960 : i32
    %add3A_1845 = vector.broadcast %add3A_1844 : i32 to vector<16xi32>
    %add3A_1846 = arith.addi %sub3A_1840, %add3A_1845 : vector<16xi32>
    %select_n3A_1847 = arith.select %lt3A_1843, %add3A_1846, %sub3A_1840 : vector<16xi1>, vector<16xi32>
    %ge3A_1848 = arith.constant 960 : i32
    %ge3A_1849 = vector.broadcast %ge3A_1848 : i32 to vector<16xi32>
    %ge3A_1850 = arith.cmpi sge, %select_n3A_1847, %ge3A_1849 : vector<16xi32>
    %sub3A_1851 = arith.constant 960 : i32
    %sub3A_1852 = vector.broadcast %sub3A_1851 : i32 to vector<16xi32>
    %sub3A_1853 = arith.subi %select_n3A_1847, %sub3A_1852 : vector<16xi32>
    %select_n3A_1854 = arith.select %ge3A_1850, %sub3A_1853, %select_n3A_1847 : vector<16xi1>, vector<16xi32>
    %convert_element_type3A_1855 = arith.sitofp %select_n3A_1854 : vector<16xi32> to vector<16xf32>
    %add3A_1856 = arith.constant 1.000000e+00 : f32
    %add3A_1857 = vector.broadcast %add3A_1856 : f32 to vector<16xf32>
    %add3A_1858 = arith.addf %convert_element_type3A_1855, %add3A_1857 : vector<16xf32>
    %swap3A_1859 = arith.constant 464 : index
    %swap3A_1860 = tpu.vector_load %arg11[%swap3A_1859] {strides = array<i32>} : memref<896xf32, #tpu.memory_space<vmem>>, vector<16xf32>,
    tpu.vector_store %arg11[%swap3A_1859], %add3A_1858 {strides = array<i32>} : memref<896xf32, #tpu.memory_space<vmem>>, vector<16xf32>,
    %add3A_1861 = arith.constant 464 : i32
    %add3A_1862 = vector.broadcast %add3A_1861 : i32 to vector<16xi32>
    %add3A_1863 = arith.addi %iota3A, %add3A_1862 : vector<16xi32>
    %mul3A_1864 = arith.constant 4 : i32
    %mul3A_1865 = vector.broadcast %mul3A_1864 : i32 to vector<16xi32>
    %mul3A_1866 = arith.muli %add3A_1863, %mul3A_1865 : vector<16xi32>
    %gather3A_1867 = tpu.vector_load_idx %arg13[%mul3A_1866] : memref<3584xi32, #tpu.memory_space<vmem>>[vector<16xi32>], vector<16xi32>,
    %add3A_1868 = arith.constant 1 : i32
    %add3A_1869 = vector.broadcast %add3A_1868 : i32 to vector<16xi32>
    %add3A_1870 = arith.addi %mul3A_1866, %add3A_1869 : vector<16xi32>
    %gather3A_1871 = tpu.vector_load_idx %arg13[%add3A_1870] : memref<3584xi32, #tpu.memory_space<vmem>>[vector<16xi32>], vector<16xi32>,
    %mul3A_1872 = arith.constant 200 : i32
    %mul3A_1873 = vector.broadcast %mul3A_1872 : i32 to vector<16xi32>
    %mul3A_1874 = arith.muli %gather3A_1867, %mul3A_1873 : vector<16xi32>
    %add3A_1875 = arith.addi %mul3A_1874, %gather3A_1871 : vector<16xi32>
    %shift_right_logical3A_1876 = arith.constant 3 : i32
    %shift_right_logical3A_1877 = vector.broadcast %shift_right_logical3A_1876 : i32 to vector<16xi32>
    %shift_right_logical3A_1878 = arith.shrui %gather3A_1867, %shift_right_logical3A_1877 : vector<16xi32>
    %mul3A_1879 = arith.constant 448 : i32
    %mul3A_1880 = vector.broadcast %mul3A_1879 : i32 to vector<16xi32>
    %mul3A_1881 = arith.muli %shift_right_logical3A_1878, %mul3A_1880 : vector<16xi32>
    %add3A_1882 = arith.addi %add3A_1875, %mul3A_1881 : vector<16xi32>
    %swap3A_1883 = arith.constant 3 : i32
    %swap3A_1884 = arith.index_cast %swap3A_1883 : i32 to index
    %swap3A_1885 = arith.constant 80 : index
    %swap3A_1886 = tpu.vector_load %arg12[%swap3A_1884, %swap3A_1885] {strides = array<i32>} : memref<7x128xi32, #tpu.memory_space<vmem>>, vector<16xi32>,
    tpu.vector_store %arg12[%swap3A_1884, %swap3A_1885], %add3A_1882 {strides = array<i32>} : memref<7x128xi32, #tpu.memory_space<vmem>>, vector<16xi32>,
    %get3A_1887 = arith.constant 480 : index
    %get3A_1888 = tpu.vector_load %arg9[%get3A_1887] {strides = array<i32>} : memref<896xi32, #tpu.memory_space<vmem>>, vector<16xi32>,
    %convert_element_type3A_1889 = arith.sitofp %get3A_1888 : vector<16xi32> to vector<16xf32>
    %mul3A_1890 = arith.constant 0.00104166672 : f32
    %mul3A_1891 = vector.broadcast %mul3A_1890 : f32 to vector<16xf32>
    %mul3A_1892 = arith.mulf %convert_element_type3A_1889, %mul3A_1891 : vector<16xf32>
    %convert_element_type3A_1893 = arith.fptosi %mul3A_1892 : vector<16xf32> to vector<16xi32>
    %mul3A_1894 = arith.constant 960 : i32
    %mul3A_1895 = vector.broadcast %mul3A_1894 : i32 to vector<16xi32>
    %mul3A_1896 = arith.muli %convert_element_type3A_1893, %mul3A_1895 : vector<16xi32>
    %sub3A_1897 = arith.subi %get3A_1888, %mul3A_1896 : vector<16xi32>
    %lt3A_1898 = arith.constant 0 : i32
    %lt3A_1899 = vector.broadcast %lt3A_1898 : i32 to vector<16xi32>
    %lt3A_1900 = arith.cmpi slt, %sub3A_1897, %lt3A_1899 : vector<16xi32>
    %add3A_1901 = arith.constant 960 : i32
    %add3A_1902 = vector.broadcast %add3A_1901 : i32 to vector<16xi32>
    %add3A_1903 = arith.addi %sub3A_1897, %add3A_1902 : vector<16xi32>
    %select_n3A_1904 = arith.select %lt3A_1900, %add3A_1903, %sub3A_1897 : vector<16xi1>, vector<16xi32>
    %ge3A_1905 = arith.constant 960 : i32
    %ge3A_1906 = vector.broadcast %ge3A_1905 : i32 to vector<16xi32>
    %ge3A_1907 = arith.cmpi sge, %select_n3A_1904, %ge3A_1906 : vector<16xi32>
    %sub3A_1908 = arith.constant 960 : i32
    %sub3A_1909 = vector.broadcast %sub3A_1908 : i32 to vector<16xi32>
    %sub3A_1910 = arith.subi %select_n3A_1904, %sub3A_1909 : vector<16xi32>
    %select_n3A_1911 = arith.select %ge3A_1907, %sub3A_1910, %select_n3A_1904 : vector<16xi1>, vector<16xi32>
    %convert_element_type3A_1912 = arith.sitofp %select_n3A_1911 : vector<16xi32> to vector<16xf32>
    %add3A_1913 = arith.constant 1.000000e+00 : f32
    %add3A_1914 = vector.broadcast %add3A_1913 : f32 to vector<16xf32>
    %add3A_1915 = arith.addf %convert_element_type3A_1912, %add3A_1914 : vector<16xf32>
    %swap3A_1916 = arith.constant 480 : index
    %swap3A_1917 = tpu.vector_load %arg11[%swap3A_1916] {strides = array<i32>} : memref<896xf32, #tpu.memory_space<vmem>>, vector<16xf32>,
    tpu.vector_store %arg11[%swap3A_1916], %add3A_1915 {strides = array<i32>} : memref<896xf32, #tpu.memory_space<vmem>>, vector<16xf32>,
    %add3A_1918 = arith.constant 480 : i32
    %add3A_1919 = vector.broadcast %add3A_1918 : i32 to vector<16xi32>
    %add3A_1920 = arith.addi %iota3A, %add3A_1919 : vector<16xi32>
    %mul3A_1921 = arith.constant 4 : i32
    %mul3A_1922 = vector.broadcast %mul3A_1921 : i32 to vector<16xi32>
    %mul3A_1923 = arith.muli %add3A_1920, %mul3A_1922 : vector<16xi32>
    %gather3A_1924 = tpu.vector_load_idx %arg13[%mul3A_1923] : memref<3584xi32, #tpu.memory_space<vmem>>[vector<16xi32>], vector<16xi32>,
    %add3A_1925 = arith.constant 1 : i32
    %add3A_1926 = vector.broadcast %add3A_1925 : i32 to vector<16xi32>
    %add3A_1927 = arith.addi %mul3A_1923, %add3A_1926 : vector<16xi32>
    %gather3A_1928 = tpu.vector_load_idx %arg13[%add3A_1927] : memref<3584xi32, #tpu.memory_space<vmem>>[vector<16xi32>], vector<16xi32>,
    %mul3A_1929 = arith.constant 200 : i32
    %mul3A_1930 = vector.broadcast %mul3A_1929 : i32 to vector<16xi32>
    %mul3A_1931 = arith.muli %gather3A_1924, %mul3A_1930 : vector<16xi32>
    %add3A_1932 = arith.addi %mul3A_1931, %gather3A_1928 : vector<16xi32>
    %shift_right_logical3A_1933 = arith.constant 3 : i32
    %shift_right_logical3A_1934 = vector.broadcast %shift_right_logical3A_1933 : i32 to vector<16xi32>
    %shift_right_logical3A_1935 = arith.shrui %gather3A_1924, %shift_right_logical3A_1934 : vector<16xi32>
    %mul3A_1936 = arith.constant 448 : i32
    %mul3A_1937 = vector.broadcast %mul3A_1936 : i32 to vector<16xi32>
    %mul3A_1938 = arith.muli %shift_right_logical3A_1935, %mul3A_1937 : vector<16xi32>
    %add3A_1939 = arith.addi %add3A_1932, %mul3A_1938 : vector<16xi32>
    %swap3A_1940 = arith.constant 3 : i32
    %swap3A_1941 = arith.index_cast %swap3A_1940 : i32 to index
    %swap3A_1942 = arith.constant 96 : index
    %swap3A_1943 = tpu.vector_load %arg12[%swap3A_1941, %swap3A_1942] {strides = array<i32>} : memref<7x128xi32, #tpu.memory_space<vmem>>, vector<16xi32>,
    tpu.vector_store %arg12[%swap3A_1941, %swap3A_1942], %add3A_1939 {strides = array<i32>} : memref<7x128xi32, #tpu.memory_space<vmem>>, vector<16xi32>,
    %get3A_1944 = arith.constant 496 : index
    %get3A_1945 = tpu.vector_load %arg9[%get3A_1944] {strides = array<i32>} : memref<896xi32, #tpu.memory_space<vmem>>, vector<16xi32>,
    %convert_element_type3A_1946 = arith.sitofp %get3A_1945 : vector<16xi32> to vector<16xf32>
    %mul3A_1947 = arith.constant 0.00104166672 : f32
    %mul3A_1948 = vector.broadcast %mul3A_1947 : f32 to vector<16xf32>
    %mul3A_1949 = arith.mulf %convert_element_type3A_1946, %mul3A_1948 : vector<16xf32>
    %convert_element_type3A_1950 = arith.fptosi %mul3A_1949 : vector<16xf32> to vector<16xi32>
    %mul3A_1951 = arith.constant 960 : i32
    %mul3A_1952 = vector.broadcast %mul3A_1951 : i32 to vector<16xi32>
    %mul3A_1953 = arith.muli %convert_element_type3A_1950, %mul3A_1952 : vector<16xi32>
    %sub3A_1954 = arith.subi %get3A_1945, %mul3A_1953 : vector<16xi32>
    %lt3A_1955 = arith.constant 0 : i32
    %lt3A_1956 = vector.broadcast %lt3A_1955 : i32 to vector<16xi32>
    %lt3A_1957 = arith.cmpi slt, %sub3A_1954, %lt3A_1956 : vector<16xi32>
    %add3A_1958 = arith.constant 960 : i32
    %add3A_1959 = vector.broadcast %add3A_1958 : i32 to vector<16xi32>
    %add3A_1960 = arith.addi %sub3A_1954, %add3A_1959 : vector<16xi32>
    %select_n3A_1961 = arith.select %lt3A_1957, %add3A_1960, %sub3A_1954 : vector<16xi1>, vector<16xi32>
    %ge3A_1962 = arith.constant 960 : i32
    %ge3A_1963 = vector.broadcast %ge3A_1962 : i32 to vector<16xi32>
    %ge3A_1964 = arith.cmpi sge, %select_n3A_1961, %ge3A_1963 : vector<16xi32>
    %sub3A_1965 = arith.constant 960 : i32
    %sub3A_1966 = vector.broadcast %sub3A_1965 : i32 to vector<16xi32>
    %sub3A_1967 = arith.subi %select_n3A_1961, %sub3A_1966 : vector<16xi32>
    %select_n3A_1968 = arith.select %ge3A_1964, %sub3A_1967, %select_n3A_1961 : vector<16xi1>, vector<16xi32>
    %convert_element_type3A_1969 = arith.sitofp %select_n3A_1968 : vector<16xi32> to vector<16xf32>
    %add3A_1970 = arith.constant 1.000000e+00 : f32
    %add3A_1971 = vector.broadcast %add3A_1970 : f32 to vector<16xf32>
    %add3A_1972 = arith.addf %convert_element_type3A_1969, %add3A_1971 : vector<16xf32>
    %swap3A_1973 = arith.constant 496 : index
    %swap3A_1974 = tpu.vector_load %arg11[%swap3A_1973] {strides = array<i32>} : memref<896xf32, #tpu.memory_space<vmem>>, vector<16xf32>,
    tpu.vector_store %arg11[%swap3A_1973], %add3A_1972 {strides = array<i32>} : memref<896xf32, #tpu.memory_space<vmem>>, vector<16xf32>,
    %add3A_1975 = arith.constant 496 : i32
    %add3A_1976 = vector.broadcast %add3A_1975 : i32 to vector<16xi32>
    %add3A_1977 = arith.addi %iota3A, %add3A_1976 : vector<16xi32>
    %mul3A_1978 = arith.constant 4 : i32
    %mul3A_1979 = vector.broadcast %mul3A_1978 : i32 to vector<16xi32>
    %mul3A_1980 = arith.muli %add3A_1977, %mul3A_1979 : vector<16xi32>
    %gather3A_1981 = tpu.vector_load_idx %arg13[%mul3A_1980] : memref<3584xi32, #tpu.memory_space<vmem>>[vector<16xi32>], vector<16xi32>,
    %add3A_1982 = arith.constant 1 : i32
    %add3A_1983 = vector.broadcast %add3A_1982 : i32 to vector<16xi32>
    %add3A_1984 = arith.addi %mul3A_1980, %add3A_1983 : vector<16xi32>
    %gather3A_1985 = tpu.vector_load_idx %arg13[%add3A_1984] : memref<3584xi32, #tpu.memory_space<vmem>>[vector<16xi32>], vector<16xi32>,
    %mul3A_1986 = arith.constant 200 : i32
    %mul3A_1987 = vector.broadcast %mul3A_1986 : i32 to vector<16xi32>
    %mul3A_1988 = arith.muli %gather3A_1981, %mul3A_1987 : vector<16xi32>
    %add3A_1989 = arith.addi %mul3A_1988, %gather3A_1985 : vector<16xi32>
    %shift_right_logical3A_1990 = arith.constant 3 : i32
    %shift_right_logical3A_1991 = vector.broadcast %shift_right_logical3A_1990 : i32 to vector<16xi32>
    %shift_right_logical3A_1992 = arith.shrui %gather3A_1981, %shift_right_logical3A_1991 : vector<16xi32>
    %mul3A_1993 = arith.constant 448 : i32
    %mul3A_1994 = vector.broadcast %mul3A_1993 : i32 to vector<16xi32>
    %mul3A_1995 = arith.muli %shift_right_logical3A_1992, %mul3A_1994 : vector<16xi32>
    %add3A_1996 = arith.addi %add3A_1989, %mul3A_1995 : vector<16xi32>
    %swap3A_1997 = arith.constant 3 : i32
    %swap3A_1998 = arith.index_cast %swap3A_1997 : i32 to index
    %swap3A_1999 = arith.constant 112 : index
    %swap3A_2000 = tpu.vector_load %arg12[%swap3A_1998, %swap3A_1999] {strides = array<i32>} : memref<7x128xi32, #tpu.memory_space<vmem>>, vector<16xi32>,
    tpu.vector_store %arg12[%swap3A_1998, %swap3A_1999], %add3A_1996 {strides = array<i32>} : memref<7x128xi32, #tpu.memory_space<vmem>>, vector<16xi32>,
    %get3A_2001 = arith.constant 512 : index
    %get3A_2002 = tpu.vector_load %arg9[%get3A_2001] {strides = array<i32>} : memref<896xi32, #tpu.memory_space<vmem>>, vector<16xi32>,
    %convert_element_type3A_2003 = arith.sitofp %get3A_2002 : vector<16xi32> to vector<16xf32>
    %mul3A_2004 = arith.constant 0.00104166672 : f32
    %mul3A_2005 = vector.broadcast %mul3A_2004 : f32 to vector<16xf32>
    %mul3A_2006 = arith.mulf %convert_element_type3A_2003, %mul3A_2005 : vector<16xf32>
    %convert_element_type3A_2007 = arith.fptosi %mul3A_2006 : vector<16xf32> to vector<16xi32>
    %mul3A_2008 = arith.constant 960 : i32
    %mul3A_2009 = vector.broadcast %mul3A_2008 : i32 to vector<16xi32>
    %mul3A_2010 = arith.muli %convert_element_type3A_2007, %mul3A_2009 : vector<16xi32>
    %sub3A_2011 = arith.subi %get3A_2002, %mul3A_2010 : vector<16xi32>
    %lt3A_2012 = arith.constant 0 : i32
    %lt3A_2013 = vector.broadcast %lt3A_2012 : i32 to vector<16xi32>
    %lt3A_2014 = arith.cmpi slt, %sub3A_2011, %lt3A_2013 : vector<16xi32>
    %add3A_2015 = arith.constant 960 : i32
    %add3A_2016 = vector.broadcast %add3A_2015 : i32 to vector<16xi32>
    %add3A_2017 = arith.addi %sub3A_2011, %add3A_2016 : vector<16xi32>
    %select_n3A_2018 = arith.select %lt3A_2014, %add3A_2017, %sub3A_2011 : vector<16xi1>, vector<16xi32>
    %ge3A_2019 = arith.constant 960 : i32
    %ge3A_2020 = vector.broadcast %ge3A_2019 : i32 to vector<16xi32>
    %ge3A_2021 = arith.cmpi sge, %select_n3A_2018, %ge3A_2020 : vector<16xi32>
    %sub3A_2022 = arith.constant 960 : i32
    %sub3A_2023 = vector.broadcast %sub3A_2022 : i32 to vector<16xi32>
    %sub3A_2024 = arith.subi %select_n3A_2018, %sub3A_2023 : vector<16xi32>
    %select_n3A_2025 = arith.select %ge3A_2021, %sub3A_2024, %select_n3A_2018 : vector<16xi1>, vector<16xi32>
    %convert_element_type3A_2026 = arith.sitofp %select_n3A_2025 : vector<16xi32> to vector<16xf32>
    %add3A_2027 = arith.constant 1.000000e+00 : f32
    %add3A_2028 = vector.broadcast %add3A_2027 : f32 to vector<16xf32>
    %add3A_2029 = arith.addf %convert_element_type3A_2026, %add3A_2028 : vector<16xf32>
    %swap3A_2030 = arith.constant 512 : index
    %swap3A_2031 = tpu.vector_load %arg11[%swap3A_2030] {strides = array<i32>} : memref<896xf32, #tpu.memory_space<vmem>>, vector<16xf32>,
    tpu.vector_store %arg11[%swap3A_2030], %add3A_2029 {strides = array<i32>} : memref<896xf32, #tpu.memory_space<vmem>>, vector<16xf32>,
    %add3A_2032 = arith.constant 512 : i32
    %add3A_2033 = vector.broadcast %add3A_2032 : i32 to vector<16xi32>
    %add3A_2034 = arith.addi %iota3A, %add3A_2033 : vector<16xi32>
    %mul3A_2035 = arith.constant 4 : i32
    %mul3A_2036 = vector.broadcast %mul3A_2035 : i32 to vector<16xi32>
    %mul3A_2037 = arith.muli %add3A_2034, %mul3A_2036 : vector<16xi32>
    %gather3A_2038 = tpu.vector_load_idx %arg13[%mul3A_2037] : memref<3584xi32, #tpu.memory_space<vmem>>[vector<16xi32>], vector<16xi32>,
    %add3A_2039 = arith.constant 1 : i32
    %add3A_2040 = vector.broadcast %add3A_2039 : i32 to vector<16xi32>
    %add3A_2041 = arith.addi %mul3A_2037, %add3A_2040 : vector<16xi32>
    %gather3A_2042 = tpu.vector_load_idx %arg13[%add3A_2041] : memref<3584xi32, #tpu.memory_space<vmem>>[vector<16xi32>], vector<16xi32>,
    %mul3A_2043 = arith.constant 200 : i32
    %mul3A_2044 = vector.broadcast %mul3A_2043 : i32 to vector<16xi32>
    %mul3A_2045 = arith.muli %gather3A_2038, %mul3A_2044 : vector<16xi32>
    %add3A_2046 = arith.addi %mul3A_2045, %gather3A_2042 : vector<16xi32>
    %shift_right_logical3A_2047 = arith.constant 3 : i32
    %shift_right_logical3A_2048 = vector.broadcast %shift_right_logical3A_2047 : i32 to vector<16xi32>
    %shift_right_logical3A_2049 = arith.shrui %gather3A_2038, %shift_right_logical3A_2048 : vector<16xi32>
    %mul3A_2050 = arith.constant 448 : i32
    %mul3A_2051 = vector.broadcast %mul3A_2050 : i32 to vector<16xi32>
    %mul3A_2052 = arith.muli %shift_right_logical3A_2049, %mul3A_2051 : vector<16xi32>
    %add3A_2053 = arith.addi %add3A_2046, %mul3A_2052 : vector<16xi32>
    %swap3A_2054 = arith.constant 4 : i32
    %swap3A_2055 = arith.index_cast %swap3A_2054 : i32 to index
    %swap3A_2056 = arith.constant 0 : index
    %swap3A_2057 = tpu.vector_load %arg12[%swap3A_2055, %swap3A_2056] {strides = array<i32>} : memref<7x128xi32, #tpu.memory_space<vmem>>, vector<16xi32>,
    tpu.vector_store %arg12[%swap3A_2055, %swap3A_2056], %add3A_2053 {strides = array<i32>} : memref<7x128xi32, #tpu.memory_space<vmem>>, vector<16xi32>,
    %get3A_2058 = arith.constant 528 : index
    %get3A_2059 = tpu.vector_load %arg9[%get3A_2058] {strides = array<i32>} : memref<896xi32, #tpu.memory_space<vmem>>, vector<16xi32>,
    %convert_element_type3A_2060 = arith.sitofp %get3A_2059 : vector<16xi32> to vector<16xf32>
    %mul3A_2061 = arith.constant 0.00104166672 : f32
    %mul3A_2062 = vector.broadcast %mul3A_2061 : f32 to vector<16xf32>
    %mul3A_2063 = arith.mulf %convert_element_type3A_2060, %mul3A_2062 : vector<16xf32>
    %convert_element_type3A_2064 = arith.fptosi %mul3A_2063 : vector<16xf32> to vector<16xi32>
    %mul3A_2065 = arith.constant 960 : i32
    %mul3A_2066 = vector.broadcast %mul3A_2065 : i32 to vector<16xi32>
    %mul3A_2067 = arith.muli %convert_element_type3A_2064, %mul3A_2066 : vector<16xi32>
    %sub3A_2068 = arith.subi %get3A_2059, %mul3A_2067 : vector<16xi32>
    %lt3A_2069 = arith.constant 0 : i32
    %lt3A_2070 = vector.broadcast %lt3A_2069 : i32 to vector<16xi32>
    %lt3A_2071 = arith.cmpi slt, %sub3A_2068, %lt3A_2070 : vector<16xi32>
    %add3A_2072 = arith.constant 960 : i32
    %add3A_2073 = vector.broadcast %add3A_2072 : i32 to vector<16xi32>
    %add3A_2074 = arith.addi %sub3A_2068, %add3A_2073 : vector<16xi32>
    %select_n3A_2075 = arith.select %lt3A_2071, %add3A_2074, %sub3A_2068 : vector<16xi1>, vector<16xi32>
    %ge3A_2076 = arith.constant 960 : i32
    %ge3A_2077 = vector.broadcast %ge3A_2076 : i32 to vector<16xi32>
    %ge3A_2078 = arith.cmpi sge, %select_n3A_2075, %ge3A_2077 : vector<16xi32>
    %sub3A_2079 = arith.constant 960 : i32
    %sub3A_2080 = vector.broadcast %sub3A_2079 : i32 to vector<16xi32>
    %sub3A_2081 = arith.subi %select_n3A_2075, %sub3A_2080 : vector<16xi32>
    %select_n3A_2082 = arith.select %ge3A_2078, %sub3A_2081, %select_n3A_2075 : vector<16xi1>, vector<16xi32>
    %convert_element_type3A_2083 = arith.sitofp %select_n3A_2082 : vector<16xi32> to vector<16xf32>
    %add3A_2084 = arith.constant 1.000000e+00 : f32
    %add3A_2085 = vector.broadcast %add3A_2084 : f32 to vector<16xf32>
    %add3A_2086 = arith.addf %convert_element_type3A_2083, %add3A_2085 : vector<16xf32>
    %swap3A_2087 = arith.constant 528 : index
    %swap3A_2088 = tpu.vector_load %arg11[%swap3A_2087] {strides = array<i32>} : memref<896xf32, #tpu.memory_space<vmem>>, vector<16xf32>,
    tpu.vector_store %arg11[%swap3A_2087], %add3A_2086 {strides = array<i32>} : memref<896xf32, #tpu.memory_space<vmem>>, vector<16xf32>,
    %add3A_2089 = arith.constant 528 : i32
    %add3A_2090 = vector.broadcast %add3A_2089 : i32 to vector<16xi32>
    %add3A_2091 = arith.addi %iota3A, %add3A_2090 : vector<16xi32>
    %mul3A_2092 = arith.constant 4 : i32
    %mul3A_2093 = vector.broadcast %mul3A_2092 : i32 to vector<16xi32>
    %mul3A_2094 = arith.muli %add3A_2091, %mul3A_2093 : vector<16xi32>
    %gather3A_2095 = tpu.vector_load_idx %arg13[%mul3A_2094] : memref<3584xi32, #tpu.memory_space<vmem>>[vector<16xi32>], vector<16xi32>,
    %add3A_2096 = arith.constant 1 : i32
    %add3A_2097 = vector.broadcast %add3A_2096 : i32 to vector<16xi32>
    %add3A_2098 = arith.addi %mul3A_2094, %add3A_2097 : vector<16xi32>
    %gather3A_2099 = tpu.vector_load_idx %arg13[%add3A_2098] : memref<3584xi32, #tpu.memory_space<vmem>>[vector<16xi32>], vector<16xi32>,
    %mul3A_2100 = arith.constant 200 : i32
    %mul3A_2101 = vector.broadcast %mul3A_2100 : i32 to vector<16xi32>
    %mul3A_2102 = arith.muli %gather3A_2095, %mul3A_2101 : vector<16xi32>
    %add3A_2103 = arith.addi %mul3A_2102, %gather3A_2099 : vector<16xi32>
    %shift_right_logical3A_2104 = arith.constant 3 : i32
    %shift_right_logical3A_2105 = vector.broadcast %shift_right_logical3A_2104 : i32 to vector<16xi32>
    %shift_right_logical3A_2106 = arith.shrui %gather3A_2095, %shift_right_logical3A_2105 : vector<16xi32>
    %mul3A_2107 = arith.constant 448 : i32
    %mul3A_2108 = vector.broadcast %mul3A_2107 : i32 to vector<16xi32>
    %mul3A_2109 = arith.muli %shift_right_logical3A_2106, %mul3A_2108 : vector<16xi32>
    %add3A_2110 = arith.addi %add3A_2103, %mul3A_2109 : vector<16xi32>
    %swap3A_2111 = arith.constant 4 : i32
    %swap3A_2112 = arith.index_cast %swap3A_2111 : i32 to index
    %swap3A_2113 = arith.constant 16 : index
    %swap3A_2114 = tpu.vector_load %arg12[%swap3A_2112, %swap3A_2113] {strides = array<i32>} : memref<7x128xi32, #tpu.memory_space<vmem>>, vector<16xi32>,
    tpu.vector_store %arg12[%swap3A_2112, %swap3A_2113], %add3A_2110 {strides = array<i32>} : memref<7x128xi32, #tpu.memory_space<vmem>>, vector<16xi32>,
    %get3A_2115 = arith.constant 544 : index
    %get3A_2116 = tpu.vector_load %arg9[%get3A_2115] {strides = array<i32>} : memref<896xi32, #tpu.memory_space<vmem>>, vector<16xi32>,
    %convert_element_type3A_2117 = arith.sitofp %get3A_2116 : vector<16xi32> to vector<16xf32>
    %mul3A_2118 = arith.constant 0.00104166672 : f32
    %mul3A_2119 = vector.broadcast %mul3A_2118 : f32 to vector<16xf32>
    %mul3A_2120 = arith.mulf %convert_element_type3A_2117, %mul3A_2119 : vector<16xf32>
    %convert_element_type3A_2121 = arith.fptosi %mul3A_2120 : vector<16xf32> to vector<16xi32>
    %mul3A_2122 = arith.constant 960 : i32
    %mul3A_2123 = vector.broadcast %mul3A_2122 : i32 to vector<16xi32>
    %mul3A_2124 = arith.muli %convert_element_type3A_2121, %mul3A_2123 : vector<16xi32>
    %sub3A_2125 = arith.subi %get3A_2116, %mul3A_2124 : vector<16xi32>
    %lt3A_2126 = arith.constant 0 : i32
    %lt3A_2127 = vector.broadcast %lt3A_2126 : i32 to vector<16xi32>
    %lt3A_2128 = arith.cmpi slt, %sub3A_2125, %lt3A_2127 : vector<16xi32>
    %add3A_2129 = arith.constant 960 : i32
    %add3A_2130 = vector.broadcast %add3A_2129 : i32 to vector<16xi32>
    %add3A_2131 = arith.addi %sub3A_2125, %add3A_2130 : vector<16xi32>
    %select_n3A_2132 = arith.select %lt3A_2128, %add3A_2131, %sub3A_2125 : vector<16xi1>, vector<16xi32>
    %ge3A_2133 = arith.constant 960 : i32
    %ge3A_2134 = vector.broadcast %ge3A_2133 : i32 to vector<16xi32>
    %ge3A_2135 = arith.cmpi sge, %select_n3A_2132, %ge3A_2134 : vector<16xi32>
    %sub3A_2136 = arith.constant 960 : i32
    %sub3A_2137 = vector.broadcast %sub3A_2136 : i32 to vector<16xi32>
    %sub3A_2138 = arith.subi %select_n3A_2132, %sub3A_2137 : vector<16xi32>
    %select_n3A_2139 = arith.select %ge3A_2135, %sub3A_2138, %select_n3A_2132 : vector<16xi1>, vector<16xi32>
    %convert_element_type3A_2140 = arith.sitofp %select_n3A_2139 : vector<16xi32> to vector<16xf32>
    %add3A_2141 = arith.constant 1.000000e+00 : f32
    %add3A_2142 = vector.broadcast %add3A_2141 : f32 to vector<16xf32>
    %add3A_2143 = arith.addf %convert_element_type3A_2140, %add3A_2142 : vector<16xf32>
    %swap3A_2144 = arith.constant 544 : index
    %swap3A_2145 = tpu.vector_load %arg11[%swap3A_2144] {strides = array<i32>} : memref<896xf32, #tpu.memory_space<vmem>>, vector<16xf32>,
    tpu.vector_store %arg11[%swap3A_2144], %add3A_2143 {strides = array<i32>} : memref<896xf32, #tpu.memory_space<vmem>>, vector<16xf32>,
    %add3A_2146 = arith.constant 544 : i32
    %add3A_2147 = vector.broadcast %add3A_2146 : i32 to vector<16xi32>
    %add3A_2148 = arith.addi %iota3A, %add3A_2147 : vector<16xi32>
    %mul3A_2149 = arith.constant 4 : i32
    %mul3A_2150 = vector.broadcast %mul3A_2149 : i32 to vector<16xi32>
    %mul3A_2151 = arith.muli %add3A_2148, %mul3A_2150 : vector<16xi32>
    %gather3A_2152 = tpu.vector_load_idx %arg13[%mul3A_2151] : memref<3584xi32, #tpu.memory_space<vmem>>[vector<16xi32>], vector<16xi32>,
    %add3A_2153 = arith.constant 1 : i32
    %add3A_2154 = vector.broadcast %add3A_2153 : i32 to vector<16xi32>
    %add3A_2155 = arith.addi %mul3A_2151, %add3A_2154 : vector<16xi32>
    %gather3A_2156 = tpu.vector_load_idx %arg13[%add3A_2155] : memref<3584xi32, #tpu.memory_space<vmem>>[vector<16xi32>], vector<16xi32>,
    %mul3A_2157 = arith.constant 200 : i32
    %mul3A_2158 = vector.broadcast %mul3A_2157 : i32 to vector<16xi32>
    %mul3A_2159 = arith.muli %gather3A_2152, %mul3A_2158 : vector<16xi32>
    %add3A_2160 = arith.addi %mul3A_2159, %gather3A_2156 : vector<16xi32>
    %shift_right_logical3A_2161 = arith.constant 3 : i32
    %shift_right_logical3A_2162 = vector.broadcast %shift_right_logical3A_2161 : i32 to vector<16xi32>
    %shift_right_logical3A_2163 = arith.shrui %gather3A_2152, %shift_right_logical3A_2162 : vector<16xi32>
    %mul3A_2164 = arith.constant 448 : i32
    %mul3A_2165 = vector.broadcast %mul3A_2164 : i32 to vector<16xi32>
    %mul3A_2166 = arith.muli %shift_right_logical3A_2163, %mul3A_2165 : vector<16xi32>
    %add3A_2167 = arith.addi %add3A_2160, %mul3A_2166 : vector<16xi32>
    %swap3A_2168 = arith.constant 4 : i32
    %swap3A_2169 = arith.index_cast %swap3A_2168 : i32 to index
    %swap3A_2170 = arith.constant 32 : index
    %swap3A_2171 = tpu.vector_load %arg12[%swap3A_2169, %swap3A_2170] {strides = array<i32>} : memref<7x128xi32, #tpu.memory_space<vmem>>, vector<16xi32>,
    tpu.vector_store %arg12[%swap3A_2169, %swap3A_2170], %add3A_2167 {strides = array<i32>} : memref<7x128xi32, #tpu.memory_space<vmem>>, vector<16xi32>,
    %get3A_2172 = arith.constant 560 : index
    %get3A_2173 = tpu.vector_load %arg9[%get3A_2172] {strides = array<i32>} : memref<896xi32, #tpu.memory_space<vmem>>, vector<16xi32>,
    %convert_element_type3A_2174 = arith.sitofp %get3A_2173 : vector<16xi32> to vector<16xf32>
    %mul3A_2175 = arith.constant 0.00104166672 : f32
    %mul3A_2176 = vector.broadcast %mul3A_2175 : f32 to vector<16xf32>
    %mul3A_2177 = arith.mulf %convert_element_type3A_2174, %mul3A_2176 : vector<16xf32>
    %convert_element_type3A_2178 = arith.fptosi %mul3A_2177 : vector<16xf32> to vector<16xi32>
    %mul3A_2179 = arith.constant 960 : i32
    %mul3A_2180 = vector.broadcast %mul3A_2179 : i32 to vector<16xi32>
    %mul3A_2181 = arith.muli %convert_element_type3A_2178, %mul3A_2180 : vector<16xi32>
    %sub3A_2182 = arith.subi %get3A_2173, %mul3A_2181 : vector<16xi32>
    %lt3A_2183 = arith.constant 0 : i32
    %lt3A_2184 = vector.broadcast %lt3A_2183 : i32 to vector<16xi32>
    %lt3A_2185 = arith.cmpi slt, %sub3A_2182, %lt3A_2184 : vector<16xi32>
    %add3A_2186 = arith.constant 960 : i32
    %add3A_2187 = vector.broadcast %add3A_2186 : i32 to vector<16xi32>
    %add3A_2188 = arith.addi %sub3A_2182, %add3A_2187 : vector<16xi32>
    %select_n3A_2189 = arith.select %lt3A_2185, %add3A_2188, %sub3A_2182 : vector<16xi1>, vector<16xi32>
    %ge3A_2190 = arith.constant 960 : i32
    %ge3A_2191 = vector.broadcast %ge3A_2190 : i32 to vector<16xi32>
    %ge3A_2192 = arith.cmpi sge, %select_n3A_2189, %ge3A_2191 : vector<16xi32>
    %sub3A_2193 = arith.constant 960 : i32
    %sub3A_2194 = vector.broadcast %sub3A_2193 : i32 to vector<16xi32>
    %sub3A_2195 = arith.subi %select_n3A_2189, %sub3A_2194 : vector<16xi32>
    %select_n3A_2196 = arith.select %ge3A_2192, %sub3A_2195, %select_n3A_2189 : vector<16xi1>, vector<16xi32>
    %convert_element_type3A_2197 = arith.sitofp %select_n3A_2196 : vector<16xi32> to vector<16xf32>
    %add3A_2198 = arith.constant 1.000000e+00 : f32
    %add3A_2199 = vector.broadcast %add3A_2198 : f32 to vector<16xf32>
    %add3A_2200 = arith.addf %convert_element_type3A_2197, %add3A_2199 : vector<16xf32>
    %swap3A_2201 = arith.constant 560 : index
    %swap3A_2202 = tpu.vector_load %arg11[%swap3A_2201] {strides = array<i32>} : memref<896xf32, #tpu.memory_space<vmem>>, vector<16xf32>,
    tpu.vector_store %arg11[%swap3A_2201], %add3A_2200 {strides = array<i32>} : memref<896xf32, #tpu.memory_space<vmem>>, vector<16xf32>,
    %add3A_2203 = arith.constant 560 : i32
    %add3A_2204 = vector.broadcast %add3A_2203 : i32 to vector<16xi32>
    %add3A_2205 = arith.addi %iota3A, %add3A_2204 : vector<16xi32>
    %mul3A_2206 = arith.constant 4 : i32
    %mul3A_2207 = vector.broadcast %mul3A_2206 : i32 to vector<16xi32>
    %mul3A_2208 = arith.muli %add3A_2205, %mul3A_2207 : vector<16xi32>
    %gather3A_2209 = tpu.vector_load_idx %arg13[%mul3A_2208] : memref<3584xi32, #tpu.memory_space<vmem>>[vector<16xi32>], vector<16xi32>,
    %add3A_2210 = arith.constant 1 : i32
    %add3A_2211 = vector.broadcast %add3A_2210 : i32 to vector<16xi32>
    %add3A_2212 = arith.addi %mul3A_2208, %add3A_2211 : vector<16xi32>
    %gather3A_2213 = tpu.vector_load_idx %arg13[%add3A_2212] : memref<3584xi32, #tpu.memory_space<vmem>>[vector<16xi32>], vector<16xi32>,
    %mul3A_2214 = arith.constant 200 : i32
    %mul3A_2215 = vector.broadcast %mul3A_2214 : i32 to vector<16xi32>
    %mul3A_2216 = arith.muli %gather3A_2209, %mul3A_2215 : vector<16xi32>
    %add3A_2217 = arith.addi %mul3A_2216, %gather3A_2213 : vector<16xi32>
    %shift_right_logical3A_2218 = arith.constant 3 : i32
    %shift_right_logical3A_2219 = vector.broadcast %shift_right_logical3A_2218 : i32 to vector<16xi32>
    %shift_right_logical3A_2220 = arith.shrui %gather3A_2209, %shift_right_logical3A_2219 : vector<16xi32>
    %mul3A_2221 = arith.constant 448 : i32
    %mul3A_2222 = vector.broadcast %mul3A_2221 : i32 to vector<16xi32>
    %mul3A_2223 = arith.muli %shift_right_logical3A_2220, %mul3A_2222 : vector<16xi32>
    %add3A_2224 = arith.addi %add3A_2217, %mul3A_2223 : vector<16xi32>
    %swap3A_2225 = arith.constant 4 : i32
    %swap3A_2226 = arith.index_cast %swap3A_2225 : i32 to index
    %swap3A_2227 = arith.constant 48 : index
    %swap3A_2228 = tpu.vector_load %arg12[%swap3A_2226, %swap3A_2227] {strides = array<i32>} : memref<7x128xi32, #tpu.memory_space<vmem>>, vector<16xi32>,
    tpu.vector_store %arg12[%swap3A_2226, %swap3A_2227], %add3A_2224 {strides = array<i32>} : memref<7x128xi32, #tpu.memory_space<vmem>>, vector<16xi32>,
    %get3A_2229 = arith.constant 576 : index
    %get3A_2230 = tpu.vector_load %arg9[%get3A_2229] {strides = array<i32>} : memref<896xi32, #tpu.memory_space<vmem>>, vector<16xi32>,
    %convert_element_type3A_2231 = arith.sitofp %get3A_2230 : vector<16xi32> to vector<16xf32>
    %mul3A_2232 = arith.constant 0.00104166672 : f32
    %mul3A_2233 = vector.broadcast %mul3A_2232 : f32 to vector<16xf32>
    %mul3A_2234 = arith.mulf %convert_element_type3A_2231, %mul3A_2233 : vector<16xf32>
    %convert_element_type3A_2235 = arith.fptosi %mul3A_2234 : vector<16xf32> to vector<16xi32>
    %mul3A_2236 = arith.constant 960 : i32
    %mul3A_2237 = vector.broadcast %mul3A_2236 : i32 to vector<16xi32>
    %mul3A_2238 = arith.muli %convert_element_type3A_2235, %mul3A_2237 : vector<16xi32>
    %sub3A_2239 = arith.subi %get3A_2230, %mul3A_2238 : vector<16xi32>
    %lt3A_2240 = arith.constant 0 : i32
    %lt3A_2241 = vector.broadcast %lt3A_2240 : i32 to vector<16xi32>
    %lt3A_2242 = arith.cmpi slt, %sub3A_2239, %lt3A_2241 : vector<16xi32>
    %add3A_2243 = arith.constant 960 : i32
    %add3A_2244 = vector.broadcast %add3A_2243 : i32 to vector<16xi32>
    %add3A_2245 = arith.addi %sub3A_2239, %add3A_2244 : vector<16xi32>
    %select_n3A_2246 = arith.select %lt3A_2242, %add3A_2245, %sub3A_2239 : vector<16xi1>, vector<16xi32>
    %ge3A_2247 = arith.constant 960 : i32
    %ge3A_2248 = vector.broadcast %ge3A_2247 : i32 to vector<16xi32>
    %ge3A_2249 = arith.cmpi sge, %select_n3A_2246, %ge3A_2248 : vector<16xi32>
    %sub3A_2250 = arith.constant 960 : i32
    %sub3A_2251 = vector.broadcast %sub3A_2250 : i32 to vector<16xi32>
    %sub3A_2252 = arith.subi %select_n3A_2246, %sub3A_2251 : vector<16xi32>
    %select_n3A_2253 = arith.select %ge3A_2249, %sub3A_2252, %select_n3A_2246 : vector<16xi1>, vector<16xi32>
    %convert_element_type3A_2254 = arith.sitofp %select_n3A_2253 : vector<16xi32> to vector<16xf32>
    %add3A_2255 = arith.constant 1.000000e+00 : f32
    %add3A_2256 = vector.broadcast %add3A_2255 : f32 to vector<16xf32>
    %add3A_2257 = arith.addf %convert_element_type3A_2254, %add3A_2256 : vector<16xf32>
    %swap3A_2258 = arith.constant 576 : index
    %swap3A_2259 = tpu.vector_load %arg11[%swap3A_2258] {strides = array<i32>} : memref<896xf32, #tpu.memory_space<vmem>>, vector<16xf32>,
    tpu.vector_store %arg11[%swap3A_2258], %add3A_2257 {strides = array<i32>} : memref<896xf32, #tpu.memory_space<vmem>>, vector<16xf32>,
    %add3A_2260 = arith.constant 576 : i32
    %add3A_2261 = vector.broadcast %add3A_2260 : i32 to vector<16xi32>
    %add3A_2262 = arith.addi %iota3A, %add3A_2261 : vector<16xi32>
    %mul3A_2263 = arith.constant 4 : i32
    %mul3A_2264 = vector.broadcast %mul3A_2263 : i32 to vector<16xi32>
    %mul3A_2265 = arith.muli %add3A_2262, %mul3A_2264 : vector<16xi32>
    %gather3A_2266 = tpu.vector_load_idx %arg13[%mul3A_2265] : memref<3584xi32, #tpu.memory_space<vmem>>[vector<16xi32>], vector<16xi32>,
    %add3A_2267 = arith.constant 1 : i32
    %add3A_2268 = vector.broadcast %add3A_2267 : i32 to vector<16xi32>
    %add3A_2269 = arith.addi %mul3A_2265, %add3A_2268 : vector<16xi32>
    %gather3A_2270 = tpu.vector_load_idx %arg13[%add3A_2269] : memref<3584xi32, #tpu.memory_space<vmem>>[vector<16xi32>], vector<16xi32>,
    %mul3A_2271 = arith.constant 200 : i32
    %mul3A_2272 = vector.broadcast %mul3A_2271 : i32 to vector<16xi32>
    %mul3A_2273 = arith.muli %gather3A_2266, %mul3A_2272 : vector<16xi32>
    %add3A_2274 = arith.addi %mul3A_2273, %gather3A_2270 : vector<16xi32>
    %shift_right_logical3A_2275 = arith.constant 3 : i32
    %shift_right_logical3A_2276 = vector.broadcast %shift_right_logical3A_2275 : i32 to vector<16xi32>
    %shift_right_logical3A_2277 = arith.shrui %gather3A_2266, %shift_right_logical3A_2276 : vector<16xi32>
    %mul3A_2278 = arith.constant 448 : i32
    %mul3A_2279 = vector.broadcast %mul3A_2278 : i32 to vector<16xi32>
    %mul3A_2280 = arith.muli %shift_right_logical3A_2277, %mul3A_2279 : vector<16xi32>
    %add3A_2281 = arith.addi %add3A_2274, %mul3A_2280 : vector<16xi32>
    %swap3A_2282 = arith.constant 4 : i32
    %swap3A_2283 = arith.index_cast %swap3A_2282 : i32 to index
    %swap3A_2284 = arith.constant 64 : index
    %swap3A_2285 = tpu.vector_load %arg12[%swap3A_2283, %swap3A_2284] {strides = array<i32>} : memref<7x128xi32, #tpu.memory_space<vmem>>, vector<16xi32>,
    tpu.vector_store %arg12[%swap3A_2283, %swap3A_2284], %add3A_2281 {strides = array<i32>} : memref<7x128xi32, #tpu.memory_space<vmem>>, vector<16xi32>,
    %get3A_2286 = arith.constant 592 : index
    %get3A_2287 = tpu.vector_load %arg9[%get3A_2286] {strides = array<i32>} : memref<896xi32, #tpu.memory_space<vmem>>, vector<16xi32>,
    %convert_element_type3A_2288 = arith.sitofp %get3A_2287 : vector<16xi32> to vector<16xf32>
    %mul3A_2289 = arith.constant 0.00104166672 : f32
    %mul3A_2290 = vector.broadcast %mul3A_2289 : f32 to vector<16xf32>
    %mul3A_2291 = arith.mulf %convert_element_type3A_2288, %mul3A_2290 : vector<16xf32>
    %convert_element_type3A_2292 = arith.fptosi %mul3A_2291 : vector<16xf32> to vector<16xi32>
    %mul3A_2293 = arith.constant 960 : i32
    %mul3A_2294 = vector.broadcast %mul3A_2293 : i32 to vector<16xi32>
    %mul3A_2295 = arith.muli %convert_element_type3A_2292, %mul3A_2294 : vector<16xi32>
    %sub3A_2296 = arith.subi %get3A_2287, %mul3A_2295 : vector<16xi32>
    %lt3A_2297 = arith.constant 0 : i32
    %lt3A_2298 = vector.broadcast %lt3A_2297 : i32 to vector<16xi32>
    %lt3A_2299 = arith.cmpi slt, %sub3A_2296, %lt3A_2298 : vector<16xi32>
    %add3A_2300 = arith.constant 960 : i32
    %add3A_2301 = vector.broadcast %add3A_2300 : i32 to vector<16xi32>
    %add3A_2302 = arith.addi %sub3A_2296, %add3A_2301 : vector<16xi32>
    %select_n3A_2303 = arith.select %lt3A_2299, %add3A_2302, %sub3A_2296 : vector<16xi1>, vector<16xi32>
    %ge3A_2304 = arith.constant 960 : i32
    %ge3A_2305 = vector.broadcast %ge3A_2304 : i32 to vector<16xi32>
    %ge3A_2306 = arith.cmpi sge, %select_n3A_2303, %ge3A_2305 : vector<16xi32>
    %sub3A_2307 = arith.constant 960 : i32
    %sub3A_2308 = vector.broadcast %sub3A_2307 : i32 to vector<16xi32>
    %sub3A_2309 = arith.subi %select_n3A_2303, %sub3A_2308 : vector<16xi32>
    %select_n3A_2310 = arith.select %ge3A_2306, %sub3A_2309, %select_n3A_2303 : vector<16xi1>, vector<16xi32>
    %convert_element_type3A_2311 = arith.sitofp %select_n3A_2310 : vector<16xi32> to vector<16xf32>
    %add3A_2312 = arith.constant 1.000000e+00 : f32
    %add3A_2313 = vector.broadcast %add3A_2312 : f32 to vector<16xf32>
    %add3A_2314 = arith.addf %convert_element_type3A_2311, %add3A_2313 : vector<16xf32>
    %swap3A_2315 = arith.constant 592 : index
    %swap3A_2316 = tpu.vector_load %arg11[%swap3A_2315] {strides = array<i32>} : memref<896xf32, #tpu.memory_space<vmem>>, vector<16xf32>,
    tpu.vector_store %arg11[%swap3A_2315], %add3A_2314 {strides = array<i32>} : memref<896xf32, #tpu.memory_space<vmem>>, vector<16xf32>,
    %add3A_2317 = arith.constant 592 : i32
    %add3A_2318 = vector.broadcast %add3A_2317 : i32 to vector<16xi32>
    %add3A_2319 = arith.addi %iota3A, %add3A_2318 : vector<16xi32>
    %mul3A_2320 = arith.constant 4 : i32
    %mul3A_2321 = vector.broadcast %mul3A_2320 : i32 to vector<16xi32>
    %mul3A_2322 = arith.muli %add3A_2319, %mul3A_2321 : vector<16xi32>
    %gather3A_2323 = tpu.vector_load_idx %arg13[%mul3A_2322] : memref<3584xi32, #tpu.memory_space<vmem>>[vector<16xi32>], vector<16xi32>,
    %add3A_2324 = arith.constant 1 : i32
    %add3A_2325 = vector.broadcast %add3A_2324 : i32 to vector<16xi32>
    %add3A_2326 = arith.addi %mul3A_2322, %add3A_2325 : vector<16xi32>
    %gather3A_2327 = tpu.vector_load_idx %arg13[%add3A_2326] : memref<3584xi32, #tpu.memory_space<vmem>>[vector<16xi32>], vector<16xi32>,
    %mul3A_2328 = arith.constant 200 : i32
    %mul3A_2329 = vector.broadcast %mul3A_2328 : i32 to vector<16xi32>
    %mul3A_2330 = arith.muli %gather3A_2323, %mul3A_2329 : vector<16xi32>
    %add3A_2331 = arith.addi %mul3A_2330, %gather3A_2327 : vector<16xi32>
    %shift_right_logical3A_2332 = arith.constant 3 : i32
    %shift_right_logical3A_2333 = vector.broadcast %shift_right_logical3A_2332 : i32 to vector<16xi32>
    %shift_right_logical3A_2334 = arith.shrui %gather3A_2323, %shift_right_logical3A_2333 : vector<16xi32>
    %mul3A_2335 = arith.constant 448 : i32
    %mul3A_2336 = vector.broadcast %mul3A_2335 : i32 to vector<16xi32>
    %mul3A_2337 = arith.muli %shift_right_logical3A_2334, %mul3A_2336 : vector<16xi32>
    %add3A_2338 = arith.addi %add3A_2331, %mul3A_2337 : vector<16xi32>
    %swap3A_2339 = arith.constant 4 : i32
    %swap3A_2340 = arith.index_cast %swap3A_2339 : i32 to index
    %swap3A_2341 = arith.constant 80 : index
    %swap3A_2342 = tpu.vector_load %arg12[%swap3A_2340, %swap3A_2341] {strides = array<i32>} : memref<7x128xi32, #tpu.memory_space<vmem>>, vector<16xi32>,
    tpu.vector_store %arg12[%swap3A_2340, %swap3A_2341], %add3A_2338 {strides = array<i32>} : memref<7x128xi32, #tpu.memory_space<vmem>>, vector<16xi32>,
    %get3A_2343 = arith.constant 608 : index
    %get3A_2344 = tpu.vector_load %arg9[%get3A_2343] {strides = array<i32>} : memref<896xi32, #tpu.memory_space<vmem>>, vector<16xi32>,
    %convert_element_type3A_2345 = arith.sitofp %get3A_2344 : vector<16xi32> to vector<16xf32>
    %mul3A_2346 = arith.constant 0.00104166672 : f32
    %mul3A_2347 = vector.broadcast %mul3A_2346 : f32 to vector<16xf32>
    %mul3A_2348 = arith.mulf %convert_element_type3A_2345, %mul3A_2347 : vector<16xf32>
    %convert_element_type3A_2349 = arith.fptosi %mul3A_2348 : vector<16xf32> to vector<16xi32>
    %mul3A_2350 = arith.constant 960 : i32
    %mul3A_2351 = vector.broadcast %mul3A_2350 : i32 to vector<16xi32>
    %mul3A_2352 = arith.muli %convert_element_type3A_2349, %mul3A_2351 : vector<16xi32>
    %sub3A_2353 = arith.subi %get3A_2344, %mul3A_2352 : vector<16xi32>
    %lt3A_2354 = arith.constant 0 : i32
    %lt3A_2355 = vector.broadcast %lt3A_2354 : i32 to vector<16xi32>
    %lt3A_2356 = arith.cmpi slt, %sub3A_2353, %lt3A_2355 : vector<16xi32>
    %add3A_2357 = arith.constant 960 : i32
    %add3A_2358 = vector.broadcast %add3A_2357 : i32 to vector<16xi32>
    %add3A_2359 = arith.addi %sub3A_2353, %add3A_2358 : vector<16xi32>
    %select_n3A_2360 = arith.select %lt3A_2356, %add3A_2359, %sub3A_2353 : vector<16xi1>, vector<16xi32>
    %ge3A_2361 = arith.constant 960 : i32
    %ge3A_2362 = vector.broadcast %ge3A_2361 : i32 to vector<16xi32>
    %ge3A_2363 = arith.cmpi sge, %select_n3A_2360, %ge3A_2362 : vector<16xi32>
    %sub3A_2364 = arith.constant 960 : i32
    %sub3A_2365 = vector.broadcast %sub3A_2364 : i32 to vector<16xi32>
    %sub3A_2366 = arith.subi %select_n3A_2360, %sub3A_2365 : vector<16xi32>
    %select_n3A_2367 = arith.select %ge3A_2363, %sub3A_2366, %select_n3A_2360 : vector<16xi1>, vector<16xi32>
    %convert_element_type3A_2368 = arith.sitofp %select_n3A_2367 : vector<16xi32> to vector<16xf32>
    %add3A_2369 = arith.constant 1.000000e+00 : f32
    %add3A_2370 = vector.broadcast %add3A_2369 : f32 to vector<16xf32>
    %add3A_2371 = arith.addf %convert_element_type3A_2368, %add3A_2370 : vector<16xf32>
    %swap3A_2372 = arith.constant 608 : index
    %swap3A_2373 = tpu.vector_load %arg11[%swap3A_2372] {strides = array<i32>} : memref<896xf32, #tpu.memory_space<vmem>>, vector<16xf32>,
    tpu.vector_store %arg11[%swap3A_2372], %add3A_2371 {strides = array<i32>} : memref<896xf32, #tpu.memory_space<vmem>>, vector<16xf32>,
    %add3A_2374 = arith.constant 608 : i32
    %add3A_2375 = vector.broadcast %add3A_2374 : i32 to vector<16xi32>
    %add3A_2376 = arith.addi %iota3A, %add3A_2375 : vector<16xi32>
    %mul3A_2377 = arith.constant 4 : i32
    %mul3A_2378 = vector.broadcast %mul3A_2377 : i32 to vector<16xi32>
    %mul3A_2379 = arith.muli %add3A_2376, %mul3A_2378 : vector<16xi32>
    %gather3A_2380 = tpu.vector_load_idx %arg13[%mul3A_2379] : memref<3584xi32, #tpu.memory_space<vmem>>[vector<16xi32>], vector<16xi32>,
    %add3A_2381 = arith.constant 1 : i32
    %add3A_2382 = vector.broadcast %add3A_2381 : i32 to vector<16xi32>
    %add3A_2383 = arith.addi %mul3A_2379, %add3A_2382 : vector<16xi32>
    %gather3A_2384 = tpu.vector_load_idx %arg13[%add3A_2383] : memref<3584xi32, #tpu.memory_space<vmem>>[vector<16xi32>], vector<16xi32>,
    %mul3A_2385 = arith.constant 200 : i32
    %mul3A_2386 = vector.broadcast %mul3A_2385 : i32 to vector<16xi32>
    %mul3A_2387 = arith.muli %gather3A_2380, %mul3A_2386 : vector<16xi32>
    %add3A_2388 = arith.addi %mul3A_2387, %gather3A_2384 : vector<16xi32>
    %shift_right_logical3A_2389 = arith.constant 3 : i32
    %shift_right_logical3A_2390 = vector.broadcast %shift_right_logical3A_2389 : i32 to vector<16xi32>
    %shift_right_logical3A_2391 = arith.shrui %gather3A_2380, %shift_right_logical3A_2390 : vector<16xi32>
    %mul3A_2392 = arith.constant 448 : i32
    %mul3A_2393 = vector.broadcast %mul3A_2392 : i32 to vector<16xi32>
    %mul3A_2394 = arith.muli %shift_right_logical3A_2391, %mul3A_2393 : vector<16xi32>
    %add3A_2395 = arith.addi %add3A_2388, %mul3A_2394 : vector<16xi32>
    %swap3A_2396 = arith.constant 4 : i32
    %swap3A_2397 = arith.index_cast %swap3A_2396 : i32 to index
    %swap3A_2398 = arith.constant 96 : index
    %swap3A_2399 = tpu.vector_load %arg12[%swap3A_2397, %swap3A_2398] {strides = array<i32>} : memref<7x128xi32, #tpu.memory_space<vmem>>, vector<16xi32>,
    tpu.vector_store %arg12[%swap3A_2397, %swap3A_2398], %add3A_2395 {strides = array<i32>} : memref<7x128xi32, #tpu.memory_space<vmem>>, vector<16xi32>,
    %get3A_2400 = arith.constant 624 : index
    %get3A_2401 = tpu.vector_load %arg9[%get3A_2400] {strides = array<i32>} : memref<896xi32, #tpu.memory_space<vmem>>, vector<16xi32>,
    %convert_element_type3A_2402 = arith.sitofp %get3A_2401 : vector<16xi32> to vector<16xf32>
    %mul3A_2403 = arith.constant 0.00104166672 : f32
    %mul3A_2404 = vector.broadcast %mul3A_2403 : f32 to vector<16xf32>
    %mul3A_2405 = arith.mulf %convert_element_type3A_2402, %mul3A_2404 : vector<16xf32>
    %convert_element_type3A_2406 = arith.fptosi %mul3A_2405 : vector<16xf32> to vector<16xi32>
    %mul3A_2407 = arith.constant 960 : i32
    %mul3A_2408 = vector.broadcast %mul3A_2407 : i32 to vector<16xi32>
    %mul3A_2409 = arith.muli %convert_element_type3A_2406, %mul3A_2408 : vector<16xi32>
    %sub3A_2410 = arith.subi %get3A_2401, %mul3A_2409 : vector<16xi32>
    %lt3A_2411 = arith.constant 0 : i32
    %lt3A_2412 = vector.broadcast %lt3A_2411 : i32 to vector<16xi32>
    %lt3A_2413 = arith.cmpi slt, %sub3A_2410, %lt3A_2412 : vector<16xi32>
    %add3A_2414 = arith.constant 960 : i32
    %add3A_2415 = vector.broadcast %add3A_2414 : i32 to vector<16xi32>
    %add3A_2416 = arith.addi %sub3A_2410, %add3A_2415 : vector<16xi32>
    %select_n3A_2417 = arith.select %lt3A_2413, %add3A_2416, %sub3A_2410 : vector<16xi1>, vector<16xi32>
    %ge3A_2418 = arith.constant 960 : i32
    %ge3A_2419 = vector.broadcast %ge3A_2418 : i32 to vector<16xi32>
    %ge3A_2420 = arith.cmpi sge, %select_n3A_2417, %ge3A_2419 : vector<16xi32>
    %sub3A_2421 = arith.constant 960 : i32
    %sub3A_2422 = vector.broadcast %sub3A_2421 : i32 to vector<16xi32>
    %sub3A_2423 = arith.subi %select_n3A_2417, %sub3A_2422 : vector<16xi32>
    %select_n3A_2424 = arith.select %ge3A_2420, %sub3A_2423, %select_n3A_2417 : vector<16xi1>, vector<16xi32>
    %convert_element_type3A_2425 = arith.sitofp %select_n3A_2424 : vector<16xi32> to vector<16xf32>
    %add3A_2426 = arith.constant 1.000000e+00 : f32
    %add3A_2427 = vector.broadcast %add3A_2426 : f32 to vector<16xf32>
    %add3A_2428 = arith.addf %convert_element_type3A_2425, %add3A_2427 : vector<16xf32>
    %swap3A_2429 = arith.constant 624 : index
    %swap3A_2430 = tpu.vector_load %arg11[%swap3A_2429] {strides = array<i32>} : memref<896xf32, #tpu.memory_space<vmem>>, vector<16xf32>,
    tpu.vector_store %arg11[%swap3A_2429], %add3A_2428 {strides = array<i32>} : memref<896xf32, #tpu.memory_space<vmem>>, vector<16xf32>,
    %add3A_2431 = arith.constant 624 : i32
    %add3A_2432 = vector.broadcast %add3A_2431 : i32 to vector<16xi32>
    %add3A_2433 = arith.addi %iota3A, %add3A_2432 : vector<16xi32>
    %mul3A_2434 = arith.constant 4 : i32
    %mul3A_2435 = vector.broadcast %mul3A_2434 : i32 to vector<16xi32>
    %mul3A_2436 = arith.muli %add3A_2433, %mul3A_2435 : vector<16xi32>
    %gather3A_2437 = tpu.vector_load_idx %arg13[%mul3A_2436] : memref<3584xi32, #tpu.memory_space<vmem>>[vector<16xi32>], vector<16xi32>,
    %add3A_2438 = arith.constant 1 : i32
    %add3A_2439 = vector.broadcast %add3A_2438 : i32 to vector<16xi32>
    %add3A_2440 = arith.addi %mul3A_2436, %add3A_2439 : vector<16xi32>
    %gather3A_2441 = tpu.vector_load_idx %arg13[%add3A_2440] : memref<3584xi32, #tpu.memory_space<vmem>>[vector<16xi32>], vector<16xi32>,
    %mul3A_2442 = arith.constant 200 : i32
    %mul3A_2443 = vector.broadcast %mul3A_2442 : i32 to vector<16xi32>
    %mul3A_2444 = arith.muli %gather3A_2437, %mul3A_2443 : vector<16xi32>
    %add3A_2445 = arith.addi %mul3A_2444, %gather3A_2441 : vector<16xi32>
    %shift_right_logical3A_2446 = arith.constant 3 : i32
    %shift_right_logical3A_2447 = vector.broadcast %shift_right_logical3A_2446 : i32 to vector<16xi32>
    %shift_right_logical3A_2448 = arith.shrui %gather3A_2437, %shift_right_logical3A_2447 : vector<16xi32>
    %mul3A_2449 = arith.constant 448 : i32
    %mul3A_2450 = vector.broadcast %mul3A_2449 : i32 to vector<16xi32>
    %mul3A_2451 = arith.muli %shift_right_logical3A_2448, %mul3A_2450 : vector<16xi32>
    %add3A_2452 = arith.addi %add3A_2445, %mul3A_2451 : vector<16xi32>
    %swap3A_2453 = arith.constant 4 : i32
    %swap3A_2454 = arith.index_cast %swap3A_2453 : i32 to index
    %swap3A_2455 = arith.constant 112 : index
    %swap3A_2456 = tpu.vector_load %arg12[%swap3A_2454, %swap3A_2455] {strides = array<i32>} : memref<7x128xi32, #tpu.memory_space<vmem>>, vector<16xi32>,
    tpu.vector_store %arg12[%swap3A_2454, %swap3A_2455], %add3A_2452 {strides = array<i32>} : memref<7x128xi32, #tpu.memory_space<vmem>>, vector<16xi32>,
    %get3A_2457 = arith.constant 640 : index
    %get3A_2458 = tpu.vector_load %arg9[%get3A_2457] {strides = array<i32>} : memref<896xi32, #tpu.memory_space<vmem>>, vector<16xi32>,
    %convert_element_type3A_2459 = arith.sitofp %get3A_2458 : vector<16xi32> to vector<16xf32>
    %mul3A_2460 = arith.constant 0.00104166672 : f32
    %mul3A_2461 = vector.broadcast %mul3A_2460 : f32 to vector<16xf32>
    %mul3A_2462 = arith.mulf %convert_element_type3A_2459, %mul3A_2461 : vector<16xf32>
    %convert_element_type3A_2463 = arith.fptosi %mul3A_2462 : vector<16xf32> to vector<16xi32>
    %mul3A_2464 = arith.constant 960 : i32
    %mul3A_2465 = vector.broadcast %mul3A_2464 : i32 to vector<16xi32>
    %mul3A_2466 = arith.muli %convert_element_type3A_2463, %mul3A_2465 : vector<16xi32>
    %sub3A_2467 = arith.subi %get3A_2458, %mul3A_2466 : vector<16xi32>
    %lt3A_2468 = arith.constant 0 : i32
    %lt3A_2469 = vector.broadcast %lt3A_2468 : i32 to vector<16xi32>
    %lt3A_2470 = arith.cmpi slt, %sub3A_2467, %lt3A_2469 : vector<16xi32>
    %add3A_2471 = arith.constant 960 : i32
    %add3A_2472 = vector.broadcast %add3A_2471 : i32 to vector<16xi32>
    %add3A_2473 = arith.addi %sub3A_2467, %add3A_2472 : vector<16xi32>
    %select_n3A_2474 = arith.select %lt3A_2470, %add3A_2473, %sub3A_2467 : vector<16xi1>, vector<16xi32>
    %ge3A_2475 = arith.constant 960 : i32
    %ge3A_2476 = vector.broadcast %ge3A_2475 : i32 to vector<16xi32>
    %ge3A_2477 = arith.cmpi sge, %select_n3A_2474, %ge3A_2476 : vector<16xi32>
    %sub3A_2478 = arith.constant 960 : i32
    %sub3A_2479 = vector.broadcast %sub3A_2478 : i32 to vector<16xi32>
    %sub3A_2480 = arith.subi %select_n3A_2474, %sub3A_2479 : vector<16xi32>
    %select_n3A_2481 = arith.select %ge3A_2477, %sub3A_2480, %select_n3A_2474 : vector<16xi1>, vector<16xi32>
    %convert_element_type3A_2482 = arith.sitofp %select_n3A_2481 : vector<16xi32> to vector<16xf32>
    %add3A_2483 = arith.constant 1.000000e+00 : f32
    %add3A_2484 = vector.broadcast %add3A_2483 : f32 to vector<16xf32>
    %add3A_2485 = arith.addf %convert_element_type3A_2482, %add3A_2484 : vector<16xf32>
    %swap3A_2486 = arith.constant 640 : index
    %swap3A_2487 = tpu.vector_load %arg11[%swap3A_2486] {strides = array<i32>} : memref<896xf32, #tpu.memory_space<vmem>>, vector<16xf32>,
    tpu.vector_store %arg11[%swap3A_2486], %add3A_2485 {strides = array<i32>} : memref<896xf32, #tpu.memory_space<vmem>>, vector<16xf32>,
    %add3A_2488 = arith.constant 640 : i32
    %add3A_2489 = vector.broadcast %add3A_2488 : i32 to vector<16xi32>
    %add3A_2490 = arith.addi %iota3A, %add3A_2489 : vector<16xi32>
    %mul3A_2491 = arith.constant 4 : i32
    %mul3A_2492 = vector.broadcast %mul3A_2491 : i32 to vector<16xi32>
    %mul3A_2493 = arith.muli %add3A_2490, %mul3A_2492 : vector<16xi32>
    %gather3A_2494 = tpu.vector_load_idx %arg13[%mul3A_2493] : memref<3584xi32, #tpu.memory_space<vmem>>[vector<16xi32>], vector<16xi32>,
    %add3A_2495 = arith.constant 1 : i32
    %add3A_2496 = vector.broadcast %add3A_2495 : i32 to vector<16xi32>
    %add3A_2497 = arith.addi %mul3A_2493, %add3A_2496 : vector<16xi32>
    %gather3A_2498 = tpu.vector_load_idx %arg13[%add3A_2497] : memref<3584xi32, #tpu.memory_space<vmem>>[vector<16xi32>], vector<16xi32>,
    %mul3A_2499 = arith.constant 200 : i32
    %mul3A_2500 = vector.broadcast %mul3A_2499 : i32 to vector<16xi32>
    %mul3A_2501 = arith.muli %gather3A_2494, %mul3A_2500 : vector<16xi32>
    %add3A_2502 = arith.addi %mul3A_2501, %gather3A_2498 : vector<16xi32>
    %shift_right_logical3A_2503 = arith.constant 3 : i32
    %shift_right_logical3A_2504 = vector.broadcast %shift_right_logical3A_2503 : i32 to vector<16xi32>
    %shift_right_logical3A_2505 = arith.shrui %gather3A_2494, %shift_right_logical3A_2504 : vector<16xi32>
    %mul3A_2506 = arith.constant 448 : i32
    %mul3A_2507 = vector.broadcast %mul3A_2506 : i32 to vector<16xi32>
    %mul3A_2508 = arith.muli %shift_right_logical3A_2505, %mul3A_2507 : vector<16xi32>
    %add3A_2509 = arith.addi %add3A_2502, %mul3A_2508 : vector<16xi32>
    %swap3A_2510 = arith.constant 5 : i32
    %swap3A_2511 = arith.index_cast %swap3A_2510 : i32 to index
    %swap3A_2512 = arith.constant 0 : index
    %swap3A_2513 = tpu.vector_load %arg12[%swap3A_2511, %swap3A_2512] {strides = array<i32>} : memref<7x128xi32, #tpu.memory_space<vmem>>, vector<16xi32>,
    tpu.vector_store %arg12[%swap3A_2511, %swap3A_2512], %add3A_2509 {strides = array<i32>} : memref<7x128xi32, #tpu.memory_space<vmem>>, vector<16xi32>,
    %get3A_2514 = arith.constant 656 : index
    %get3A_2515 = tpu.vector_load %arg9[%get3A_2514] {strides = array<i32>} : memref<896xi32, #tpu.memory_space<vmem>>, vector<16xi32>,
    %convert_element_type3A_2516 = arith.sitofp %get3A_2515 : vector<16xi32> to vector<16xf32>
    %mul3A_2517 = arith.constant 0.00104166672 : f32
    %mul3A_2518 = vector.broadcast %mul3A_2517 : f32 to vector<16xf32>
    %mul3A_2519 = arith.mulf %convert_element_type3A_2516, %mul3A_2518 : vector<16xf32>
    %convert_element_type3A_2520 = arith.fptosi %mul3A_2519 : vector<16xf32> to vector<16xi32>
    %mul3A_2521 = arith.constant 960 : i32
    %mul3A_2522 = vector.broadcast %mul3A_2521 : i32 to vector<16xi32>
    %mul3A_2523 = arith.muli %convert_element_type3A_2520, %mul3A_2522 : vector<16xi32>
    %sub3A_2524 = arith.subi %get3A_2515, %mul3A_2523 : vector<16xi32>
    %lt3A_2525 = arith.constant 0 : i32
    %lt3A_2526 = vector.broadcast %lt3A_2525 : i32 to vector<16xi32>
    %lt3A_2527 = arith.cmpi slt, %sub3A_2524, %lt3A_2526 : vector<16xi32>
    %add3A_2528 = arith.constant 960 : i32
    %add3A_2529 = vector.broadcast %add3A_2528 : i32 to vector<16xi32>
    %add3A_2530 = arith.addi %sub3A_2524, %add3A_2529 : vector<16xi32>
    %select_n3A_2531 = arith.select %lt3A_2527, %add3A_2530, %sub3A_2524 : vector<16xi1>, vector<16xi32>
    %ge3A_2532 = arith.constant 960 : i32
    %ge3A_2533 = vector.broadcast %ge3A_2532 : i32 to vector<16xi32>
    %ge3A_2534 = arith.cmpi sge, %select_n3A_2531, %ge3A_2533 : vector<16xi32>
    %sub3A_2535 = arith.constant 960 : i32
    %sub3A_2536 = vector.broadcast %sub3A_2535 : i32 to vector<16xi32>
    %sub3A_2537 = arith.subi %select_n3A_2531, %sub3A_2536 : vector<16xi32>
    %select_n3A_2538 = arith.select %ge3A_2534, %sub3A_2537, %select_n3A_2531 : vector<16xi1>, vector<16xi32>
    %convert_element_type3A_2539 = arith.sitofp %select_n3A_2538 : vector<16xi32> to vector<16xf32>
    %add3A_2540 = arith.constant 1.000000e+00 : f32
    %add3A_2541 = vector.broadcast %add3A_2540 : f32 to vector<16xf32>
    %add3A_2542 = arith.addf %convert_element_type3A_2539, %add3A_2541 : vector<16xf32>
    %swap3A_2543 = arith.constant 656 : index
    %swap3A_2544 = tpu.vector_load %arg11[%swap3A_2543] {strides = array<i32>} : memref<896xf32, #tpu.memory_space<vmem>>, vector<16xf32>,
    tpu.vector_store %arg11[%swap3A_2543], %add3A_2542 {strides = array<i32>} : memref<896xf32, #tpu.memory_space<vmem>>, vector<16xf32>,
    %add3A_2545 = arith.constant 656 : i32
    %add3A_2546 = vector.broadcast %add3A_2545 : i32 to vector<16xi32>
    %add3A_2547 = arith.addi %iota3A, %add3A_2546 : vector<16xi32>
    %mul3A_2548 = arith.constant 4 : i32
    %mul3A_2549 = vector.broadcast %mul3A_2548 : i32 to vector<16xi32>
    %mul3A_2550 = arith.muli %add3A_2547, %mul3A_2549 : vector<16xi32>
    %gather3A_2551 = tpu.vector_load_idx %arg13[%mul3A_2550] : memref<3584xi32, #tpu.memory_space<vmem>>[vector<16xi32>], vector<16xi32>,
    %add3A_2552 = arith.constant 1 : i32
    %add3A_2553 = vector.broadcast %add3A_2552 : i32 to vector<16xi32>
    %add3A_2554 = arith.addi %mul3A_2550, %add3A_2553 : vector<16xi32>
    %gather3A_2555 = tpu.vector_load_idx %arg13[%add3A_2554] : memref<3584xi32, #tpu.memory_space<vmem>>[vector<16xi32>], vector<16xi32>,
    %mul3A_2556 = arith.constant 200 : i32
    %mul3A_2557 = vector.broadcast %mul3A_2556 : i32 to vector<16xi32>
    %mul3A_2558 = arith.muli %gather3A_2551, %mul3A_2557 : vector<16xi32>
    %add3A_2559 = arith.addi %mul3A_2558, %gather3A_2555 : vector<16xi32>
    %shift_right_logical3A_2560 = arith.constant 3 : i32
    %shift_right_logical3A_2561 = vector.broadcast %shift_right_logical3A_2560 : i32 to vector<16xi32>
    %shift_right_logical3A_2562 = arith.shrui %gather3A_2551, %shift_right_logical3A_2561 : vector<16xi32>
    %mul3A_2563 = arith.constant 448 : i32
    %mul3A_2564 = vector.broadcast %mul3A_2563 : i32 to vector<16xi32>
    %mul3A_2565 = arith.muli %shift_right_logical3A_2562, %mul3A_2564 : vector<16xi32>
    %add3A_2566 = arith.addi %add3A_2559, %mul3A_2565 : vector<16xi32>
    %swap3A_2567 = arith.constant 5 : i32
    %swap3A_2568 = arith.index_cast %swap3A_2567 : i32 to index
    %swap3A_2569 = arith.constant 16 : index
    %swap3A_2570 = tpu.vector_load %arg12[%swap3A_2568, %swap3A_2569] {strides = array<i32>} : memref<7x128xi32, #tpu.memory_space<vmem>>, vector<16xi32>,
    tpu.vector_store %arg12[%swap3A_2568, %swap3A_2569], %add3A_2566 {strides = array<i32>} : memref<7x128xi32, #tpu.memory_space<vmem>>, vector<16xi32>,
    %get3A_2571 = arith.constant 672 : index
    %get3A_2572 = tpu.vector_load %arg9[%get3A_2571] {strides = array<i32>} : memref<896xi32, #tpu.memory_space<vmem>>, vector<16xi32>,
    %convert_element_type3A_2573 = arith.sitofp %get3A_2572 : vector<16xi32> to vector<16xf32>
    %mul3A_2574 = arith.constant 0.00104166672 : f32
    %mul3A_2575 = vector.broadcast %mul3A_2574 : f32 to vector<16xf32>
    %mul3A_2576 = arith.mulf %convert_element_type3A_2573, %mul3A_2575 : vector<16xf32>
    %convert_element_type3A_2577 = arith.fptosi %mul3A_2576 : vector<16xf32> to vector<16xi32>
    %mul3A_2578 = arith.constant 960 : i32
    %mul3A_2579 = vector.broadcast %mul3A_2578 : i32 to vector<16xi32>
    %mul3A_2580 = arith.muli %convert_element_type3A_2577, %mul3A_2579 : vector<16xi32>
    %sub3A_2581 = arith.subi %get3A_2572, %mul3A_2580 : vector<16xi32>
    %lt3A_2582 = arith.constant 0 : i32
    %lt3A_2583 = vector.broadcast %lt3A_2582 : i32 to vector<16xi32>
    %lt3A_2584 = arith.cmpi slt, %sub3A_2581, %lt3A_2583 : vector<16xi32>
    %add3A_2585 = arith.constant 960 : i32
    %add3A_2586 = vector.broadcast %add3A_2585 : i32 to vector<16xi32>
    %add3A_2587 = arith.addi %sub3A_2581, %add3A_2586 : vector<16xi32>
    %select_n3A_2588 = arith.select %lt3A_2584, %add3A_2587, %sub3A_2581 : vector<16xi1>, vector<16xi32>
    %ge3A_2589 = arith.constant 960 : i32
    %ge3A_2590 = vector.broadcast %ge3A_2589 : i32 to vector<16xi32>
    %ge3A_2591 = arith.cmpi sge, %select_n3A_2588, %ge3A_2590 : vector<16xi32>
    %sub3A_2592 = arith.constant 960 : i32
    %sub3A_2593 = vector.broadcast %sub3A_2592 : i32 to vector<16xi32>
    %sub3A_2594 = arith.subi %select_n3A_2588, %sub3A_2593 : vector<16xi32>
    %select_n3A_2595 = arith.select %ge3A_2591, %sub3A_2594, %select_n3A_2588 : vector<16xi1>, vector<16xi32>
    %convert_element_type3A_2596 = arith.sitofp %select_n3A_2595 : vector<16xi32> to vector<16xf32>
    %add3A_2597 = arith.constant 1.000000e+00 : f32
    %add3A_2598 = vector.broadcast %add3A_2597 : f32 to vector<16xf32>
    %add3A_2599 = arith.addf %convert_element_type3A_2596, %add3A_2598 : vector<16xf32>
    %swap3A_2600 = arith.constant 672 : index
    %swap3A_2601 = tpu.vector_load %arg11[%swap3A_2600] {strides = array<i32>} : memref<896xf32, #tpu.memory_space<vmem>>, vector<16xf32>,
    tpu.vector_store %arg11[%swap3A_2600], %add3A_2599 {strides = array<i32>} : memref<896xf32, #tpu.memory_space<vmem>>, vector<16xf32>,
    %add3A_2602 = arith.constant 672 : i32
    %add3A_2603 = vector.broadcast %add3A_2602 : i32 to vector<16xi32>
    %add3A_2604 = arith.addi %iota3A, %add3A_2603 : vector<16xi32>
    %mul3A_2605 = arith.constant 4 : i32
    %mul3A_2606 = vector.broadcast %mul3A_2605 : i32 to vector<16xi32>
    %mul3A_2607 = arith.muli %add3A_2604, %mul3A_2606 : vector<16xi32>
    %gather3A_2608 = tpu.vector_load_idx %arg13[%mul3A_2607] : memref<3584xi32, #tpu.memory_space<vmem>>[vector<16xi32>], vector<16xi32>,
    %add3A_2609 = arith.constant 1 : i32
    %add3A_2610 = vector.broadcast %add3A_2609 : i32 to vector<16xi32>
    %add3A_2611 = arith.addi %mul3A_2607, %add3A_2610 : vector<16xi32>
    %gather3A_2612 = tpu.vector_load_idx %arg13[%add3A_2611] : memref<3584xi32, #tpu.memory_space<vmem>>[vector<16xi32>], vector<16xi32>,
    %mul3A_2613 = arith.constant 200 : i32
    %mul3A_2614 = vector.broadcast %mul3A_2613 : i32 to vector<16xi32>
    %mul3A_2615 = arith.muli %gather3A_2608, %mul3A_2614 : vector<16xi32>
    %add3A_2616 = arith.addi %mul3A_2615, %gather3A_2612 : vector<16xi32>
    %shift_right_logical3A_2617 = arith.constant 3 : i32
    %shift_right_logical3A_2618 = vector.broadcast %shift_right_logical3A_2617 : i32 to vector<16xi32>
    %shift_right_logical3A_2619 = arith.shrui %gather3A_2608, %shift_right_logical3A_2618 : vector<16xi32>
    %mul3A_2620 = arith.constant 448 : i32
    %mul3A_2621 = vector.broadcast %mul3A_2620 : i32 to vector<16xi32>
    %mul3A_2622 = arith.muli %shift_right_logical3A_2619, %mul3A_2621 : vector<16xi32>
    %add3A_2623 = arith.addi %add3A_2616, %mul3A_2622 : vector<16xi32>
    %swap3A_2624 = arith.constant 5 : i32
    %swap3A_2625 = arith.index_cast %swap3A_2624 : i32 to index
    %swap3A_2626 = arith.constant 32 : index
    %swap3A_2627 = tpu.vector_load %arg12[%swap3A_2625, %swap3A_2626] {strides = array<i32>} : memref<7x128xi32, #tpu.memory_space<vmem>>, vector<16xi32>,
    tpu.vector_store %arg12[%swap3A_2625, %swap3A_2626], %add3A_2623 {strides = array<i32>} : memref<7x128xi32, #tpu.memory_space<vmem>>, vector<16xi32>,
    %get3A_2628 = arith.constant 688 : index
    %get3A_2629 = tpu.vector_load %arg9[%get3A_2628] {strides = array<i32>} : memref<896xi32, #tpu.memory_space<vmem>>, vector<16xi32>,
    %convert_element_type3A_2630 = arith.sitofp %get3A_2629 : vector<16xi32> to vector<16xf32>
    %mul3A_2631 = arith.constant 0.00104166672 : f32
    %mul3A_2632 = vector.broadcast %mul3A_2631 : f32 to vector<16xf32>
    %mul3A_2633 = arith.mulf %convert_element_type3A_2630, %mul3A_2632 : vector<16xf32>
    %convert_element_type3A_2634 = arith.fptosi %mul3A_2633 : vector<16xf32> to vector<16xi32>
    %mul3A_2635 = arith.constant 960 : i32
    %mul3A_2636 = vector.broadcast %mul3A_2635 : i32 to vector<16xi32>
    %mul3A_2637 = arith.muli %convert_element_type3A_2634, %mul3A_2636 : vector<16xi32>
    %sub3A_2638 = arith.subi %get3A_2629, %mul3A_2637 : vector<16xi32>
    %lt3A_2639 = arith.constant 0 : i32
    %lt3A_2640 = vector.broadcast %lt3A_2639 : i32 to vector<16xi32>
    %lt3A_2641 = arith.cmpi slt, %sub3A_2638, %lt3A_2640 : vector<16xi32>
    %add3A_2642 = arith.constant 960 : i32
    %add3A_2643 = vector.broadcast %add3A_2642 : i32 to vector<16xi32>
    %add3A_2644 = arith.addi %sub3A_2638, %add3A_2643 : vector<16xi32>
    %select_n3A_2645 = arith.select %lt3A_2641, %add3A_2644, %sub3A_2638 : vector<16xi1>, vector<16xi32>
    %ge3A_2646 = arith.constant 960 : i32
    %ge3A_2647 = vector.broadcast %ge3A_2646 : i32 to vector<16xi32>
    %ge3A_2648 = arith.cmpi sge, %select_n3A_2645, %ge3A_2647 : vector<16xi32>
    %sub3A_2649 = arith.constant 960 : i32
    %sub3A_2650 = vector.broadcast %sub3A_2649 : i32 to vector<16xi32>
    %sub3A_2651 = arith.subi %select_n3A_2645, %sub3A_2650 : vector<16xi32>
    %select_n3A_2652 = arith.select %ge3A_2648, %sub3A_2651, %select_n3A_2645 : vector<16xi1>, vector<16xi32>
    %convert_element_type3A_2653 = arith.sitofp %select_n3A_2652 : vector<16xi32> to vector<16xf32>
    %add3A_2654 = arith.constant 1.000000e+00 : f32
    %add3A_2655 = vector.broadcast %add3A_2654 : f32 to vector<16xf32>
    %add3A_2656 = arith.addf %convert_element_type3A_2653, %add3A_2655 : vector<16xf32>
    %swap3A_2657 = arith.constant 688 : index
    %swap3A_2658 = tpu.vector_load %arg11[%swap3A_2657] {strides = array<i32>} : memref<896xf32, #tpu.memory_space<vmem>>, vector<16xf32>,
    tpu.vector_store %arg11[%swap3A_2657], %add3A_2656 {strides = array<i32>} : memref<896xf32, #tpu.memory_space<vmem>>, vector<16xf32>,
    %add3A_2659 = arith.constant 688 : i32
    %add3A_2660 = vector.broadcast %add3A_2659 : i32 to vector<16xi32>
    %add3A_2661 = arith.addi %iota3A, %add3A_2660 : vector<16xi32>
    %mul3A_2662 = arith.constant 4 : i32
    %mul3A_2663 = vector.broadcast %mul3A_2662 : i32 to vector<16xi32>
    %mul3A_2664 = arith.muli %add3A_2661, %mul3A_2663 : vector<16xi32>
    %gather3A_2665 = tpu.vector_load_idx %arg13[%mul3A_2664] : memref<3584xi32, #tpu.memory_space<vmem>>[vector<16xi32>], vector<16xi32>,
    %add3A_2666 = arith.constant 1 : i32
    %add3A_2667 = vector.broadcast %add3A_2666 : i32 to vector<16xi32>
    %add3A_2668 = arith.addi %mul3A_2664, %add3A_2667 : vector<16xi32>
    %gather3A_2669 = tpu.vector_load_idx %arg13[%add3A_2668] : memref<3584xi32, #tpu.memory_space<vmem>>[vector<16xi32>], vector<16xi32>,
    %mul3A_2670 = arith.constant 200 : i32
    %mul3A_2671 = vector.broadcast %mul3A_2670 : i32 to vector<16xi32>
    %mul3A_2672 = arith.muli %gather3A_2665, %mul3A_2671 : vector<16xi32>
    %add3A_2673 = arith.addi %mul3A_2672, %gather3A_2669 : vector<16xi32>
    %shift_right_logical3A_2674 = arith.constant 3 : i32
    %shift_right_logical3A_2675 = vector.broadcast %shift_right_logical3A_2674 : i32 to vector<16xi32>
    %shift_right_logical3A_2676 = arith.shrui %gather3A_2665, %shift_right_logical3A_2675 : vector<16xi32>
    %mul3A_2677 = arith.constant 448 : i32
    %mul3A_2678 = vector.broadcast %mul3A_2677 : i32 to vector<16xi32>
    %mul3A_2679 = arith.muli %shift_right_logical3A_2676, %mul3A_2678 : vector<16xi32>
    %add3A_2680 = arith.addi %add3A_2673, %mul3A_2679 : vector<16xi32>
    %swap3A_2681 = arith.constant 5 : i32
    %swap3A_2682 = arith.index_cast %swap3A_2681 : i32 to index
    %swap3A_2683 = arith.constant 48 : index
    %swap3A_2684 = tpu.vector_load %arg12[%swap3A_2682, %swap3A_2683] {strides = array<i32>} : memref<7x128xi32, #tpu.memory_space<vmem>>, vector<16xi32>,
    tpu.vector_store %arg12[%swap3A_2682, %swap3A_2683], %add3A_2680 {strides = array<i32>} : memref<7x128xi32, #tpu.memory_space<vmem>>, vector<16xi32>,
    %get3A_2685 = arith.constant 704 : index
    %get3A_2686 = tpu.vector_load %arg9[%get3A_2685] {strides = array<i32>} : memref<896xi32, #tpu.memory_space<vmem>>, vector<16xi32>,
    %convert_element_type3A_2687 = arith.sitofp %get3A_2686 : vector<16xi32> to vector<16xf32>
    %mul3A_2688 = arith.constant 0.00104166672 : f32
    %mul3A_2689 = vector.broadcast %mul3A_2688 : f32 to vector<16xf32>
    %mul3A_2690 = arith.mulf %convert_element_type3A_2687, %mul3A_2689 : vector<16xf32>
    %convert_element_type3A_2691 = arith.fptosi %mul3A_2690 : vector<16xf32> to vector<16xi32>
    %mul3A_2692 = arith.constant 960 : i32
    %mul3A_2693 = vector.broadcast %mul3A_2692 : i32 to vector<16xi32>
    %mul3A_2694 = arith.muli %convert_element_type3A_2691, %mul3A_2693 : vector<16xi32>
    %sub3A_2695 = arith.subi %get3A_2686, %mul3A_2694 : vector<16xi32>
    %lt3A_2696 = arith.constant 0 : i32
    %lt3A_2697 = vector.broadcast %lt3A_2696 : i32 to vector<16xi32>
    %lt3A_2698 = arith.cmpi slt, %sub3A_2695, %lt3A_2697 : vector<16xi32>
    %add3A_2699 = arith.constant 960 : i32
    %add3A_2700 = vector.broadcast %add3A_2699 : i32 to vector<16xi32>
    %add3A_2701 = arith.addi %sub3A_2695, %add3A_2700 : vector<16xi32>
    %select_n3A_2702 = arith.select %lt3A_2698, %add3A_2701, %sub3A_2695 : vector<16xi1>, vector<16xi32>
    %ge3A_2703 = arith.constant 960 : i32
    %ge3A_2704 = vector.broadcast %ge3A_2703 : i32 to vector<16xi32>
    %ge3A_2705 = arith.cmpi sge, %select_n3A_2702, %ge3A_2704 : vector<16xi32>
    %sub3A_2706 = arith.constant 960 : i32
    %sub3A_2707 = vector.broadcast %sub3A_2706 : i32 to vector<16xi32>
    %sub3A_2708 = arith.subi %select_n3A_2702, %sub3A_2707 : vector<16xi32>
    %select_n3A_2709 = arith.select %ge3A_2705, %sub3A_2708, %select_n3A_2702 : vector<16xi1>, vector<16xi32>
    %convert_element_type3A_2710 = arith.sitofp %select_n3A_2709 : vector<16xi32> to vector<16xf32>
    %add3A_2711 = arith.constant 1.000000e+00 : f32
    %add3A_2712 = vector.broadcast %add3A_2711 : f32 to vector<16xf32>
    %add3A_2713 = arith.addf %convert_element_type3A_2710, %add3A_2712 : vector<16xf32>
    %swap3A_2714 = arith.constant 704 : index
    %swap3A_2715 = tpu.vector_load %arg11[%swap3A_2714] {strides = array<i32>} : memref<896xf32, #tpu.memory_space<vmem>>, vector<16xf32>,
    tpu.vector_store %arg11[%swap3A_2714], %add3A_2713 {strides = array<i32>} : memref<896xf32, #tpu.memory_space<vmem>>, vector<16xf32>,
    %add3A_2716 = arith.constant 704 : i32
    %add3A_2717 = vector.broadcast %add3A_2716 : i32 to vector<16xi32>
    %add3A_2718 = arith.addi %iota3A, %add3A_2717 : vector<16xi32>
    %mul3A_2719 = arith.constant 4 : i32
    %mul3A_2720 = vector.broadcast %mul3A_2719 : i32 to vector<16xi32>
    %mul3A_2721 = arith.muli %add3A_2718, %mul3A_2720 : vector<16xi32>
    %gather3A_2722 = tpu.vector_load_idx %arg13[%mul3A_2721] : memref<3584xi32, #tpu.memory_space<vmem>>[vector<16xi32>], vector<16xi32>,
    %add3A_2723 = arith.constant 1 : i32
    %add3A_2724 = vector.broadcast %add3A_2723 : i32 to vector<16xi32>
    %add3A_2725 = arith.addi %mul3A_2721, %add3A_2724 : vector<16xi32>
    %gather3A_2726 = tpu.vector_load_idx %arg13[%add3A_2725] : memref<3584xi32, #tpu.memory_space<vmem>>[vector<16xi32>], vector<16xi32>,
    %mul3A_2727 = arith.constant 200 : i32
    %mul3A_2728 = vector.broadcast %mul3A_2727 : i32 to vector<16xi32>
    %mul3A_2729 = arith.muli %gather3A_2722, %mul3A_2728 : vector<16xi32>
    %add3A_2730 = arith.addi %mul3A_2729, %gather3A_2726 : vector<16xi32>
    %shift_right_logical3A_2731 = arith.constant 3 : i32
    %shift_right_logical3A_2732 = vector.broadcast %shift_right_logical3A_2731 : i32 to vector<16xi32>
    %shift_right_logical3A_2733 = arith.shrui %gather3A_2722, %shift_right_logical3A_2732 : vector<16xi32>
    %mul3A_2734 = arith.constant 448 : i32
    %mul3A_2735 = vector.broadcast %mul3A_2734 : i32 to vector<16xi32>
    %mul3A_2736 = arith.muli %shift_right_logical3A_2733, %mul3A_2735 : vector<16xi32>
    %add3A_2737 = arith.addi %add3A_2730, %mul3A_2736 : vector<16xi32>
    %swap3A_2738 = arith.constant 5 : i32
    %swap3A_2739 = arith.index_cast %swap3A_2738 : i32 to index
    %swap3A_2740 = arith.constant 64 : index
    %swap3A_2741 = tpu.vector_load %arg12[%swap3A_2739, %swap3A_2740] {strides = array<i32>} : memref<7x128xi32, #tpu.memory_space<vmem>>, vector<16xi32>,
    tpu.vector_store %arg12[%swap3A_2739, %swap3A_2740], %add3A_2737 {strides = array<i32>} : memref<7x128xi32, #tpu.memory_space<vmem>>, vector<16xi32>,
    %get3A_2742 = arith.constant 720 : index
    %get3A_2743 = tpu.vector_load %arg9[%get3A_2742] {strides = array<i32>} : memref<896xi32, #tpu.memory_space<vmem>>, vector<16xi32>,
    %convert_element_type3A_2744 = arith.sitofp %get3A_2743 : vector<16xi32> to vector<16xf32>
    %mul3A_2745 = arith.constant 0.00104166672 : f32
    %mul3A_2746 = vector.broadcast %mul3A_2745 : f32 to vector<16xf32>
    %mul3A_2747 = arith.mulf %convert_element_type3A_2744, %mul3A_2746 : vector<16xf32>
    %convert_element_type3A_2748 = arith.fptosi %mul3A_2747 : vector<16xf32> to vector<16xi32>
    %mul3A_2749 = arith.constant 960 : i32
    %mul3A_2750 = vector.broadcast %mul3A_2749 : i32 to vector<16xi32>
    %mul3A_2751 = arith.muli %convert_element_type3A_2748, %mul3A_2750 : vector<16xi32>
    %sub3A_2752 = arith.subi %get3A_2743, %mul3A_2751 : vector<16xi32>
    %lt3A_2753 = arith.constant 0 : i32
    %lt3A_2754 = vector.broadcast %lt3A_2753 : i32 to vector<16xi32>
    %lt3A_2755 = arith.cmpi slt, %sub3A_2752, %lt3A_2754 : vector<16xi32>
    %add3A_2756 = arith.constant 960 : i32
    %add3A_2757 = vector.broadcast %add3A_2756 : i32 to vector<16xi32>
    %add3A_2758 = arith.addi %sub3A_2752, %add3A_2757 : vector<16xi32>
    %select_n3A_2759 = arith.select %lt3A_2755, %add3A_2758, %sub3A_2752 : vector<16xi1>, vector<16xi32>
    %ge3A_2760 = arith.constant 960 : i32
    %ge3A_2761 = vector.broadcast %ge3A_2760 : i32 to vector<16xi32>
    %ge3A_2762 = arith.cmpi sge, %select_n3A_2759, %ge3A_2761 : vector<16xi32>
    %sub3A_2763 = arith.constant 960 : i32
    %sub3A_2764 = vector.broadcast %sub3A_2763 : i32 to vector<16xi32>
    %sub3A_2765 = arith.subi %select_n3A_2759, %sub3A_2764 : vector<16xi32>
    %select_n3A_2766 = arith.select %ge3A_2762, %sub3A_2765, %select_n3A_2759 : vector<16xi1>, vector<16xi32>
    %convert_element_type3A_2767 = arith.sitofp %select_n3A_2766 : vector<16xi32> to vector<16xf32>
    %add3A_2768 = arith.constant 1.000000e+00 : f32
    %add3A_2769 = vector.broadcast %add3A_2768 : f32 to vector<16xf32>
    %add3A_2770 = arith.addf %convert_element_type3A_2767, %add3A_2769 : vector<16xf32>
    %swap3A_2771 = arith.constant 720 : index
    %swap3A_2772 = tpu.vector_load %arg11[%swap3A_2771] {strides = array<i32>} : memref<896xf32, #tpu.memory_space<vmem>>, vector<16xf32>,
    tpu.vector_store %arg11[%swap3A_2771], %add3A_2770 {strides = array<i32>} : memref<896xf32, #tpu.memory_space<vmem>>, vector<16xf32>,
    %add3A_2773 = arith.constant 720 : i32
    %add3A_2774 = vector.broadcast %add3A_2773 : i32 to vector<16xi32>
    %add3A_2775 = arith.addi %iota3A, %add3A_2774 : vector<16xi32>
    %mul3A_2776 = arith.constant 4 : i32
    %mul3A_2777 = vector.broadcast %mul3A_2776 : i32 to vector<16xi32>
    %mul3A_2778 = arith.muli %add3A_2775, %mul3A_2777 : vector<16xi32>
    %gather3A_2779 = tpu.vector_load_idx %arg13[%mul3A_2778] : memref<3584xi32, #tpu.memory_space<vmem>>[vector<16xi32>], vector<16xi32>,
    %add3A_2780 = arith.constant 1 : i32
    %add3A_2781 = vector.broadcast %add3A_2780 : i32 to vector<16xi32>
    %add3A_2782 = arith.addi %mul3A_2778, %add3A_2781 : vector<16xi32>
    %gather3A_2783 = tpu.vector_load_idx %arg13[%add3A_2782] : memref<3584xi32, #tpu.memory_space<vmem>>[vector<16xi32>], vector<16xi32>,
    %mul3A_2784 = arith.constant 200 : i32
    %mul3A_2785 = vector.broadcast %mul3A_2784 : i32 to vector<16xi32>
    %mul3A_2786 = arith.muli %gather3A_2779, %mul3A_2785 : vector<16xi32>
    %add3A_2787 = arith.addi %mul3A_2786, %gather3A_2783 : vector<16xi32>
    %shift_right_logical3A_2788 = arith.constant 3 : i32
    %shift_right_logical3A_2789 = vector.broadcast %shift_right_logical3A_2788 : i32 to vector<16xi32>
    %shift_right_logical3A_2790 = arith.shrui %gather3A_2779, %shift_right_logical3A_2789 : vector<16xi32>
    %mul3A_2791 = arith.constant 448 : i32
    %mul3A_2792 = vector.broadcast %mul3A_2791 : i32 to vector<16xi32>
    %mul3A_2793 = arith.muli %shift_right_logical3A_2790, %mul3A_2792 : vector<16xi32>
    %add3A_2794 = arith.addi %add3A_2787, %mul3A_2793 : vector<16xi32>
    %swap3A_2795 = arith.constant 5 : i32
    %swap3A_2796 = arith.index_cast %swap3A_2795 : i32 to index
    %swap3A_2797 = arith.constant 80 : index
    %swap3A_2798 = tpu.vector_load %arg12[%swap3A_2796, %swap3A_2797] {strides = array<i32>} : memref<7x128xi32, #tpu.memory_space<vmem>>, vector<16xi32>,
    tpu.vector_store %arg12[%swap3A_2796, %swap3A_2797], %add3A_2794 {strides = array<i32>} : memref<7x128xi32, #tpu.memory_space<vmem>>, vector<16xi32>,
    %get3A_2799 = arith.constant 736 : index
    %get3A_2800 = tpu.vector_load %arg9[%get3A_2799] {strides = array<i32>} : memref<896xi32, #tpu.memory_space<vmem>>, vector<16xi32>,
    %convert_element_type3A_2801 = arith.sitofp %get3A_2800 : vector<16xi32> to vector<16xf32>
    %mul3A_2802 = arith.constant 0.00104166672 : f32
    %mul3A_2803 = vector.broadcast %mul3A_2802 : f32 to vector<16xf32>
    %mul3A_2804 = arith.mulf %convert_element_type3A_2801, %mul3A_2803 : vector<16xf32>
    %convert_element_type3A_2805 = arith.fptosi %mul3A_2804 : vector<16xf32> to vector<16xi32>
    %mul3A_2806 = arith.constant 960 : i32
    %mul3A_2807 = vector.broadcast %mul3A_2806 : i32 to vector<16xi32>
    %mul3A_2808 = arith.muli %convert_element_type3A_2805, %mul3A_2807 : vector<16xi32>
    %sub3A_2809 = arith.subi %get3A_2800, %mul3A_2808 : vector<16xi32>
    %lt3A_2810 = arith.constant 0 : i32
    %lt3A_2811 = vector.broadcast %lt3A_2810 : i32 to vector<16xi32>
    %lt3A_2812 = arith.cmpi slt, %sub3A_2809, %lt3A_2811 : vector<16xi32>
    %add3A_2813 = arith.constant 960 : i32
    %add3A_2814 = vector.broadcast %add3A_2813 : i32 to vector<16xi32>
    %add3A_2815 = arith.addi %sub3A_2809, %add3A_2814 : vector<16xi32>
    %select_n3A_2816 = arith.select %lt3A_2812, %add3A_2815, %sub3A_2809 : vector<16xi1>, vector<16xi32>
    %ge3A_2817 = arith.constant 960 : i32
    %ge3A_2818 = vector.broadcast %ge3A_2817 : i32 to vector<16xi32>
    %ge3A_2819 = arith.cmpi sge, %select_n3A_2816, %ge3A_2818 : vector<16xi32>
    %sub3A_2820 = arith.constant 960 : i32
    %sub3A_2821 = vector.broadcast %sub3A_2820 : i32 to vector<16xi32>
    %sub3A_2822 = arith.subi %select_n3A_2816, %sub3A_2821 : vector<16xi32>
    %select_n3A_2823 = arith.select %ge3A_2819, %sub3A_2822, %select_n3A_2816 : vector<16xi1>, vector<16xi32>
    %convert_element_type3A_2824 = arith.sitofp %select_n3A_2823 : vector<16xi32> to vector<16xf32>
    %add3A_2825 = arith.constant 1.000000e+00 : f32
    %add3A_2826 = vector.broadcast %add3A_2825 : f32 to vector<16xf32>
    %add3A_2827 = arith.addf %convert_element_type3A_2824, %add3A_2826 : vector<16xf32>
    %swap3A_2828 = arith.constant 736 : index
    %swap3A_2829 = tpu.vector_load %arg11[%swap3A_2828] {strides = array<i32>} : memref<896xf32, #tpu.memory_space<vmem>>, vector<16xf32>,
    tpu.vector_store %arg11[%swap3A_2828], %add3A_2827 {strides = array<i32>} : memref<896xf32, #tpu.memory_space<vmem>>, vector<16xf32>,
    %add3A_2830 = arith.constant 736 : i32
    %add3A_2831 = vector.broadcast %add3A_2830 : i32 to vector<16xi32>
    %add3A_2832 = arith.addi %iota3A, %add3A_2831 : vector<16xi32>
    %mul3A_2833 = arith.constant 4 : i32
    %mul3A_2834 = vector.broadcast %mul3A_2833 : i32 to vector<16xi32>
    %mul3A_2835 = arith.muli %add3A_2832, %mul3A_2834 : vector<16xi32>
    %gather3A_2836 = tpu.vector_load_idx %arg13[%mul3A_2835] : memref<3584xi32, #tpu.memory_space<vmem>>[vector<16xi32>], vector<16xi32>,
    %add3A_2837 = arith.constant 1 : i32
    %add3A_2838 = vector.broadcast %add3A_2837 : i32 to vector<16xi32>
    %add3A_2839 = arith.addi %mul3A_2835, %add3A_2838 : vector<16xi32>
    %gather3A_2840 = tpu.vector_load_idx %arg13[%add3A_2839] : memref<3584xi32, #tpu.memory_space<vmem>>[vector<16xi32>], vector<16xi32>,
    %mul3A_2841 = arith.constant 200 : i32
    %mul3A_2842 = vector.broadcast %mul3A_2841 : i32 to vector<16xi32>
    %mul3A_2843 = arith.muli %gather3A_2836, %mul3A_2842 : vector<16xi32>
    %add3A_2844 = arith.addi %mul3A_2843, %gather3A_2840 : vector<16xi32>
    %shift_right_logical3A_2845 = arith.constant 3 : i32
    %shift_right_logical3A_2846 = vector.broadcast %shift_right_logical3A_2845 : i32 to vector<16xi32>
    %shift_right_logical3A_2847 = arith.shrui %gather3A_2836, %shift_right_logical3A_2846 : vector<16xi32>
    %mul3A_2848 = arith.constant 448 : i32
    %mul3A_2849 = vector.broadcast %mul3A_2848 : i32 to vector<16xi32>
    %mul3A_2850 = arith.muli %shift_right_logical3A_2847, %mul3A_2849 : vector<16xi32>
    %add3A_2851 = arith.addi %add3A_2844, %mul3A_2850 : vector<16xi32>
    %swap3A_2852 = arith.constant 5 : i32
    %swap3A_2853 = arith.index_cast %swap3A_2852 : i32 to index
    %swap3A_2854 = arith.constant 96 : index
    %swap3A_2855 = tpu.vector_load %arg12[%swap3A_2853, %swap3A_2854] {strides = array<i32>} : memref<7x128xi32, #tpu.memory_space<vmem>>, vector<16xi32>,
    tpu.vector_store %arg12[%swap3A_2853, %swap3A_2854], %add3A_2851 {strides = array<i32>} : memref<7x128xi32, #tpu.memory_space<vmem>>, vector<16xi32>,
    %get3A_2856 = arith.constant 752 : index
    %get3A_2857 = tpu.vector_load %arg9[%get3A_2856] {strides = array<i32>} : memref<896xi32, #tpu.memory_space<vmem>>, vector<16xi32>,
    %convert_element_type3A_2858 = arith.sitofp %get3A_2857 : vector<16xi32> to vector<16xf32>
    %mul3A_2859 = arith.constant 0.00104166672 : f32
    %mul3A_2860 = vector.broadcast %mul3A_2859 : f32 to vector<16xf32>
    %mul3A_2861 = arith.mulf %convert_element_type3A_2858, %mul3A_2860 : vector<16xf32>
    %convert_element_type3A_2862 = arith.fptosi %mul3A_2861 : vector<16xf32> to vector<16xi32>
    %mul3A_2863 = arith.constant 960 : i32
    %mul3A_2864 = vector.broadcast %mul3A_2863 : i32 to vector<16xi32>
    %mul3A_2865 = arith.muli %convert_element_type3A_2862, %mul3A_2864 : vector<16xi32>
    %sub3A_2866 = arith.subi %get3A_2857, %mul3A_2865 : vector<16xi32>
    %lt3A_2867 = arith.constant 0 : i32
    %lt3A_2868 = vector.broadcast %lt3A_2867 : i32 to vector<16xi32>
    %lt3A_2869 = arith.cmpi slt, %sub3A_2866, %lt3A_2868 : vector<16xi32>
    %add3A_2870 = arith.constant 960 : i32
    %add3A_2871 = vector.broadcast %add3A_2870 : i32 to vector<16xi32>
    %add3A_2872 = arith.addi %sub3A_2866, %add3A_2871 : vector<16xi32>
    %select_n3A_2873 = arith.select %lt3A_2869, %add3A_2872, %sub3A_2866 : vector<16xi1>, vector<16xi32>
    %ge3A_2874 = arith.constant 960 : i32
    %ge3A_2875 = vector.broadcast %ge3A_2874 : i32 to vector<16xi32>
    %ge3A_2876 = arith.cmpi sge, %select_n3A_2873, %ge3A_2875 : vector<16xi32>
    %sub3A_2877 = arith.constant 960 : i32
    %sub3A_2878 = vector.broadcast %sub3A_2877 : i32 to vector<16xi32>
    %sub3A_2879 = arith.subi %select_n3A_2873, %sub3A_2878 : vector<16xi32>
    %select_n3A_2880 = arith.select %ge3A_2876, %sub3A_2879, %select_n3A_2873 : vector<16xi1>, vector<16xi32>
    %convert_element_type3A_2881 = arith.sitofp %select_n3A_2880 : vector<16xi32> to vector<16xf32>
    %add3A_2882 = arith.constant 1.000000e+00 : f32
    %add3A_2883 = vector.broadcast %add3A_2882 : f32 to vector<16xf32>
    %add3A_2884 = arith.addf %convert_element_type3A_2881, %add3A_2883 : vector<16xf32>
    %swap3A_2885 = arith.constant 752 : index
    %swap3A_2886 = tpu.vector_load %arg11[%swap3A_2885] {strides = array<i32>} : memref<896xf32, #tpu.memory_space<vmem>>, vector<16xf32>,
    tpu.vector_store %arg11[%swap3A_2885], %add3A_2884 {strides = array<i32>} : memref<896xf32, #tpu.memory_space<vmem>>, vector<16xf32>,
    %add3A_2887 = arith.constant 752 : i32
    %add3A_2888 = vector.broadcast %add3A_2887 : i32 to vector<16xi32>
    %add3A_2889 = arith.addi %iota3A, %add3A_2888 : vector<16xi32>
    %mul3A_2890 = arith.constant 4 : i32
    %mul3A_2891 = vector.broadcast %mul3A_2890 : i32 to vector<16xi32>
    %mul3A_2892 = arith.muli %add3A_2889, %mul3A_2891 : vector<16xi32>
    %gather3A_2893 = tpu.vector_load_idx %arg13[%mul3A_2892] : memref<3584xi32, #tpu.memory_space<vmem>>[vector<16xi32>], vector<16xi32>,
    %add3A_2894 = arith.constant 1 : i32
    %add3A_2895 = vector.broadcast %add3A_2894 : i32 to vector<16xi32>
    %add3A_2896 = arith.addi %mul3A_2892, %add3A_2895 : vector<16xi32>
    %gather3A_2897 = tpu.vector_load_idx %arg13[%add3A_2896] : memref<3584xi32, #tpu.memory_space<vmem>>[vector<16xi32>], vector<16xi32>,
    %mul3A_2898 = arith.constant 200 : i32
    %mul3A_2899 = vector.broadcast %mul3A_2898 : i32 to vector<16xi32>
    %mul3A_2900 = arith.muli %gather3A_2893, %mul3A_2899 : vector<16xi32>
    %add3A_2901 = arith.addi %mul3A_2900, %gather3A_2897 : vector<16xi32>
    %shift_right_logical3A_2902 = arith.constant 3 : i32
    %shift_right_logical3A_2903 = vector.broadcast %shift_right_logical3A_2902 : i32 to vector<16xi32>
    %shift_right_logical3A_2904 = arith.shrui %gather3A_2893, %shift_right_logical3A_2903 : vector<16xi32>
    %mul3A_2905 = arith.constant 448 : i32
    %mul3A_2906 = vector.broadcast %mul3A_2905 : i32 to vector<16xi32>
    %mul3A_2907 = arith.muli %shift_right_logical3A_2904, %mul3A_2906 : vector<16xi32>
    %add3A_2908 = arith.addi %add3A_2901, %mul3A_2907 : vector<16xi32>
    %swap3A_2909 = arith.constant 5 : i32
    %swap3A_2910 = arith.index_cast %swap3A_2909 : i32 to index
    %swap3A_2911 = arith.constant 112 : index
    %swap3A_2912 = tpu.vector_load %arg12[%swap3A_2910, %swap3A_2911] {strides = array<i32>} : memref<7x128xi32, #tpu.memory_space<vmem>>, vector<16xi32>,
    tpu.vector_store %arg12[%swap3A_2910, %swap3A_2911], %add3A_2908 {strides = array<i32>} : memref<7x128xi32, #tpu.memory_space<vmem>>, vector<16xi32>,
    %get3A_2913 = arith.constant 768 : index
    %get3A_2914 = tpu.vector_load %arg9[%get3A_2913] {strides = array<i32>} : memref<896xi32, #tpu.memory_space<vmem>>, vector<16xi32>,
    %convert_element_type3A_2915 = arith.sitofp %get3A_2914 : vector<16xi32> to vector<16xf32>
    %mul3A_2916 = arith.constant 0.00104166672 : f32
    %mul3A_2917 = vector.broadcast %mul3A_2916 : f32 to vector<16xf32>
    %mul3A_2918 = arith.mulf %convert_element_type3A_2915, %mul3A_2917 : vector<16xf32>
    %convert_element_type3A_2919 = arith.fptosi %mul3A_2918 : vector<16xf32> to vector<16xi32>
    %mul3A_2920 = arith.constant 960 : i32
    %mul3A_2921 = vector.broadcast %mul3A_2920 : i32 to vector<16xi32>
    %mul3A_2922 = arith.muli %convert_element_type3A_2919, %mul3A_2921 : vector<16xi32>
    %sub3A_2923 = arith.subi %get3A_2914, %mul3A_2922 : vector<16xi32>
    %lt3A_2924 = arith.constant 0 : i32
    %lt3A_2925 = vector.broadcast %lt3A_2924 : i32 to vector<16xi32>
    %lt3A_2926 = arith.cmpi slt, %sub3A_2923, %lt3A_2925 : vector<16xi32>
    %add3A_2927 = arith.constant 960 : i32
    %add3A_2928 = vector.broadcast %add3A_2927 : i32 to vector<16xi32>
    %add3A_2929 = arith.addi %sub3A_2923, %add3A_2928 : vector<16xi32>
    %select_n3A_2930 = arith.select %lt3A_2926, %add3A_2929, %sub3A_2923 : vector<16xi1>, vector<16xi32>
    %ge3A_2931 = arith.constant 960 : i32
    %ge3A_2932 = vector.broadcast %ge3A_2931 : i32 to vector<16xi32>
    %ge3A_2933 = arith.cmpi sge, %select_n3A_2930, %ge3A_2932 : vector<16xi32>
    %sub3A_2934 = arith.constant 960 : i32
    %sub3A_2935 = vector.broadcast %sub3A_2934 : i32 to vector<16xi32>
    %sub3A_2936 = arith.subi %select_n3A_2930, %sub3A_2935 : vector<16xi32>
    %select_n3A_2937 = arith.select %ge3A_2933, %sub3A_2936, %select_n3A_2930 : vector<16xi1>, vector<16xi32>
    %convert_element_type3A_2938 = arith.sitofp %select_n3A_2937 : vector<16xi32> to vector<16xf32>
    %add3A_2939 = arith.constant 1.000000e+00 : f32
    %add3A_2940 = vector.broadcast %add3A_2939 : f32 to vector<16xf32>
    %add3A_2941 = arith.addf %convert_element_type3A_2938, %add3A_2940 : vector<16xf32>
    %swap3A_2942 = arith.constant 768 : index
    %swap3A_2943 = tpu.vector_load %arg11[%swap3A_2942] {strides = array<i32>} : memref<896xf32, #tpu.memory_space<vmem>>, vector<16xf32>,
    tpu.vector_store %arg11[%swap3A_2942], %add3A_2941 {strides = array<i32>} : memref<896xf32, #tpu.memory_space<vmem>>, vector<16xf32>,
    %add3A_2944 = arith.constant 768 : i32
    %add3A_2945 = vector.broadcast %add3A_2944 : i32 to vector<16xi32>
    %add3A_2946 = arith.addi %iota3A, %add3A_2945 : vector<16xi32>
    %mul3A_2947 = arith.constant 4 : i32
    %mul3A_2948 = vector.broadcast %mul3A_2947 : i32 to vector<16xi32>
    %mul3A_2949 = arith.muli %add3A_2946, %mul3A_2948 : vector<16xi32>
    %gather3A_2950 = tpu.vector_load_idx %arg13[%mul3A_2949] : memref<3584xi32, #tpu.memory_space<vmem>>[vector<16xi32>], vector<16xi32>,
    %add3A_2951 = arith.constant 1 : i32
    %add3A_2952 = vector.broadcast %add3A_2951 : i32 to vector<16xi32>
    %add3A_2953 = arith.addi %mul3A_2949, %add3A_2952 : vector<16xi32>
    %gather3A_2954 = tpu.vector_load_idx %arg13[%add3A_2953] : memref<3584xi32, #tpu.memory_space<vmem>>[vector<16xi32>], vector<16xi32>,
    %mul3A_2955 = arith.constant 200 : i32
    %mul3A_2956 = vector.broadcast %mul3A_2955 : i32 to vector<16xi32>
    %mul3A_2957 = arith.muli %gather3A_2950, %mul3A_2956 : vector<16xi32>
    %add3A_2958 = arith.addi %mul3A_2957, %gather3A_2954 : vector<16xi32>
    %shift_right_logical3A_2959 = arith.constant 3 : i32
    %shift_right_logical3A_2960 = vector.broadcast %shift_right_logical3A_2959 : i32 to vector<16xi32>
    %shift_right_logical3A_2961 = arith.shrui %gather3A_2950, %shift_right_logical3A_2960 : vector<16xi32>
    %mul3A_2962 = arith.constant 448 : i32
    %mul3A_2963 = vector.broadcast %mul3A_2962 : i32 to vector<16xi32>
    %mul3A_2964 = arith.muli %shift_right_logical3A_2961, %mul3A_2963 : vector<16xi32>
    %add3A_2965 = arith.addi %add3A_2958, %mul3A_2964 : vector<16xi32>
    %swap3A_2966 = arith.constant 6 : i32
    %swap3A_2967 = arith.index_cast %swap3A_2966 : i32 to index
    %swap3A_2968 = arith.constant 0 : index
    %swap3A_2969 = tpu.vector_load %arg12[%swap3A_2967, %swap3A_2968] {strides = array<i32>} : memref<7x128xi32, #tpu.memory_space<vmem>>, vector<16xi32>,
    tpu.vector_store %arg12[%swap3A_2967, %swap3A_2968], %add3A_2965 {strides = array<i32>} : memref<7x128xi32, #tpu.memory_space<vmem>>, vector<16xi32>,
    %get3A_2970 = arith.constant 784 : index
    %get3A_2971 = tpu.vector_load %arg9[%get3A_2970] {strides = array<i32>} : memref<896xi32, #tpu.memory_space<vmem>>, vector<16xi32>,
    %convert_element_type3A_2972 = arith.sitofp %get3A_2971 : vector<16xi32> to vector<16xf32>
    %mul3A_2973 = arith.constant 0.00104166672 : f32
    %mul3A_2974 = vector.broadcast %mul3A_2973 : f32 to vector<16xf32>
    %mul3A_2975 = arith.mulf %convert_element_type3A_2972, %mul3A_2974 : vector<16xf32>
    %convert_element_type3A_2976 = arith.fptosi %mul3A_2975 : vector<16xf32> to vector<16xi32>
    %mul3A_2977 = arith.constant 960 : i32
    %mul3A_2978 = vector.broadcast %mul3A_2977 : i32 to vector<16xi32>
    %mul3A_2979 = arith.muli %convert_element_type3A_2976, %mul3A_2978 : vector<16xi32>
    %sub3A_2980 = arith.subi %get3A_2971, %mul3A_2979 : vector<16xi32>
    %lt3A_2981 = arith.constant 0 : i32
    %lt3A_2982 = vector.broadcast %lt3A_2981 : i32 to vector<16xi32>
    %lt3A_2983 = arith.cmpi slt, %sub3A_2980, %lt3A_2982 : vector<16xi32>
    %add3A_2984 = arith.constant 960 : i32
    %add3A_2985 = vector.broadcast %add3A_2984 : i32 to vector<16xi32>
    %add3A_2986 = arith.addi %sub3A_2980, %add3A_2985 : vector<16xi32>
    %select_n3A_2987 = arith.select %lt3A_2983, %add3A_2986, %sub3A_2980 : vector<16xi1>, vector<16xi32>
    %ge3A_2988 = arith.constant 960 : i32
    %ge3A_2989 = vector.broadcast %ge3A_2988 : i32 to vector<16xi32>
    %ge3A_2990 = arith.cmpi sge, %select_n3A_2987, %ge3A_2989 : vector<16xi32>
    %sub3A_2991 = arith.constant 960 : i32
    %sub3A_2992 = vector.broadcast %sub3A_2991 : i32 to vector<16xi32>
    %sub3A_2993 = arith.subi %select_n3A_2987, %sub3A_2992 : vector<16xi32>
    %select_n3A_2994 = arith.select %ge3A_2990, %sub3A_2993, %select_n3A_2987 : vector<16xi1>, vector<16xi32>
    %convert_element_type3A_2995 = arith.sitofp %select_n3A_2994 : vector<16xi32> to vector<16xf32>
    %add3A_2996 = arith.constant 1.000000e+00 : f32
    %add3A_2997 = vector.broadcast %add3A_2996 : f32 to vector<16xf32>
    %add3A_2998 = arith.addf %convert_element_type3A_2995, %add3A_2997 : vector<16xf32>
    %swap3A_2999 = arith.constant 784 : index
    %swap3A_3000 = tpu.vector_load %arg11[%swap3A_2999] {strides = array<i32>} : memref<896xf32, #tpu.memory_space<vmem>>, vector<16xf32>,
    tpu.vector_store %arg11[%swap3A_2999], %add3A_2998 {strides = array<i32>} : memref<896xf32, #tpu.memory_space<vmem>>, vector<16xf32>,
    %add3A_3001 = arith.constant 784 : i32
    %add3A_3002 = vector.broadcast %add3A_3001 : i32 to vector<16xi32>
    %add3A_3003 = arith.addi %iota3A, %add3A_3002 : vector<16xi32>
    %mul3A_3004 = arith.constant 4 : i32
    %mul3A_3005 = vector.broadcast %mul3A_3004 : i32 to vector<16xi32>
    %mul3A_3006 = arith.muli %add3A_3003, %mul3A_3005 : vector<16xi32>
    %gather3A_3007 = tpu.vector_load_idx %arg13[%mul3A_3006] : memref<3584xi32, #tpu.memory_space<vmem>>[vector<16xi32>], vector<16xi32>,
    %add3A_3008 = arith.constant 1 : i32
    %add3A_3009 = vector.broadcast %add3A_3008 : i32 to vector<16xi32>
    %add3A_3010 = arith.addi %mul3A_3006, %add3A_3009 : vector<16xi32>
    %gather3A_3011 = tpu.vector_load_idx %arg13[%add3A_3010] : memref<3584xi32, #tpu.memory_space<vmem>>[vector<16xi32>], vector<16xi32>,
    %mul3A_3012 = arith.constant 200 : i32
    %mul3A_3013 = vector.broadcast %mul3A_3012 : i32 to vector<16xi32>
    %mul3A_3014 = arith.muli %gather3A_3007, %mul3A_3013 : vector<16xi32>
    %add3A_3015 = arith.addi %mul3A_3014, %gather3A_3011 : vector<16xi32>
    %shift_right_logical3A_3016 = arith.constant 3 : i32
    %shift_right_logical3A_3017 = vector.broadcast %shift_right_logical3A_3016 : i32 to vector<16xi32>
    %shift_right_logical3A_3018 = arith.shrui %gather3A_3007, %shift_right_logical3A_3017 : vector<16xi32>
    %mul3A_3019 = arith.constant 448 : i32
    %mul3A_3020 = vector.broadcast %mul3A_3019 : i32 to vector<16xi32>
    %mul3A_3021 = arith.muli %shift_right_logical3A_3018, %mul3A_3020 : vector<16xi32>
    %add3A_3022 = arith.addi %add3A_3015, %mul3A_3021 : vector<16xi32>
    %swap3A_3023 = arith.constant 6 : i32
    %swap3A_3024 = arith.index_cast %swap3A_3023 : i32 to index
    %swap3A_3025 = arith.constant 16 : index
    %swap3A_3026 = tpu.vector_load %arg12[%swap3A_3024, %swap3A_3025] {strides = array<i32>} : memref<7x128xi32, #tpu.memory_space<vmem>>, vector<16xi32>,
    tpu.vector_store %arg12[%swap3A_3024, %swap3A_3025], %add3A_3022 {strides = array<i32>} : memref<7x128xi32, #tpu.memory_space<vmem>>, vector<16xi32>,
    %get3A_3027 = arith.constant 800 : index
    %get3A_3028 = tpu.vector_load %arg9[%get3A_3027] {strides = array<i32>} : memref<896xi32, #tpu.memory_space<vmem>>, vector<16xi32>,
    %convert_element_type3A_3029 = arith.sitofp %get3A_3028 : vector<16xi32> to vector<16xf32>
    %mul3A_3030 = arith.constant 0.00104166672 : f32
    %mul3A_3031 = vector.broadcast %mul3A_3030 : f32 to vector<16xf32>
    %mul3A_3032 = arith.mulf %convert_element_type3A_3029, %mul3A_3031 : vector<16xf32>
    %convert_element_type3A_3033 = arith.fptosi %mul3A_3032 : vector<16xf32> to vector<16xi32>
    %mul3A_3034 = arith.constant 960 : i32
    %mul3A_3035 = vector.broadcast %mul3A_3034 : i32 to vector<16xi32>
    %mul3A_3036 = arith.muli %convert_element_type3A_3033, %mul3A_3035 : vector<16xi32>
    %sub3A_3037 = arith.subi %get3A_3028, %mul3A_3036 : vector<16xi32>
    %lt3A_3038 = arith.constant 0 : i32
    %lt3A_3039 = vector.broadcast %lt3A_3038 : i32 to vector<16xi32>
    %lt3A_3040 = arith.cmpi slt, %sub3A_3037, %lt3A_3039 : vector<16xi32>
    %add3A_3041 = arith.constant 960 : i32
    %add3A_3042 = vector.broadcast %add3A_3041 : i32 to vector<16xi32>
    %add3A_3043 = arith.addi %sub3A_3037, %add3A_3042 : vector<16xi32>
    %select_n3A_3044 = arith.select %lt3A_3040, %add3A_3043, %sub3A_3037 : vector<16xi1>, vector<16xi32>
    %ge3A_3045 = arith.constant 960 : i32
    %ge3A_3046 = vector.broadcast %ge3A_3045 : i32 to vector<16xi32>
    %ge3A_3047 = arith.cmpi sge, %select_n3A_3044, %ge3A_3046 : vector<16xi32>
    %sub3A_3048 = arith.constant 960 : i32
    %sub3A_3049 = vector.broadcast %sub3A_3048 : i32 to vector<16xi32>
    %sub3A_3050 = arith.subi %select_n3A_3044, %sub3A_3049 : vector<16xi32>
    %select_n3A_3051 = arith.select %ge3A_3047, %sub3A_3050, %select_n3A_3044 : vector<16xi1>, vector<16xi32>
    %convert_element_type3A_3052 = arith.sitofp %select_n3A_3051 : vector<16xi32> to vector<16xf32>
    %add3A_3053 = arith.constant 1.000000e+00 : f32
    %add3A_3054 = vector.broadcast %add3A_3053 : f32 to vector<16xf32>
    %add3A_3055 = arith.addf %convert_element_type3A_3052, %add3A_3054 : vector<16xf32>
    %swap3A_3056 = arith.constant 800 : index
    %swap3A_3057 = tpu.vector_load %arg11[%swap3A_3056] {strides = array<i32>} : memref<896xf32, #tpu.memory_space<vmem>>, vector<16xf32>,
    tpu.vector_store %arg11[%swap3A_3056], %add3A_3055 {strides = array<i32>} : memref<896xf32, #tpu.memory_space<vmem>>, vector<16xf32>,
    %add3A_3058 = arith.constant 800 : i32
    %add3A_3059 = vector.broadcast %add3A_3058 : i32 to vector<16xi32>
    %add3A_3060 = arith.addi %iota3A, %add3A_3059 : vector<16xi32>
    %mul3A_3061 = arith.constant 4 : i32
    %mul3A_3062 = vector.broadcast %mul3A_3061 : i32 to vector<16xi32>
    %mul3A_3063 = arith.muli %add3A_3060, %mul3A_3062 : vector<16xi32>
    %gather3A_3064 = tpu.vector_load_idx %arg13[%mul3A_3063] : memref<3584xi32, #tpu.memory_space<vmem>>[vector<16xi32>], vector<16xi32>,
    %add3A_3065 = arith.constant 1 : i32
    %add3A_3066 = vector.broadcast %add3A_3065 : i32 to vector<16xi32>
    %add3A_3067 = arith.addi %mul3A_3063, %add3A_3066 : vector<16xi32>
    %gather3A_3068 = tpu.vector_load_idx %arg13[%add3A_3067] : memref<3584xi32, #tpu.memory_space<vmem>>[vector<16xi32>], vector<16xi32>,
    %mul3A_3069 = arith.constant 200 : i32
    %mul3A_3070 = vector.broadcast %mul3A_3069 : i32 to vector<16xi32>
    %mul3A_3071 = arith.muli %gather3A_3064, %mul3A_3070 : vector<16xi32>
    %add3A_3072 = arith.addi %mul3A_3071, %gather3A_3068 : vector<16xi32>
    %shift_right_logical3A_3073 = arith.constant 3 : i32
    %shift_right_logical3A_3074 = vector.broadcast %shift_right_logical3A_3073 : i32 to vector<16xi32>
    %shift_right_logical3A_3075 = arith.shrui %gather3A_3064, %shift_right_logical3A_3074 : vector<16xi32>
    %mul3A_3076 = arith.constant 448 : i32
    %mul3A_3077 = vector.broadcast %mul3A_3076 : i32 to vector<16xi32>
    %mul3A_3078 = arith.muli %shift_right_logical3A_3075, %mul3A_3077 : vector<16xi32>
    %add3A_3079 = arith.addi %add3A_3072, %mul3A_3078 : vector<16xi32>
    %swap3A_3080 = arith.constant 6 : i32
    %swap3A_3081 = arith.index_cast %swap3A_3080 : i32 to index
    %swap3A_3082 = arith.constant 32 : index
    %swap3A_3083 = tpu.vector_load %arg12[%swap3A_3081, %swap3A_3082] {strides = array<i32>} : memref<7x128xi32, #tpu.memory_space<vmem>>, vector<16xi32>,
    tpu.vector_store %arg12[%swap3A_3081, %swap3A_3082], %add3A_3079 {strides = array<i32>} : memref<7x128xi32, #tpu.memory_space<vmem>>, vector<16xi32>,
    %get3A_3084 = arith.constant 816 : index
    %get3A_3085 = tpu.vector_load %arg9[%get3A_3084] {strides = array<i32>} : memref<896xi32, #tpu.memory_space<vmem>>, vector<16xi32>,
    %convert_element_type3A_3086 = arith.sitofp %get3A_3085 : vector<16xi32> to vector<16xf32>
    %mul3A_3087 = arith.constant 0.00104166672 : f32
    %mul3A_3088 = vector.broadcast %mul3A_3087 : f32 to vector<16xf32>
    %mul3A_3089 = arith.mulf %convert_element_type3A_3086, %mul3A_3088 : vector<16xf32>
    %convert_element_type3A_3090 = arith.fptosi %mul3A_3089 : vector<16xf32> to vector<16xi32>
    %mul3A_3091 = arith.constant 960 : i32
    %mul3A_3092 = vector.broadcast %mul3A_3091 : i32 to vector<16xi32>
    %mul3A_3093 = arith.muli %convert_element_type3A_3090, %mul3A_3092 : vector<16xi32>
    %sub3A_3094 = arith.subi %get3A_3085, %mul3A_3093 : vector<16xi32>
    %lt3A_3095 = arith.constant 0 : i32
    %lt3A_3096 = vector.broadcast %lt3A_3095 : i32 to vector<16xi32>
    %lt3A_3097 = arith.cmpi slt, %sub3A_3094, %lt3A_3096 : vector<16xi32>
    %add3A_3098 = arith.constant 960 : i32
    %add3A_3099 = vector.broadcast %add3A_3098 : i32 to vector<16xi32>
    %add3A_3100 = arith.addi %sub3A_3094, %add3A_3099 : vector<16xi32>
    %select_n3A_3101 = arith.select %lt3A_3097, %add3A_3100, %sub3A_3094 : vector<16xi1>, vector<16xi32>
    %ge3A_3102 = arith.constant 960 : i32
    %ge3A_3103 = vector.broadcast %ge3A_3102 : i32 to vector<16xi32>
    %ge3A_3104 = arith.cmpi sge, %select_n3A_3101, %ge3A_3103 : vector<16xi32>
    %sub3A_3105 = arith.constant 960 : i32
    %sub3A_3106 = vector.broadcast %sub3A_3105 : i32 to vector<16xi32>
    %sub3A_3107 = arith.subi %select_n3A_3101, %sub3A_3106 : vector<16xi32>
    %select_n3A_3108 = arith.select %ge3A_3104, %sub3A_3107, %select_n3A_3101 : vector<16xi1>, vector<16xi32>
    %convert_element_type3A_3109 = arith.sitofp %select_n3A_3108 : vector<16xi32> to vector<16xf32>
    %add3A_3110 = arith.constant 1.000000e+00 : f32
    %add3A_3111 = vector.broadcast %add3A_3110 : f32 to vector<16xf32>
    %add3A_3112 = arith.addf %convert_element_type3A_3109, %add3A_3111 : vector<16xf32>
    %swap3A_3113 = arith.constant 816 : index
    %swap3A_3114 = tpu.vector_load %arg11[%swap3A_3113] {strides = array<i32>} : memref<896xf32, #tpu.memory_space<vmem>>, vector<16xf32>,
    tpu.vector_store %arg11[%swap3A_3113], %add3A_3112 {strides = array<i32>} : memref<896xf32, #tpu.memory_space<vmem>>, vector<16xf32>,
    %add3A_3115 = arith.constant 816 : i32
    %add3A_3116 = vector.broadcast %add3A_3115 : i32 to vector<16xi32>
    %add3A_3117 = arith.addi %iota3A, %add3A_3116 : vector<16xi32>
    %mul3A_3118 = arith.constant 4 : i32
    %mul3A_3119 = vector.broadcast %mul3A_3118 : i32 to vector<16xi32>
    %mul3A_3120 = arith.muli %add3A_3117, %mul3A_3119 : vector<16xi32>
    %gather3A_3121 = tpu.vector_load_idx %arg13[%mul3A_3120] : memref<3584xi32, #tpu.memory_space<vmem>>[vector<16xi32>], vector<16xi32>,
    %add3A_3122 = arith.constant 1 : i32
    %add3A_3123 = vector.broadcast %add3A_3122 : i32 to vector<16xi32>
    %add3A_3124 = arith.addi %mul3A_3120, %add3A_3123 : vector<16xi32>
    %gather3A_3125 = tpu.vector_load_idx %arg13[%add3A_3124] : memref<3584xi32, #tpu.memory_space<vmem>>[vector<16xi32>], vector<16xi32>,
    %mul3A_3126 = arith.constant 200 : i32
    %mul3A_3127 = vector.broadcast %mul3A_3126 : i32 to vector<16xi32>
    %mul3A_3128 = arith.muli %gather3A_3121, %mul3A_3127 : vector<16xi32>
    %add3A_3129 = arith.addi %mul3A_3128, %gather3A_3125 : vector<16xi32>
    %shift_right_logical3A_3130 = arith.constant 3 : i32
    %shift_right_logical3A_3131 = vector.broadcast %shift_right_logical3A_3130 : i32 to vector<16xi32>
    %shift_right_logical3A_3132 = arith.shrui %gather3A_3121, %shift_right_logical3A_3131 : vector<16xi32>
    %mul3A_3133 = arith.constant 448 : i32
    %mul3A_3134 = vector.broadcast %mul3A_3133 : i32 to vector<16xi32>
    %mul3A_3135 = arith.muli %shift_right_logical3A_3132, %mul3A_3134 : vector<16xi32>
    %add3A_3136 = arith.addi %add3A_3129, %mul3A_3135 : vector<16xi32>
    %swap3A_3137 = arith.constant 6 : i32
    %swap3A_3138 = arith.index_cast %swap3A_3137 : i32 to index
    %swap3A_3139 = arith.constant 48 : index
    %swap3A_3140 = tpu.vector_load %arg12[%swap3A_3138, %swap3A_3139] {strides = array<i32>} : memref<7x128xi32, #tpu.memory_space<vmem>>, vector<16xi32>,
    tpu.vector_store %arg12[%swap3A_3138, %swap3A_3139], %add3A_3136 {strides = array<i32>} : memref<7x128xi32, #tpu.memory_space<vmem>>, vector<16xi32>,
    %get3A_3141 = arith.constant 832 : index
    %get3A_3142 = tpu.vector_load %arg9[%get3A_3141] {strides = array<i32>} : memref<896xi32, #tpu.memory_space<vmem>>, vector<16xi32>,
    %convert_element_type3A_3143 = arith.sitofp %get3A_3142 : vector<16xi32> to vector<16xf32>
    %mul3A_3144 = arith.constant 0.00104166672 : f32
    %mul3A_3145 = vector.broadcast %mul3A_3144 : f32 to vector<16xf32>
    %mul3A_3146 = arith.mulf %convert_element_type3A_3143, %mul3A_3145 : vector<16xf32>
    %convert_element_type3A_3147 = arith.fptosi %mul3A_3146 : vector<16xf32> to vector<16xi32>
    %mul3A_3148 = arith.constant 960 : i32
    %mul3A_3149 = vector.broadcast %mul3A_3148 : i32 to vector<16xi32>
    %mul3A_3150 = arith.muli %convert_element_type3A_3147, %mul3A_3149 : vector<16xi32>
    %sub3A_3151 = arith.subi %get3A_3142, %mul3A_3150 : vector<16xi32>
    %lt3A_3152 = arith.constant 0 : i32
    %lt3A_3153 = vector.broadcast %lt3A_3152 : i32 to vector<16xi32>
    %lt3A_3154 = arith.cmpi slt, %sub3A_3151, %lt3A_3153 : vector<16xi32>
    %add3A_3155 = arith.constant 960 : i32
    %add3A_3156 = vector.broadcast %add3A_3155 : i32 to vector<16xi32>
    %add3A_3157 = arith.addi %sub3A_3151, %add3A_3156 : vector<16xi32>
    %select_n3A_3158 = arith.select %lt3A_3154, %add3A_3157, %sub3A_3151 : vector<16xi1>, vector<16xi32>
    %ge3A_3159 = arith.constant 960 : i32
    %ge3A_3160 = vector.broadcast %ge3A_3159 : i32 to vector<16xi32>
    %ge3A_3161 = arith.cmpi sge, %select_n3A_3158, %ge3A_3160 : vector<16xi32>
    %sub3A_3162 = arith.constant 960 : i32
    %sub3A_3163 = vector.broadcast %sub3A_3162 : i32 to vector<16xi32>
    %sub3A_3164 = arith.subi %select_n3A_3158, %sub3A_3163 : vector<16xi32>
    %select_n3A_3165 = arith.select %ge3A_3161, %sub3A_3164, %select_n3A_3158 : vector<16xi1>, vector<16xi32>
    %convert_element_type3A_3166 = arith.sitofp %select_n3A_3165 : vector<16xi32> to vector<16xf32>
    %add3A_3167 = arith.constant 1.000000e+00 : f32
    %add3A_3168 = vector.broadcast %add3A_3167 : f32 to vector<16xf32>
    %add3A_3169 = arith.addf %convert_element_type3A_3166, %add3A_3168 : vector<16xf32>
    %swap3A_3170 = arith.constant 832 : index
    %swap3A_3171 = tpu.vector_load %arg11[%swap3A_3170] {strides = array<i32>} : memref<896xf32, #tpu.memory_space<vmem>>, vector<16xf32>,
    tpu.vector_store %arg11[%swap3A_3170], %add3A_3169 {strides = array<i32>} : memref<896xf32, #tpu.memory_space<vmem>>, vector<16xf32>,
    %add3A_3172 = arith.constant 832 : i32
    %add3A_3173 = vector.broadcast %add3A_3172 : i32 to vector<16xi32>
    %add3A_3174 = arith.addi %iota3A, %add3A_3173 : vector<16xi32>
    %mul3A_3175 = arith.constant 4 : i32
    %mul3A_3176 = vector.broadcast %mul3A_3175 : i32 to vector<16xi32>
    %mul3A_3177 = arith.muli %add3A_3174, %mul3A_3176 : vector<16xi32>
    %gather3A_3178 = tpu.vector_load_idx %arg13[%mul3A_3177] : memref<3584xi32, #tpu.memory_space<vmem>>[vector<16xi32>], vector<16xi32>,
    %add3A_3179 = arith.constant 1 : i32
    %add3A_3180 = vector.broadcast %add3A_3179 : i32 to vector<16xi32>
    %add3A_3181 = arith.addi %mul3A_3177, %add3A_3180 : vector<16xi32>
    %gather3A_3182 = tpu.vector_load_idx %arg13[%add3A_3181] : memref<3584xi32, #tpu.memory_space<vmem>>[vector<16xi32>], vector<16xi32>,
    %mul3A_3183 = arith.constant 200 : i32
    %mul3A_3184 = vector.broadcast %mul3A_3183 : i32 to vector<16xi32>
    %mul3A_3185 = arith.muli %gather3A_3178, %mul3A_3184 : vector<16xi32>
    %add3A_3186 = arith.addi %mul3A_3185, %gather3A_3182 : vector<16xi32>
    %shift_right_logical3A_3187 = arith.constant 3 : i32
    %shift_right_logical3A_3188 = vector.broadcast %shift_right_logical3A_3187 : i32 to vector<16xi32>
    %shift_right_logical3A_3189 = arith.shrui %gather3A_3178, %shift_right_logical3A_3188 : vector<16xi32>
    %mul3A_3190 = arith.constant 448 : i32
    %mul3A_3191 = vector.broadcast %mul3A_3190 : i32 to vector<16xi32>
    %mul3A_3192 = arith.muli %shift_right_logical3A_3189, %mul3A_3191 : vector<16xi32>
    %add3A_3193 = arith.addi %add3A_3186, %mul3A_3192 : vector<16xi32>
    %swap3A_3194 = arith.constant 6 : i32
    %swap3A_3195 = arith.index_cast %swap3A_3194 : i32 to index
    %swap3A_3196 = arith.constant 64 : index
    %swap3A_3197 = tpu.vector_load %arg12[%swap3A_3195, %swap3A_3196] {strides = array<i32>} : memref<7x128xi32, #tpu.memory_space<vmem>>, vector<16xi32>,
    tpu.vector_store %arg12[%swap3A_3195, %swap3A_3196], %add3A_3193 {strides = array<i32>} : memref<7x128xi32, #tpu.memory_space<vmem>>, vector<16xi32>,
    %get3A_3198 = arith.constant 848 : index
    %get3A_3199 = tpu.vector_load %arg9[%get3A_3198] {strides = array<i32>} : memref<896xi32, #tpu.memory_space<vmem>>, vector<16xi32>,
    %convert_element_type3A_3200 = arith.sitofp %get3A_3199 : vector<16xi32> to vector<16xf32>
    %mul3A_3201 = arith.constant 0.00104166672 : f32
    %mul3A_3202 = vector.broadcast %mul3A_3201 : f32 to vector<16xf32>
    %mul3A_3203 = arith.mulf %convert_element_type3A_3200, %mul3A_3202 : vector<16xf32>
    %convert_element_type3A_3204 = arith.fptosi %mul3A_3203 : vector<16xf32> to vector<16xi32>
    %mul3A_3205 = arith.constant 960 : i32
    %mul3A_3206 = vector.broadcast %mul3A_3205 : i32 to vector<16xi32>
    %mul3A_3207 = arith.muli %convert_element_type3A_3204, %mul3A_3206 : vector<16xi32>
    %sub3A_3208 = arith.subi %get3A_3199, %mul3A_3207 : vector<16xi32>
    %lt3A_3209 = arith.constant 0 : i32
    %lt3A_3210 = vector.broadcast %lt3A_3209 : i32 to vector<16xi32>
    %lt3A_3211 = arith.cmpi slt, %sub3A_3208, %lt3A_3210 : vector<16xi32>
    %add3A_3212 = arith.constant 960 : i32
    %add3A_3213 = vector.broadcast %add3A_3212 : i32 to vector<16xi32>
    %add3A_3214 = arith.addi %sub3A_3208, %add3A_3213 : vector<16xi32>
    %select_n3A_3215 = arith.select %lt3A_3211, %add3A_3214, %sub3A_3208 : vector<16xi1>, vector<16xi32>
    %ge3A_3216 = arith.constant 960 : i32
    %ge3A_3217 = vector.broadcast %ge3A_3216 : i32 to vector<16xi32>
    %ge3A_3218 = arith.cmpi sge, %select_n3A_3215, %ge3A_3217 : vector<16xi32>
    %sub3A_3219 = arith.constant 960 : i32
    %sub3A_3220 = vector.broadcast %sub3A_3219 : i32 to vector<16xi32>
    %sub3A_3221 = arith.subi %select_n3A_3215, %sub3A_3220 : vector<16xi32>
    %select_n3A_3222 = arith.select %ge3A_3218, %sub3A_3221, %select_n3A_3215 : vector<16xi1>, vector<16xi32>
    %convert_element_type3A_3223 = arith.sitofp %select_n3A_3222 : vector<16xi32> to vector<16xf32>
    %add3A_3224 = arith.constant 1.000000e+00 : f32
    %add3A_3225 = vector.broadcast %add3A_3224 : f32 to vector<16xf32>
    %add3A_3226 = arith.addf %convert_element_type3A_3223, %add3A_3225 : vector<16xf32>
    %swap3A_3227 = arith.constant 848 : index
    %swap3A_3228 = tpu.vector_load %arg11[%swap3A_3227] {strides = array<i32>} : memref<896xf32, #tpu.memory_space<vmem>>, vector<16xf32>,
    tpu.vector_store %arg11[%swap3A_3227], %add3A_3226 {strides = array<i32>} : memref<896xf32, #tpu.memory_space<vmem>>, vector<16xf32>,
    %add3A_3229 = arith.constant 848 : i32
    %add3A_3230 = vector.broadcast %add3A_3229 : i32 to vector<16xi32>
    %add3A_3231 = arith.addi %iota3A, %add3A_3230 : vector<16xi32>
    %mul3A_3232 = arith.constant 4 : i32
    %mul3A_3233 = vector.broadcast %mul3A_3232 : i32 to vector<16xi32>
    %mul3A_3234 = arith.muli %add3A_3231, %mul3A_3233 : vector<16xi32>
    %gather3A_3235 = tpu.vector_load_idx %arg13[%mul3A_3234] : memref<3584xi32, #tpu.memory_space<vmem>>[vector<16xi32>], vector<16xi32>,
    %add3A_3236 = arith.constant 1 : i32
    %add3A_3237 = vector.broadcast %add3A_3236 : i32 to vector<16xi32>
    %add3A_3238 = arith.addi %mul3A_3234, %add3A_3237 : vector<16xi32>
    %gather3A_3239 = tpu.vector_load_idx %arg13[%add3A_3238] : memref<3584xi32, #tpu.memory_space<vmem>>[vector<16xi32>], vector<16xi32>,
    %mul3A_3240 = arith.constant 200 : i32
    %mul3A_3241 = vector.broadcast %mul3A_3240 : i32 to vector<16xi32>
    %mul3A_3242 = arith.muli %gather3A_3235, %mul3A_3241 : vector<16xi32>
    %add3A_3243 = arith.addi %mul3A_3242, %gather3A_3239 : vector<16xi32>
    %shift_right_logical3A_3244 = arith.constant 3 : i32
    %shift_right_logical3A_3245 = vector.broadcast %shift_right_logical3A_3244 : i32 to vector<16xi32>
    %shift_right_logical3A_3246 = arith.shrui %gather3A_3235, %shift_right_logical3A_3245 : vector<16xi32>
    %mul3A_3247 = arith.constant 448 : i32
    %mul3A_3248 = vector.broadcast %mul3A_3247 : i32 to vector<16xi32>
    %mul3A_3249 = arith.muli %shift_right_logical3A_3246, %mul3A_3248 : vector<16xi32>
    %add3A_3250 = arith.addi %add3A_3243, %mul3A_3249 : vector<16xi32>
    %swap3A_3251 = arith.constant 6 : i32
    %swap3A_3252 = arith.index_cast %swap3A_3251 : i32 to index
    %swap3A_3253 = arith.constant 80 : index
    %swap3A_3254 = tpu.vector_load %arg12[%swap3A_3252, %swap3A_3253] {strides = array<i32>} : memref<7x128xi32, #tpu.memory_space<vmem>>, vector<16xi32>,
    tpu.vector_store %arg12[%swap3A_3252, %swap3A_3253], %add3A_3250 {strides = array<i32>} : memref<7x128xi32, #tpu.memory_space<vmem>>, vector<16xi32>,
    %get3A_3255 = arith.constant 864 : index
    %get3A_3256 = tpu.vector_load %arg9[%get3A_3255] {strides = array<i32>} : memref<896xi32, #tpu.memory_space<vmem>>, vector<16xi32>,
    %convert_element_type3A_3257 = arith.sitofp %get3A_3256 : vector<16xi32> to vector<16xf32>
    %mul3A_3258 = arith.constant 0.00104166672 : f32
    %mul3A_3259 = vector.broadcast %mul3A_3258 : f32 to vector<16xf32>
    %mul3A_3260 = arith.mulf %convert_element_type3A_3257, %mul3A_3259 : vector<16xf32>
    %convert_element_type3A_3261 = arith.fptosi %mul3A_3260 : vector<16xf32> to vector<16xi32>
    %mul3A_3262 = arith.constant 960 : i32
    %mul3A_3263 = vector.broadcast %mul3A_3262 : i32 to vector<16xi32>
    %mul3A_3264 = arith.muli %convert_element_type3A_3261, %mul3A_3263 : vector<16xi32>
    %sub3A_3265 = arith.subi %get3A_3256, %mul3A_3264 : vector<16xi32>
    %lt3A_3266 = arith.constant 0 : i32
    %lt3A_3267 = vector.broadcast %lt3A_3266 : i32 to vector<16xi32>
    %lt3A_3268 = arith.cmpi slt, %sub3A_3265, %lt3A_3267 : vector<16xi32>
    %add3A_3269 = arith.constant 960 : i32
    %add3A_3270 = vector.broadcast %add3A_3269 : i32 to vector<16xi32>
    %add3A_3271 = arith.addi %sub3A_3265, %add3A_3270 : vector<16xi32>
    %select_n3A_3272 = arith.select %lt3A_3268, %add3A_3271, %sub3A_3265 : vector<16xi1>, vector<16xi32>
    %ge3A_3273 = arith.constant 960 : i32
    %ge3A_3274 = vector.broadcast %ge3A_3273 : i32 to vector<16xi32>
    %ge3A_3275 = arith.cmpi sge, %select_n3A_3272, %ge3A_3274 : vector<16xi32>
    %sub3A_3276 = arith.constant 960 : i32
    %sub3A_3277 = vector.broadcast %sub3A_3276 : i32 to vector<16xi32>
    %sub3A_3278 = arith.subi %select_n3A_3272, %sub3A_3277 : vector<16xi32>
    %select_n3A_3279 = arith.select %ge3A_3275, %sub3A_3278, %select_n3A_3272 : vector<16xi1>, vector<16xi32>
    %convert_element_type3A_3280 = arith.sitofp %select_n3A_3279 : vector<16xi32> to vector<16xf32>
    %add3A_3281 = arith.constant 1.000000e+00 : f32
    %add3A_3282 = vector.broadcast %add3A_3281 : f32 to vector<16xf32>
    %add3A_3283 = arith.addf %convert_element_type3A_3280, %add3A_3282 : vector<16xf32>
    %swap3A_3284 = arith.constant 864 : index
    %swap3A_3285 = tpu.vector_load %arg11[%swap3A_3284] {strides = array<i32>} : memref<896xf32, #tpu.memory_space<vmem>>, vector<16xf32>,
    tpu.vector_store %arg11[%swap3A_3284], %add3A_3283 {strides = array<i32>} : memref<896xf32, #tpu.memory_space<vmem>>, vector<16xf32>,
    %add3A_3286 = arith.constant 864 : i32
    %add3A_3287 = vector.broadcast %add3A_3286 : i32 to vector<16xi32>
    %add3A_3288 = arith.addi %iota3A, %add3A_3287 : vector<16xi32>
    %mul3A_3289 = arith.constant 4 : i32
    %mul3A_3290 = vector.broadcast %mul3A_3289 : i32 to vector<16xi32>
    %mul3A_3291 = arith.muli %add3A_3288, %mul3A_3290 : vector<16xi32>
    %gather3A_3292 = tpu.vector_load_idx %arg13[%mul3A_3291] : memref<3584xi32, #tpu.memory_space<vmem>>[vector<16xi32>], vector<16xi32>,
    %add3A_3293 = arith.constant 1 : i32
    %add3A_3294 = vector.broadcast %add3A_3293 : i32 to vector<16xi32>
    %add3A_3295 = arith.addi %mul3A_3291, %add3A_3294 : vector<16xi32>
    %gather3A_3296 = tpu.vector_load_idx %arg13[%add3A_3295] : memref<3584xi32, #tpu.memory_space<vmem>>[vector<16xi32>], vector<16xi32>,
    %mul3A_3297 = arith.constant 200 : i32
    %mul3A_3298 = vector.broadcast %mul3A_3297 : i32 to vector<16xi32>
    %mul3A_3299 = arith.muli %gather3A_3292, %mul3A_3298 : vector<16xi32>
    %add3A_3300 = arith.addi %mul3A_3299, %gather3A_3296 : vector<16xi32>
    %shift_right_logical3A_3301 = arith.constant 3 : i32
    %shift_right_logical3A_3302 = vector.broadcast %shift_right_logical3A_3301 : i32 to vector<16xi32>
    %shift_right_logical3A_3303 = arith.shrui %gather3A_3292, %shift_right_logical3A_3302 : vector<16xi32>
    %mul3A_3304 = arith.constant 448 : i32
    %mul3A_3305 = vector.broadcast %mul3A_3304 : i32 to vector<16xi32>
    %mul3A_3306 = arith.muli %shift_right_logical3A_3303, %mul3A_3305 : vector<16xi32>
    %add3A_3307 = arith.addi %add3A_3300, %mul3A_3306 : vector<16xi32>
    %swap3A_3308 = arith.constant 6 : i32
    %swap3A_3309 = arith.index_cast %swap3A_3308 : i32 to index
    %swap3A_3310 = arith.constant 96 : index
    %swap3A_3311 = tpu.vector_load %arg12[%swap3A_3309, %swap3A_3310] {strides = array<i32>} : memref<7x128xi32, #tpu.memory_space<vmem>>, vector<16xi32>,
    tpu.vector_store %arg12[%swap3A_3309, %swap3A_3310], %add3A_3307 {strides = array<i32>} : memref<7x128xi32, #tpu.memory_space<vmem>>, vector<16xi32>,
    %get3A_3312 = arith.constant 880 : index
    %get3A_3313 = tpu.vector_load %arg9[%get3A_3312] {strides = array<i32>} : memref<896xi32, #tpu.memory_space<vmem>>, vector<16xi32>,
    %convert_element_type3A_3314 = arith.sitofp %get3A_3313 : vector<16xi32> to vector<16xf32>
    %mul3A_3315 = arith.constant 0.00104166672 : f32
    %mul3A_3316 = vector.broadcast %mul3A_3315 : f32 to vector<16xf32>
    %mul3A_3317 = arith.mulf %convert_element_type3A_3314, %mul3A_3316 : vector<16xf32>
    %convert_element_type3A_3318 = arith.fptosi %mul3A_3317 : vector<16xf32> to vector<16xi32>
    %mul3A_3319 = arith.constant 960 : i32
    %mul3A_3320 = vector.broadcast %mul3A_3319 : i32 to vector<16xi32>
    %mul3A_3321 = arith.muli %convert_element_type3A_3318, %mul3A_3320 : vector<16xi32>
    %sub3A_3322 = arith.subi %get3A_3313, %mul3A_3321 : vector<16xi32>
    %lt3A_3323 = arith.constant 0 : i32
    %lt3A_3324 = vector.broadcast %lt3A_3323 : i32 to vector<16xi32>
    %lt3A_3325 = arith.cmpi slt, %sub3A_3322, %lt3A_3324 : vector<16xi32>
    %add3A_3326 = arith.constant 960 : i32
    %add3A_3327 = vector.broadcast %add3A_3326 : i32 to vector<16xi32>
    %add3A_3328 = arith.addi %sub3A_3322, %add3A_3327 : vector<16xi32>
    %select_n3A_3329 = arith.select %lt3A_3325, %add3A_3328, %sub3A_3322 : vector<16xi1>, vector<16xi32>
    %ge3A_3330 = arith.constant 960 : i32
    %ge3A_3331 = vector.broadcast %ge3A_3330 : i32 to vector<16xi32>
    %ge3A_3332 = arith.cmpi sge, %select_n3A_3329, %ge3A_3331 : vector<16xi32>
    %sub3A_3333 = arith.constant 960 : i32
    %sub3A_3334 = vector.broadcast %sub3A_3333 : i32 to vector<16xi32>
    %sub3A_3335 = arith.subi %select_n3A_3329, %sub3A_3334 : vector<16xi32>
    %select_n3A_3336 = arith.select %ge3A_3332, %sub3A_3335, %select_n3A_3329 : vector<16xi1>, vector<16xi32>
    %convert_element_type3A_3337 = arith.sitofp %select_n3A_3336 : vector<16xi32> to vector<16xf32>
    %add3A_3338 = arith.constant 1.000000e+00 : f32
    %add3A_3339 = vector.broadcast %add3A_3338 : f32 to vector<16xf32>
    %add3A_3340 = arith.addf %convert_element_type3A_3337, %add3A_3339 : vector<16xf32>
    %swap3A_3341 = arith.constant 880 : index
    %swap3A_3342 = tpu.vector_load %arg11[%swap3A_3341] {strides = array<i32>} : memref<896xf32, #tpu.memory_space<vmem>>, vector<16xf32>,
    tpu.vector_store %arg11[%swap3A_3341], %add3A_3340 {strides = array<i32>} : memref<896xf32, #tpu.memory_space<vmem>>, vector<16xf32>,
    %add3A_3343 = arith.constant 880 : i32
    %add3A_3344 = vector.broadcast %add3A_3343 : i32 to vector<16xi32>
    %add3A_3345 = arith.addi %iota3A, %add3A_3344 : vector<16xi32>
    %mul3A_3346 = arith.constant 4 : i32
    %mul3A_3347 = vector.broadcast %mul3A_3346 : i32 to vector<16xi32>
    %mul3A_3348 = arith.muli %add3A_3345, %mul3A_3347 : vector<16xi32>
    %gather3A_3349 = tpu.vector_load_idx %arg13[%mul3A_3348] : memref<3584xi32, #tpu.memory_space<vmem>>[vector<16xi32>], vector<16xi32>,
    %add3A_3350 = arith.constant 1 : i32
    %add3A_3351 = vector.broadcast %add3A_3350 : i32 to vector<16xi32>
    %add3A_3352 = arith.addi %mul3A_3348, %add3A_3351 : vector<16xi32>
    %gather3A_3353 = tpu.vector_load_idx %arg13[%add3A_3352] : memref<3584xi32, #tpu.memory_space<vmem>>[vector<16xi32>], vector<16xi32>,
    %mul3A_3354 = arith.constant 200 : i32
    %mul3A_3355 = vector.broadcast %mul3A_3354 : i32 to vector<16xi32>
    %mul3A_3356 = arith.muli %gather3A_3349, %mul3A_3355 : vector<16xi32>
    %add3A_3357 = arith.addi %mul3A_3356, %gather3A_3353 : vector<16xi32>
    %shift_right_logical3A_3358 = arith.constant 3 : i32
    %shift_right_logical3A_3359 = vector.broadcast %shift_right_logical3A_3358 : i32 to vector<16xi32>
    %shift_right_logical3A_3360 = arith.shrui %gather3A_3349, %shift_right_logical3A_3359 : vector<16xi32>
    %mul3A_3361 = arith.constant 448 : i32
    %mul3A_3362 = vector.broadcast %mul3A_3361 : i32 to vector<16xi32>
    %mul3A_3363 = arith.muli %shift_right_logical3A_3360, %mul3A_3362 : vector<16xi32>
    %add3A_3364 = arith.addi %add3A_3357, %mul3A_3363 : vector<16xi32>
    %eq3A_3365 = arith.constant 31 : i32
    %eq3A_3366 = arith.cmpi eq, %add3A, %eq3A_3365 : i32
    %ge3A_3367 = arith.constant 15 : i32
    %ge3A_3368 = vector.broadcast %ge3A_3367 : i32 to vector<16xi32>
    %ge3A_3369 = arith.cmpi sge, %iota3A, %ge3A_3368 : vector<16xi32>
    %and3A = vector.broadcast %eq3A_3366 : i1 to vector<16xi1>
    %and3A_3370 = arith.andi %and3A, %ge3A_3369 : vector<16xi1>
    %jit3A_3371 = arith.constant 51136 : i32
    %broadcast_in_dim3A = vector.broadcast %jit3A_3371 : i32 to vector<16xi32>
    %select_n3A_3372 = arith.select %and3A_3370, %broadcast_in_dim3A, %add3A_3364 : vector<16xi1>, vector<16xi32>
    %swap3A_3373 = arith.constant 6 : i32
    %swap3A_3374 = arith.index_cast %swap3A_3373 : i32 to index
    %swap3A_3375 = arith.constant 112 : index
    %swap3A_3376 = tpu.vector_load %arg12[%swap3A_3374, %swap3A_3375] {strides = array<i32>} : memref<7x128xi32, #tpu.memory_space<vmem>>, vector<16xi32>,
    tpu.vector_store %arg12[%swap3A_3374, %swap3A_3375], %select_n3A_3372 {strides = array<i32>} : memref<7x128xi32, #tpu.memory_space<vmem>>, vector<16xi32>,
    %barrier3A = arith.constant 0 : index
    tpu.barrier barrier_id(%barrier3A)
    %run_scoped3A = arith.constant 0 : i32
    "tpu.region"() ({
      %run_scoped3A_3397 = tpu.sem_alloc : memref<!tpu.dma_semaphore, #tpu.memory_space<semaphore_mem>>
      %dma_start3A_3398 = arith.constant 0 : i32
      %dma_start3A_3399 = tpu.memref_slice %arg10[%dma_start3A_3398] : memref<896xf32, #tpu.memory_space<vmem>> -> memref<128xf32, #tpu.memory_space<vmem>>
      %dma_start3A_3400 = arith.constant 0 : i32
      %dma_start3A_3401 = tpu.memref_slice %arg12[%run_scoped3A, %dma_start3A_3400] : memref<7x128xi32, #tpu.memory_space<vmem>> -> memref<1x128xi32, #tpu.memory_space<vmem>>
      %dma_start3A_3402 = tpu.memref_squeeze %dma_start3A_3401 : memref<1x128xi32, #tpu.memory_space<vmem>> -> memref<128xi32, #tpu.memory_space<vmem>>
      %dma_start3A_3403 = arith.constant 0 : i32
      %dma_start3A_3404 = tpu.memref_slice %arg15[%dma_start3A_3403] : memref<51200xf32, #tpu.memory_space<vmem_shared>> -> memref<51200xf32, #tpu.memory_space<vmem_shared>>
      tpu.enqueue_indirect_dma source(%dma_start3A_3399 : memref<128xf32, #tpu.memory_space<vmem>>) target(%dma_start3A_3404 : memref<51200xf32, #tpu.memory_space<vmem_shared>>) offsets(%dma_start3A_3402 : memref<128xi32, #tpu.memory_space<vmem>>) semaphore(%run_scoped3A_3397 : memref<!tpu.dma_semaphore, #tpu.memory_space<semaphore_mem>>)
      %dma_wait3A_3405 = arith.constant 0 : i32
      %dma_wait3A_3406 = tpu.memref_slice %arg10[%dma_wait3A_3405] : memref<896xf32, #tpu.memory_space<vmem>> -> memref<128xf32, #tpu.memory_space<vmem>>
      %dma_wait3A_3407 = arith.constant 0 : i32
      %dma_wait3A_3408 = tpu.memref_slice %arg12[%run_scoped3A, %dma_wait3A_3407] : memref<7x128xi32, #tpu.memory_space<vmem>> -> memref<1x128xi32, #tpu.memory_space<vmem>>
      %dma_wait3A_3409 = tpu.memref_squeeze %dma_wait3A_3408 : memref<1x128xi32, #tpu.memory_space<vmem>> -> memref<128xi32, #tpu.memory_space<vmem>>
      %dma_wait3A_3410 = arith.constant 0 : i32
      %dma_wait3A_3411 = tpu.memref_slice %arg15[%dma_wait3A_3410] : memref<51200xf32, #tpu.memory_space<vmem_shared>> -> memref<51200xf32, #tpu.memory_space<vmem_shared>>
      tpu.wait_indirect_dma semaphore(%run_scoped3A_3397 : memref<!tpu.dma_semaphore, #tpu.memory_space<semaphore_mem>>) src(%dma_wait3A_3406 : memref<128xf32, #tpu.memory_space<vmem>>) dst(%dma_wait3A_3411 : memref<51200xf32, #tpu.memory_space<vmem_shared>>)
      tpu.yield
    }) : () -> ()
    %run_scoped3A_3377 = arith.constant 0 : i32
    "tpu.region"() ({
      %run_scoped3A_3397 = tpu.sem_alloc : memref<!tpu.dma_semaphore, #tpu.memory_space<semaphore_mem>>
      %dma_start3A_3398 = arith.constant 0 : i32
      %dma_start3A_3399 = tpu.memref_slice %arg11[%dma_start3A_3398] : memref<896xf32, #tpu.memory_space<vmem>> -> memref<128xf32, #tpu.memory_space<vmem>>
      %dma_start3A_3400 = arith.constant 0 : i32
      %dma_start3A_3401 = tpu.memref_slice %arg12[%run_scoped3A_3377, %dma_start3A_3400] : memref<7x128xi32, #tpu.memory_space<vmem>> -> memref<1x128xi32, #tpu.memory_space<vmem>>
      %dma_start3A_3402 = tpu.memref_squeeze %dma_start3A_3401 : memref<1x128xi32, #tpu.memory_space<vmem>> -> memref<128xi32, #tpu.memory_space<vmem>>
      %dma_start3A_3403 = arith.constant 0 : i32
      %dma_start3A_3404 = tpu.memref_slice %arg16[%dma_start3A_3403] : memref<51200xf32, #tpu.memory_space<vmem_shared>> -> memref<51200xf32, #tpu.memory_space<vmem_shared>>
      tpu.enqueue_indirect_dma source(%dma_start3A_3399 : memref<128xf32, #tpu.memory_space<vmem>>) target(%dma_start3A_3404 : memref<51200xf32, #tpu.memory_space<vmem_shared>>) offsets(%dma_start3A_3402 : memref<128xi32, #tpu.memory_space<vmem>>) semaphore(%run_scoped3A_3397 : memref<!tpu.dma_semaphore, #tpu.memory_space<semaphore_mem>>)
      %dma_wait3A_3405 = arith.constant 0 : i32
      %dma_wait3A_3406 = tpu.memref_slice %arg11[%dma_wait3A_3405] : memref<896xf32, #tpu.memory_space<vmem>> -> memref<128xf32, #tpu.memory_space<vmem>>
      %dma_wait3A_3407 = arith.constant 0 : i32
      %dma_wait3A_3408 = tpu.memref_slice %arg12[%run_scoped3A_3377, %dma_wait3A_3407] : memref<7x128xi32, #tpu.memory_space<vmem>> -> memref<1x128xi32, #tpu.memory_space<vmem>>
      %dma_wait3A_3409 = tpu.memref_squeeze %dma_wait3A_3408 : memref<1x128xi32, #tpu.memory_space<vmem>> -> memref<128xi32, #tpu.memory_space<vmem>>
      %dma_wait3A_3410 = arith.constant 0 : i32
      %dma_wait3A_3411 = tpu.memref_slice %arg16[%dma_wait3A_3410] : memref<51200xf32, #tpu.memory_space<vmem_shared>> -> memref<51200xf32, #tpu.memory_space<vmem_shared>>
      tpu.wait_indirect_dma semaphore(%run_scoped3A_3397 : memref<!tpu.dma_semaphore, #tpu.memory_space<semaphore_mem>>) src(%dma_wait3A_3406 : memref<128xf32, #tpu.memory_space<vmem>>) dst(%dma_wait3A_3411 : memref<51200xf32, #tpu.memory_space<vmem_shared>>)
      tpu.yield
    }) : () -> ()
    %run_scoped3A_3378 = arith.constant 1 : i32
    "tpu.region"() ({
      %run_scoped3A_3397 = tpu.sem_alloc : memref<!tpu.dma_semaphore, #tpu.memory_space<semaphore_mem>>
      %dma_start3A_3398 = arith.constant 128 : i32
      %dma_start3A_3399 = tpu.memref_slice %arg10[%dma_start3A_3398] : memref<896xf32, #tpu.memory_space<vmem>> -> memref<128xf32, #tpu.memory_space<vmem>>
      %dma_start3A_3400 = arith.constant 0 : i32
      %dma_start3A_3401 = tpu.memref_slice %arg12[%run_scoped3A_3378, %dma_start3A_3400] : memref<7x128xi32, #tpu.memory_space<vmem>> -> memref<1x128xi32, #tpu.memory_space<vmem>>
      %dma_start3A_3402 = tpu.memref_squeeze %dma_start3A_3401 : memref<1x128xi32, #tpu.memory_space<vmem>> -> memref<128xi32, #tpu.memory_space<vmem>>
      %dma_start3A_3403 = arith.constant 0 : i32
      %dma_start3A_3404 = tpu.memref_slice %arg15[%dma_start3A_3403] : memref<51200xf32, #tpu.memory_space<vmem_shared>> -> memref<51200xf32, #tpu.memory_space<vmem_shared>>
      tpu.enqueue_indirect_dma source(%dma_start3A_3399 : memref<128xf32, #tpu.memory_space<vmem>>) target(%dma_start3A_3404 : memref<51200xf32, #tpu.memory_space<vmem_shared>>) offsets(%dma_start3A_3402 : memref<128xi32, #tpu.memory_space<vmem>>) semaphore(%run_scoped3A_3397 : memref<!tpu.dma_semaphore, #tpu.memory_space<semaphore_mem>>)
      %dma_wait3A_3405 = arith.constant 128 : i32
      %dma_wait3A_3406 = tpu.memref_slice %arg10[%dma_wait3A_3405] : memref<896xf32, #tpu.memory_space<vmem>> -> memref<128xf32, #tpu.memory_space<vmem>>
      %dma_wait3A_3407 = arith.constant 0 : i32
      %dma_wait3A_3408 = tpu.memref_slice %arg12[%run_scoped3A_3378, %dma_wait3A_3407] : memref<7x128xi32, #tpu.memory_space<vmem>> -> memref<1x128xi32, #tpu.memory_space<vmem>>
      %dma_wait3A_3409 = tpu.memref_squeeze %dma_wait3A_3408 : memref<1x128xi32, #tpu.memory_space<vmem>> -> memref<128xi32, #tpu.memory_space<vmem>>
      %dma_wait3A_3410 = arith.constant 0 : i32
      %dma_wait3A_3411 = tpu.memref_slice %arg15[%dma_wait3A_3410] : memref<51200xf32, #tpu.memory_space<vmem_shared>> -> memref<51200xf32, #tpu.memory_space<vmem_shared>>
      tpu.wait_indirect_dma semaphore(%run_scoped3A_3397 : memref<!tpu.dma_semaphore, #tpu.memory_space<semaphore_mem>>) src(%dma_wait3A_3406 : memref<128xf32, #tpu.memory_space<vmem>>) dst(%dma_wait3A_3411 : memref<51200xf32, #tpu.memory_space<vmem_shared>>)
      tpu.yield
    }) : () -> ()
    %run_scoped3A_3379 = arith.constant 1 : i32
    "tpu.region"() ({
      %run_scoped3A_3397 = tpu.sem_alloc : memref<!tpu.dma_semaphore, #tpu.memory_space<semaphore_mem>>
      %dma_start3A_3398 = arith.constant 128 : i32
      %dma_start3A_3399 = tpu.memref_slice %arg11[%dma_start3A_3398] : memref<896xf32, #tpu.memory_space<vmem>> -> memref<128xf32, #tpu.memory_space<vmem>>
      %dma_start3A_3400 = arith.constant 0 : i32
      %dma_start3A_3401 = tpu.memref_slice %arg12[%run_scoped3A_3379, %dma_start3A_3400] : memref<7x128xi32, #tpu.memory_space<vmem>> -> memref<1x128xi32, #tpu.memory_space<vmem>>
      %dma_start3A_3402 = tpu.memref_squeeze %dma_start3A_3401 : memref<1x128xi32, #tpu.memory_space<vmem>> -> memref<128xi32, #tpu.memory_space<vmem>>
      %dma_start3A_3403 = arith.constant 0 : i32
      %dma_start3A_3404 = tpu.memref_slice %arg16[%dma_start3A_3403] : memref<51200xf32, #tpu.memory_space<vmem_shared>> -> memref<51200xf32, #tpu.memory_space<vmem_shared>>
      tpu.enqueue_indirect_dma source(%dma_start3A_3399 : memref<128xf32, #tpu.memory_space<vmem>>) target(%dma_start3A_3404 : memref<51200xf32, #tpu.memory_space<vmem_shared>>) offsets(%dma_start3A_3402 : memref<128xi32, #tpu.memory_space<vmem>>) semaphore(%run_scoped3A_3397 : memref<!tpu.dma_semaphore, #tpu.memory_space<semaphore_mem>>)
      %dma_wait3A_3405 = arith.constant 128 : i32
      %dma_wait3A_3406 = tpu.memref_slice %arg11[%dma_wait3A_3405] : memref<896xf32, #tpu.memory_space<vmem>> -> memref<128xf32, #tpu.memory_space<vmem>>
      %dma_wait3A_3407 = arith.constant 0 : i32
      %dma_wait3A_3408 = tpu.memref_slice %arg12[%run_scoped3A_3379, %dma_wait3A_3407] : memref<7x128xi32, #tpu.memory_space<vmem>> -> memref<1x128xi32, #tpu.memory_space<vmem>>
      %dma_wait3A_3409 = tpu.memref_squeeze %dma_wait3A_3408 : memref<1x128xi32, #tpu.memory_space<vmem>> -> memref<128xi32, #tpu.memory_space<vmem>>
      %dma_wait3A_3410 = arith.constant 0 : i32
      %dma_wait3A_3411 = tpu.memref_slice %arg16[%dma_wait3A_3410] : memref<51200xf32, #tpu.memory_space<vmem_shared>> -> memref<51200xf32, #tpu.memory_space<vmem_shared>>
      tpu.wait_indirect_dma semaphore(%run_scoped3A_3397 : memref<!tpu.dma_semaphore, #tpu.memory_space<semaphore_mem>>) src(%dma_wait3A_3406 : memref<128xf32, #tpu.memory_space<vmem>>) dst(%dma_wait3A_3411 : memref<51200xf32, #tpu.memory_space<vmem_shared>>)
      tpu.yield
    }) : () -> ()
    %run_scoped3A_3380 = arith.constant 2 : i32
    "tpu.region"() ({
      %run_scoped3A_3397 = tpu.sem_alloc : memref<!tpu.dma_semaphore, #tpu.memory_space<semaphore_mem>>
      %dma_start3A_3398 = arith.constant 256 : i32
      %dma_start3A_3399 = tpu.memref_slice %arg10[%dma_start3A_3398] : memref<896xf32, #tpu.memory_space<vmem>> -> memref<128xf32, #tpu.memory_space<vmem>>
      %dma_start3A_3400 = arith.constant 0 : i32
      %dma_start3A_3401 = tpu.memref_slice %arg12[%run_scoped3A_3380, %dma_start3A_3400] : memref<7x128xi32, #tpu.memory_space<vmem>> -> memref<1x128xi32, #tpu.memory_space<vmem>>
      %dma_start3A_3402 = tpu.memref_squeeze %dma_start3A_3401 : memref<1x128xi32, #tpu.memory_space<vmem>> -> memref<128xi32, #tpu.memory_space<vmem>>
      %dma_start3A_3403 = arith.constant 0 : i32
      %dma_start3A_3404 = tpu.memref_slice %arg15[%dma_start3A_3403] : memref<51200xf32, #tpu.memory_space<vmem_shared>> -> memref<51200xf32, #tpu.memory_space<vmem_shared>>
      tpu.enqueue_indirect_dma source(%dma_start3A_3399 : memref<128xf32, #tpu.memory_space<vmem>>) target(%dma_start3A_3404 : memref<51200xf32, #tpu.memory_space<vmem_shared>>) offsets(%dma_start3A_3402 : memref<128xi32, #tpu.memory_space<vmem>>) semaphore(%run_scoped3A_3397 : memref<!tpu.dma_semaphore, #tpu.memory_space<semaphore_mem>>)
      %dma_wait3A_3405 = arith.constant 256 : i32
      %dma_wait3A_3406 = tpu.memref_slice %arg10[%dma_wait3A_3405] : memref<896xf32, #tpu.memory_space<vmem>> -> memref<128xf32, #tpu.memory_space<vmem>>
      %dma_wait3A_3407 = arith.constant 0 : i32
      %dma_wait3A_3408 = tpu.memref_slice %arg12[%run_scoped3A_3380, %dma_wait3A_3407] : memref<7x128xi32, #tpu.memory_space<vmem>> -> memref<1x128xi32, #tpu.memory_space<vmem>>
      %dma_wait3A_3409 = tpu.memref_squeeze %dma_wait3A_3408 : memref<1x128xi32, #tpu.memory_space<vmem>> -> memref<128xi32, #tpu.memory_space<vmem>>
      %dma_wait3A_3410 = arith.constant 0 : i32
      %dma_wait3A_3411 = tpu.memref_slice %arg15[%dma_wait3A_3410] : memref<51200xf32, #tpu.memory_space<vmem_shared>> -> memref<51200xf32, #tpu.memory_space<vmem_shared>>
      tpu.wait_indirect_dma semaphore(%run_scoped3A_3397 : memref<!tpu.dma_semaphore, #tpu.memory_space<semaphore_mem>>) src(%dma_wait3A_3406 : memref<128xf32, #tpu.memory_space<vmem>>) dst(%dma_wait3A_3411 : memref<51200xf32, #tpu.memory_space<vmem_shared>>)
      tpu.yield
    }) : () -> ()
    %run_scoped3A_3381 = arith.constant 2 : i32
    "tpu.region"() ({
      %run_scoped3A_3397 = tpu.sem_alloc : memref<!tpu.dma_semaphore, #tpu.memory_space<semaphore_mem>>
      %dma_start3A_3398 = arith.constant 256 : i32
      %dma_start3A_3399 = tpu.memref_slice %arg11[%dma_start3A_3398] : memref<896xf32, #tpu.memory_space<vmem>> -> memref<128xf32, #tpu.memory_space<vmem>>
      %dma_start3A_3400 = arith.constant 0 : i32
      %dma_start3A_3401 = tpu.memref_slice %arg12[%run_scoped3A_3381, %dma_start3A_3400] : memref<7x128xi32, #tpu.memory_space<vmem>> -> memref<1x128xi32, #tpu.memory_space<vmem>>
      %dma_start3A_3402 = tpu.memref_squeeze %dma_start3A_3401 : memref<1x128xi32, #tpu.memory_space<vmem>> -> memref<128xi32, #tpu.memory_space<vmem>>
      %dma_start3A_3403 = arith.constant 0 : i32
      %dma_start3A_3404 = tpu.memref_slice %arg16[%dma_start3A_3403] : memref<51200xf32, #tpu.memory_space<vmem_shared>> -> memref<51200xf32, #tpu.memory_space<vmem_shared>>
      tpu.enqueue_indirect_dma source(%dma_start3A_3399 : memref<128xf32, #tpu.memory_space<vmem>>) target(%dma_start3A_3404 : memref<51200xf32, #tpu.memory_space<vmem_shared>>) offsets(%dma_start3A_3402 : memref<128xi32, #tpu.memory_space<vmem>>) semaphore(%run_scoped3A_3397 : memref<!tpu.dma_semaphore, #tpu.memory_space<semaphore_mem>>)
      %dma_wait3A_3405 = arith.constant 256 : i32
      %dma_wait3A_3406 = tpu.memref_slice %arg11[%dma_wait3A_3405] : memref<896xf32, #tpu.memory_space<vmem>> -> memref<128xf32, #tpu.memory_space<vmem>>
      %dma_wait3A_3407 = arith.constant 0 : i32
      %dma_wait3A_3408 = tpu.memref_slice %arg12[%run_scoped3A_3381, %dma_wait3A_3407] : memref<7x128xi32, #tpu.memory_space<vmem>> -> memref<1x128xi32, #tpu.memory_space<vmem>>
      %dma_wait3A_3409 = tpu.memref_squeeze %dma_wait3A_3408 : memref<1x128xi32, #tpu.memory_space<vmem>> -> memref<128xi32, #tpu.memory_space<vmem>>
      %dma_wait3A_3410 = arith.constant 0 : i32
      %dma_wait3A_3411 = tpu.memref_slice %arg16[%dma_wait3A_3410] : memref<51200xf32, #tpu.memory_space<vmem_shared>> -> memref<51200xf32, #tpu.memory_space<vmem_shared>>
      tpu.wait_indirect_dma semaphore(%run_scoped3A_3397 : memref<!tpu.dma_semaphore, #tpu.memory_space<semaphore_mem>>) src(%dma_wait3A_3406 : memref<128xf32, #tpu.memory_space<vmem>>) dst(%dma_wait3A_3411 : memref<51200xf32, #tpu.memory_space<vmem_shared>>)
      tpu.yield
    }) : () -> ()
    %run_scoped3A_3382 = arith.constant 3 : i32
    "tpu.region"() ({
      %run_scoped3A_3397 = tpu.sem_alloc : memref<!tpu.dma_semaphore, #tpu.memory_space<semaphore_mem>>
      %dma_start3A_3398 = arith.constant 384 : i32
      %dma_start3A_3399 = tpu.memref_slice %arg10[%dma_start3A_3398] : memref<896xf32, #tpu.memory_space<vmem>> -> memref<128xf32, #tpu.memory_space<vmem>>
      %dma_start3A_3400 = arith.constant 0 : i32
      %dma_start3A_3401 = tpu.memref_slice %arg12[%run_scoped3A_3382, %dma_start3A_3400] : memref<7x128xi32, #tpu.memory_space<vmem>> -> memref<1x128xi32, #tpu.memory_space<vmem>>
      %dma_start3A_3402 = tpu.memref_squeeze %dma_start3A_3401 : memref<1x128xi32, #tpu.memory_space<vmem>> -> memref<128xi32, #tpu.memory_space<vmem>>
      %dma_start3A_3403 = arith.constant 0 : i32
      %dma_start3A_3404 = tpu.memref_slice %arg15[%dma_start3A_3403] : memref<51200xf32, #tpu.memory_space<vmem_shared>> -> memref<51200xf32, #tpu.memory_space<vmem_shared>>
      tpu.enqueue_indirect_dma source(%dma_start3A_3399 : memref<128xf32, #tpu.memory_space<vmem>>) target(%dma_start3A_3404 : memref<51200xf32, #tpu.memory_space<vmem_shared>>) offsets(%dma_start3A_3402 : memref<128xi32, #tpu.memory_space<vmem>>) semaphore(%run_scoped3A_3397 : memref<!tpu.dma_semaphore, #tpu.memory_space<semaphore_mem>>)
      %dma_wait3A_3405 = arith.constant 384 : i32
      %dma_wait3A_3406 = tpu.memref_slice %arg10[%dma_wait3A_3405] : memref<896xf32, #tpu.memory_space<vmem>> -> memref<128xf32, #tpu.memory_space<vmem>>
      %dma_wait3A_3407 = arith.constant 0 : i32
      %dma_wait3A_3408 = tpu.memref_slice %arg12[%run_scoped3A_3382, %dma_wait3A_3407] : memref<7x128xi32, #tpu.memory_space<vmem>> -> memref<1x128xi32, #tpu.memory_space<vmem>>
      %dma_wait3A_3409 = tpu.memref_squeeze %dma_wait3A_3408 : memref<1x128xi32, #tpu.memory_space<vmem>> -> memref<128xi32, #tpu.memory_space<vmem>>
      %dma_wait3A_3410 = arith.constant 0 : i32
      %dma_wait3A_3411 = tpu.memref_slice %arg15[%dma_wait3A_3410] : memref<51200xf32, #tpu.memory_space<vmem_shared>> -> memref<51200xf32, #tpu.memory_space<vmem_shared>>
      tpu.wait_indirect_dma semaphore(%run_scoped3A_3397 : memref<!tpu.dma_semaphore, #tpu.memory_space<semaphore_mem>>) src(%dma_wait3A_3406 : memref<128xf32, #tpu.memory_space<vmem>>) dst(%dma_wait3A_3411 : memref<51200xf32, #tpu.memory_space<vmem_shared>>)
      tpu.yield
    }) : () -> ()
    %run_scoped3A_3383 = arith.constant 3 : i32
    "tpu.region"() ({
      %run_scoped3A_3397 = tpu.sem_alloc : memref<!tpu.dma_semaphore, #tpu.memory_space<semaphore_mem>>
      %dma_start3A_3398 = arith.constant 384 : i32
      %dma_start3A_3399 = tpu.memref_slice %arg11[%dma_start3A_3398] : memref<896xf32, #tpu.memory_space<vmem>> -> memref<128xf32, #tpu.memory_space<vmem>>
      %dma_start3A_3400 = arith.constant 0 : i32
      %dma_start3A_3401 = tpu.memref_slice %arg12[%run_scoped3A_3383, %dma_start3A_3400] : memref<7x128xi32, #tpu.memory_space<vmem>> -> memref<1x128xi32, #tpu.memory_space<vmem>>
      %dma_start3A_3402 = tpu.memref_squeeze %dma_start3A_3401 : memref<1x128xi32, #tpu.memory_space<vmem>> -> memref<128xi32, #tpu.memory_space<vmem>>
      %dma_start3A_3403 = arith.constant 0 : i32
      %dma_start3A_3404 = tpu.memref_slice %arg16[%dma_start3A_3403] : memref<51200xf32, #tpu.memory_space<vmem_shared>> -> memref<51200xf32, #tpu.memory_space<vmem_shared>>
      tpu.enqueue_indirect_dma source(%dma_start3A_3399 : memref<128xf32, #tpu.memory_space<vmem>>) target(%dma_start3A_3404 : memref<51200xf32, #tpu.memory_space<vmem_shared>>) offsets(%dma_start3A_3402 : memref<128xi32, #tpu.memory_space<vmem>>) semaphore(%run_scoped3A_3397 : memref<!tpu.dma_semaphore, #tpu.memory_space<semaphore_mem>>)
      %dma_wait3A_3405 = arith.constant 384 : i32
      %dma_wait3A_3406 = tpu.memref_slice %arg11[%dma_wait3A_3405] : memref<896xf32, #tpu.memory_space<vmem>> -> memref<128xf32, #tpu.memory_space<vmem>>
      %dma_wait3A_3407 = arith.constant 0 : i32
      %dma_wait3A_3408 = tpu.memref_slice %arg12[%run_scoped3A_3383, %dma_wait3A_3407] : memref<7x128xi32, #tpu.memory_space<vmem>> -> memref<1x128xi32, #tpu.memory_space<vmem>>
      %dma_wait3A_3409 = tpu.memref_squeeze %dma_wait3A_3408 : memref<1x128xi32, #tpu.memory_space<vmem>> -> memref<128xi32, #tpu.memory_space<vmem>>
      %dma_wait3A_3410 = arith.constant 0 : i32
      %dma_wait3A_3411 = tpu.memref_slice %arg16[%dma_wait3A_3410] : memref<51200xf32, #tpu.memory_space<vmem_shared>> -> memref<51200xf32, #tpu.memory_space<vmem_shared>>
      tpu.wait_indirect_dma semaphore(%run_scoped3A_3397 : memref<!tpu.dma_semaphore, #tpu.memory_space<semaphore_mem>>) src(%dma_wait3A_3406 : memref<128xf32, #tpu.memory_space<vmem>>) dst(%dma_wait3A_3411 : memref<51200xf32, #tpu.memory_space<vmem_shared>>)
      tpu.yield
    }) : () -> ()
    %run_scoped3A_3384 = arith.constant 4 : i32
    "tpu.region"() ({
      %run_scoped3A_3397 = tpu.sem_alloc : memref<!tpu.dma_semaphore, #tpu.memory_space<semaphore_mem>>
      %dma_start3A_3398 = arith.constant 512 : i32
      %dma_start3A_3399 = tpu.memref_slice %arg10[%dma_start3A_3398] : memref<896xf32, #tpu.memory_space<vmem>> -> memref<128xf32, #tpu.memory_space<vmem>>
      %dma_start3A_3400 = arith.constant 0 : i32
      %dma_start3A_3401 = tpu.memref_slice %arg12[%run_scoped3A_3384, %dma_start3A_3400] : memref<7x128xi32, #tpu.memory_space<vmem>> -> memref<1x128xi32, #tpu.memory_space<vmem>>
      %dma_start3A_3402 = tpu.memref_squeeze %dma_start3A_3401 : memref<1x128xi32, #tpu.memory_space<vmem>> -> memref<128xi32, #tpu.memory_space<vmem>>
      %dma_start3A_3403 = arith.constant 0 : i32
      %dma_start3A_3404 = tpu.memref_slice %arg15[%dma_start3A_3403] : memref<51200xf32, #tpu.memory_space<vmem_shared>> -> memref<51200xf32, #tpu.memory_space<vmem_shared>>
      tpu.enqueue_indirect_dma source(%dma_start3A_3399 : memref<128xf32, #tpu.memory_space<vmem>>) target(%dma_start3A_3404 : memref<51200xf32, #tpu.memory_space<vmem_shared>>) offsets(%dma_start3A_3402 : memref<128xi32, #tpu.memory_space<vmem>>) semaphore(%run_scoped3A_3397 : memref<!tpu.dma_semaphore, #tpu.memory_space<semaphore_mem>>)
      %dma_wait3A_3405 = arith.constant 512 : i32
      %dma_wait3A_3406 = tpu.memref_slice %arg10[%dma_wait3A_3405] : memref<896xf32, #tpu.memory_space<vmem>> -> memref<128xf32, #tpu.memory_space<vmem>>
      %dma_wait3A_3407 = arith.constant 0 : i32
      %dma_wait3A_3408 = tpu.memref_slice %arg12[%run_scoped3A_3384, %dma_wait3A_3407] : memref<7x128xi32, #tpu.memory_space<vmem>> -> memref<1x128xi32, #tpu.memory_space<vmem>>
      %dma_wait3A_3409 = tpu.memref_squeeze %dma_wait3A_3408 : memref<1x128xi32, #tpu.memory_space<vmem>> -> memref<128xi32, #tpu.memory_space<vmem>>
      %dma_wait3A_3410 = arith.constant 0 : i32
      %dma_wait3A_3411 = tpu.memref_slice %arg15[%dma_wait3A_3410] : memref<51200xf32, #tpu.memory_space<vmem_shared>> -> memref<51200xf32, #tpu.memory_space<vmem_shared>>
      tpu.wait_indirect_dma semaphore(%run_scoped3A_3397 : memref<!tpu.dma_semaphore, #tpu.memory_space<semaphore_mem>>) src(%dma_wait3A_3406 : memref<128xf32, #tpu.memory_space<vmem>>) dst(%dma_wait3A_3411 : memref<51200xf32, #tpu.memory_space<vmem_shared>>)
      tpu.yield
    }) : () -> ()
    %run_scoped3A_3385 = arith.constant 4 : i32
    "tpu.region"() ({
      %run_scoped3A_3397 = tpu.sem_alloc : memref<!tpu.dma_semaphore, #tpu.memory_space<semaphore_mem>>
      %dma_start3A_3398 = arith.constant 512 : i32
      %dma_start3A_3399 = tpu.memref_slice %arg11[%dma_start3A_3398] : memref<896xf32, #tpu.memory_space<vmem>> -> memref<128xf32, #tpu.memory_space<vmem>>
      %dma_start3A_3400 = arith.constant 0 : i32
      %dma_start3A_3401 = tpu.memref_slice %arg12[%run_scoped3A_3385, %dma_start3A_3400] : memref<7x128xi32, #tpu.memory_space<vmem>> -> memref<1x128xi32, #tpu.memory_space<vmem>>
      %dma_start3A_3402 = tpu.memref_squeeze %dma_start3A_3401 : memref<1x128xi32, #tpu.memory_space<vmem>> -> memref<128xi32, #tpu.memory_space<vmem>>
      %dma_start3A_3403 = arith.constant 0 : i32
      %dma_start3A_3404 = tpu.memref_slice %arg16[%dma_start3A_3403] : memref<51200xf32, #tpu.memory_space<vmem_shared>> -> memref<51200xf32, #tpu.memory_space<vmem_shared>>
      tpu.enqueue_indirect_dma source(%dma_start3A_3399 : memref<128xf32, #tpu.memory_space<vmem>>) target(%dma_start3A_3404 : memref<51200xf32, #tpu.memory_space<vmem_shared>>) offsets(%dma_start3A_3402 : memref<128xi32, #tpu.memory_space<vmem>>) semaphore(%run_scoped3A_3397 : memref<!tpu.dma_semaphore, #tpu.memory_space<semaphore_mem>>)
      %dma_wait3A_3405 = arith.constant 512 : i32
      %dma_wait3A_3406 = tpu.memref_slice %arg11[%dma_wait3A_3405] : memref<896xf32, #tpu.memory_space<vmem>> -> memref<128xf32, #tpu.memory_space<vmem>>
      %dma_wait3A_3407 = arith.constant 0 : i32
      %dma_wait3A_3408 = tpu.memref_slice %arg12[%run_scoped3A_3385, %dma_wait3A_3407] : memref<7x128xi32, #tpu.memory_space<vmem>> -> memref<1x128xi32, #tpu.memory_space<vmem>>
      %dma_wait3A_3409 = tpu.memref_squeeze %dma_wait3A_3408 : memref<1x128xi32, #tpu.memory_space<vmem>> -> memref<128xi32, #tpu.memory_space<vmem>>
      %dma_wait3A_3410 = arith.constant 0 : i32
      %dma_wait3A_3411 = tpu.memref_slice %arg16[%dma_wait3A_3410] : memref<51200xf32, #tpu.memory_space<vmem_shared>> -> memref<51200xf32, #tpu.memory_space<vmem_shared>>
      tpu.wait_indirect_dma semaphore(%run_scoped3A_3397 : memref<!tpu.dma_semaphore, #tpu.memory_space<semaphore_mem>>) src(%dma_wait3A_3406 : memref<128xf32, #tpu.memory_space<vmem>>) dst(%dma_wait3A_3411 : memref<51200xf32, #tpu.memory_space<vmem_shared>>)
      tpu.yield
    }) : () -> ()
    %run_scoped3A_3386 = arith.constant 5 : i32
    "tpu.region"() ({
      %run_scoped3A_3397 = tpu.sem_alloc : memref<!tpu.dma_semaphore, #tpu.memory_space<semaphore_mem>>
      %dma_start3A_3398 = arith.constant 640 : i32
      %dma_start3A_3399 = tpu.memref_slice %arg10[%dma_start3A_3398] : memref<896xf32, #tpu.memory_space<vmem>> -> memref<128xf32, #tpu.memory_space<vmem>>
      %dma_start3A_3400 = arith.constant 0 : i32
      %dma_start3A_3401 = tpu.memref_slice %arg12[%run_scoped3A_3386, %dma_start3A_3400] : memref<7x128xi32, #tpu.memory_space<vmem>> -> memref<1x128xi32, #tpu.memory_space<vmem>>
      %dma_start3A_3402 = tpu.memref_squeeze %dma_start3A_3401 : memref<1x128xi32, #tpu.memory_space<vmem>> -> memref<128xi32, #tpu.memory_space<vmem>>
      %dma_start3A_3403 = arith.constant 0 : i32
      %dma_start3A_3404 = tpu.memref_slice %arg15[%dma_start3A_3403] : memref<51200xf32, #tpu.memory_space<vmem_shared>> -> memref<51200xf32, #tpu.memory_space<vmem_shared>>
      tpu.enqueue_indirect_dma source(%dma_start3A_3399 : memref<128xf32, #tpu.memory_space<vmem>>) target(%dma_start3A_3404 : memref<51200xf32, #tpu.memory_space<vmem_shared>>) offsets(%dma_start3A_3402 : memref<128xi32, #tpu.memory_space<vmem>>) semaphore(%run_scoped3A_3397 : memref<!tpu.dma_semaphore, #tpu.memory_space<semaphore_mem>>)
      %dma_wait3A_3405 = arith.constant 640 : i32
      %dma_wait3A_3406 = tpu.memref_slice %arg10[%dma_wait3A_3405] : memref<896xf32, #tpu.memory_space<vmem>> -> memref<128xf32, #tpu.memory_space<vmem>>
      %dma_wait3A_3407 = arith.constant 0 : i32
      %dma_wait3A_3408 = tpu.memref_slice %arg12[%run_scoped3A_3386, %dma_wait3A_3407] : memref<7x128xi32, #tpu.memory_space<vmem>> -> memref<1x128xi32, #tpu.memory_space<vmem>>
      %dma_wait3A_3409 = tpu.memref_squeeze %dma_wait3A_3408 : memref<1x128xi32, #tpu.memory_space<vmem>> -> memref<128xi32, #tpu.memory_space<vmem>>
      %dma_wait3A_3410 = arith.constant 0 : i32
      %dma_wait3A_3411 = tpu.memref_slice %arg15[%dma_wait3A_3410] : memref<51200xf32, #tpu.memory_space<vmem_shared>> -> memref<51200xf32, #tpu.memory_space<vmem_shared>>
      tpu.wait_indirect_dma semaphore(%run_scoped3A_3397 : memref<!tpu.dma_semaphore, #tpu.memory_space<semaphore_mem>>) src(%dma_wait3A_3406 : memref<128xf32, #tpu.memory_space<vmem>>) dst(%dma_wait3A_3411 : memref<51200xf32, #tpu.memory_space<vmem_shared>>)
      tpu.yield
    }) : () -> ()
    %run_scoped3A_3387 = arith.constant 5 : i32
    "tpu.region"() ({
      %run_scoped3A_3397 = tpu.sem_alloc : memref<!tpu.dma_semaphore, #tpu.memory_space<semaphore_mem>>
      %dma_start3A_3398 = arith.constant 640 : i32
      %dma_start3A_3399 = tpu.memref_slice %arg11[%dma_start3A_3398] : memref<896xf32, #tpu.memory_space<vmem>> -> memref<128xf32, #tpu.memory_space<vmem>>
      %dma_start3A_3400 = arith.constant 0 : i32
      %dma_start3A_3401 = tpu.memref_slice %arg12[%run_scoped3A_3387, %dma_start3A_3400] : memref<7x128xi32, #tpu.memory_space<vmem>> -> memref<1x128xi32, #tpu.memory_space<vmem>>
      %dma_start3A_3402 = tpu.memref_squeeze %dma_start3A_3401 : memref<1x128xi32, #tpu.memory_space<vmem>> -> memref<128xi32, #tpu.memory_space<vmem>>
      %dma_start3A_3403 = arith.constant 0 : i32
      %dma_start3A_3404 = tpu.memref_slice %arg16[%dma_start3A_3403] : memref<51200xf32, #tpu.memory_space<vmem_shared>> -> memref<51200xf32, #tpu.memory_space<vmem_shared>>
      tpu.enqueue_indirect_dma source(%dma_start3A_3399 : memref<128xf32, #tpu.memory_space<vmem>>) target(%dma_start3A_3404 : memref<51200xf32, #tpu.memory_space<vmem_shared>>) offsets(%dma_start3A_3402 : memref<128xi32, #tpu.memory_space<vmem>>) semaphore(%run_scoped3A_3397 : memref<!tpu.dma_semaphore, #tpu.memory_space<semaphore_mem>>)
      %dma_wait3A_3405 = arith.constant 640 : i32
      %dma_wait3A_3406 = tpu.memref_slice %arg11[%dma_wait3A_3405] : memref<896xf32, #tpu.memory_space<vmem>> -> memref<128xf32, #tpu.memory_space<vmem>>
      %dma_wait3A_3407 = arith.constant 0 : i32
      %dma_wait3A_3408 = tpu.memref_slice %arg12[%run_scoped3A_3387, %dma_wait3A_3407] : memref<7x128xi32, #tpu.memory_space<vmem>> -> memref<1x128xi32, #tpu.memory_space<vmem>>
      %dma_wait3A_3409 = tpu.memref_squeeze %dma_wait3A_3408 : memref<1x128xi32, #tpu.memory_space<vmem>> -> memref<128xi32, #tpu.memory_space<vmem>>
      %dma_wait3A_3410 = arith.constant 0 : i32
      %dma_wait3A_3411 = tpu.memref_slice %arg16[%dma_wait3A_3410] : memref<51200xf32, #tpu.memory_space<vmem_shared>> -> memref<51200xf32, #tpu.memory_space<vmem_shared>>
      tpu.wait_indirect_dma semaphore(%run_scoped3A_3397 : memref<!tpu.dma_semaphore, #tpu.memory_space<semaphore_mem>>) src(%dma_wait3A_3406 : memref<128xf32, #tpu.memory_space<vmem>>) dst(%dma_wait3A_3411 : memref<51200xf32, #tpu.memory_space<vmem_shared>>)
      tpu.yield
    }) : () -> ()
    %run_scoped3A_3388 = arith.constant 6 : i32
    "tpu.region"() ({
      %run_scoped3A_3397 = tpu.sem_alloc : memref<!tpu.dma_semaphore, #tpu.memory_space<semaphore_mem>>
      %dma_start3A_3398 = arith.constant 768 : i32
      %dma_start3A_3399 = tpu.memref_slice %arg10[%dma_start3A_3398] : memref<896xf32, #tpu.memory_space<vmem>> -> memref<128xf32, #tpu.memory_space<vmem>>
      %dma_start3A_3400 = arith.constant 0 : i32
      %dma_start3A_3401 = tpu.memref_slice %arg12[%run_scoped3A_3388, %dma_start3A_3400] : memref<7x128xi32, #tpu.memory_space<vmem>> -> memref<1x128xi32, #tpu.memory_space<vmem>>
      %dma_start3A_3402 = tpu.memref_squeeze %dma_start3A_3401 : memref<1x128xi32, #tpu.memory_space<vmem>> -> memref<128xi32, #tpu.memory_space<vmem>>
      %dma_start3A_3403 = arith.constant 0 : i32
      %dma_start3A_3404 = tpu.memref_slice %arg15[%dma_start3A_3403] : memref<51200xf32, #tpu.memory_space<vmem_shared>> -> memref<51200xf32, #tpu.memory_space<vmem_shared>>
      tpu.enqueue_indirect_dma source(%dma_start3A_3399 : memref<128xf32, #tpu.memory_space<vmem>>) target(%dma_start3A_3404 : memref<51200xf32, #tpu.memory_space<vmem_shared>>) offsets(%dma_start3A_3402 : memref<128xi32, #tpu.memory_space<vmem>>) semaphore(%run_scoped3A_3397 : memref<!tpu.dma_semaphore, #tpu.memory_space<semaphore_mem>>)
      %dma_wait3A_3405 = arith.constant 768 : i32
      %dma_wait3A_3406 = tpu.memref_slice %arg10[%dma_wait3A_3405] : memref<896xf32, #tpu.memory_space<vmem>> -> memref<128xf32, #tpu.memory_space<vmem>>
      %dma_wait3A_3407 = arith.constant 0 : i32
      %dma_wait3A_3408 = tpu.memref_slice %arg12[%run_scoped3A_3388, %dma_wait3A_3407] : memref<7x128xi32, #tpu.memory_space<vmem>> -> memref<1x128xi32, #tpu.memory_space<vmem>>
      %dma_wait3A_3409 = tpu.memref_squeeze %dma_wait3A_3408 : memref<1x128xi32, #tpu.memory_space<vmem>> -> memref<128xi32, #tpu.memory_space<vmem>>
      %dma_wait3A_3410 = arith.constant 0 : i32
      %dma_wait3A_3411 = tpu.memref_slice %arg15[%dma_wait3A_3410] : memref<51200xf32, #tpu.memory_space<vmem_shared>> -> memref<51200xf32, #tpu.memory_space<vmem_shared>>
      tpu.wait_indirect_dma semaphore(%run_scoped3A_3397 : memref<!tpu.dma_semaphore, #tpu.memory_space<semaphore_mem>>) src(%dma_wait3A_3406 : memref<128xf32, #tpu.memory_space<vmem>>) dst(%dma_wait3A_3411 : memref<51200xf32, #tpu.memory_space<vmem_shared>>)
      tpu.yield
    }) : () -> ()
    %run_scoped3A_3389 = arith.constant 6 : i32
    "tpu.region"() ({
      %run_scoped3A_3397 = tpu.sem_alloc : memref<!tpu.dma_semaphore, #tpu.memory_space<semaphore_mem>>
      %dma_start3A_3398 = arith.constant 768 : i32
      %dma_start3A_3399 = tpu.memref_slice %arg11[%dma_start3A_3398] : memref<896xf32, #tpu.memory_space<vmem>> -> memref<128xf32, #tpu.memory_space<vmem>>
      %dma_start3A_3400 = arith.constant 0 : i32
      %dma_start3A_3401 = tpu.memref_slice %arg12[%run_scoped3A_3389, %dma_start3A_3400] : memref<7x128xi32, #tpu.memory_space<vmem>> -> memref<1x128xi32, #tpu.memory_space<vmem>>
      %dma_start3A_3402 = tpu.memref_squeeze %dma_start3A_3401 : memref<1x128xi32, #tpu.memory_space<vmem>> -> memref<128xi32, #tpu.memory_space<vmem>>
      %dma_start3A_3403 = arith.constant 0 : i32
      %dma_start3A_3404 = tpu.memref_slice %arg16[%dma_start3A_3403] : memref<51200xf32, #tpu.memory_space<vmem_shared>> -> memref<51200xf32, #tpu.memory_space<vmem_shared>>
      tpu.enqueue_indirect_dma source(%dma_start3A_3399 : memref<128xf32, #tpu.memory_space<vmem>>) target(%dma_start3A_3404 : memref<51200xf32, #tpu.memory_space<vmem_shared>>) offsets(%dma_start3A_3402 : memref<128xi32, #tpu.memory_space<vmem>>) semaphore(%run_scoped3A_3397 : memref<!tpu.dma_semaphore, #tpu.memory_space<semaphore_mem>>)
      %dma_wait3A_3405 = arith.constant 768 : i32
      %dma_wait3A_3406 = tpu.memref_slice %arg11[%dma_wait3A_3405] : memref<896xf32, #tpu.memory_space<vmem>> -> memref<128xf32, #tpu.memory_space<vmem>>
      %dma_wait3A_3407 = arith.constant 0 : i32
      %dma_wait3A_3408 = tpu.memref_slice %arg12[%run_scoped3A_3389, %dma_wait3A_3407] : memref<7x128xi32, #tpu.memory_space<vmem>> -> memref<1x128xi32, #tpu.memory_space<vmem>>
      %dma_wait3A_3409 = tpu.memref_squeeze %dma_wait3A_3408 : memref<1x128xi32, #tpu.memory_space<vmem>> -> memref<128xi32, #tpu.memory_space<vmem>>
      %dma_wait3A_3410 = arith.constant 0 : i32
      %dma_wait3A_3411 = tpu.memref_slice %arg16[%dma_wait3A_3410] : memref<51200xf32, #tpu.memory_space<vmem_shared>> -> memref<51200xf32, #tpu.memory_space<vmem_shared>>
      tpu.wait_indirect_dma semaphore(%run_scoped3A_3397 : memref<!tpu.dma_semaphore, #tpu.memory_space<semaphore_mem>>) src(%dma_wait3A_3406 : memref<128xf32, #tpu.memory_space<vmem>>) dst(%dma_wait3A_3411 : memref<51200xf32, #tpu.memory_space<vmem_shared>>)
      tpu.yield
    }) : () -> ()
    %barrier3A_3390 = arith.constant 0 : index
    tpu.barrier barrier_id(%barrier3A_3390)
    %mul3A_3391 = arith.constant 51200 : i32
    %mul3A_3392 = arith.muli %arg0, %mul3A_3391 : i32
    %mul3A_3393 = arith.constant 3200 : i32
    %mul3A_3394 = arith.muli %arg1, %mul3A_3393 : i32
    %add3A_3395 = arith.addi %mul3A_3392, %mul3A_3394 : i32
    %multiple_of3A_3396 = tpu.assume_multiple %add3A_3395, 8 : i32
    "tpu.region"() ({
      %run_scoped3A_3397 = tpu.sem_alloc : memref<!tpu.dma_semaphore, #tpu.memory_space<semaphore_mem>>
      %dma_start3A_3398 = arith.constant 0 : i32
      %dma_start3A_3399 = tpu.memref_slice %arg14[%dma_start3A_3398] : memref<3200xf32, #tpu.memory_space<vmem>> -> memref<3200xf32, #tpu.memory_space<vmem>>
      %dma_start3A_3400 = tpu.memref_slice %arg15[%multiple_of3A] : memref<51200xf32, #tpu.memory_space<vmem_shared>> -> memref<3200xf32, #tpu.memory_space<vmem_shared>>
      %dma_start3A_3401 = arith.constant 0 : i32
      %dma_start3A_3402 = tpu.memref_slice %arg14[%dma_start3A_3401] : memref<3200xf32, #tpu.memory_space<vmem>> -> memref<3200xf32, #tpu.memory_space<vmem>>
      %dma_start3A_3403 = tpu.memref_slice %arg15[%multiple_of3A] : memref<51200xf32, #tpu.memory_space<vmem_shared>> -> memref<3200xf32, #tpu.memory_space<vmem_shared>>
      tpu.enqueue_dma source(%dma_start3A_3403 : memref<3200xf32, #tpu.memory_space<vmem_shared>>) target(%dma_start3A_3402 : memref<3200xf32, #tpu.memory_space<vmem>>) target_semaphore(%run_scoped3A_3397 : memref<!tpu.dma_semaphore, #tpu.memory_space<semaphore_mem>>)
      %dma_wait3A_3404 = arith.constant 0 : i32
      %dma_wait3A_3405 = tpu.memref_slice %arg14[%dma_wait3A_3404] : memref<3200xf32, #tpu.memory_space<vmem>> -> memref<3200xf32, #tpu.memory_space<vmem>>
      %dma_wait3A_3406 = tpu.memref_slice %arg15[%multiple_of3A] : memref<51200xf32, #tpu.memory_space<vmem_shared>> -> memref<3200xf32, #tpu.memory_space<vmem_shared>>
      %dma_wait3A_3407 = arith.constant 0 : i32
      %dma_wait3A_3408 = tpu.memref_slice %arg14[%dma_wait3A_3407] : memref<3200xf32, #tpu.memory_space<vmem>> -> memref<3200xf32, #tpu.memory_space<vmem>>
      %dma_wait3A_3409 = tpu.memref_slice %arg15[%multiple_of3A] : memref<51200xf32, #tpu.memory_space<vmem_shared>> -> memref<3200xf32, #tpu.memory_space<vmem_shared>>
      tpu.wait_dma2 semaphore(%run_scoped3A_3397 : memref<!tpu.dma_semaphore, #tpu.memory_space<semaphore_mem>>) src(%dma_wait3A_3409 : memref<3200xf32, #tpu.memory_space<vmem_shared>>) dst(%dma_wait3A_3408 : memref<3200xf32, #tpu.memory_space<vmem>>)
      tpu.yield
    }) : () -> ()
    "tpu.region"() ({
      %run_scoped3A_3397 = tpu.sem_alloc : memref<!tpu.dma_semaphore, #tpu.memory_space<semaphore_mem>>
      %dma_start3A_3398 = arith.constant 0 : i32
      %dma_start3A_3399 = tpu.memref_slice %arg14[%dma_start3A_3398] : memref<3200xf32, #tpu.memory_space<vmem>> -> memref<3200xf32, #tpu.memory_space<vmem>>
      %dma_start3A_3400 = tpu.memref_slice %arg6[%multiple_of3A_3396] : memref<102400xf32, #tpu.memory_space<hbm>> -> memref<3200xf32, #tpu.memory_space<hbm>>
      %dma_start3A_3401 = tpu.memref_slice %arg6[%multiple_of3A_3396] : memref<102400xf32, #tpu.memory_space<hbm>> -> memref<3200xf32, #tpu.memory_space<hbm>>
      %dma_start3A_3402 = arith.constant 0 : i32
      %dma_start3A_3403 = tpu.memref_slice %arg14[%dma_start3A_3402] : memref<3200xf32, #tpu.memory_space<vmem>> -> memref<3200xf32, #tpu.memory_space<vmem>>
      tpu.enqueue_dma source(%dma_start3A_3403 : memref<3200xf32, #tpu.memory_space<vmem>>) target(%dma_start3A_3401 : memref<3200xf32, #tpu.memory_space<hbm>>) target_semaphore(%run_scoped3A_3397 : memref<!tpu.dma_semaphore, #tpu.memory_space<semaphore_mem>>)
      %dma_wait3A_3404 = arith.constant 0 : i32
      %dma_wait3A_3405 = tpu.memref_slice %arg14[%dma_wait3A_3404] : memref<3200xf32, #tpu.memory_space<vmem>> -> memref<3200xf32, #tpu.memory_space<vmem>>
      %dma_wait3A_3406 = tpu.memref_slice %arg6[%multiple_of3A_3396] : memref<102400xf32, #tpu.memory_space<hbm>> -> memref<3200xf32, #tpu.memory_space<hbm>>
      %dma_wait3A_3407 = tpu.memref_slice %arg6[%multiple_of3A_3396] : memref<102400xf32, #tpu.memory_space<hbm>> -> memref<3200xf32, #tpu.memory_space<hbm>>
      %dma_wait3A_3408 = arith.constant 0 : i32
      %dma_wait3A_3409 = tpu.memref_slice %arg14[%dma_wait3A_3408] : memref<3200xf32, #tpu.memory_space<vmem>> -> memref<3200xf32, #tpu.memory_space<vmem>>
      tpu.wait_dma2 semaphore(%run_scoped3A_3397 : memref<!tpu.dma_semaphore, #tpu.memory_space<semaphore_mem>>) src(%dma_wait3A_3409 : memref<3200xf32, #tpu.memory_space<vmem>>) dst(%dma_wait3A_3407 : memref<3200xf32, #tpu.memory_space<hbm>>)
      tpu.yield
    }) : () -> ()
    "tpu.region"() ({
      %run_scoped3A_3397 = tpu.sem_alloc : memref<!tpu.dma_semaphore, #tpu.memory_space<semaphore_mem>>
      %dma_start3A_3398 = arith.constant 0 : i32
      %dma_start3A_3399 = tpu.memref_slice %arg14[%dma_start3A_3398] : memref<3200xf32, #tpu.memory_space<vmem>> -> memref<3200xf32, #tpu.memory_space<vmem>>
      %dma_start3A_3400 = tpu.memref_slice %arg16[%multiple_of3A] : memref<51200xf32, #tpu.memory_space<vmem_shared>> -> memref<3200xf32, #tpu.memory_space<vmem_shared>>
      %dma_start3A_3401 = arith.constant 0 : i32
      %dma_start3A_3402 = tpu.memref_slice %arg14[%dma_start3A_3401] : memref<3200xf32, #tpu.memory_space<vmem>> -> memref<3200xf32, #tpu.memory_space<vmem>>
      %dma_start3A_3403 = tpu.memref_slice %arg16[%multiple_of3A] : memref<51200xf32, #tpu.memory_space<vmem_shared>> -> memref<3200xf32, #tpu.memory_space<vmem_shared>>
      tpu.enqueue_dma source(%dma_start3A_3403 : memref<3200xf32, #tpu.memory_space<vmem_shared>>) target(%dma_start3A_3402 : memref<3200xf32, #tpu.memory_space<vmem>>) target_semaphore(%run_scoped3A_3397 : memref<!tpu.dma_semaphore, #tpu.memory_space<semaphore_mem>>)
      %dma_wait3A_3404 = arith.constant 0 : i32
      %dma_wait3A_3405 = tpu.memref_slice %arg14[%dma_wait3A_3404] : memref<3200xf32, #tpu.memory_space<vmem>> -> memref<3200xf32, #tpu.memory_space<vmem>>
      %dma_wait3A_3406 = tpu.memref_slice %arg16[%multiple_of3A] : memref<51200xf32, #tpu.memory_space<vmem_shared>> -> memref<3200xf32, #tpu.memory_space<vmem_shared>>
      %dma_wait3A_3407 = arith.constant 0 : i32
      %dma_wait3A_3408 = tpu.memref_slice %arg14[%dma_wait3A_3407] : memref<3200xf32, #tpu.memory_space<vmem>> -> memref<3200xf32, #tpu.memory_space<vmem>>
      %dma_wait3A_3409 = tpu.memref_slice %arg16[%multiple_of3A] : memref<51200xf32, #tpu.memory_space<vmem_shared>> -> memref<3200xf32, #tpu.memory_space<vmem_shared>>
      tpu.wait_dma2 semaphore(%run_scoped3A_3397 : memref<!tpu.dma_semaphore, #tpu.memory_space<semaphore_mem>>) src(%dma_wait3A_3409 : memref<3200xf32, #tpu.memory_space<vmem_shared>>) dst(%dma_wait3A_3408 : memref<3200xf32, #tpu.memory_space<vmem>>)
      tpu.yield
    }) : () -> ()
    "tpu.region"() ({
      %run_scoped3A_3397 = tpu.sem_alloc : memref<!tpu.dma_semaphore, #tpu.memory_space<semaphore_mem>>
      %dma_start3A_3398 = arith.constant 0 : i32
      %dma_start3A_3399 = tpu.memref_slice %arg14[%dma_start3A_3398] : memref<3200xf32, #tpu.memory_space<vmem>> -> memref<3200xf32, #tpu.memory_space<vmem>>
      %dma_start3A_3400 = tpu.memref_slice %arg7[%multiple_of3A_3396] : memref<102400xf32, #tpu.memory_space<hbm>> -> memref<3200xf32, #tpu.memory_space<hbm>>
      %dma_start3A_3401 = tpu.memref_slice %arg7[%multiple_of3A_3396] : memref<102400xf32, #tpu.memory_space<hbm>> -> memref<3200xf32, #tpu.memory_space<hbm>>
      %dma_start3A_3402 = arith.constant 0 : i32
      %dma_start3A_3403 = tpu.memref_slice %arg14[%dma_start3A_3402] : memref<3200xf32, #tpu.memory_space<vmem>> -> memref<3200xf32, #tpu.memory_space<vmem>>
      tpu.enqueue_dma source(%dma_start3A_3403 : memref<3200xf32, #tpu.memory_space<vmem>>) target(%dma_start3A_3401 : memref<3200xf32, #tpu.memory_space<hbm>>) target_semaphore(%run_scoped3A_3397 : memref<!tpu.dma_semaphore, #tpu.memory_space<semaphore_mem>>)
      %dma_wait3A_3404 = arith.constant 0 : i32
      %dma_wait3A_3405 = tpu.memref_slice %arg14[%dma_wait3A_3404] : memref<3200xf32, #tpu.memory_space<vmem>> -> memref<3200xf32, #tpu.memory_space<vmem>>
      %dma_wait3A_3406 = tpu.memref_slice %arg7[%multiple_of3A_3396] : memref<102400xf32, #tpu.memory_space<hbm>> -> memref<3200xf32, #tpu.memory_space<hbm>>
      %dma_wait3A_3407 = tpu.memref_slice %arg7[%multiple_of3A_3396] : memref<102400xf32, #tpu.memory_space<hbm>> -> memref<3200xf32, #tpu.memory_space<hbm>>
      %dma_wait3A_3408 = arith.constant 0 : i32
      %dma_wait3A_3409 = tpu.memref_slice %arg14[%dma_wait3A_3408] : memref<3200xf32, #tpu.memory_space<vmem>> -> memref<3200xf32, #tpu.memory_space<vmem>>
      tpu.wait_dma2 semaphore(%run_scoped3A_3397 : memref<!tpu.dma_semaphore, #tpu.memory_space<semaphore_mem>>) src(%dma_wait3A_3409 : memref<3200xf32, #tpu.memory_space<vmem>>) dst(%dma_wait3A_3407 : memref<3200xf32, #tpu.memory_space<hbm>>)
      tpu.yield
    }) : () -> ()
    return
  }
}

module attributes {stable_mosaic.version = 14 : i64} {
  func.func @_tc_body(%arg0: i32, %arg1: memref<960x256xbf16, #tpu.memory_space<vmem>>, %arg2: memref<2048xf32, #tpu.memory_space<vmem>>, %arg3: memref<2048xf32, #tpu.memory_space<vmem>>, %arg4: memref<2048xf32, #tpu.memory_space<vmem>>, %arg5: memref<2048xf32, #tpu.memory_space<vmem>>, %arg6: memref<1600x256xf32, #tpu.memory_space<vmem>>) attributes {dimension_semantics = [#tpu.dimension_semantics<arbitrary>], iteration_bounds = array<i64: 25>, scalar_prefetch = 0 : i64, scratch_operands = 0 : i64, tpu.core_type = #tpu.core_type<tc>, window_params = [{pipeline_mode = #tpu.pipeline_mode<synchronous>, transform_indices = @transform_0, window_bounds = array<i64: 960, 256>}, {transform_indices = @transform_1, window_bounds = array<i64: 2048>}, {transform_indices = @transform_2, window_bounds = array<i64: 2048>}, {transform_indices = @transform_3, window_bounds = array<i64: 2048>}, {transform_indices = @transform_4, window_bounds = array<i64: 2048>}, {transform_indices = @transform_5, window_bounds = array<i64: 1600, 256>}]} {
    %get3A = arith.constant 0 : index
    %get3A_0 = arith.constant 0 : index
    %get3A_1 = vector.load %arg1[%get3A, %get3A_0] : memref<960x256xbf16, #tpu.memory_space<vmem>>, vector<960x256xbf16>
    %iota3A = tpu.iota {dimensions = array<i32: 1>} : vector<1600x960xi32>
    %get3A_2 = arith.constant 0 : index
    %get3A_3 = vector.load %arg2[%get3A_2] : memref<2048xf32, #tpu.memory_space<vmem>>, vector<1600xf32>
    %convert_element_type3A = arith.fptosi %get3A_3 : vector<1600xf32> to vector<1600xi32>
    %get3A_4 = arith.constant 0 : index
    %get3A_5 = vector.load %arg3[%get3A_4] : memref<2048xf32, #tpu.memory_space<vmem>>, vector<1600xf32>
    %convert_element_type3A_6 = arith.fptosi %get3A_5 : vector<1600xf32> to vector<1600xi32>
    %gt3A = arith.constant 0 : i32
    %gt3A_7 = vector.broadcast %gt3A : i32 to vector<1600xi32>
    %gt3A_8 = arith.cmpi sgt, %convert_element_type3A, %gt3A_7 : vector<1600xi32>
    %select_n3A = arith.select %gt3A_8, %convert_element_type3A, %convert_element_type3A_6 : vector<1600xi1>, vector<1600xi32>
    %sub3A = arith.constant 1 : i32
    %sub3A_9 = vector.broadcast %sub3A : i32 to vector<1600xi32>
    %sub3A_10 = arith.subi %select_n3A, %sub3A_9 : vector<1600xi32>
    %broadcast_in_dim3A = vector.shape_cast %sub3A_10 : vector<1600xi32> to vector<1600x1xi32>
    %eq3A = vector.broadcast %broadcast_in_dim3A : vector<1600x1xi32> to vector<1600x960xi32>
    %eq3A_11 = arith.cmpi eq, %iota3A, %eq3A : vector<1600x960xi32>
    %jit3A = arith.constant 1.000000e+00 : f32
    %jit3A_12 = arith.constant 0.000000e+00 : f32
    %broadcast_in_dim3A_13 = vector.broadcast %jit3A : f32 to vector<1600x960xf32>
    %broadcast_in_dim3A_14 = vector.broadcast %jit3A_12 : f32 to vector<1600x960xf32>
    %select_n3A_15 = arith.select %eq3A_11, %broadcast_in_dim3A_13, %broadcast_in_dim3A_14 : vector<1600x960xi1>, vector<1600x960xf32>
    %convert_element_type3A_16 = arith.truncf %select_n3A_15 : vector<1600x960xf32> to vector<1600x960xbf16>
    %dot_general3A = arith.constant dense<0.000000e+00> : vector<1600x256xf32>
    %dot_general3A_17 = tpu.matmul %convert_element_type3A_16, %get3A_1, %dot_general3A {dimension_numbers = #tpu.dot_dimension_numbers<[1], [0], [0], [1], [0, 0, 1, 1], [], []>, transpose_lhs_hint = false} : vector<1600x960xbf16>, vector<960x256xbf16>, vector<1600x256xf32> -> vector<1600x256xf32>
    %get3A_18 = arith.constant 0 : index
    %get3A_19 = vector.load %arg4[%get3A_18] : memref<2048xf32, #tpu.memory_space<vmem>>, vector<1600xf32>
    %get3A_20 = arith.constant 0 : index
    %get3A_21 = vector.load %arg5[%get3A_20] : memref<2048xf32, #tpu.memory_space<vmem>>, vector<1600xf32>
    %select_n3A_22 = arith.select %gt3A_8, %get3A_19, %get3A_21 : vector<1600xi1>, vector<1600xf32>
    %broadcast_in_dim3A_23 = vector.shape_cast %select_n3A_22 : vector<1600xf32> to vector<1600x1xf32>
    %mul3A = vector.broadcast %broadcast_in_dim3A_23 : vector<1600x1xf32> to vector<1600x256xf32>
    %mul3A_24 = arith.mulf %dot_general3A_17, %mul3A : vector<1600x256xf32>
    %swap3A = arith.constant 0 : index
    %swap3A_25 = arith.constant 0 : index
    %swap3A_26 = vector.load %arg6[%swap3A, %swap3A_25] : memref<1600x256xf32, #tpu.memory_space<vmem>>, vector<1600x256xf32>
    tpu.vector_store %arg6[%swap3A, %swap3A_25], %mul3A_24 {strides = array<i32>} : memref<1600x256xf32, #tpu.memory_space<vmem>>, vector<1600x256xf32>,
    return
  }
  func.func @transform_0(%arg0: i32) -> (i32, i32) {
    %c0_i32 = arith.constant 0 : i32
    %c0_i32_0 = arith.constant 0 : i32
    %c0_i32_1 = arith.constant 0 : i32
    return %c0_i32, %c0_i32_0 : i32, i32
  }
  func.func @transform_1(%arg0: i32) -> i32 {
    %c0_i32 = arith.constant 0 : i32
    return %arg0 : i32
  }
  func.func @transform_2(%arg0: i32) -> i32 {
    %add3A = arith.constant 25 : i32
    %add3A_0 = arith.addi %arg0, %add3A : i32
    %c0_i32 = arith.constant 0 : i32
    return %add3A_0 : i32
  }
  func.func @transform_3(%arg0: i32) -> i32 {
    %c0_i32 = arith.constant 0 : i32
    return %arg0 : i32
  }
  func.func @transform_4(%arg0: i32) -> i32 {
    %add3A = arith.constant 25 : i32
    %add3A_0 = arith.addi %arg0, %add3A : i32
    %c0_i32 = arith.constant 0 : i32
    return %add3A_0 : i32
  }
  func.func @transform_5(%arg0: i32) -> (i32, i32) {
    %c0_i32 = arith.constant 0 : i32
    %c0_i32_0 = arith.constant 0 : i32
    return %arg0, %c0_i32 : i32, i32
  }
}

</mosaic_0001>

<sc_bundles>
// kernel: kernel.4.cloned.1.call-start
scs
__scs_entry_jumppad:
0x0: {  	(pc) =	sbr.rel $0x88, $3  }
0x1: {  	(tag) =	ssettag $0x0;
	lr =	simm.s32 $0x1  }
0x2: {  	[smem:$0x3F9C] =	sst lr;
	_ =	strace $0xD0000000  }
0x3: {  	_ = 	snop  }
0x4: {  	_ = 	snop  }
0x5: {  	_ = 	snop  }
0x6: {  	_ = 	snop  }
0x7: {  	_ = 	snop  }
__scs_overlays_trampoline_lowered:
0x8: {  	[smem:$0x3FAB] =	sst s0  }
0x9: {  	[smem:$0x3FAC] =	sst s1  }
0xa: {  	[smem:$0x3FAD] =	sst s2  }
0xb: {  	[smem:$0x3FAE] =	sst s3  }
0xc: {  	[smem:$0x3FAF] =	sst s4  }
0xd: {  	[smem:$0x3FB0] =	sst s5  }
0xe: {  	[smem:$0x3FB1] =	sst s6  }
0xf: {  	[smem:$0x3FB2] =	sst s7  }
0x10: {  	[smem:$0x3FB3] =	sst s8  }
0x11: {  	[smem:$0x3FB4] =	sst s9;
	s0 =	simm.s32 @!p0 $0x0  }
0x12: {  	s1 =	sld [smem:$0x3F9A];
	s0 =	simm.s32 @p0 $0x1  }
0x13: {  	[smem:$0x3FB5] =	sst s0;
	s0 =	simm.s32 @!p1 $0x0  }
0x14: {  	s2 =	sld [smem:$0x3F99];
	s0 =	simm.s32 @p1 $0x1  }
0x15: {  	[smem:$0x3FB6] =	sst s0;
	s0 =	simm.s32 @!p2 $0x0  }
0x16: {  	s3 =	sld [smem:$0x3FDB];
	s0 =	simm.s32 @p2 $0x1  }
0x17: {  	s4 =	simm.s32 $0x1BF5;
	[smem:$0x3FB8] =	sst s0  }
0x18: {  	s0 =	sld [smem:$0x3F9B];
	_ =	swait.ge [sflag:s4], $0x0  }
0x19: {  	s7 =	sld [smem:$0x3F9C]  }
0x1a: {  	s8 =	sadd.s32 $0xFFFFE003, lr  }
0x1b: {  	s9 =	sadd.s32 $0xFFFFFEF7, lr;
	s5 =	simm.s32 $0xFFFFFFFF;
	p2 =	slt.u32 s8, $0xFFFFF086  }
0x1c: {  	p1 =	slt.u32 s9, $0xF7A;
	s5 =	simm.s32 @!p2 $0x0  }
0x1d: {  	s5 =	simm.s32 @p1 $0x1;
	p0 =	seq.s32 s7, s2  }
0x1e: {  	s7 =	smul.u32 @!p0 $0xF7A, s2;
	p2 =	seq.s32 @!p0 s5, $0x0  }
0x1f: {  	s9 =	smul.u32 $0xF7A, s1;
	s8 =	simm.s32 @!p0 $0x1BF5;
	p2 =	por !p2, p0  }
0x20: {  	[sflag:s8] =	ssyncset.s32 @!p0 $0xFFFFF086;
	s6 =	sadd.s32 @!p0 s3, s7;
	s7 =	simm.s32 @!p0 $0x108  }
0x21: {  	s3 =	sadd.s32 s3, s9;
	s6 =	sadd.s32 @!p0 $0x88, s6;
	s7 =	simm.s32 @p2 $0x1082  }
0x22: {  	[simem:s7], [sflag:s8] =	dma.local @!p0 [hbm:s6], $0xF7A  }
0x23: {  	s9 =	sor.u32 $0xD0000000, s2;
	s6 =	simm.s32 $0x108;
	_ =	swait.ge @!p0 [sflag:s8], $0x0  }
0x24: {  	s3 =	sadd.s32 $0x88, s3;
	s6 =	simm.s32 @!p1 $0x1082;
	[sflag:s4] =	ssyncset.s32 $0xFFFFF086  }
0x25: {  	[simem:s6], [sflag:s4] =	dma.local [hbm:s3], $0xF7A  }
0x26: {  	[smem:$0x3F9C] =	sst s1;
	(tag) =	ssettag s2;
	_ =	strace s9  }
0x27: {  	s1 =	sld [smem:$0x3FAC]  }
0x28: {  	s2 =	sld [smem:$0x3FAD]  }
0x29: {  	s4 =	sld [smem:$0x3FAF]  }
0x2a: {  	p0 =	seq.s32 s5, $0x0;
	s5 =	sld [smem:$0x3FB0]  }
0x2b: {  	s6 =	sld [smem:$0x3FB1]  }
0x2c: {  	s7 =	sld [smem:$0x3FB2]  }
0x2d: {  	s3 =	simm.s32 $0x108;
	s8 =	sld [smem:$0x3FB3]  }
0x2e: {  	s3 =	simm.s32 @!p0 $0x1082;
	s9 =	sld [smem:$0x3FB4]  }
0x2f: {  	lr =	sadd.s32 s0, s3;
	s0 =	sld [smem:$0x3FAB]  }
0x30: {  	s3 =	sld [smem:$0x3FAE]  }
0x31: {  	[smem:$0x3FB7] =	sst s10  }
0x32: {  	s10 =	sld [smem:$0x3FB5];
	_ =	sdelay $0x3  }
0x33: {  	p0 =	seq.s32 s10, $0x1;
	s10 =	sld [smem:$0x3FB7];
	_ =	sdelay $0x3  }
0x34: {  	[smem:$0x3FB7] =	sst s10  }
0x35: {  	s10 =	sld [smem:$0x3FB6];
	_ =	sdelay $0x3  }
0x36: {  	p1 =	seq.s32 s10, $0x1;
	s10 =	sld [smem:$0x3FB7];
	_ =	sdelay $0x3  }
0x37: {  	[smem:$0x3FB7] =	sst s10  }
0x38: {  	s10 =	sld [smem:$0x3FB8]  }
0x39: {  	_ = 	snop;
	(pc) =	sbr.ind lr, $3  }
0x3a: {  	_ = 	snop  }
0x3b: {  	_ = 	snop  }
0x3c: {  	p2 =	seq.s32 s10, $0x1;
	s10 =	sld [smem:$0x3FB7]  }
0x3d: {  	_ =	shalt  }
0x3e: {  	_ =	shalt  }
0x3f: {  	_ =	shalt  }
0x40: {  	_ =	shalt  }
0x41: {  	_ =	shalt  }
0x42: {  	_ =	shalt  }
0x43: {  	_ =	shalt  }
0x44: {  	_ =	shalt  }
0x45: {  	_ =	shalt  }
0x46: {  	_ =	shalt  }
0x47: {  	_ =	shalt  }
0x48: {  	_ =	shalt  }
0x49: {  	_ =	shalt  }
0x4a: {  	_ =	shalt  }
0x4b: {  	_ =	shalt  }
0x4c: {  	_ =	shalt  }
0x4d: {  	_ =	shalt  }
0x4e: {  	_ =	shalt  }
0x4f: {  	_ =	shalt  }
0x50: {  	_ =	shalt  }
0x51: {  	_ =	shalt  }
0x52: {  	_ =	shalt  }
0x53: {  	_ =	shalt  }
0x54: {  	_ =	shalt  }
0x55: {  	_ =	shalt  }
0x56: {  	_ =	shalt  }
0x57: {  	_ =	shalt  }
0x58: {  	_ =	shalt  }
0x59: {  	_ =	shalt  }
0x5a: {  	_ =	shalt  }
0x5b: {  	_ =	shalt  }
0x5c: {  	_ =	shalt  }
0x5d: {  	_ =	shalt  }
0x5e: {  	_ =	shalt  }
0x5f: {  	_ =	shalt  }
0x60: {  	_ =	shalt  }
0x61: {  	_ =	shalt  }
0x62: {  	_ =	shalt  }
0x63: {  	_ =	shalt  }
0x64: {  	_ =	shalt  }
0x65: {  	_ =	shalt  }
0x66: {  	_ =	shalt  }
0x67: {  	_ =	shalt  }
0x68: {  	_ =	shalt  }
0x69: {  	_ =	shalt  }
0x6a: {  	_ =	shalt  }
0x6b: {  	_ =	shalt  }
0x6c: {  	_ =	shalt  }
0x6d: {  	_ =	shalt  }
0x6e: {  	_ =	shalt  }
0x6f: {  	_ =	shalt  }
0x70: {  	_ =	shalt  }
0x71: {  	_ =	shalt  }
0x72: {  	_ =	shalt  }
0x73: {  	_ =	shalt  }
0x74: {  	_ =	shalt  }
0x75: {  	_ =	shalt  }
0x76: {  	_ =	shalt  }
0x77: {  	_ =	shalt  }
0x78: {  	_ =	shalt  }
0x79: {  	_ =	shalt  }
0x7a: {  	_ =	shalt  }
0x7b: {  	_ =	shalt  }
0x7c: {  	_ =	shalt  }
0x7d: {  	_ =	shalt  }
0x7e: {  	_ =	shalt  }
0x7f: {  	_ =	shalt  }
0x80: {  	_ =	shalt  }
0x81: {  	_ =	shalt  }
0x82: {  	_ =	shalt  }
0x83: {  	_ =	shalt  }
0x84: {  	_ =	shalt  }
0x85: {  	_ =	shalt  }
0x86: {  	_ =	shalt  }
0x87: {  	_ =	shalt  }
.Lfunc_end0:
.L_simem_size_0:
called_computation_lowered:
.L_overlay_start_0:
0x88: {  	s2 =	sld [smem:$0x3FD9]  }
0x89: {  	s3 =	sld [smem:$0x3FFE];
	_ =	sdelay $0x1  }
0x8a: {  	s1 =	srdreg.scid  }
0x8b: {  	s0 =	sand.u32 $0x1, s1  }
0x8c: {  	s17 =	sshll.u32 s0, $0xA;
	s2 =	sadd.s32 s3, s2  }
0x8d: {  	s2 =	sadd.s32 s2, s17  }
0x8e: {  	[smem:$0x3FC3] =	sst s2  }
0x8f: {  	_ = 	snop  }
0x90: {  	s2 =	sld [smem:$0x3FC7]  }
0x91: {  	s18 =	sld [smem:$0x3FC6]  }
0x92: {  	s4 =	sld [smem:$0x3FD0];
	(tm) =	ssettm $0x1  }
0x93: {  	s5 =	sld [smem:$0x3FFB];
	_ =	sdelay $0x3  }
0x94: {  	_ =	strace s5  }
0x95: {  	s5 =	sld [smem:$0x3FFC];
	_ =	sdelay $0x3  }
0x96: {  	_ =	strace s5  }
0x97: {  	s5 =	sld [smem:$0x3FFD];
	_ =	sdelay $0x3  }
0x98: {  	_ =	strace s5  }
0x99: {  	_ =	strace $0x8FFFFFFF  }
0x9a: {  	s19 =	sld [smem:$0x3FDB];
	_ =	sdelay $0x1  }
0x9b: {  	s6 =	simm.s32 $_scs_section_size  }
0x9c: {  	s7 =	simm.s32 $_size__tile_overlayer_lowered;
	s8 =	simm.s32 $_tile_overlayer_lowered  }
0x9d: {  	s22 =	simm.s32 $0x1BFF;
	s21 =	sshll.u32 s8, $0x1;
	s5 =	sadd.s32 s6, s19  }
0x9e: {  	s9 =	simm.s32 $0x0;
	s20 =	sshll.u32 s7, $0x1;
	s7 =	sadd.s32 s21, s5  }
0x9f: {  	[timem:s9], [sflag:s22] =	dma.local [hbm:s7], s20  }
0xa0: {  	_ =	swait.ge [sflag:s22], s20  }
0xa1: {  	s6 =	ssub.s32 $0x0, s20;
	[sflag:s22] =	ssyncset.done $0x0  }
0xa2: {  	[sflag:s22] =	ssyncadd.s32 s6;
	_ =	sdelay $0x1  }
0xa3: {  	s23 =	simm.s32 $0x1B8B  }
0xa4: {  	_ =	swait.ge [sflag:s23], $0x1  }
0xa5: {  	[sflag:s23] =	ssyncset.done $0x0  }
0xa6: {  	s25 =	simm.s32 $0x1B8E;
	s24 =	sld [smem:$0x3FFE];
	[sflag:s23] =	ssyncadd.s32 $0xFFFFFFFF  }
0xa7: {  	s26 =	simm.s32 $execute0_lowered;
	[smem:$0x3FD2] =	sst s25  }
0xa8: {  	s7 =	sshll.u32 s26, $0x1;
	_ =	strace $0x80000046;
	[dreg:$0x1] =	wrdreg $0xFFFFFFFF  }
0xa9: {  	s28 =	simm.s32 $_size_execute0_lowered;
	s5 =	sadd.s32 s5, s7;
	[dreg:$0x0] =	wrdreg $0x0  }
0xaa: {  	s7 =	sshll.u32 s28, $0x1;
	[dreg:$0x2] =	wrdreg s5  }
0xab: {  	[dreg:$0x3] =	wrdreg s7  }
0xac: {  	[dreg:$0x4] =	wrdreg $0xC0  }
0xad: {  	_ =	task [dreg:s9], $0x5FFFF  }
0xae: {  	[dreg:$0x1] =	wrdreg $0xFFFFFFFF  }
0xaf: {  	[dreg:$0x0] =	wrdreg $0x60  }
0xb0: {  	[dreg:$0x2] =	wrdreg s18  }
0xb1: {  	[dreg:$0x3] =	wrdreg s24  }
0xb2: {  	[dreg:$0x4] =	wrdreg s2  }
0xb3: {  	[dreg:$0x5] =	wrdreg s4  }
0xb4: {  	[dreg:$0x6] =	wrdreg $0x2C800  }
0xb5: {  	[dreg:$0x7] =	wrdreg $0x39000  }
0xb6: {  	[dreg:$0x8] =	wrdreg $0x9  }
0xb7: {  	_ =	task.clear_ibuf [dreg:s9], $0x9FFFF;
	_ =	strace $0x90000046  }
0xb8: {  	s29 =	simm.s32 $0x9;
	_ =	strace $0x80000048  }
0xb9: {  	_ =	swait.ge [sflag:s29], $0x1  }
0xba: {  	[sflag:s29] =	ssyncadd.s32 $0xFFFFFFFF  }
0xbb: {  	_ =	strace $0x90000048  }
0xbc: {  	_ =	sfence  }
0xbd: {  	s30 =	sld [smem:$0x0];
	_ =	sdelay $0x2  }
0xbe: {  	s31 =	sshll.u32 s1, $0xD;
	s1 =	sshrl.u32 s1, $0x2  }
0xbf: {  	s3 =	sand.u32 $0x4000, s31;
	s1 =	sadd.s32 s1, s30  }
0xc0: {  	s0 =	sor.u32 s3, s0;
	s1 =	sshll.u32 s1, $0x11  }
0xc1: {  	s0 =	sor.u32 s1, s0  }
0xc2: {  	s0 =	sadd.s32 $0x8F2B, s0  }
0xc3: {  	[sflag:s0] =	ssyncadd.remote.s32 $0x1  }
0xc4: {  	_ =	sfence.sel $0xFFFF  }
0xc5: {  	[dreg:$0x0] =	wrdreg $0xFFFFFFFF;
	(pc) =	sbr.abs _section_cstart, $3  }
0xc6: {  	[dreg:$0x1] =	wrdreg $0xFFFFFFFF  }
0xc7: {  	_ =	task.clear_ibuf [dreg:s9], $0x2FFFF;
	_ =	strace $0x9FFFFFFF  }
0xc8: {  	(tm) =	ssettm $0x7FFFFFFF  }
0xc9: {  	_ =	shalt  }
tec
execute0_lowered:
.L_overlay_start_1:
0x0: {  	(tag) =	ssettag $0x1  }
0x1: {  	v0 =	vlaneseq.u32  }
0x2: {  	v0 =	vmul.u32 $0x4, v0  }
0x3: {  	vm0 =	vmxor vm0, vm0  }
0x4: {  	s0 =	rddreg [dreg:$0x0];
	vm1 =	vcmask $0x3F3C;
	v1 =	vimm.f32 $0.0e+00;
	v2 =	vor.u32 $0x1, v0  }
0x5: {  	s3 =	rddreg [dreg:$0x1];
	v9 =	vor.u32 $0x100, v0;
	v10 =	vor.u32 $0x101, v0;
	v11 =	vor.u32 $0x140, v0  }
0x6: {  	s1 =	srdreg.scid;
	s9 =	rddreg [dreg:$0x3];
	v12 =	vor.u32 $0x141, v0;
	v13 =	vor.u32 $0x180, v0;
	v14 =	vor.u32 $0x181, v0  }
0x7: {  	s7 =	stileid.u32;
	s4 =	rddreg [dreg:$0x5];
	s5 =	simm.s32 $0x0;
	v15 =	vor.u32 $0x1C0, v0;
	v16 =	vor.u32 $0x1C1, v0;
	v17 =	vor.u32 $0x200, v0  }
0x8: {  	s15 =	simm.s32 $0x2;
	s16 =	simm.s32 $0x1200;
	s17 =	simm.s32 $0x80;
	v18 =	vor.u32 $0x201, v0;
	v19 =	vor.u32 $0x240, v0;
	v20 =	vor.u32 $0x241, v0  }
0x9: {  	s31 =	simm.s32 $0x1;
	s29 =	simm.s32 $0xA00;
	s18 =	simm.s32 $0xE00;
	v21 =	vor.u32 $0x280, v0;
	v22 =	vor.u32 $0x281, v0;
	v23 =	vor.u32 $0x2C0, v0  }
0xa: {  	s19 =	simm.s32 $0xE80;
	s21 =	simm.s32 $0xF00;
	s20 =	simm.s32 $0x600;
	v24 =	vor.u32 $0x2C1, v0;
	v25 =	vor.u32 $0x300, v0;
	v26 =	vor.u32 $0x301, v0  }
0xb: {  	s22 =	simm.s32 $0x680;
	s6 =	sand.u32 $0x1, s1;
	s1 =	rddreg [dreg:$0x2];
	v27 =	vor.u32 $0x340, v0;
	v28 =	vor.u32 $0x341, v0;
	v29 =	vor.u32 $0x380, v0  }
0xc: {  	s8 =	smul.u32 $0xC80, s7;
	[smem:$0x7FF] =	sst s5;
	s2 =	sshll.u32 s6, $0x4;
	v30 =	vor.u32 $0x381, v0;
	v31 =	vor.u32 $0x3C0, v0;
	v32 =	vor.u32 $0x3C1, v0  }
0xd: {  	s23 =	smul.u32 $0xC800, s6;
	s13 =	ssub.s32 $0x2, s6;
	s6 =	sadd.s32 $0xC00, s3;
	v33 =	vor.u32 $0x400, v0;
	v34 =	vor.u32 $0x401, v0;
	v35 =	vor.u32 $0x440, v0  }
0xe: {  	s10 =	sor.u32 s7, s2;
	s2 =	rddreg [dreg:$0x4];
	s24 =	sshrl.u32 s13, $0x1;
	v36 =	vor.u32 $0x441, v0;
	v37 =	vor.u32 $0x480, v0;
	v38 =	vor.u32 $0x481, v0  }
0xf: {  	v39 =	vor.u32 $0x4C0, v0;
	v40 =	vor.u32 $0x4C1, v0;
	v41 =	vor.u32 $0x500, v0;
	p0 =	seq.s32 s10, $0x1F;
	s11 =	smul.u32 $0x300, s10;
	s7 =	sadd.s32 s8, s23  }
0x10: {  	v42 =	vor.u32 $0x501, v0;
	v43 =	vor.u32 $0x540, v0;
	[tilespmem:$0x1FF90] =	vst v2;
	v2 =	vor.u32 $0x40, v0;
	s13 =	ssub.s32 s13, s24;
	s24 =	simm.s32 $0x900;
	s23 =	simm.s32 $0x1100  }
0x11: {  	v44 =	vor.u32 $0x541, v0;
	v45 =	vor.u32 $0x580, v0;
	v46 =	vor.u32 $0x581, v0;
	[tilespmem:$0x1FFA0] =	vst v2;
	s14 =	sshrl.u32 s7, $0x3;
	s7 =	sadd.s32 s8, s2;
	s8 =	sadd.s32 s8, s4  }
0x12: {  	v47 =	vor.u32 $0x5C0, v0;
	v48 =	vor.u32 $0x5C1, v0;
	v49 =	vor.u32 $0x600, v0;
	s30 =	smax.u32 s13, $0x1;
	_ =	strace $0x80000047;
	s11 =	simm.s32 @p0 $0x5D28  }
0x13: {  	v50 =	vor.u32 $0x601, v0;
	v51 =	vor.u32 $0x640, v0;
	vm0 =	vmneg @p0 vm0;
	s26 =	sadd.s32 s9, s14;
	[dreg:$0xb] =	wrdreg s30;
	p0 =	sne.s32 s10, $0x1F  }
0x14: {  	v52 =	vor.u32 $0x641, v0;
	v53 =	vor.u32 $0x680, v0;
	v2 =	vor.u32 $0x41, v0;
	s9 =	simm.s32 $0xF80;
	s10 =	simm.s32 $0x1000;
	s12 =	sshrl.u32 s11, $0x1  }
0x15: {  	v54 =	vor.u32 $0x681, v0;
	v55 =	vor.u32 $0x6C0, v0;
	[tilespmem:$0x1FFB0] =	vst v2;
	v2 =	vor.u32 $0x80, v0;
	s11 =	sshrl.u32 s11, $0x3;
	[dreg:$0x9] =	wrdreg s26;
	s26 =	simm.s32 $0x980  }
0x16: {  	v56 =	vor.u32 $0x6C1, v0;
	v57 =	vor.u32 $0x700, v0;
	[tilespmem:$0x1FFC0] =	vst v2;
	v2 =	vor.u32 $0x81, v0;
	s12 =	sadd.s32 s12, s3;
	s3 =	sadd.s32 s14, s3;
	s0 =	sadd.s32 s0, s11  }
0x17: {  	v58 =	vor.u32 $0x701, v0;
	v59 =	vor.u32 $0x740, v0;
	[tilespmem:$0x1FFD0] =	vst v2;
	v2 =	vor.u32 $0xC0, v0;
	s14 =	simm.s32 $0x2000;
	[dreg:$0x7] =	wrdreg s0;
	s25 =	sadd.s32 $0x3200, s12  }
0x18: {  	v60 =	vor.u32 $0x741, v0;
	v61 =	vor.u32 $0x780, v0;
	s11 =	simm.s32 $0x1080;
	[tilespmem:$0x1FFE0] =	vst v2;
	v2 =	vor.u32 $0xC1, v0;
	s28 =	sadd.s32 $0x6400, s3;
	[dreg:$0x8] =	wrdreg s25  }
0x19: {  	v62 =	vor.u32 $0x781, v0;
	v63 =	vor.u32 $0x7C0, v0;
	vm0 =	vmand vm0, vm1;
	s12 =	simm.s32 $0x0;
	s3 =	simm.s32 $0x500;
	[tilespmem:$0x1FFF0] =	vst v2;
	[dreg:$0xa] =	wrdreg s28  }
.LBB2_1:
0x1a: {  	s25 =	simm.s32 $0x40;
	s13 =	simm.s32 $0x0  }
.LBB2_2:
0x1b: {  	p1 =	sne.s32 s25, $0x31C0;
	[tilespmem:s13+$0x2000] =	vst v1;
	s13 =	smov.u32 s25;
	s25 =	sadd.s32 $0x40, s25  }
.Ltmp0:
0x1c: {  	(pc) =	sbr.rel @p1 .LBB2_2-.Ltmp0, $2  }
0x1d: {  	_ =	sdelay $0x2  }
0x1e: {  	s13 =	sshra.s32 s13, $0x2  }
0x1f: {  	[tilespmem:s13+$0x2000] =	vst v1  }
0x20: {  	[spmem:s7] =	stream.linear.scatter [tilespmem:s14], [sflag:$0x2], $0xC80, $0x38;
	[tilespmem:$0x4580] =	vst v63  }
0x21: {  	_ =	swait.ge [sflag:s15], $0xC80  }
0x22: {  	[sflag:s15] =	ssyncset.done $0x0  }
0x23: {  	[sflag:s15] =	ssyncadd.s32 $0xFFFFF380  }
0x24: {  	[spmem:s8] =	stream.linear.scatter [tilespmem:s14], [sflag:$0x2], $0xC80, $0x38;
	[tilespmem:$0x4580] =	vst v63  }
0x25: {  	_ =	swait.ge [sflag:s15], $0xC80  }
0x26: {  	[sflag:s15] =	ssyncset.done $0x0  }
0x27: {  	s28 =	rddreg [dreg:$0x7];
	[sflag:s15] =	ssyncadd.s32 $0xFFFFF380  }
0x28: {  	[tilespmem:s5], [sflag:$0x2] =	stream.linear.gather [hbm4b:s28+s5], $0x380, $0x38;
	[tilespmem:$0x4580] =	vst v63  }
0x29: {  	_ =	swait.ge [sflag:s15], $0x380  }
0x2a: {  	[sflag:s15] =	ssyncset.done $0x0  }
0x2b: {  	s30 =	rddreg [dreg:$0x8];
	[sflag:s15] =	ssyncadd.s32 $0xFFFFFC80  }
0x2c: {  	[tilespmem:s16], [sflag:$0x2] =	stream.linear.gather [hbm4b:s30+s5], $0xE00, $0x38;
	[tilespmem:$0x4580] =	vst v63  }
0x2d: {  	_ =	swait.ge [sflag:s15], $0xE00  }
0x2e: {  	[sflag:s15] =	ssyncset.done $0x0  }
0x2f: {  	[sflag:s15] =	ssyncadd.s32 $0xFFFFF200  }
0x30: {  	v2 =	vld @!p0 [tilespmem:$0x370];
	_ =	sdelay $0x2  }
0x31: {  	v3 =	vlaneseq.u32 @!p0  }
0x32: {  	vm1 =	veq.s32 @!p0 v3, $0xF  }
0x33: {  	v2 =	vsel @!p0 vm1, $0x0, v2  }
0x34: {  	s13 =	simm.s32 $0x380;
	[tilespmem:$0x370] =	vst @!p0 v2  }
0x35: {  	[tilespmem:s13], [sflag:$0x1] =	stream.indirect.gather [hbm4b:s1+s17], $0x1, s5, s17, $0xb8;
	[tilespmem:$0x4580] =	vst v63  }
0x36: {  	s25 =	simm.s32 $0x400  }
0x37: {  	[tilespmem:s25], [sflag:$0x1] =	stream.indirect.gather [hbm4b:s1+s17], $0x1, s17, s17, $0xb8;
	[tilespmem:$0x4580] =	vst v63  }
0x38: {  	s28 =	simm.s32 $0x100;
	s30 =	simm.s32 $0x480  }
0x39: {  	[tilespmem:s30], [sflag:$0x1] =	stream.indirect.gather [hbm4b:s1+s17], $0x1, s28, s17, $0xb8;
	[tilespmem:$0x4580] =	vst v63  }
0x3a: {  	s0 =	simm.s32 $0x180  }
0x3b: {  	[tilespmem:s3], [sflag:$0x1] =	stream.indirect.gather [hbm4b:s1+s17], $0x1, s0, s17, $0xb8;
	[tilespmem:$0x4580] =	vst v63  }
0x3c: {  	s28 =	simm.s32 $0x200;
	s0 =	simm.s32 $0x580  }
0x3d: {  	[tilespmem:s0], [sflag:$0x1] =	stream.indirect.gather [hbm4b:s1+s17], $0x1, s28, s17, $0xb8;
	[tilespmem:$0x4580] =	vst v63  }
0x3e: {  	s28 =	simm.s32 $0x280  }
0x3f: {  	[tilespmem:s20], [sflag:$0x1] =	stream.indirect.gather [hbm4b:s1+s17], $0x1, s28, s17, $0xb8;
	[tilespmem:$0x4580] =	vst v63  }
0x40: {  	s28 =	simm.s32 $0x300  }
0x41: {  	[tilespmem:s22], [sflag:$0x1] =	stream.indirect.gather [hbm4b:s1+s17], $0x1, s28, s17, $0xb8;
	[tilespmem:$0x4580] =	vst v63  }
0x42: {  	_ =	swait.ge [sflag:s31], $0x80  }
0x43: {  	[sflag:s31] =	ssyncset.done $0x0  }
0x44: {  	[sflag:s31] =	ssyncadd.s32 $0xFFFFFF80  }
0x45: {  	_ =	swait.ge [sflag:s31], $0x80  }
0x46: {  	[sflag:s31] =	ssyncset.done $0x0  }
0x47: {  	[sflag:s31] =	ssyncadd.s32 $0xFFFFFF80  }
0x48: {  	_ =	swait.ge [sflag:s31], $0x80  }
0x49: {  	[sflag:s31] =	ssyncset.done $0x0  }
0x4a: {  	[sflag:s31] =	ssyncadd.s32 $0xFFFFFF80  }
0x4b: {  	_ =	swait.ge [sflag:s31], $0x80  }
0x4c: {  	[sflag:s31] =	ssyncset.done $0x0  }
0x4d: {  	[sflag:s31] =	ssyncadd.s32 $0xFFFFFF80  }
0x4e: {  	_ =	swait.ge [sflag:s31], $0x80  }
0x4f: {  	[sflag:s31] =	ssyncset.done $0x0  }
0x50: {  	[sflag:s31] =	ssyncadd.s32 $0xFFFFFF80  }
0x51: {  	_ =	swait.ge [sflag:s31], $0x80  }
0x52: {  	[sflag:s31] =	ssyncset.done $0x0  }
0x53: {  	[sflag:s31] =	ssyncadd.s32 $0xFFFFFF80  }
0x54: {  	_ =	swait.ge [sflag:s31], $0x80  }
0x55: {  	[sflag:s31] =	ssyncset.done $0x0  }
0x56: {  	s28 =	simm.s32 $0x700;
	[sflag:s31] =	ssyncadd.s32 $0xFFFFFF80  }
0x57: {  	[tilespmem:s28], [sflag:$0x1] =	stream.indirect.gather [hbm4b:s6+s17], $0x1, s13, s17, $0xb8;
	[tilespmem:$0x4580] =	vst v63  }
0x58: {  	s13 =	simm.s32 $0x780  }
0x59: {  	[tilespmem:s13], [sflag:$0x1] =	stream.indirect.gather [hbm4b:s6+s17], $0x1, s25, s17, $0xb8;
	[tilespmem:$0x4580] =	vst v63  }
0x5a: {  	s25 =	simm.s32 $0x800  }
0x5b: {  	[tilespmem:s25], [sflag:$0x1] =	stream.indirect.gather [hbm4b:s6+s17], $0x1, s30, s17, $0xb8;
	[tilespmem:$0x4580] =	vst v63  }
0x5c: {  	s30 =	simm.s32 $0x880  }
0x5d: {  	[tilespmem:s30], [sflag:$0x1] =	stream.indirect.gather [hbm4b:s6+s17], $0x1, s3, s17, $0xb8;
	[tilespmem:$0x4580] =	vst v63  }
0x5e: {  	_ = 	snop  }
0x5f: {  	[tilespmem:s24], [sflag:$0x1] =	stream.indirect.gather [hbm4b:s6+s17], $0x1, s0, s17, $0xb8;
	[tilespmem:$0x4580] =	vst v63  }
0x60: {  	_ = 	snop  }
0x61: {  	[tilespmem:s26], [sflag:$0x1] =	stream.indirect.gather [hbm4b:s6+s17], $0x1, s20, s17, $0xb8;
	[tilespmem:$0x4580] =	vst v63  }
0x62: {  	_ = 	snop  }
0x63: {  	[tilespmem:s29], [sflag:$0x1] =	stream.indirect.gather [hbm4b:s6+s17], $0x1, s22, s17, $0xb8;
	[tilespmem:$0x4580] =	vst v63  }
0x64: {  	_ =	swait.ge [sflag:s31], $0x80  }
0x65: {  	[sflag:s31] =	ssyncset.done $0x0  }
0x66: {  	[sflag:s31] =	ssyncadd.s32 $0xFFFFFF80  }
0x67: {  	_ =	swait.ge [sflag:s31], $0x80  }
0x68: {  	[sflag:s31] =	ssyncset.done $0x0  }
0x69: {  	[sflag:s31] =	ssyncadd.s32 $0xFFFFFF80  }
0x6a: {  	_ =	swait.ge [sflag:s31], $0x80  }
0x6b: {  	[sflag:s31] =	ssyncset.done $0x0  }
0x6c: {  	[sflag:s31] =	ssyncadd.s32 $0xFFFFFF80  }
0x6d: {  	_ =	swait.ge [sflag:s31], $0x80  }
0x6e: {  	[sflag:s31] =	ssyncset.done $0x0  }
0x6f: {  	[sflag:s31] =	ssyncadd.s32 $0xFFFFFF80  }
0x70: {  	_ =	swait.ge [sflag:s31], $0x80  }
0x71: {  	[sflag:s31] =	ssyncset.done $0x0  }
0x72: {  	[sflag:s31] =	ssyncadd.s32 $0xFFFFFF80  }
0x73: {  	_ =	swait.ge [sflag:s31], $0x80  }
0x74: {  	[sflag:s31] =	ssyncset.done $0x0  }
0x75: {  	[sflag:s31] =	ssyncadd.s32 $0xFFFFFF80  }
0x76: {  	_ =	swait.ge [sflag:s31], $0x80  }
0x77: {  	[sflag:s31] =	ssyncset.done $0x0  }
0x78: {  	[sflag:s31] =	ssyncadd.s32 $0xFFFFFF80  }
0x79: {  	v2 =	vld [tilespmem:$0x380];
	_ =	sdelay $0x4  }
0x7a: {  	v3 =	vcvt.s32.f32 v2;
	_ =	sdelay $0x1  }
0x7b: {  	v3 =	vmul.f32 $1.041666720e-03, v3;
	_ =	sdelay $0x1  }
0x7c: {  	v3 =	vtrunc.f32 v3  }
0x7d: {  	v3 =	vcvt.f32.s32 v3  }
0x7e: {  	v4 =	vld [tilespmem:$0x390]  }
0x7f: {  	v3 =	vmul.u32 $0xFFFFFC40, v3;
	_ =	sdelay $0x1  }
0x80: {  	v2 =	vadd.s32 v2, v3  }
0x81: {  	vm1 =	vlt.s32 v2, $0x0;
	v3 =	vadd.s32 $0x3C0, v2  }
0x82: {  	v5 =	vcvt.s32.f32 v4;
	v2 =	vsel vm1, v3, v2  }
0x83: {  	vm1 =	vgt.s32 v2, $0x3BF;
	v3 =	vadd.s32 $0xFFFFFC40, v2  }
0x84: {  	v2 =	vsel vm1, v3, v2;
	v3 =	vmul.f32 $1.041666720e-03, v5;
	_ =	sdelay $0x1  }
0x85: {  	v3 =	vtrunc.f32 v3  }
0x86: {  	v3 =	vcvt.f32.s32 v3;
	_ =	sdelay $0x1  }
0x87: {  	v3 =	vmul.u32 $0xFFFFFC40, v3;
	_ =	sdelay $0x1  }
0x88: {  	v2 =	vcvt.s32.f32 v2;
	v3 =	vadd.s32 v4, v3;
	v4 =	vld [tilespmem:$0x1FF90];
	_ =	sdelay $0x1  }
0x89: {  	v2 =	vadd.f32 $1.000000000e+00, v2;
	_ =	sdelay $0x1  }
0x8a: {  	[tilespmem:$0xA80] =	vst v2;
	v2 =	vld [tilespmem:$0x3A0]  }
0x8b: {  	v5 =	vld.idx.msk [tilespmem:v0+s16+$0x0], $0xffff;
	_ =	sdelay $0x2  }
0x8c: {  	vm1 =	vlt.s32 v3, $0x0;
	v6 =	vadd.s32 $0x3C0, v3;
	v4 =	vld.idx.msk [tilespmem:v4+s16+$0x0], $0xffff  }
0x8d: {  	v3 =	vsel vm1, v6, v3;
	v6 =	vcvt.s32.f32 v2  }
0x8e: {  	vm1 =	vgt.s32 v3, $0x3BF;
	v8 =	vadd.s32 $0xFFFFFC40, v3;
	v7 =	vmul.u32 $0xC8, v5  }
0x8f: {  	v5 =	vshrl.u32 v5, $0x3;
	v3 =	vsel vm1, v8, v3;
	v6 =	vmul.f32 $1.041666720e-03, v6  }
0x90: {  	v5 =	vmul.u32 $0x1C0, v5;
	v3 =	vcvt.s32.f32 v3  }
0x91: {  	v6 =	vtrunc.f32 v6;
	v4 =	vadd.s32 v4, v7  }
0x92: {  	v3 =	vadd.f32 $1.000000000e+00, v3;
	v4 =	vadd.s32 v5, v4;
	v5 =	vcvt.f32.s32 v6;
	_ =	sdelay $0x1  }
0x93: {  	[tilespmem:$0xA90] =	vst v3;
	v3 =	vmul.u32 $0xFFFFFC40, v5;
	v5 =	vld [tilespmem:$0x1FFA0];
	_ =	sdelay $0x1  }
0x94: {  	v2 =	vadd.s32 v2, v3;
	v3 =	vld [tilespmem:$0x1FFB0];
	_ =	sdelay $0x4  }
0x95: {  	[tilespmem:$0xE00] =	vst v4;
	v4 =	vld [tilespmem:$0x3B0]  }
0x96: {  	v5 =	vld.idx.msk [tilespmem:v5+s16+$0x0], $0xffff;
	_ =	sdelay $0x1  }
0x97: {  	vm1 =	vlt.s32 v2, $0x0;
	v6 =	vadd.s32 $0x3C0, v2;
	v3 =	vld.idx.msk [tilespmem:v3+s16+$0x0], $0xffff  }
0x98: {  	v2 =	vsel vm1, v6, v2  }
0x99: {  	v7 =	vcvt.s32.f32 v4;
	vm1 =	vgt.s32 v2, $0x3BF  }
0x9a: {  	v6 =	vadd.s32 $0xFFFFFC40, v2;
	v8 =	vmul.u32 $0xC8, v5;
	v5 =	vshrl.u32 v5, $0x3  }
0x9b: {  	v2 =	vsel vm1, v6, v2;
	v6 =	vmul.f32 $1.041666720e-03, v7;
	v5 =	vmul.u32 $0x1C0, v5  }
0x9c: {  	v3 =	vadd.s32 v3, v8  }
0x9d: {  	v3 =	vadd.s32 v5, v3;
	v5 =	vtrunc.f32 v6  }
0x9e: {  	[tilespmem:$0xE10] =	vst v3;
	v3 =	vcvt.f32.s32 v5;
	_ =	sdelay $0x1  }
0x9f: {  	v5 =	vld [tilespmem:$0x1FFC0];
	v3 =	vmul.u32 $0xFFFFFC40, v3;
	_ =	sdelay $0x1  }
0xa0: {  	v2 =	vcvt.s32.f32 v2;
	v3 =	vadd.s32 v4, v3;
	v4 =	vld [tilespmem:$0x1FFD0];
	_ =	sdelay $0x1  }
0xa1: {  	v2 =	vadd.f32 $1.000000000e+00, v2;
	_ =	sdelay $0x1  }
0xa2: {  	[tilespmem:$0xAA0] =	vst v2;
	v2 =	vld [tilespmem:$0x3C0];
	_ =	sdelay $0x1  }
0xa3: {  	v5 =	vld.idx.msk [tilespmem:v5+s16+$0x0], $0xffff  }
0xa4: {  	vm1 =	vlt.s32 v3, $0x0;
	v6 =	vadd.s32 $0x3C0, v3  }
0xa5: {  	v3 =	vsel vm1, v6, v3;
	v4 =	vld.idx.msk [tilespmem:v4+s16+$0x0], $0xffff  }
0xa6: {  	v6 =	vcvt.s32.f32 v2;
	vm1 =	vgt.s32 v3, $0x3BF;
	v8 =	vadd.s32 $0xFFFFFC40, v3  }
0xa7: {  	v3 =	vsel vm1, v8, v3  }
0xa8: {  	v6 =	vmul.f32 $1.041666720e-03, v6;
	v7 =	vmul.u32 $0xC8, v5;
	v5 =	vshrl.u32 v5, $0x3  }
0xa9: {  	v3 =	vcvt.s32.f32 v3;
	v5 =	vmul.u32 $0x1C0, v5  }
0xaa: {  	v6 =	vtrunc.f32 v6;
	v4 =	vadd.s32 v4, v7  }
0xab: {  	v3 =	vadd.f32 $1.000000000e+00, v3;
	v4 =	vadd.s32 v5, v4;
	v5 =	vcvt.f32.s32 v6;
	_ =	sdelay $0x1  }
0xac: {  	[tilespmem:$0xAB0] =	vst v3;
	v3 =	vmul.u32 $0xFFFFFC40, v5;
	v5 =	vld [tilespmem:$0x1FFE0];
	_ =	sdelay $0x1  }
0xad: {  	v2 =	vadd.s32 v2, v3;
	v3 =	vld [tilespmem:$0x1FFF0];
	_ =	sdelay $0x4  }
0xae: {  	[tilespmem:$0xE20] =	vst v4;
	v4 =	vld [tilespmem:$0x3D0]  }
0xaf: {  	v5 =	vld.idx.msk [tilespmem:v5+s16+$0x0], $0xffff;
	_ =	sdelay $0x1  }
0xb0: {  	vm1 =	vlt.s32 v2, $0x0;
	v6 =	vadd.s32 $0x3C0, v2;
	v3 =	vld.idx.msk [tilespmem:v3+s16+$0x0], $0xffff  }
0xb1: {  	v2 =	vsel vm1, v6, v2  }
0xb2: {  	v7 =	vcvt.s32.f32 v4;
	vm1 =	vgt.s32 v2, $0x3BF;
	v6 =	vadd.s32 $0xFFFFFC40, v2  }
0xb3: {  	v2 =	vsel vm1, v6, v2;
	v8 =	vmul.u32 $0xC8, v5;
	v5 =	vshrl.u32 v5, $0x3  }
0xb4: {  	v6 =	vmul.f32 $1.041666720e-03, v7;
	v2 =	vcvt.s32.f32 v2;
	v5 =	vmul.u32 $0x1C0, v5  }
0xb5: {  	v3 =	vadd.s32 v3, v8  }
0xb6: {  	v2 =	vadd.f32 $1.000000000e+00, v2;
	v3 =	vadd.s32 v5, v3;
	v5 =	vtrunc.f32 v6  }
0xb7: {  	[tilespmem:$0xE30] =	vst v3;
	v3 =	vcvt.f32.s32 v5  }
0xb8: {  	[tilespmem:$0xAC0] =	vst v2;
	v2 =	vld [tilespmem:$0x3E0]  }
0xb9: {  	v5 =	vld.idx.msk [tilespmem:v9+s16+$0x0], $0xffff;
	v3 =	vmul.u32 $0xFFFFFC40, v3;
	_ =	sdelay $0x1  }
0xba: {  	v3 =	vadd.s32 v4, v3  }
0xbb: {  	v4 =	vld.idx.msk [tilespmem:v10+s16+$0x0], $0xffff;
	vm1 =	vlt.s32 v3, $0x0;
	v6 =	vadd.s32 $0x3C0, v3  }
0xbc: {  	v3 =	vsel vm1, v6, v3;
	v6 =	vcvt.s32.f32 v2  }
0xbd: {  	v7 =	vmul.u32 $0xC8, v5;
	vm1 =	vgt.s32 v3, $0x3BF;
	v8 =	vadd.s32 $0xFFFFFC40, v3  }
0xbe: {  	v5 =	vshrl.u32 v5, $0x3;
	v3 =	vsel vm1, v8, v3;
	v6 =	vmul.f32 $1.041666720e-03, v6  }
0xbf: {  	v5 =	vmul.u32 $0x1C0, v5;
	v3 =	vcvt.s32.f32 v3  }
0xc0: {  	v4 =	vadd.s32 v4, v7;
	v6 =	vtrunc.f32 v6  }
0xc1: {  	v4 =	vadd.s32 v5, v4;
	v3 =	vadd.f32 $1.000000000e+00, v3;
	v5 =	vcvt.f32.s32 v6  }
0xc2: {  	[tilespmem:$0xE40] =	vst v4  }
0xc3: {  	v4 =	vld [tilespmem:$0x3F0];
	[tilespmem:$0xAD0] =	vst v3;
	v3 =	vmul.u32 $0xFFFFFC40, v5  }
0xc4: {  	v5 =	vld.idx.msk [tilespmem:v11+s16+$0x0], $0xffff  }
0xc5: {  	v2 =	vadd.s32 v2, v3  }
0xc6: {  	v3 =	vld.idx.msk [tilespmem:v12+s16+$0x0], $0xffff;
	vm1 =	vlt.s32 v2, $0x0;
	v6 =	vadd.s32 $0x3C0, v2  }
0xc7: {  	v2 =	vsel vm1, v6, v2  }
0xc8: {  	v7 =	vcvt.s32.f32 v4;
	vm1 =	vgt.s32 v2, $0x3BF;
	v6 =	vadd.s32 $0xFFFFFC40, v2  }
0xc9: {  	v8 =	vmul.u32 $0xC8, v5;
	v5 =	vshrl.u32 v5, $0x3;
	v2 =	vsel vm1, v6, v2  }
0xca: {  	v6 =	vmul.f32 $1.041666720e-03, v7;
	v5 =	vmul.u32 $0x1C0, v5;
	v2 =	vcvt.s32.f32 v2  }
0xcb: {  	v3 =	vadd.s32 v3, v8  }
0xcc: {  	v3 =	vadd.s32 v5, v3;
	v2 =	vadd.f32 $1.000000000e+00, v2;
	v5 =	vtrunc.f32 v6  }
0xcd: {  	[tilespmem:$0xE50] =	vst v3;
	v3 =	vcvt.f32.s32 v5  }
0xce: {  	[tilespmem:$0xAE0] =	vst v2;
	v2 =	vld [tilespmem:$0x400]  }
0xcf: {  	v5 =	vld.idx.msk [tilespmem:v13+s16+$0x0], $0xffff;
	v3 =	vmul.u32 $0xFFFFFC40, v3;
	_ =	sdelay $0x1  }
0xd0: {  	v3 =	vadd.s32 v4, v3  }
0xd1: {  	v4 =	vld.idx.msk [tilespmem:v14+s16+$0x0], $0xffff;
	vm1 =	vlt.s32 v3, $0x0;
	v6 =	vadd.s32 $0x3C0, v3  }
0xd2: {  	v3 =	vsel vm1, v6, v3;
	v6 =	vcvt.s32.f32 v2  }
0xd3: {  	v7 =	vmul.u32 $0xC8, v5;
	vm1 =	vgt.s32 v3, $0x3BF;
	v8 =	vadd.s32 $0xFFFFFC40, v3  }
0xd4: {  	v5 =	vshrl.u32 v5, $0x3;
	v3 =	vsel vm1, v8, v3;
	v6 =	vmul.f32 $1.041666720e-03, v6  }
0xd5: {  	v5 =	vmul.u32 $0x1C0, v5;
	v3 =	vcvt.s32.f32 v3  }
0xd6: {  	v4 =	vadd.s32 v4, v7;
	v6 =	vtrunc.f32 v6  }
0xd7: {  	v4 =	vadd.s32 v5, v4;
	v3 =	vadd.f32 $1.000000000e+00, v3;
	v5 =	vcvt.f32.s32 v6  }
0xd8: {  	[tilespmem:$0xE60] =	vst v4  }
0xd9: {  	v4 =	vld [tilespmem:$0x410];
	[tilespmem:$0xAF0] =	vst v3;
	v3 =	vmul.u32 $0xFFFFFC40, v5  }
0xda: {  	v5 =	vld.idx.msk [tilespmem:v15+s16+$0x0], $0xffff  }
0xdb: {  	v2 =	vadd.s32 v2, v3  }
0xdc: {  	v3 =	vld.idx.msk [tilespmem:v16+s16+$0x0], $0xffff;
	vm1 =	vlt.s32 v2, $0x0;
	v6 =	vadd.s32 $0x3C0, v2  }
0xdd: {  	v2 =	vsel vm1, v6, v2  }
0xde: {  	v7 =	vcvt.s32.f32 v4;
	vm1 =	vgt.s32 v2, $0x3BF;
	v6 =	vadd.s32 $0xFFFFFC40, v2  }
0xdf: {  	v8 =	vmul.u32 $0xC8, v5;
	v5 =	vshrl.u32 v5, $0x3;
	v2 =	vsel vm1, v6, v2  }
0xe0: {  	v6 =	vmul.f32 $1.041666720e-03, v7;
	v5 =	vmul.u32 $0x1C0, v5;
	v2 =	vcvt.s32.f32 v2  }
0xe1: {  	v3 =	vadd.s32 v3, v8  }
0xe2: {  	v3 =	vadd.s32 v5, v3;
	v2 =	vadd.f32 $1.000000000e+00, v2;
	v5 =	vtrunc.f32 v6  }
0xe3: {  	[tilespmem:$0xE70] =	vst v3;
	v3 =	vcvt.f32.s32 v5  }
0xe4: {  	[tilespmem:$0xB00] =	vst v2;
	v2 =	vld [tilespmem:$0x420]  }
0xe5: {  	v5 =	vld.idx.msk [tilespmem:v17+s16+$0x0], $0xffff;
	v3 =	vmul.u32 $0xFFFFFC40, v3;
	_ =	sdelay $0x1  }
0xe6: {  	v3 =	vadd.s32 v4, v3  }
0xe7: {  	v4 =	vld.idx.msk [tilespmem:v18+s16+$0x0], $0xffff;
	vm1 =	vlt.s32 v3, $0x0;
	v6 =	vadd.s32 $0x3C0, v3  }
0xe8: {  	v3 =	vsel vm1, v6, v3;
	v6 =	vcvt.s32.f32 v2  }
0xe9: {  	v7 =	vmul.u32 $0xC8, v5;
	vm1 =	vgt.s32 v3, $0x3BF;
	v8 =	vadd.s32 $0xFFFFFC40, v3  }
0xea: {  	v5 =	vshrl.u32 v5, $0x3;
	v3 =	vsel vm1, v8, v3;
	v6 =	vmul.f32 $1.041666720e-03, v6  }
0xeb: {  	v5 =	vmul.u32 $0x1C0, v5;
	v3 =	vcvt.s32.f32 v3  }
0xec: {  	v4 =	vadd.s32 v4, v7;
	v6 =	vtrunc.f32 v6  }
0xed: {  	v4 =	vadd.s32 v5, v4;
	v3 =	vadd.f32 $1.000000000e+00, v3;
	v5 =	vcvt.f32.s32 v6  }
0xee: {  	[tilespmem:$0xE80] =	vst v4  }
0xef: {  	v4 =	vld [tilespmem:$0x430];
	[tilespmem:$0xB10] =	vst v3;
	v3 =	vmul.u32 $0xFFFFFC40, v5  }
0xf0: {  	v5 =	vld.idx.msk [tilespmem:v19+s16+$0x0], $0xffff  }
0xf1: {  	v2 =	vadd.s32 v2, v3  }
0xf2: {  	v3 =	vld.idx.msk [tilespmem:v20+s16+$0x0], $0xffff;
	vm1 =	vlt.s32 v2, $0x0;
	v6 =	vadd.s32 $0x3C0, v2  }
0xf3: {  	v2 =	vsel vm1, v6, v2  }
0xf4: {  	v7 =	vcvt.s32.f32 v4;
	vm1 =	vgt.s32 v2, $0x3BF;
	v6 =	vadd.s32 $0xFFFFFC40, v2  }
0xf5: {  	v8 =	vmul.u32 $0xC8, v5;
	v5 =	vshrl.u32 v5, $0x3;
	v2 =	vsel vm1, v6, v2  }
0xf6: {  	v6 =	vmul.f32 $1.041666720e-03, v7;
	v5 =	vmul.u32 $0x1C0, v5;
	v2 =	vcvt.s32.f32 v2  }
0xf7: {  	v3 =	vadd.s32 v3, v8  }
0xf8: {  	v3 =	vadd.s32 v5, v3;
	v2 =	vadd.f32 $1.000000000e+00, v2;
	v5 =	vtrunc.f32 v6  }
0xf9: {  	[tilespmem:$0xE90] =	vst v3;
	v3 =	vcvt.f32.s32 v5  }
0xfa: {  	[tilespmem:$0xB20] =	vst v2;
	v2 =	vld [tilespmem:$0x440]  }
0xfb: {  	v5 =	vld.idx.msk [tilespmem:v21+s16+$0x0], $0xffff;
	v3 =	vmul.u32 $0xFFFFFC40, v3;
	_ =	sdelay $0x1  }
0xfc: {  	v3 =	vadd.s32 v4, v3  }
0xfd: {  	v4 =	vld.idx.msk [tilespmem:v22+s16+$0x0], $0xffff;
	vm1 =	vlt.s32 v3, $0x0;
	v6 =	vadd.s32 $0x3C0, v3  }
0xfe: {  	v3 =	vsel vm1, v6, v3;
	v6 =	vcvt.s32.f32 v2  }
0xff: {  	v7 =	vmul.u32 $0xC8, v5;
	vm1 =	vgt.s32 v3, $0x3BF;
	v8 =	vadd.s32 $0xFFFFFC40, v3  }
0x100: {  	v5 =	vshrl.u32 v5, $0x3;
	v3 =	vsel vm1, v8, v3;
	v6 =	vmul.f32 $1.041666720e-03, v6  }
0x101: {  	v5 =	vmul.u32 $0x1C0, v5;
	v3 =	vcvt.s32.f32 v3  }
0x102: {  	v4 =	vadd.s32 v4, v7;
	v6 =	vtrunc.f32 v6  }
0x103: {  	v4 =	vadd.s32 v5, v4;
	v3 =	vadd.f32 $1.000000000e+00, v3;
	v5 =	vcvt.f32.s32 v6  }
0x104: {  	[tilespmem:$0xEA0] =	vst v4  }
0x105: {  	v4 =	vld [tilespmem:$0x450];
	[tilespmem:$0xB30] =	vst v3;
	v3 =	vmul.u32 $0xFFFFFC40, v5  }
0x106: {  	v5 =	vld.idx.msk [tilespmem:v23+s16+$0x0], $0xffff  }
0x107: {  	v2 =	vadd.s32 v2, v3  }
0x108: {  	v3 =	vld.idx.msk [tilespmem:v24+s16+$0x0], $0xffff;
	vm1 =	vlt.s32 v2, $0x0;
	v6 =	vadd.s32 $0x3C0, v2  }
0x109: {  	v2 =	vsel vm1, v6, v2  }
0x10a: {  	v7 =	vcvt.s32.f32 v4;
	vm1 =	vgt.s32 v2, $0x3BF;
	v6 =	vadd.s32 $0xFFFFFC40, v2  }
0x10b: {  	v8 =	vmul.u32 $0xC8, v5;
	v5 =	vshrl.u32 v5, $0x3;
	v2 =	vsel vm1, v6, v2  }
0x10c: {  	v6 =	vmul.f32 $1.041666720e-03, v7;
	v5 =	vmul.u32 $0x1C0, v5;
	v2 =	vcvt.s32.f32 v2  }
0x10d: {  	v3 =	vadd.s32 v3, v8  }
0x10e: {  	v3 =	vadd.s32 v5, v3;
	v2 =	vadd.f32 $1.000000000e+00, v2;
	v5 =	vtrunc.f32 v6  }
0x10f: {  	[tilespmem:$0xEB0] =	vst v3;
	v3 =	vcvt.f32.s32 v5  }
0x110: {  	[tilespmem:$0xB40] =	vst v2;
	v2 =	vld [tilespmem:$0x460]  }
0x111: {  	v5 =	vld.idx.msk [tilespmem:v25+s16+$0x0], $0xffff;
	v3 =	vmul.u32 $0xFFFFFC40, v3;
	_ =	sdelay $0x1  }
0x112: {  	v3 =	vadd.s32 v4, v3  }
0x113: {  	v4 =	vld.idx.msk [tilespmem:v26+s16+$0x0], $0xffff;
	vm1 =	vlt.s32 v3, $0x0;
	v6 =	vadd.s32 $0x3C0, v3  }
0x114: {  	v3 =	vsel vm1, v6, v3;
	v6 =	vcvt.s32.f32 v2  }
0x115: {  	v7 =	vmul.u32 $0xC8, v5;
	vm1 =	vgt.s32 v3, $0x3BF;
	v8 =	vadd.s32 $0xFFFFFC40, v3  }
0x116: {  	v5 =	vshrl.u32 v5, $0x3;
	v3 =	vsel vm1, v8, v3;
	v6 =	vmul.f32 $1.041666720e-03, v6  }
0x117: {  	v5 =	vmul.u32 $0x1C0, v5;
	v3 =	vcvt.s32.f32 v3  }
0x118: {  	v4 =	vadd.s32 v4, v7;
	v6 =	vtrunc.f32 v6  }
0x119: {  	v4 =	vadd.s32 v5, v4;
	v3 =	vadd.f32 $1.000000000e+00, v3;
	v5 =	vcvt.f32.s32 v6  }
0x11a: {  	[tilespmem:$0xEC0] =	vst v4  }
0x11b: {  	v4 =	vld [tilespmem:$0x470];
	[tilespmem:$0xB50] =	vst v3;
	v3 =	vmul.u32 $0xFFFFFC40, v5  }
0x11c: {  	v5 =	vld.idx.msk [tilespmem:v27+s16+$0x0], $0xffff  }
0x11d: {  	v2 =	vadd.s32 v2, v3  }
0x11e: {  	v3 =	vld.idx.msk [tilespmem:v28+s16+$0x0], $0xffff;
	vm1 =	vlt.s32 v2, $0x0;
	v6 =	vadd.s32 $0x3C0, v2  }
0x11f: {  	v2 =	vsel vm1, v6, v2  }
0x120: {  	v7 =	vcvt.s32.f32 v4;
	vm1 =	vgt.s32 v2, $0x3BF;
	v6 =	vadd.s32 $0xFFFFFC40, v2  }
0x121: {  	v8 =	vmul.u32 $0xC8, v5;
	v5 =	vshrl.u32 v5, $0x3;
	v2 =	vsel vm1, v6, v2  }
0x122: {  	v6 =	vmul.f32 $1.041666720e-03, v7;
	v5 =	vmul.u32 $0x1C0, v5;
	v2 =	vcvt.s32.f32 v2  }
0x123: {  	v3 =	vadd.s32 v3, v8  }
0x124: {  	v3 =	vadd.s32 v5, v3;
	v2 =	vadd.f32 $1.000000000e+00, v2;
	v5 =	vtrunc.f32 v6  }
0x125: {  	[tilespmem:$0xED0] =	vst v3;
	v3 =	vcvt.f32.s32 v5  }
0x126: {  	[tilespmem:$0xB60] =	vst v2;
	v2 =	vld [tilespmem:$0x480]  }
0x127: {  	v5 =	vld.idx.msk [tilespmem:v29+s16+$0x0], $0xffff;
	v3 =	vmul.u32 $0xFFFFFC40, v3;
	_ =	sdelay $0x1  }
0x128: {  	v3 =	vadd.s32 v4, v3  }
0x129: {  	v4 =	vld.idx.msk [tilespmem:v30+s16+$0x0], $0xffff;
	vm1 =	vlt.s32 v3, $0x0;
	v6 =	vadd.s32 $0x3C0, v3  }
0x12a: {  	v3 =	vsel vm1, v6, v3;
	v6 =	vcvt.s32.f32 v2  }
0x12b: {  	v7 =	vmul.u32 $0xC8, v5;
	vm1 =	vgt.s32 v3, $0x3BF;
	v8 =	vadd.s32 $0xFFFFFC40, v3  }
0x12c: {  	v5 =	vshrl.u32 v5, $0x3;
	v3 =	vsel vm1, v8, v3;
	v6 =	vmul.f32 $1.041666720e-03, v6  }
0x12d: {  	v5 =	vmul.u32 $0x1C0, v5;
	v3 =	vcvt.s32.f32 v3  }
0x12e: {  	v4 =	vadd.s32 v4, v7;
	v6 =	vtrunc.f32 v6  }
0x12f: {  	v4 =	vadd.s32 v5, v4;
	v3 =	vadd.f32 $1.000000000e+00, v3;
	v5 =	vcvt.f32.s32 v6  }
0x130: {  	[tilespmem:$0xEE0] =	vst v4  }
0x131: {  	v4 =	vld [tilespmem:$0x490];
	[tilespmem:$0xB70] =	vst v3;
	v3 =	vmul.u32 $0xFFFFFC40, v5  }
0x132: {  	v5 =	vld.idx.msk [tilespmem:v31+s16+$0x0], $0xffff  }
0x133: {  	v2 =	vadd.s32 v2, v3  }
0x134: {  	v3 =	vld.idx.msk [tilespmem:v32+s16+$0x0], $0xffff;
	vm1 =	vlt.s32 v2, $0x0;
	v6 =	vadd.s32 $0x3C0, v2  }
0x135: {  	v2 =	vsel vm1, v6, v2  }
0x136: {  	v7 =	vcvt.s32.f32 v4;
	vm1 =	vgt.s32 v2, $0x3BF;
	v6 =	vadd.s32 $0xFFFFFC40, v2  }
0x137: {  	v8 =	vmul.u32 $0xC8, v5;
	v5 =	vshrl.u32 v5, $0x3;
	v2 =	vsel vm1, v6, v2  }
0x138: {  	v6 =	vmul.f32 $1.041666720e-03, v7;
	v5 =	vmul.u32 $0x1C0, v5;
	v2 =	vcvt.s32.f32 v2  }
0x139: {  	v3 =	vadd.s32 v3, v8  }
0x13a: {  	v3 =	vadd.s32 v5, v3;
	v2 =	vadd.f32 $1.000000000e+00, v2;
	v5 =	vtrunc.f32 v6  }
0x13b: {  	[tilespmem:$0xEF0] =	vst v3;
	v3 =	vcvt.f32.s32 v5  }
0x13c: {  	[tilespmem:$0xB80] =	vst v2;
	v2 =	vld [tilespmem:$0x4A0]  }
0x13d: {  	v5 =	vld.idx.msk [tilespmem:v33+s16+$0x0], $0xffff;
	v3 =	vmul.u32 $0xFFFFFC40, v3;
	_ =	sdelay $0x1  }
0x13e: {  	v3 =	vadd.s32 v4, v3  }
0x13f: {  	v4 =	vld.idx.msk [tilespmem:v34+s16+$0x0], $0xffff;
	vm1 =	vlt.s32 v3, $0x0;
	v6 =	vadd.s32 $0x3C0, v3  }
0x140: {  	v3 =	vsel vm1, v6, v3;
	v6 =	vcvt.s32.f32 v2  }
0x141: {  	v7 =	vmul.u32 $0xC8, v5;
	vm1 =	vgt.s32 v3, $0x3BF;
	v8 =	vadd.s32 $0xFFFFFC40, v3  }
0x142: {  	v5 =	vshrl.u32 v5, $0x3;
	v3 =	vsel vm1, v8, v3;
	v6 =	vmul.f32 $1.041666720e-03, v6  }
0x143: {  	v5 =	vmul.u32 $0x1C0, v5;
	v3 =	vcvt.s32.f32 v3  }
0x144: {  	v4 =	vadd.s32 v4, v7;
	v6 =	vtrunc.f32 v6  }
0x145: {  	v4 =	vadd.s32 v5, v4;
	v3 =	vadd.f32 $1.000000000e+00, v3;
	v5 =	vcvt.f32.s32 v6  }
0x146: {  	[tilespmem:$0xF00] =	vst v4  }
0x147: {  	v4 =	vld [tilespmem:$0x4B0];
	[tilespmem:$0xB90] =	vst v3;
	v3 =	vmul.u32 $0xFFFFFC40, v5  }
0x148: {  	v5 =	vld.idx.msk [tilespmem:v35+s16+$0x0], $0xffff  }
0x149: {  	v2 =	vadd.s32 v2, v3  }
0x14a: {  	v3 =	vld.idx.msk [tilespmem:v36+s16+$0x0], $0xffff;
	vm1 =	vlt.s32 v2, $0x0;
	v6 =	vadd.s32 $0x3C0, v2  }
0x14b: {  	v2 =	vsel vm1, v6, v2  }
0x14c: {  	v7 =	vcvt.s32.f32 v4;
	vm1 =	vgt.s32 v2, $0x3BF;
	v6 =	vadd.s32 $0xFFFFFC40, v2  }
0x14d: {  	v8 =	vmul.u32 $0xC8, v5;
	v5 =	vshrl.u32 v5, $0x3;
	v2 =	vsel vm1, v6, v2  }
0x14e: {  	v6 =	vmul.f32 $1.041666720e-03, v7;
	v5 =	vmul.u32 $0x1C0, v5;
	v2 =	vcvt.s32.f32 v2  }
0x14f: {  	v3 =	vadd.s32 v3, v8  }
0x150: {  	v3 =	vadd.s32 v5, v3;
	v2 =	vadd.f32 $1.000000000e+00, v2;
	v5 =	vtrunc.f32 v6  }
0x151: {  	[tilespmem:$0xF10] =	vst v3;
	v3 =	vcvt.f32.s32 v5  }
0x152: {  	[tilespmem:$0xBA0] =	vst v2;
	v2 =	vld [tilespmem:$0x4C0]  }
0x153: {  	v5 =	vld.idx.msk [tilespmem:v37+s16+$0x0], $0xffff;
	v3 =	vmul.u32 $0xFFFFFC40, v3;
	_ =	sdelay $0x1  }
0x154: {  	v3 =	vadd.s32 v4, v3  }
0x155: {  	v4 =	vld.idx.msk [tilespmem:v38+s16+$0x0], $0xffff;
	vm1 =	vlt.s32 v3, $0x0;
	v6 =	vadd.s32 $0x3C0, v3  }
0x156: {  	v3 =	vsel vm1, v6, v3;
	v6 =	vcvt.s32.f32 v2  }
0x157: {  	v7 =	vmul.u32 $0xC8, v5;
	vm1 =	vgt.s32 v3, $0x3BF;
	v8 =	vadd.s32 $0xFFFFFC40, v3  }
0x158: {  	v5 =	vshrl.u32 v5, $0x3;
	v3 =	vsel vm1, v8, v3;
	v6 =	vmul.f32 $1.041666720e-03, v6  }
0x159: {  	v5 =	vmul.u32 $0x1C0, v5;
	v3 =	vcvt.s32.f32 v3  }
0x15a: {  	v4 =	vadd.s32 v4, v7;
	v6 =	vtrunc.f32 v6  }
0x15b: {  	v4 =	vadd.s32 v5, v4;
	v3 =	vadd.f32 $1.000000000e+00, v3;
	v5 =	vcvt.f32.s32 v6  }
0x15c: {  	[tilespmem:$0xF20] =	vst v4  }
0x15d: {  	v4 =	vld [tilespmem:$0x4D0];
	[tilespmem:$0xBB0] =	vst v3;
	v3 =	vmul.u32 $0xFFFFFC40, v5  }
0x15e: {  	v5 =	vld.idx.msk [tilespmem:v39+s16+$0x0], $0xffff  }
0x15f: {  	v2 =	vadd.s32 v2, v3  }
0x160: {  	v3 =	vld.idx.msk [tilespmem:v40+s16+$0x0], $0xffff;
	vm1 =	vlt.s32 v2, $0x0;
	v6 =	vadd.s32 $0x3C0, v2  }
0x161: {  	v2 =	vsel vm1, v6, v2  }
0x162: {  	v7 =	vcvt.s32.f32 v4;
	vm1 =	vgt.s32 v2, $0x3BF;
	v6 =	vadd.s32 $0xFFFFFC40, v2  }
0x163: {  	v8 =	vmul.u32 $0xC8, v5;
	v5 =	vshrl.u32 v5, $0x3;
	v2 =	vsel vm1, v6, v2  }
0x164: {  	v6 =	vmul.f32 $1.041666720e-03, v7;
	v5 =	vmul.u32 $0x1C0, v5;
	v2 =	vcvt.s32.f32 v2  }
0x165: {  	v3 =	vadd.s32 v3, v8  }
0x166: {  	v3 =	vadd.s32 v5, v3;
	v2 =	vadd.f32 $1.000000000e+00, v2;
	v5 =	vtrunc.f32 v6  }
0x167: {  	[tilespmem:$0xF30] =	vst v3;
	v3 =	vcvt.f32.s32 v5  }
0x168: {  	[tilespmem:$0xBC0] =	vst v2;
	v2 =	vld [tilespmem:$0x4E0]  }
0x169: {  	v5 =	vld.idx.msk [tilespmem:v41+s16+$0x0], $0xffff;
	v3 =	vmul.u32 $0xFFFFFC40, v3;
	_ =	sdelay $0x1  }
0x16a: {  	v3 =	vadd.s32 v4, v3  }
0x16b: {  	v4 =	vld.idx.msk [tilespmem:v42+s16+$0x0], $0xffff;
	vm1 =	vlt.s32 v3, $0x0;
	v6 =	vadd.s32 $0x3C0, v3  }
0x16c: {  	v3 =	vsel vm1, v6, v3;
	v6 =	vcvt.s32.f32 v2  }
0x16d: {  	v7 =	vmul.u32 $0xC8, v5;
	vm1 =	vgt.s32 v3, $0x3BF;
	v8 =	vadd.s32 $0xFFFFFC40, v3  }
0x16e: {  	v5 =	vshrl.u32 v5, $0x3;
	v3 =	vsel vm1, v8, v3;
	v6 =	vmul.f32 $1.041666720e-03, v6  }
0x16f: {  	v5 =	vmul.u32 $0x1C0, v5;
	v3 =	vcvt.s32.f32 v3  }
0x170: {  	v4 =	vadd.s32 v4, v7;
	v6 =	vtrunc.f32 v6  }
0x171: {  	v4 =	vadd.s32 v5, v4;
	v3 =	vadd.f32 $1.000000000e+00, v3;
	v5 =	vcvt.f32.s32 v6  }
0x172: {  	[tilespmem:$0xF40] =	vst v4  }
0x173: {  	v4 =	vld [tilespmem:$0x4F0];
	[tilespmem:$0xBD0] =	vst v3;
	v3 =	vmul.u32 $0xFFFFFC40, v5  }
0x174: {  	v5 =	vld.idx.msk [tilespmem:v43+s16+$0x0], $0xffff  }
0x175: {  	v2 =	vadd.s32 v2, v3  }
0x176: {  	v3 =	vld.idx.msk [tilespmem:v44+s16+$0x0], $0xffff;
	vm1 =	vlt.s32 v2, $0x0;
	v6 =	vadd.s32 $0x3C0, v2  }
0x177: {  	v2 =	vsel vm1, v6, v2  }
0x178: {  	v7 =	vcvt.s32.f32 v4;
	vm1 =	vgt.s32 v2, $0x3BF;
	v6 =	vadd.s32 $0xFFFFFC40, v2  }
0x179: {  	v8 =	vmul.u32 $0xC8, v5;
	v5 =	vshrl.u32 v5, $0x3;
	v2 =	vsel vm1, v6, v2  }
0x17a: {  	v6 =	vmul.f32 $1.041666720e-03, v7;
	v5 =	vmul.u32 $0x1C0, v5;
	v2 =	vcvt.s32.f32 v2  }
0x17b: {  	v3 =	vadd.s32 v3, v8  }
0x17c: {  	v3 =	vadd.s32 v5, v3;
	v2 =	vadd.f32 $1.000000000e+00, v2;
	v5 =	vtrunc.f32 v6  }
0x17d: {  	[tilespmem:$0xF50] =	vst v3;
	v3 =	vcvt.f32.s32 v5  }
0x17e: {  	[tilespmem:$0xBE0] =	vst v2;
	v2 =	vld [tilespmem:$0x500]  }
0x17f: {  	v5 =	vld.idx.msk [tilespmem:v45+s16+$0x0], $0xffff;
	v3 =	vmul.u32 $0xFFFFFC40, v3;
	_ =	sdelay $0x1  }
0x180: {  	v3 =	vadd.s32 v4, v3  }
0x181: {  	v4 =	vld.idx.msk [tilespmem:v46+s16+$0x0], $0xffff;
	vm1 =	vlt.s32 v3, $0x0;
	v6 =	vadd.s32 $0x3C0, v3  }
0x182: {  	v3 =	vsel vm1, v6, v3;
	v6 =	vcvt.s32.f32 v2  }
0x183: {  	v7 =	vmul.u32 $0xC8, v5;
	vm1 =	vgt.s32 v3, $0x3BF;
	v8 =	vadd.s32 $0xFFFFFC40, v3  }
0x184: {  	v5 =	vshrl.u32 v5, $0x3;
	v3 =	vsel vm1, v8, v3;
	v6 =	vmul.f32 $1.041666720e-03, v6  }
0x185: {  	v5 =	vmul.u32 $0x1C0, v5;
	v3 =	vcvt.s32.f32 v3  }
0x186: {  	v4 =	vadd.s32 v4, v7;
	v6 =	vtrunc.f32 v6  }
0x187: {  	v4 =	vadd.s32 v5, v4;
	v3 =	vadd.f32 $1.000000000e+00, v3;
	v5 =	vcvt.f32.s32 v6  }
0x188: {  	[tilespmem:$0xF60] =	vst v4  }
0x189: {  	v4 =	vld [tilespmem:$0x510];
	[tilespmem:$0xBF0] =	vst v3;
	v3 =	vmul.u32 $0xFFFFFC40, v5  }
0x18a: {  	v5 =	vld.idx.msk [tilespmem:v47+s16+$0x0], $0xffff  }
0x18b: {  	v2 =	vadd.s32 v2, v3  }
0x18c: {  	v3 =	vld.idx.msk [tilespmem:v48+s16+$0x0], $0xffff;
	vm1 =	vlt.s32 v2, $0x0;
	v6 =	vadd.s32 $0x3C0, v2  }
0x18d: {  	v2 =	vsel vm1, v6, v2  }
0x18e: {  	v7 =	vcvt.s32.f32 v4;
	vm1 =	vgt.s32 v2, $0x3BF;
	v6 =	vadd.s32 $0xFFFFFC40, v2  }
0x18f: {  	v8 =	vmul.u32 $0xC8, v5;
	v5 =	vshrl.u32 v5, $0x3;
	v2 =	vsel vm1, v6, v2  }
0x190: {  	v6 =	vmul.f32 $1.041666720e-03, v7;
	v5 =	vmul.u32 $0x1C0, v5;
	v2 =	vcvt.s32.f32 v2  }
0x191: {  	v3 =	vadd.s32 v3, v8  }
0x192: {  	v3 =	vadd.s32 v5, v3;
	v2 =	vadd.f32 $1.000000000e+00, v2;
	v5 =	vtrunc.f32 v6  }
0x193: {  	[tilespmem:$0xF70] =	vst v3;
	v3 =	vcvt.f32.s32 v5  }
0x194: {  	[tilespmem:$0xC00] =	vst v2;
	v2 =	vld [tilespmem:$0x520]  }
0x195: {  	v5 =	vld.idx.msk [tilespmem:v49+s16+$0x0], $0xffff;
	v3 =	vmul.u32 $0xFFFFFC40, v3;
	_ =	sdelay $0x1  }
0x196: {  	v3 =	vadd.s32 v4, v3  }
0x197: {  	v4 =	vld.idx.msk [tilespmem:v50+s16+$0x0], $0xffff;
	vm1 =	vlt.s32 v3, $0x0;
	v6 =	vadd.s32 $0x3C0, v3  }
0x198: {  	v3 =	vsel vm1, v6, v3;
	v6 =	vcvt.s32.f32 v2  }
0x199: {  	v7 =	vmul.u32 $0xC8, v5;
	vm1 =	vgt.s32 v3, $0x3BF;
	v8 =	vadd.s32 $0xFFFFFC40, v3  }
0x19a: {  	v5 =	vshrl.u32 v5, $0x3;
	v3 =	vsel vm1, v8, v3;
	v6 =	vmul.f32 $1.041666720e-03, v6  }
0x19b: {  	v5 =	vmul.u32 $0x1C0, v5;
	v3 =	vcvt.s32.f32 v3  }
0x19c: {  	v4 =	vadd.s32 v4, v7;
	v6 =	vtrunc.f32 v6  }
0x19d: {  	v4 =	vadd.s32 v5, v4;
	v3 =	vadd.f32 $1.000000000e+00, v3;
	v5 =	vcvt.f32.s32 v6  }
0x19e: {  	[tilespmem:$0xF80] =	vst v4  }
0x19f: {  	v4 =	vld [tilespmem:$0x530];
	[tilespmem:$0xC10] =	vst v3;
	v3 =	vmul.u32 $0xFFFFFC40, v5  }
0x1a0: {  	v5 =	vld.idx.msk [tilespmem:v51+s16+$0x0], $0xffff  }
0x1a1: {  	v2 =	vadd.s32 v2, v3  }
0x1a2: {  	v3 =	vld.idx.msk [tilespmem:v52+s16+$0x0], $0xffff;
	vm1 =	vlt.s32 v2, $0x0;
	v6 =	vadd.s32 $0x3C0, v2  }
0x1a3: {  	v2 =	vsel vm1, v6, v2  }
0x1a4: {  	v7 =	vcvt.s32.f32 v4;
	vm1 =	vgt.s32 v2, $0x3BF;
	v6 =	vadd.s32 $0xFFFFFC40, v2  }
0x1a5: {  	v8 =	vmul.u32 $0xC8, v5;
	v5 =	vshrl.u32 v5, $0x3;
	v2 =	vsel vm1, v6, v2  }
0x1a6: {  	v6 =	vmul.f32 $1.041666720e-03, v7;
	v5 =	vmul.u32 $0x1C0, v5;
	v2 =	vcvt.s32.f32 v2  }
0x1a7: {  	v3 =	vadd.s32 v3, v8  }
0x1a8: {  	v3 =	vadd.s32 v5, v3;
	v2 =	vadd.f32 $1.000000000e+00, v2;
	v5 =	vtrunc.f32 v6  }
0x1a9: {  	[tilespmem:$0xF90] =	vst v3;
	v3 =	vcvt.f32.s32 v5  }
0x1aa: {  	[tilespmem:$0xC20] =	vst v2;
	v2 =	vld [tilespmem:$0x540]  }
0x1ab: {  	v5 =	vld.idx.msk [tilespmem:v53+s16+$0x0], $0xffff;
	v3 =	vmul.u32 $0xFFFFFC40, v3;
	_ =	sdelay $0x1  }
0x1ac: {  	v3 =	vadd.s32 v4, v3  }
0x1ad: {  	v4 =	vld.idx.msk [tilespmem:v54+s16+$0x0], $0xffff;
	vm1 =	vlt.s32 v3, $0x0;
	v6 =	vadd.s32 $0x3C0, v3  }
0x1ae: {  	v3 =	vsel vm1, v6, v3;
	v6 =	vcvt.s32.f32 v2  }
0x1af: {  	v7 =	vmul.u32 $0xC8, v5;
	vm1 =	vgt.s32 v3, $0x3BF;
	v8 =	vadd.s32 $0xFFFFFC40, v3  }
0x1b0: {  	v5 =	vshrl.u32 v5, $0x3;
	v3 =	vsel vm1, v8, v3;
	v6 =	vmul.f32 $1.041666720e-03, v6  }
0x1b1: {  	v5 =	vmul.u32 $0x1C0, v5;
	v3 =	vcvt.s32.f32 v3  }
0x1b2: {  	v4 =	vadd.s32 v4, v7;
	v6 =	vtrunc.f32 v6  }
0x1b3: {  	v4 =	vadd.s32 v5, v4;
	v3 =	vadd.f32 $1.000000000e+00, v3;
	v5 =	vcvt.f32.s32 v6  }
0x1b4: {  	[tilespmem:$0xFA0] =	vst v4  }
0x1b5: {  	v4 =	vld [tilespmem:$0x550];
	[tilespmem:$0xC30] =	vst v3;
	v3 =	vmul.u32 $0xFFFFFC40, v5  }
0x1b6: {  	v5 =	vld.idx.msk [tilespmem:v55+s16+$0x0], $0xffff  }
0x1b7: {  	v2 =	vadd.s32 v2, v3  }
0x1b8: {  	v3 =	vld.idx.msk [tilespmem:v56+s16+$0x0], $0xffff;
	vm1 =	vlt.s32 v2, $0x0;
	v6 =	vadd.s32 $0x3C0, v2  }
0x1b9: {  	v2 =	vsel vm1, v6, v2  }
0x1ba: {  	v7 =	vcvt.s32.f32 v4;
	vm1 =	vgt.s32 v2, $0x3BF;
	v6 =	vadd.s32 $0xFFFFFC40, v2  }
0x1bb: {  	v8 =	vmul.u32 $0xC8, v5;
	v5 =	vshrl.u32 v5, $0x3;
	v2 =	vsel vm1, v6, v2  }
0x1bc: {  	v6 =	vmul.f32 $1.041666720e-03, v7;
	v5 =	vmul.u32 $0x1C0, v5;
	v2 =	vcvt.s32.f32 v2  }
0x1bd: {  	v3 =	vadd.s32 v3, v8  }
0x1be: {  	v3 =	vadd.s32 v5, v3;
	v2 =	vadd.f32 $1.000000000e+00, v2;
	v5 =	vtrunc.f32 v6  }
0x1bf: {  	[tilespmem:$0xFB0] =	vst v3;
	v3 =	vcvt.f32.s32 v5  }
0x1c0: {  	[tilespmem:$0xC40] =	vst v2;
	v2 =	vld [tilespmem:$0x560]  }
0x1c1: {  	v5 =	vld.idx.msk [tilespmem:v57+s16+$0x0], $0xffff;
	v3 =	vmul.u32 $0xFFFFFC40, v3;
	_ =	sdelay $0x1  }
0x1c2: {  	v3 =	vadd.s32 v4, v3  }
0x1c3: {  	v4 =	vld.idx.msk [tilespmem:v58+s16+$0x0], $0xffff;
	vm1 =	vlt.s32 v3, $0x0;
	v6 =	vadd.s32 $0x3C0, v3  }
0x1c4: {  	v3 =	vsel vm1, v6, v3;
	v6 =	vcvt.s32.f32 v2  }
0x1c5: {  	v7 =	vmul.u32 $0xC8, v5;
	vm1 =	vgt.s32 v3, $0x3BF;
	v8 =	vadd.s32 $0xFFFFFC40, v3  }
0x1c6: {  	v5 =	vshrl.u32 v5, $0x3;
	v3 =	vsel vm1, v8, v3;
	v6 =	vmul.f32 $1.041666720e-03, v6  }
0x1c7: {  	v5 =	vmul.u32 $0x1C0, v5;
	v3 =	vcvt.s32.f32 v3  }
0x1c8: {  	v4 =	vadd.s32 v4, v7;
	v6 =	vtrunc.f32 v6  }
0x1c9: {  	v4 =	vadd.s32 v5, v4;
	v3 =	vadd.f32 $1.000000000e+00, v3;
	v5 =	vcvt.f32.s32 v6  }
0x1ca: {  	[tilespmem:$0xFC0] =	vst v4  }
0x1cb: {  	v4 =	vld [tilespmem:$0x570];
	[tilespmem:$0xC50] =	vst v3;
	v3 =	vmul.u32 $0xFFFFFC40, v5  }
0x1cc: {  	v5 =	vld.idx.msk [tilespmem:v59+s16+$0x0], $0xffff  }
0x1cd: {  	v2 =	vadd.s32 v2, v3  }
0x1ce: {  	v3 =	vld.idx.msk [tilespmem:v60+s16+$0x0], $0xffff;
	vm1 =	vlt.s32 v2, $0x0;
	v6 =	vadd.s32 $0x3C0, v2  }
0x1cf: {  	v2 =	vsel vm1, v6, v2  }
0x1d0: {  	v7 =	vcvt.s32.f32 v4;
	vm1 =	vgt.s32 v2, $0x3BF  }
0x1d1: {  	v6 =	vadd.s32 $0xFFFFFC40, v2;
	v8 =	vmul.u32 $0xC8, v5;
	v5 =	vshrl.u32 v5, $0x3  }
0x1d2: {  	v2 =	vsel vm1, v6, v2;
	v6 =	vmul.f32 $1.041666720e-03, v7;
	v5 =	vmul.u32 $0x1C0, v5  }
0x1d3: {  	v2 =	vcvt.s32.f32 v2;
	v3 =	vadd.s32 v3, v8  }
0x1d4: {  	v3 =	vadd.s32 v5, v3;
	v5 =	vtrunc.f32 v6  }
0x1d5: {  	v2 =	vadd.f32 $1.000000000e+00, v2;
	[tilespmem:$0xFD0] =	vst v3;
	v3 =	vcvt.f32.s32 v5;
	_ =	sdelay $0x1  }
0x1d6: {  	[tilespmem:$0xC60] =	vst v2;
	v3 =	vmul.u32 $0xFFFFFC40, v3  }
0x1d7: {  	v2 =	vld.idx.msk [tilespmem:v61+s16+$0x0], $0xffff  }
0x1d8: {  	v5 =	vld [tilespmem:$0x580];
	v3 =	vadd.s32 v4, v3  }
0x1d9: {  	v4 =	vld.idx.msk [tilespmem:v62+s16+$0x0], $0xffff;
	vm1 =	vlt.s32 v3, $0x0;
	v6 =	vadd.s32 $0x3C0, v3  }
0x1da: {  	v3 =	vsel vm1, v6, v3  }
0x1db: {  	vm1 =	vgt.s32 v3, $0x3BF;
	v7 =	vadd.s32 $0xFFFFFC40, v3  }
0x1dc: {  	v6 =	vmul.u32 $0xC8, v2;
	v2 =	vshrl.u32 v2, $0x3;
	v3 =	vsel vm1, v7, v3  }
0x1dd: {  	v7 =	vcvt.s32.f32 v5;
	v2 =	vmul.u32 $0x1C0, v2;
	v3 =	vcvt.s32.f32 v3  }
0x1de: {  	v4 =	vadd.s32 v4, v6  }
0x1df: {  	v6 =	vmul.f32 $1.041666720e-03, v7;
	v2 =	vadd.s32 v2, v4;
	v3 =	vadd.f32 $1.000000000e+00, v3  }
0x1e0: {  	[tilespmem:$0xFE0] =	vst v2  }
0x1e1: {  	v2 =	vtrunc.f32 v6;
	[tilespmem:$0xC70] =	vst v3;
	v3 =	vor.u32 $0x7C1, v0  }
0x1e2: {  	v6 =	vld [tilespmem:$0x590];
	v2 =	vcvt.f32.s32 v2  }
0x1e3: {  	v4 =	vld.idx.msk [tilespmem:v63+s16+$0x0], $0xffff  }
0x1e4: {  	v2 =	vmul.u32 $0xFFFFFC40, v2;
	_ =	sdelay $0x1  }
0x1e5: {  	v2 =	vadd.s32 v5, v2;
	v3 =	vld.idx.msk [tilespmem:v3+s16+$0x0], $0xffff  }
0x1e6: {  	vm1 =	vlt.s32 v2, $0x0;
	v5 =	vadd.s32 $0x3C0, v2  }
0x1e7: {  	v8 =	vcvt.s32.f32 v6;
	v7 =	vshrl.u32 v4, $0x3;
	v2 =	vsel vm1, v5, v2  }
0x1e8: {  	v4 =	vmul.u32 $0xC8, v4;
	vm1 =	vgt.s32 v2, $0x3BF;
	v5 =	vadd.s32 $0xFFFFFC40, v2  }
0x1e9: {  	v8 =	vmul.f32 $1.041666720e-03, v8;
	v7 =	vmul.u32 $0x1C0, v7;
	v2 =	vsel vm1, v5, v2  }
0x1ea: {  	v5 =	vor.u32 $0x800, v0;
	v2 =	vcvt.s32.f32 v2;
	v3 =	vadd.s32 v3, v4  }
0x1eb: {  	v4 =	vtrunc.f32 v8;
	v3 =	vadd.s32 v7, v3  }
0x1ec: {  	v2 =	vadd.f32 $1.000000000e+00, v2;
	v4 =	vcvt.f32.s32 v4;
	[tilespmem:$0xFF0] =	vst v3;
	v3 =	vor.u32 $0x801, v0;
	_ =	sdelay $0x1  }
0x1ed: {  	[tilespmem:$0xC80] =	vst v2;
	v4 =	vmul.u32 $0xFFFFFC40, v4  }
0x1ee: {  	v2 =	vld.idx.msk [tilespmem:v5+s16+$0x0], $0xffff  }
0x1ef: {  	v5 =	vld [tilespmem:$0x5A0];
	v4 =	vadd.s32 v6, v4  }
0x1f0: {  	vm1 =	vlt.s32 v4, $0x0;
	v6 =	vadd.s32 $0x3C0, v4;
	v3 =	vld.idx.msk [tilespmem:v3+s16+$0x0], $0xffff  }
0x1f1: {  	v4 =	vsel vm1, v6, v4  }
0x1f2: {  	vm1 =	vgt.s32 v4, $0x3BF;
	v7 =	vadd.s32 $0xFFFFFC40, v4  }
0x1f3: {  	v6 =	vmul.u32 $0xC8, v2;
	v2 =	vshrl.u32 v2, $0x3;
	v4 =	vsel vm1, v7, v4  }
0x1f4: {  	v7 =	vcvt.s32.f32 v5;
	v2 =	vmul.u32 $0x1C0, v2;
	v4 =	vcvt.s32.f32 v4  }
0x1f5: {  	v8 =	vor.u32 $0x840, v0;
	v3 =	vadd.s32 v3, v6  }
0x1f6: {  	v6 =	vmul.f32 $1.041666720e-03, v7;
	v2 =	vadd.s32 v2, v3;
	v3 =	vadd.f32 $1.000000000e+00, v4  }
0x1f7: {  	[tilespmem:$0x1000] =	vst v2  }
0x1f8: {  	v2 =	vtrunc.f32 v6;
	[tilespmem:$0xC90] =	vst v3;
	v3 =	vor.u32 $0x841, v0  }
0x1f9: {  	v6 =	vld [tilespmem:$0x5B0];
	v2 =	vcvt.f32.s32 v2  }
0x1fa: {  	v4 =	vld.idx.msk [tilespmem:v8+s16+$0x0], $0xffff  }
0x1fb: {  	v2 =	vmul.u32 $0xFFFFFC40, v2;
	_ =	sdelay $0x1  }
0x1fc: {  	v2 =	vadd.s32 v5, v2;
	v3 =	vld.idx.msk [tilespmem:v3+s16+$0x0], $0xffff  }
0x1fd: {  	vm1 =	vlt.s32 v2, $0x0;
	v5 =	vadd.s32 $0x3C0, v2  }
0x1fe: {  	v8 =	vcvt.s32.f32 v6;
	v7 =	vshrl.u32 v4, $0x3;
	v2 =	vsel vm1, v5, v2  }
0x1ff: {  	v4 =	vmul.u32 $0xC8, v4;
	vm1 =	vgt.s32 v2, $0x3BF;
	v5 =	vadd.s32 $0xFFFFFC40, v2  }
0x200: {  	v8 =	vmul.f32 $1.041666720e-03, v8;
	v7 =	vmul.u32 $0x1C0, v7;
	v2 =	vsel vm1, v5, v2  }
0x201: {  	v5 =	vor.u32 $0x880, v0;
	v2 =	vcvt.s32.f32 v2;
	v3 =	vadd.s32 v3, v4  }
0x202: {  	v4 =	vtrunc.f32 v8;
	v3 =	vadd.s32 v7, v3  }
0x203: {  	v2 =	vadd.f32 $1.000000000e+00, v2;
	v4 =	vcvt.f32.s32 v4;
	[tilespmem:$0x1010] =	vst v3;
	v3 =	vor.u32 $0x881, v0;
	_ =	sdelay $0x1  }
0x204: {  	[tilespmem:$0xCA0] =	vst v2;
	v4 =	vmul.u32 $0xFFFFFC40, v4  }
0x205: {  	v2 =	vld.idx.msk [tilespmem:v5+s16+$0x0], $0xffff  }
0x206: {  	v5 =	vld [tilespmem:$0x5C0];
	v4 =	vadd.s32 v6, v4  }
0x207: {  	vm1 =	vlt.s32 v4, $0x0;
	v6 =	vadd.s32 $0x3C0, v4;
	v3 =	vld.idx.msk [tilespmem:v3+s16+$0x0], $0xffff  }
0x208: {  	v4 =	vsel vm1, v6, v4  }
0x209: {  	vm1 =	vgt.s32 v4, $0x3BF;
	v7 =	vadd.s32 $0xFFFFFC40, v4  }
0x20a: {  	v6 =	vmul.u32 $0xC8, v2;
	v2 =	vshrl.u32 v2, $0x3;
	v4 =	vsel vm1, v7, v4  }
0x20b: {  	v7 =	vcvt.s32.f32 v5;
	v2 =	vmul.u32 $0x1C0, v2;
	v4 =	vcvt.s32.f32 v4  }
0x20c: {  	v8 =	vor.u32 $0x8C0, v0;
	v3 =	vadd.s32 v3, v6  }
0x20d: {  	v6 =	vmul.f32 $1.041666720e-03, v7;
	v2 =	vadd.s32 v2, v3;
	v3 =	vadd.f32 $1.000000000e+00, v4  }
0x20e: {  	[tilespmem:$0x1020] =	vst v2  }
0x20f: {  	v2 =	vtrunc.f32 v6;
	[tilespmem:$0xCB0] =	vst v3;
	v3 =	vor.u32 $0x8C1, v0  }
0x210: {  	v6 =	vld [tilespmem:$0x5D0];
	v2 =	vcvt.f32.s32 v2  }
0x211: {  	v4 =	vld.idx.msk [tilespmem:v8+s16+$0x0], $0xffff  }
0x212: {  	v2 =	vmul.u32 $0xFFFFFC40, v2;
	_ =	sdelay $0x1  }
0x213: {  	v2 =	vadd.s32 v5, v2;
	v3 =	vld.idx.msk [tilespmem:v3+s16+$0x0], $0xffff  }
0x214: {  	vm1 =	vlt.s32 v2, $0x0;
	v5 =	vadd.s32 $0x3C0, v2  }
0x215: {  	v8 =	vcvt.s32.f32 v6;
	v7 =	vshrl.u32 v4, $0x3;
	v2 =	vsel vm1, v5, v2  }
0x216: {  	v4 =	vmul.u32 $0xC8, v4;
	vm1 =	vgt.s32 v2, $0x3BF;
	v5 =	vadd.s32 $0xFFFFFC40, v2  }
0x217: {  	v8 =	vmul.f32 $1.041666720e-03, v8;
	v7 =	vmul.u32 $0x1C0, v7;
	v2 =	vsel vm1, v5, v2  }
0x218: {  	v5 =	vor.u32 $0x900, v0;
	v2 =	vcvt.s32.f32 v2;
	v3 =	vadd.s32 v3, v4  }
0x219: {  	v4 =	vtrunc.f32 v8;
	v3 =	vadd.s32 v7, v3  }
0x21a: {  	v2 =	vadd.f32 $1.000000000e+00, v2;
	v4 =	vcvt.f32.s32 v4;
	[tilespmem:$0x1030] =	vst v3;
	v3 =	vor.u32 $0x901, v0;
	_ =	sdelay $0x1  }
0x21b: {  	[tilespmem:$0xCC0] =	vst v2;
	v4 =	vmul.u32 $0xFFFFFC40, v4  }
0x21c: {  	v2 =	vld.idx.msk [tilespmem:v5+s16+$0x0], $0xffff  }
0x21d: {  	v5 =	vld [tilespmem:$0x5E0];
	v4 =	vadd.s32 v6, v4  }
0x21e: {  	vm1 =	vlt.s32 v4, $0x0;
	v6 =	vadd.s32 $0x3C0, v4;
	v3 =	vld.idx.msk [tilespmem:v3+s16+$0x0], $0xffff  }
0x21f: {  	v4 =	vsel vm1, v6, v4  }
0x220: {  	vm1 =	vgt.s32 v4, $0x3BF;
	v7 =	vadd.s32 $0xFFFFFC40, v4  }
0x221: {  	v6 =	vmul.u32 $0xC8, v2;
	v2 =	vshrl.u32 v2, $0x3;
	v4 =	vsel vm1, v7, v4  }
0x222: {  	v7 =	vcvt.s32.f32 v5;
	v2 =	vmul.u32 $0x1C0, v2;
	v4 =	vcvt.s32.f32 v4  }
0x223: {  	v8 =	vor.u32 $0x940, v0;
	v3 =	vadd.s32 v3, v6  }
0x224: {  	v6 =	vmul.f32 $1.041666720e-03, v7;
	v2 =	vadd.s32 v2, v3;
	v3 =	vadd.f32 $1.000000000e+00, v4  }
0x225: {  	[tilespmem:$0x1040] =	vst v2  }
0x226: {  	v2 =	vtrunc.f32 v6;
	[tilespmem:$0xCD0] =	vst v3;
	v3 =	vor.u32 $0x941, v0  }
0x227: {  	v6 =	vld [tilespmem:$0x5F0];
	v2 =	vcvt.f32.s32 v2  }
0x228: {  	v4 =	vld.idx.msk [tilespmem:v8+s16+$0x0], $0xffff  }
0x229: {  	v2 =	vmul.u32 $0xFFFFFC40, v2;
	_ =	sdelay $0x1  }
0x22a: {  	v2 =	vadd.s32 v5, v2;
	v3 =	vld.idx.msk [tilespmem:v3+s16+$0x0], $0xffff  }
0x22b: {  	vm1 =	vlt.s32 v2, $0x0;
	v5 =	vadd.s32 $0x3C0, v2  }
0x22c: {  	v8 =	vcvt.s32.f32 v6;
	v7 =	vshrl.u32 v4, $0x3;
	v2 =	vsel vm1, v5, v2  }
0x22d: {  	v4 =	vmul.u32 $0xC8, v4;
	vm1 =	vgt.s32 v2, $0x3BF;
	v5 =	vadd.s32 $0xFFFFFC40, v2  }
0x22e: {  	v8 =	vmul.f32 $1.041666720e-03, v8;
	v7 =	vmul.u32 $0x1C0, v7;
	v2 =	vsel vm1, v5, v2  }
0x22f: {  	v5 =	vor.u32 $0x980, v0;
	v2 =	vcvt.s32.f32 v2;
	v3 =	vadd.s32 v3, v4  }
0x230: {  	v4 =	vtrunc.f32 v8;
	v3 =	vadd.s32 v7, v3  }
0x231: {  	v2 =	vadd.f32 $1.000000000e+00, v2;
	v4 =	vcvt.f32.s32 v4;
	[tilespmem:$0x1050] =	vst v3;
	v3 =	vor.u32 $0x981, v0;
	_ =	sdelay $0x1  }
0x232: {  	[tilespmem:$0xCE0] =	vst v2;
	v4 =	vmul.u32 $0xFFFFFC40, v4  }
0x233: {  	v2 =	vld.idx.msk [tilespmem:v5+s16+$0x0], $0xffff  }
0x234: {  	v5 =	vld [tilespmem:$0x600];
	v4 =	vadd.s32 v6, v4  }
0x235: {  	vm1 =	vlt.s32 v4, $0x0;
	v6 =	vadd.s32 $0x3C0, v4;
	v3 =	vld.idx.msk [tilespmem:v3+s16+$0x0], $0xffff  }
0x236: {  	v4 =	vsel vm1, v6, v4  }
0x237: {  	vm1 =	vgt.s32 v4, $0x3BF;
	v7 =	vadd.s32 $0xFFFFFC40, v4  }
0x238: {  	v6 =	vmul.u32 $0xC8, v2;
	v2 =	vshrl.u32 v2, $0x3;
	v4 =	vsel vm1, v7, v4  }
0x239: {  	v7 =	vcvt.s32.f32 v5;
	v2 =	vmul.u32 $0x1C0, v2;
	v4 =	vcvt.s32.f32 v4  }
0x23a: {  	v8 =	vor.u32 $0x9C0, v0;
	v3 =	vadd.s32 v3, v6  }
0x23b: {  	v6 =	vmul.f32 $1.041666720e-03, v7;
	v2 =	vadd.s32 v2, v3;
	v3 =	vadd.f32 $1.000000000e+00, v4  }
0x23c: {  	[tilespmem:$0x1060] =	vst v2  }
0x23d: {  	v2 =	vtrunc.f32 v6;
	[tilespmem:$0xCF0] =	vst v3;
	v3 =	vor.u32 $0x9C1, v0  }
0x23e: {  	v6 =	vld [tilespmem:$0x610];
	v2 =	vcvt.f32.s32 v2  }
0x23f: {  	v4 =	vld.idx.msk [tilespmem:v8+s16+$0x0], $0xffff  }
0x240: {  	v2 =	vmul.u32 $0xFFFFFC40, v2;
	_ =	sdelay $0x1  }
0x241: {  	v2 =	vadd.s32 v5, v2;
	v3 =	vld.idx.msk [tilespmem:v3+s16+$0x0], $0xffff  }
0x242: {  	vm1 =	vlt.s32 v2, $0x0;
	v5 =	vadd.s32 $0x3C0, v2  }
0x243: {  	v8 =	vcvt.s32.f32 v6;
	v7 =	vshrl.u32 v4, $0x3;
	v2 =	vsel vm1, v5, v2  }
0x244: {  	v4 =	vmul.u32 $0xC8, v4;
	vm1 =	vgt.s32 v2, $0x3BF;
	v5 =	vadd.s32 $0xFFFFFC40, v2  }
0x245: {  	v8 =	vmul.f32 $1.041666720e-03, v8;
	v7 =	vmul.u32 $0x1C0, v7;
	v2 =	vsel vm1, v5, v2  }
0x246: {  	v5 =	vor.u32 $0xA00, v0;
	v2 =	vcvt.s32.f32 v2;
	v3 =	vadd.s32 v3, v4  }
0x247: {  	v4 =	vtrunc.f32 v8;
	v3 =	vadd.s32 v7, v3  }
0x248: {  	v2 =	vadd.f32 $1.000000000e+00, v2;
	v4 =	vcvt.f32.s32 v4;
	[tilespmem:$0x1070] =	vst v3;
	v3 =	vor.u32 $0xA01, v0;
	_ =	sdelay $0x1  }
0x249: {  	[tilespmem:$0xD00] =	vst v2;
	v4 =	vmul.u32 $0xFFFFFC40, v4  }
0x24a: {  	v2 =	vld.idx.msk [tilespmem:v5+s16+$0x0], $0xffff  }
0x24b: {  	v5 =	vld [tilespmem:$0x620];
	v4 =	vadd.s32 v6, v4  }
0x24c: {  	vm1 =	vlt.s32 v4, $0x0;
	v6 =	vadd.s32 $0x3C0, v4;
	v3 =	vld.idx.msk [tilespmem:v3+s16+$0x0], $0xffff  }
0x24d: {  	v4 =	vsel vm1, v6, v4  }
0x24e: {  	vm1 =	vgt.s32 v4, $0x3BF;
	v7 =	vadd.s32 $0xFFFFFC40, v4  }
0x24f: {  	v6 =	vmul.u32 $0xC8, v2;
	v2 =	vshrl.u32 v2, $0x3;
	v4 =	vsel vm1, v7, v4  }
0x250: {  	v7 =	vcvt.s32.f32 v5;
	v2 =	vmul.u32 $0x1C0, v2;
	v4 =	vcvt.s32.f32 v4  }
0x251: {  	v8 =	vor.u32 $0xA40, v0;
	v3 =	vadd.s32 v3, v6  }
0x252: {  	v6 =	vmul.f32 $1.041666720e-03, v7;
	v2 =	vadd.s32 v2, v3;
	v3 =	vadd.f32 $1.000000000e+00, v4  }
0x253: {  	[tilespmem:$0x1080] =	vst v2  }
0x254: {  	v2 =	vtrunc.f32 v6;
	[tilespmem:$0xD10] =	vst v3;
	v3 =	vor.u32 $0xA41, v0  }
0x255: {  	v6 =	vld [tilespmem:$0x630];
	v2 =	vcvt.f32.s32 v2  }
0x256: {  	v4 =	vld.idx.msk [tilespmem:v8+s16+$0x0], $0xffff  }
0x257: {  	v2 =	vmul.u32 $0xFFFFFC40, v2;
	_ =	sdelay $0x1  }
0x258: {  	v2 =	vadd.s32 v5, v2;
	v3 =	vld.idx.msk [tilespmem:v3+s16+$0x0], $0xffff  }
0x259: {  	vm1 =	vlt.s32 v2, $0x0;
	v5 =	vadd.s32 $0x3C0, v2  }
0x25a: {  	v8 =	vcvt.s32.f32 v6;
	v7 =	vshrl.u32 v4, $0x3;
	v2 =	vsel vm1, v5, v2  }
0x25b: {  	v4 =	vmul.u32 $0xC8, v4;
	vm1 =	vgt.s32 v2, $0x3BF;
	v5 =	vadd.s32 $0xFFFFFC40, v2  }
0x25c: {  	v8 =	vmul.f32 $1.041666720e-03, v8;
	v7 =	vmul.u32 $0x1C0, v7;
	v2 =	vsel vm1, v5, v2  }
0x25d: {  	v5 =	vor.u32 $0xA80, v0;
	v2 =	vcvt.s32.f32 v2;
	v3 =	vadd.s32 v3, v4  }
0x25e: {  	v4 =	vtrunc.f32 v8;
	v3 =	vadd.s32 v7, v3  }
0x25f: {  	v2 =	vadd.f32 $1.000000000e+00, v2;
	v4 =	vcvt.f32.s32 v4;
	[tilespmem:$0x1090] =	vst v3;
	v3 =	vor.u32 $0xA81, v0;
	_ =	sdelay $0x1  }
0x260: {  	[tilespmem:$0xD20] =	vst v2;
	v4 =	vmul.u32 $0xFFFFFC40, v4  }
0x261: {  	v2 =	vld.idx.msk [tilespmem:v5+s16+$0x0], $0xffff  }
0x262: {  	v5 =	vld [tilespmem:$0x640];
	v4 =	vadd.s32 v6, v4  }
0x263: {  	vm1 =	vlt.s32 v4, $0x0;
	v6 =	vadd.s32 $0x3C0, v4;
	v3 =	vld.idx.msk [tilespmem:v3+s16+$0x0], $0xffff  }
0x264: {  	v4 =	vsel vm1, v6, v4  }
0x265: {  	vm1 =	vgt.s32 v4, $0x3BF;
	v7 =	vadd.s32 $0xFFFFFC40, v4  }
0x266: {  	v6 =	vmul.u32 $0xC8, v2;
	v2 =	vshrl.u32 v2, $0x3;
	v4 =	vsel vm1, v7, v4  }
0x267: {  	v7 =	vcvt.s32.f32 v5;
	v2 =	vmul.u32 $0x1C0, v2;
	v4 =	vcvt.s32.f32 v4  }
0x268: {  	v8 =	vor.u32 $0xAC0, v0;
	v3 =	vadd.s32 v3, v6  }
0x269: {  	v6 =	vmul.f32 $1.041666720e-03, v7;
	v2 =	vadd.s32 v2, v3;
	v3 =	vadd.f32 $1.000000000e+00, v4  }
0x26a: {  	[tilespmem:$0x10A0] =	vst v2  }
0x26b: {  	v2 =	vtrunc.f32 v6;
	[tilespmem:$0xD30] =	vst v3;
	v3 =	vor.u32 $0xAC1, v0  }
0x26c: {  	v6 =	vld [tilespmem:$0x650];
	v2 =	vcvt.f32.s32 v2  }
0x26d: {  	v4 =	vld.idx.msk [tilespmem:v8+s16+$0x0], $0xffff  }
0x26e: {  	v2 =	vmul.u32 $0xFFFFFC40, v2;
	_ =	sdelay $0x1  }
0x26f: {  	v2 =	vadd.s32 v5, v2;
	v3 =	vld.idx.msk [tilespmem:v3+s16+$0x0], $0xffff  }
0x270: {  	vm1 =	vlt.s32 v2, $0x0;
	v5 =	vadd.s32 $0x3C0, v2  }
0x271: {  	v8 =	vcvt.s32.f32 v6;
	v7 =	vshrl.u32 v4, $0x3;
	v2 =	vsel vm1, v5, v2  }
0x272: {  	v4 =	vmul.u32 $0xC8, v4;
	vm1 =	vgt.s32 v2, $0x3BF;
	v5 =	vadd.s32 $0xFFFFFC40, v2  }
0x273: {  	v8 =	vmul.f32 $1.041666720e-03, v8;
	v7 =	vmul.u32 $0x1C0, v7;
	v2 =	vsel vm1, v5, v2  }
0x274: {  	v5 =	vor.u32 $0xB00, v0;
	v2 =	vcvt.s32.f32 v2;
	v3 =	vadd.s32 v3, v4  }
0x275: {  	v4 =	vtrunc.f32 v8;
	v3 =	vadd.s32 v7, v3  }
0x276: {  	v2 =	vadd.f32 $1.000000000e+00, v2;
	v4 =	vcvt.f32.s32 v4;
	[tilespmem:$0x10B0] =	vst v3;
	v3 =	vor.u32 $0xB01, v0;
	_ =	sdelay $0x1  }
0x277: {  	[tilespmem:$0xD40] =	vst v2;
	v4 =	vmul.u32 $0xFFFFFC40, v4  }
0x278: {  	v2 =	vld.idx.msk [tilespmem:v5+s16+$0x0], $0xffff  }
0x279: {  	v5 =	vld [tilespmem:$0x660];
	v4 =	vadd.s32 v6, v4  }
0x27a: {  	vm1 =	vlt.s32 v4, $0x0;
	v6 =	vadd.s32 $0x3C0, v4;
	v3 =	vld.idx.msk [tilespmem:v3+s16+$0x0], $0xffff  }
0x27b: {  	v4 =	vsel vm1, v6, v4  }
0x27c: {  	vm1 =	vgt.s32 v4, $0x3BF;
	v7 =	vadd.s32 $0xFFFFFC40, v4  }
0x27d: {  	v6 =	vmul.u32 $0xC8, v2;
	v2 =	vshrl.u32 v2, $0x3;
	v4 =	vsel vm1, v7, v4  }
0x27e: {  	v7 =	vcvt.s32.f32 v5;
	v2 =	vmul.u32 $0x1C0, v2;
	v4 =	vcvt.s32.f32 v4  }
0x27f: {  	v8 =	vor.u32 $0xB40, v0;
	v3 =	vadd.s32 v3, v6  }
0x280: {  	v6 =	vmul.f32 $1.041666720e-03, v7;
	v2 =	vadd.s32 v2, v3;
	v3 =	vadd.f32 $1.000000000e+00, v4  }
0x281: {  	[tilespmem:$0x10C0] =	vst v2  }
0x282: {  	v2 =	vtrunc.f32 v6;
	[tilespmem:$0xD50] =	vst v3;
	v3 =	vor.u32 $0xB41, v0  }
0x283: {  	v6 =	vld [tilespmem:$0x670];
	v2 =	vcvt.f32.s32 v2  }
0x284: {  	v4 =	vld.idx.msk [tilespmem:v8+s16+$0x0], $0xffff  }
0x285: {  	v2 =	vmul.u32 $0xFFFFFC40, v2;
	_ =	sdelay $0x1  }
0x286: {  	v2 =	vadd.s32 v5, v2;
	v3 =	vld.idx.msk [tilespmem:v3+s16+$0x0], $0xffff  }
0x287: {  	vm1 =	vlt.s32 v2, $0x0;
	v5 =	vadd.s32 $0x3C0, v2  }
0x288: {  	v8 =	vcvt.s32.f32 v6;
	v7 =	vshrl.u32 v4, $0x3;
	v2 =	vsel vm1, v5, v2  }
0x289: {  	v4 =	vmul.u32 $0xC8, v4;
	vm1 =	vgt.s32 v2, $0x3BF;
	v5 =	vadd.s32 $0xFFFFFC40, v2  }
0x28a: {  	v8 =	vmul.f32 $1.041666720e-03, v8;
	v7 =	vmul.u32 $0x1C0, v7;
	v2 =	vsel vm1, v5, v2  }
0x28b: {  	v5 =	vor.u32 $0xB80, v0;
	v2 =	vcvt.s32.f32 v2;
	v3 =	vadd.s32 v3, v4  }
0x28c: {  	v4 =	vtrunc.f32 v8;
	v3 =	vadd.s32 v7, v3  }
0x28d: {  	v2 =	vadd.f32 $1.000000000e+00, v2;
	v4 =	vcvt.f32.s32 v4;
	[tilespmem:$0x10D0] =	vst v3;
	v3 =	vor.u32 $0xB81, v0;
	_ =	sdelay $0x1  }
0x28e: {  	[tilespmem:$0xD60] =	vst v2;
	v4 =	vmul.u32 $0xFFFFFC40, v4  }
0x28f: {  	v2 =	vld.idx.msk [tilespmem:v5+s16+$0x0], $0xffff  }
0x290: {  	v5 =	vld [tilespmem:$0x680];
	v4 =	vadd.s32 v6, v4  }
0x291: {  	vm1 =	vlt.s32 v4, $0x0;
	v6 =	vadd.s32 $0x3C0, v4;
	v3 =	vld.idx.msk [tilespmem:v3+s16+$0x0], $0xffff  }
0x292: {  	v4 =	vsel vm1, v6, v4  }
0x293: {  	vm1 =	vgt.s32 v4, $0x3BF;
	v7 =	vadd.s32 $0xFFFFFC40, v4  }
0x294: {  	v6 =	vmul.u32 $0xC8, v2;
	v2 =	vshrl.u32 v2, $0x3;
	v4 =	vsel vm1, v7, v4  }
0x295: {  	v7 =	vcvt.s32.f32 v5;
	v2 =	vmul.u32 $0x1C0, v2;
	v4 =	vcvt.s32.f32 v4  }
0x296: {  	v8 =	vor.u32 $0xBC0, v0;
	v3 =	vadd.s32 v3, v6  }
0x297: {  	v6 =	vmul.f32 $1.041666720e-03, v7;
	v2 =	vadd.s32 v2, v3;
	v3 =	vadd.f32 $1.000000000e+00, v4  }
0x298: {  	[tilespmem:$0x10E0] =	vst v2  }
0x299: {  	v2 =	vtrunc.f32 v6;
	[tilespmem:$0xD70] =	vst v3;
	v3 =	vor.u32 $0xBC1, v0  }
0x29a: {  	v6 =	vld [tilespmem:$0x690];
	v2 =	vcvt.f32.s32 v2  }
0x29b: {  	v4 =	vld.idx.msk [tilespmem:v8+s16+$0x0], $0xffff  }
0x29c: {  	v2 =	vmul.u32 $0xFFFFFC40, v2;
	_ =	sdelay $0x1  }
0x29d: {  	v2 =	vadd.s32 v5, v2;
	v3 =	vld.idx.msk [tilespmem:v3+s16+$0x0], $0xffff  }
0x29e: {  	vm1 =	vlt.s32 v2, $0x0;
	v5 =	vadd.s32 $0x3C0, v2  }
0x29f: {  	v8 =	vcvt.s32.f32 v6;
	v7 =	vshrl.u32 v4, $0x3;
	v2 =	vsel vm1, v5, v2  }
0x2a0: {  	v4 =	vmul.u32 $0xC8, v4;
	vm1 =	vgt.s32 v2, $0x3BF;
	v5 =	vadd.s32 $0xFFFFFC40, v2  }
0x2a1: {  	v8 =	vmul.f32 $1.041666720e-03, v8;
	v7 =	vmul.u32 $0x1C0, v7;
	v2 =	vsel vm1, v5, v2  }
0x2a2: {  	v5 =	vor.u32 $0xC00, v0;
	v2 =	vcvt.s32.f32 v2;
	v3 =	vadd.s32 v3, v4  }
0x2a3: {  	v4 =	vtrunc.f32 v8;
	v3 =	vadd.s32 v7, v3  }
0x2a4: {  	v2 =	vadd.f32 $1.000000000e+00, v2;
	v4 =	vcvt.f32.s32 v4;
	[tilespmem:$0x10F0] =	vst v3;
	v3 =	vor.u32 $0xC01, v0;
	_ =	sdelay $0x1  }
0x2a5: {  	[tilespmem:$0xD80] =	vst v2;
	v4 =	vmul.u32 $0xFFFFFC40, v4  }
0x2a6: {  	v2 =	vld.idx.msk [tilespmem:v5+s16+$0x0], $0xffff  }
0x2a7: {  	v5 =	vld [tilespmem:$0x6A0];
	v4 =	vadd.s32 v6, v4  }
0x2a8: {  	vm1 =	vlt.s32 v4, $0x0;
	v6 =	vadd.s32 $0x3C0, v4;
	v3 =	vld.idx.msk [tilespmem:v3+s16+$0x0], $0xffff  }
0x2a9: {  	v4 =	vsel vm1, v6, v4  }
0x2aa: {  	vm1 =	vgt.s32 v4, $0x3BF;
	v7 =	vadd.s32 $0xFFFFFC40, v4  }
0x2ab: {  	v6 =	vmul.u32 $0xC8, v2;
	v2 =	vshrl.u32 v2, $0x3;
	v4 =	vsel vm1, v7, v4  }
0x2ac: {  	v7 =	vcvt.s32.f32 v5;
	v2 =	vmul.u32 $0x1C0, v2;
	v4 =	vcvt.s32.f32 v4  }
0x2ad: {  	v8 =	vor.u32 $0xC40, v0;
	v3 =	vadd.s32 v3, v6  }
0x2ae: {  	v6 =	vmul.f32 $1.041666720e-03, v7;
	v2 =	vadd.s32 v2, v3;
	v3 =	vadd.f32 $1.000000000e+00, v4  }
0x2af: {  	[tilespmem:$0x1100] =	vst v2  }
0x2b0: {  	v2 =	vtrunc.f32 v6;
	[tilespmem:$0xD90] =	vst v3;
	v3 =	vor.u32 $0xC41, v0  }
0x2b1: {  	v6 =	vld [tilespmem:$0x6B0];
	v2 =	vcvt.f32.s32 v2  }
0x2b2: {  	v4 =	vld.idx.msk [tilespmem:v8+s16+$0x0], $0xffff  }
0x2b3: {  	v2 =	vmul.u32 $0xFFFFFC40, v2;
	_ =	sdelay $0x1  }
0x2b4: {  	v2 =	vadd.s32 v5, v2;
	v3 =	vld.idx.msk [tilespmem:v3+s16+$0x0], $0xffff  }
0x2b5: {  	vm1 =	vlt.s32 v2, $0x0;
	v5 =	vadd.s32 $0x3C0, v2  }
0x2b6: {  	v8 =	vcvt.s32.f32 v6;
	v7 =	vshrl.u32 v4, $0x3;
	v2 =	vsel vm1, v5, v2  }
0x2b7: {  	v4 =	vmul.u32 $0xC8, v4;
	vm1 =	vgt.s32 v2, $0x3BF;
	v5 =	vadd.s32 $0xFFFFFC40, v2  }
0x2b8: {  	v8 =	vmul.f32 $1.041666720e-03, v8;
	v7 =	vmul.u32 $0x1C0, v7;
	v2 =	vsel vm1, v5, v2  }
0x2b9: {  	v5 =	vor.u32 $0xC80, v0;
	v2 =	vcvt.s32.f32 v2;
	v3 =	vadd.s32 v3, v4  }
0x2ba: {  	v4 =	vtrunc.f32 v8;
	v3 =	vadd.s32 v7, v3  }
0x2bb: {  	v2 =	vadd.f32 $1.000000000e+00, v2;
	v4 =	vcvt.f32.s32 v4;
	[tilespmem:$0x1110] =	vst v3;
	v3 =	vor.u32 $0xC81, v0;
	_ =	sdelay $0x1  }
0x2bc: {  	[tilespmem:$0xDA0] =	vst v2;
	v4 =	vmul.u32 $0xFFFFFC40, v4  }
0x2bd: {  	v2 =	vld.idx.msk [tilespmem:v5+s16+$0x0], $0xffff  }
0x2be: {  	v5 =	vld [tilespmem:$0x6C0];
	v4 =	vadd.s32 v6, v4  }
0x2bf: {  	vm1 =	vlt.s32 v4, $0x0;
	v6 =	vadd.s32 $0x3C0, v4;
	v3 =	vld.idx.msk [tilespmem:v3+s16+$0x0], $0xffff  }
0x2c0: {  	v4 =	vsel vm1, v6, v4  }
0x2c1: {  	vm1 =	vgt.s32 v4, $0x3BF;
	v7 =	vadd.s32 $0xFFFFFC40, v4  }
0x2c2: {  	v6 =	vmul.u32 $0xC8, v2;
	v2 =	vshrl.u32 v2, $0x3;
	v4 =	vsel vm1, v7, v4  }
0x2c3: {  	v7 =	vcvt.s32.f32 v5;
	v2 =	vmul.u32 $0x1C0, v2;
	v4 =	vcvt.s32.f32 v4  }
0x2c4: {  	v8 =	vor.u32 $0xCC0, v0;
	v3 =	vadd.s32 v3, v6  }
0x2c5: {  	v6 =	vmul.f32 $1.041666720e-03, v7;
	v2 =	vadd.s32 v2, v3;
	v3 =	vadd.f32 $1.000000000e+00, v4  }
0x2c6: {  	[tilespmem:$0x1120] =	vst v2  }
0x2c7: {  	v2 =	vtrunc.f32 v6;
	[tilespmem:$0xDB0] =	vst v3;
	v3 =	vor.u32 $0xCC1, v0  }
0x2c8: {  	v6 =	vld [tilespmem:$0x6D0];
	v2 =	vcvt.f32.s32 v2  }
0x2c9: {  	v4 =	vld.idx.msk [tilespmem:v8+s16+$0x0], $0xffff  }
0x2ca: {  	v2 =	vmul.u32 $0xFFFFFC40, v2;
	_ =	sdelay $0x1  }
0x2cb: {  	v2 =	vadd.s32 v5, v2;
	v3 =	vld.idx.msk [tilespmem:v3+s16+$0x0], $0xffff  }
0x2cc: {  	vm1 =	vlt.s32 v2, $0x0;
	v5 =	vadd.s32 $0x3C0, v2  }
0x2cd: {  	v8 =	vcvt.s32.f32 v6;
	v7 =	vshrl.u32 v4, $0x3;
	v2 =	vsel vm1, v5, v2  }
0x2ce: {  	v4 =	vmul.u32 $0xC8, v4;
	vm1 =	vgt.s32 v2, $0x3BF;
	v5 =	vadd.s32 $0xFFFFFC40, v2  }
0x2cf: {  	v8 =	vmul.f32 $1.041666720e-03, v8;
	v7 =	vmul.u32 $0x1C0, v7;
	v2 =	vsel vm1, v5, v2  }
0x2d0: {  	v5 =	vor.u32 $0xD00, v0;
	v2 =	vcvt.s32.f32 v2;
	v3 =	vadd.s32 v3, v4  }
0x2d1: {  	v4 =	vtrunc.f32 v8;
	v3 =	vadd.s32 v7, v3  }
0x2d2: {  	v2 =	vadd.f32 $1.000000000e+00, v2;
	v4 =	vcvt.f32.s32 v4;
	[tilespmem:$0x1130] =	vst v3;
	v3 =	vor.u32 $0xD01, v0;
	_ =	sdelay $0x1  }
0x2d3: {  	[tilespmem:$0xDC0] =	vst v2;
	v4 =	vmul.u32 $0xFFFFFC40, v4  }
0x2d4: {  	v2 =	vld.idx.msk [tilespmem:v5+s16+$0x0], $0xffff  }
0x2d5: {  	v5 =	vld [tilespmem:$0x6E0];
	v4 =	vadd.s32 v6, v4  }
0x2d6: {  	vm1 =	vlt.s32 v4, $0x0;
	v6 =	vadd.s32 $0x3C0, v4;
	v3 =	vld.idx.msk [tilespmem:v3+s16+$0x0], $0xffff  }
0x2d7: {  	v4 =	vsel vm1, v6, v4  }
0x2d8: {  	vm1 =	vgt.s32 v4, $0x3BF;
	v7 =	vadd.s32 $0xFFFFFC40, v4  }
0x2d9: {  	v6 =	vshrl.u32 v2, $0x3;
	v2 =	vmul.u32 $0xC8, v2;
	v4 =	vsel vm1, v7, v4  }
0x2da: {  	v8 =	vcvt.s32.f32 v5;
	v6 =	vmul.u32 $0x1C0, v6;
	v4 =	vcvt.s32.f32 v4  }
0x2db: {  	v7 =	vor.u32 $0xD40, v0;
	v2 =	vadd.s32 v3, v2  }
0x2dc: {  	v3 =	vadd.f32 $1.000000000e+00, v4;
	v4 =	vmul.f32 $1.041666720e-03, v8;
	v2 =	vadd.s32 v6, v2  }
0x2dd: {  	[tilespmem:$0x1140] =	vst v2  }
0x2de: {  	[tilespmem:$0xDD0] =	vst v3;
	v2 =	vor.u32 $0xD41, v0;
	v3 =	vtrunc.f32 v4  }
0x2df: {  	v6 =	vld [tilespmem:$0x6F0];
	v3 =	vcvt.f32.s32 v3  }
0x2e0: {  	v4 =	vld.idx.msk [tilespmem:v7+s16+$0x0], $0xffff  }
0x2e1: {  	v3 =	vmul.u32 $0xFFFFFC40, v3;
	_ =	sdelay $0x1  }
0x2e2: {  	v2 =	vld.idx.msk [tilespmem:v2+s16+$0x0], $0xffff;
	v3 =	vadd.s32 v5, v3  }
0x2e3: {  	vm1 =	vlt.s32 v3, $0x0;
	v5 =	vadd.s32 $0x3C0, v3  }
0x2e4: {  	v7 =	vmul.u32 $0xC8, v4;
	v3 =	vsel vm1, v5, v3;
	v5 =	vcvt.s32.f32 v6  }
0x2e5: {  	v4 =	vshrl.u32 v4, $0x3;
	vm1 =	vgt.s32 v3, $0x3BF;
	v8 =	vadd.s32 $0xFFFFFC40, v3  }
0x2e6: {  	v4 =	vmul.u32 $0x1C0, v4;
	v3 =	vsel vm1, v8, v3;
	v5 =	vmul.f32 $1.041666720e-03, v5  }
0x2e7: {  	v2 =	vadd.s32 v2, v7;
	v3 =	vcvt.s32.f32 v3;
	v7 =	vor.u32 $0xD80, v0  }
0x2e8: {  	v2 =	vadd.s32 v4, v2;
	v4 =	vtrunc.f32 v5  }
0x2e9: {  	v5 =	vor.u32 $0xD81, v0;
	v3 =	vadd.f32 $1.000000000e+00, v3;
	v4 =	vcvt.f32.s32 v4  }
0x2ea: {  	[tilespmem:$0x1150] =	vst v2  }
0x2eb: {  	[tilespmem:$0xDE0] =	vst v3;
	v2 =	vmul.u32 $0xFFFFFC40, v4  }
0x2ec: {  	v3 =	vld.idx.msk [tilespmem:v7+s16+$0x0], $0xffff  }
0x2ed: {  	v2 =	vadd.s32 v6, v2  }
0x2ee: {  	v4 =	vld.idx.msk [tilespmem:v5+s16+$0x0], $0xffff;
	vm1 =	vlt.s32 v2, $0x0;
	v5 =	vadd.s32 $0x3C0, v2  }
0x2ef: {  	v2 =	vsel vm1, v5, v2  }
0x2f0: {  	vm1 =	vgt.s32 v2, $0x3BF;
	v5 =	vadd.s32 $0xFFFFFC40, v2  }
0x2f1: {  	v2 =	vsel vm1, v5, v2;
	v5 =	vmul.u32 $0xC8, v3;
	v3 =	vshrl.u32 v3, $0x3  }
0x2f2: {  	v6 =	vor.u32 $0xDC0, v0;
	v3 =	vmul.u32 $0x1C0, v3;
	v2 =	vcvt.s32.f32 v2  }
0x2f3: {  	v4 =	vadd.s32 v4, v5  }
0x2f4: {  	v3 =	vadd.s32 v3, v4;
	v2 =	vadd.f32 $1.000000000e+00, v2;
	v4 =	vor.u32 $0xDC1, v0  }
0x2f5: {  	[tilespmem:$0x1160] =	vst v3  }
0x2f6: {  	[tilespmem:$0xDF0] =	vst v2  }
0x2f7: {  	v2 =	vld.idx.msk [tilespmem:v6+s16+$0x0], $0xffff;
	_ =	sdelay $0x1  }
0x2f8: {  	v3 =	vld.idx.msk [tilespmem:v4+s16+$0x0], $0xffff;
	_ =	sdelay $0x2  }
0x2f9: {  	v4 =	vmul.u32 $0xC8, v2;
	v2 =	vshrl.u32 v2, $0x3  }
0x2fa: {  	v2 =	vmul.u32 $0x1C0, v2  }
0x2fb: {  	v3 =	vadd.s32 v3, v4  }
0x2fc: {  	v2 =	vadd.s32 v2, v3  }
0x2fd: {  	v2 =	vsel vm0, $0xC7C0, v2  }
0x2fe: {  	[tilespmem:$0x1170] =	vst v2  }
0x2ff: {  	[bflag:$0x0] =	sbarrier.arrive $0xFFFF  }
0x300: {  	[spmem:s2] =	stream.indirect.scatter [tilespmem:s28], [sflag:$0x2], $0x1, s18, s17, $0xb8;
	[tilespmem:$0x4580] =	vst v63  }
0x301: {  	_ =	swait.ge [sflag:s15], $0x80  }
0x302: {  	[sflag:s15] =	ssyncset.done $0x0  }
0x303: {  	s28 =	simm.s32 $0xA80;
	[sflag:s15] =	ssyncadd.s32 $0xFFFFFF80  }
0x304: {  	[spmem:s4] =	stream.indirect.scatter [tilespmem:s28], [sflag:$0x2], $0x1, s18, s17, $0xb8;
	[tilespmem:$0x4580] =	vst v63  }
0x305: {  	_ =	swait.ge [sflag:s15], $0x80  }
0x306: {  	[sflag:s15] =	ssyncset.done $0x0  }
0x307: {  	[sflag:s15] =	ssyncadd.s32 $0xFFFFFF80  }
0x308: {  	[spmem:s2] =	stream.indirect.scatter [tilespmem:s13], [sflag:$0x2], $0x1, s19, s17, $0xb8;
	[tilespmem:$0x4580] =	vst v63  }
0x309: {  	_ =	swait.ge [sflag:s15], $0x80  }
0x30a: {  	[sflag:s15] =	ssyncset.done $0x0  }
0x30b: {  	s28 =	simm.s32 $0xB00;
	[sflag:s15] =	ssyncadd.s32 $0xFFFFFF80  }
0x30c: {  	[spmem:s4] =	stream.indirect.scatter [tilespmem:s28], [sflag:$0x2], $0x1, s19, s17, $0xb8;
	[tilespmem:$0x4580] =	vst v63  }
0x30d: {  	_ =	swait.ge [sflag:s15], $0x80  }
0x30e: {  	[sflag:s15] =	ssyncset.done $0x0  }
0x30f: {  	[sflag:s15] =	ssyncadd.s32 $0xFFFFFF80  }
0x310: {  	[spmem:s2] =	stream.indirect.scatter [tilespmem:s25], [sflag:$0x2], $0x1, s21, s17, $0xb8;
	[tilespmem:$0x4580] =	vst v63  }
0x311: {  	_ =	swait.ge [sflag:s15], $0x80  }
0x312: {  	[sflag:s15] =	ssyncset.done $0x0  }
0x313: {  	s13 =	simm.s32 $0xB80;
	[sflag:s15] =	ssyncadd.s32 $0xFFFFFF80  }
0x314: {  	[spmem:s4] =	stream.indirect.scatter [tilespmem:s13], [sflag:$0x2], $0x1, s21, s17, $0xb8;
	[tilespmem:$0x4580] =	vst v63  }
0x315: {  	_ =	swait.ge [sflag:s15], $0x80  }
0x316: {  	[sflag:s15] =	ssyncset.done $0x0  }
0x317: {  	[sflag:s15] =	ssyncadd.s32 $0xFFFFFF80  }
0x318: {  	[spmem:s2] =	stream.indirect.scatter [tilespmem:s30], [sflag:$0x2], $0x1, s9, s17, $0xb8;
	[tilespmem:$0x4580] =	vst v63  }
0x319: {  	_ =	swait.ge [sflag:s15], $0x80  }
0x31a: {  	[sflag:s15] =	ssyncset.done $0x0  }
0x31b: {  	s25 =	simm.s32 $0xC00;
	[sflag:s15] =	ssyncadd.s32 $0xFFFFFF80  }
0x31c: {  	[spmem:s4] =	stream.indirect.scatter [tilespmem:s25], [sflag:$0x2], $0x1, s9, s17, $0xb8;
	[tilespmem:$0x4580] =	vst v63  }
0x31d: {  	_ =	swait.ge [sflag:s15], $0x80  }
0x31e: {  	[sflag:s15] =	ssyncset.done $0x0  }
0x31f: {  	[sflag:s15] =	ssyncadd.s32 $0xFFFFFF80  }
0x320: {  	[spmem:s2] =	stream.indirect.scatter [tilespmem:s24], [sflag:$0x2], $0x1, s10, s17, $0xb8;
	[tilespmem:$0x4580] =	vst v63  }
0x321: {  	_ =	swait.ge [sflag:s15], $0x80  }
0x322: {  	[sflag:s15] =	ssyncset.done $0x0  }
0x323: {  	s28 =	simm.s32 $0xC80;
	[sflag:s15] =	ssyncadd.s32 $0xFFFFFF80  }
0x324: {  	[spmem:s4] =	stream.indirect.scatter [tilespmem:s28], [sflag:$0x2], $0x1, s10, s17, $0xb8;
	[tilespmem:$0x4580] =	vst v63  }
0x325: {  	_ =	swait.ge [sflag:s15], $0x80  }
0x326: {  	[sflag:s15] =	ssyncset.done $0x0  }
0x327: {  	[sflag:s15] =	ssyncadd.s32 $0xFFFFFF80  }
0x328: {  	[spmem:s2] =	stream.indirect.scatter [tilespmem:s26], [sflag:$0x2], $0x1, s11, s17, $0xb8;
	[tilespmem:$0x4580] =	vst v63  }
0x329: {  	_ =	swait.ge [sflag:s15], $0x80  }
0x32a: {  	[sflag:s15] =	ssyncset.done $0x0  }
0x32b: {  	s30 =	simm.s32 $0xD00;
	[sflag:s15] =	ssyncadd.s32 $0xFFFFFF80  }
0x32c: {  	[spmem:s4] =	stream.indirect.scatter [tilespmem:s30], [sflag:$0x2], $0x1, s11, s17, $0xb8;
	[tilespmem:$0x4580] =	vst v63  }
0x32d: {  	_ =	swait.ge [sflag:s15], $0x80  }
0x32e: {  	[sflag:s15] =	ssyncset.done $0x0  }
0x32f: {  	[sflag:s15] =	ssyncadd.s32 $0xFFFFFF80  }
0x330: {  	[spmem:s2] =	stream.indirect.scatter [tilespmem:s29], [sflag:$0x2], $0x1, s23, s17, $0xb8;
	[tilespmem:$0x4580] =	vst v63  }
0x331: {  	_ =	swait.ge [sflag:s15], $0x80  }
0x332: {  	[sflag:s15] =	ssyncset.done $0x0  }
0x333: {  	s13 =	simm.s32 $0xD80;
	[sflag:s15] =	ssyncadd.s32 $0xFFFFFF80  }
0x334: {  	[spmem:s4] =	stream.indirect.scatter [tilespmem:s13], [sflag:$0x2], $0x1, s23, s17, $0xb8;
	[tilespmem:$0x4580] =	vst v63  }
0x335: {  	_ =	swait.ge [sflag:s15], $0x80  }
0x336: {  	[sflag:s15] =	ssyncset.done $0x0  }
0x337: {  	[sflag:s15] =	ssyncadd.s32 $0xFFFFFF80  }
0x338: {  	[bflag:$0x0] =	sbarrier.arrive $0xFFFF  }
0x339: {  	[tilespmem:s14], [sflag:$0x2] =	stream.linear.gather [spmem:s7], $0xC80, $0x38;
	[tilespmem:$0x4580] =	vst v63  }
0x33a: {  	_ =	swait.ge [sflag:s15], $0xC80  }
0x33b: {  	[sflag:s15] =	ssyncset.done $0x0  }
0x33c: {  	s25 =	rddreg [dreg:$0x9];
	[sflag:s15] =	ssyncadd.s32 $0xFFFFF380  }
0x33d: {  	[hbm4b:s25+s5] =	stream.linear.scatter [tilespmem:s14], [sflag:$0x2], $0xC80, $0x38;
	[tilespmem:$0x4580] =	vst v63  }
0x33e: {  	_ =	swait.ge [sflag:s15], $0xC80  }
0x33f: {  	[sflag:s15] =	ssyncset.done $0x0  }
0x340: {  	[sflag:s15] =	ssyncadd.s32 $0xFFFFF380  }
0x341: {  	[tilespmem:s14], [sflag:$0x2] =	stream.linear.gather [spmem:s8], $0xC80, $0x38;
	[tilespmem:$0x4580] =	vst v63  }
0x342: {  	_ =	swait.ge [sflag:s15], $0xC80  }
0x343: {  	[sflag:s15] =	ssyncset.done $0x0  }
0x344: {  	s28 =	rddreg [dreg:$0xa];
	[sflag:s15] =	ssyncadd.s32 $0xFFFFF380  }
0x345: {  	[hbm4b:s28+s5] =	stream.linear.scatter [tilespmem:s14], [sflag:$0x2], $0xC80, $0x38;
	[tilespmem:$0x4580] =	vst v63  }
0x346: {  	_ =	swait.ge [sflag:s15], $0xC80  }
0x347: {  	s12 =	sadd.s32 $0x1, s12;
	s30 =	rddreg [dreg:$0xb]  }
0x348: {  	p1 =	sne.s32 s12, s30  }
.Ltmp1:
0x349: {  	_ = 	snop;
	(pc) =	sbr.rel @p1 .LBB2_1-.Ltmp1, $3  }
0x34a: {  	_ =	sdelay $0x1  }
0x34b: {  	[sflag:s15] =	ssyncset.done $0x0  }
0x34c: {  	[sflag:s15] =	ssyncadd.s32 $0xFFFFF380  }
0x34d: {  	_ =	sfence.sel $0x180000  }
0x34e: {  	[bflag:$0x0] =	sbarrier.arrive $0xFFFF  }
0x34f: {  	_ =	strace $0x90000047  }
0x350: {  	s0 =	stileid.u32;
	[bflag:$0x2] =	sbarrier.arrive $0xFFFF  }
0x351: {  	p0 =	sne.s32 s0, $0x0;
	s0 =	rddreg [dreg:$0x6]  }
0x352: {  	s0 =	sadd.s32 @!p0 $0x100000, s0  }
0x353: {  	[sflag:s0] =	ssyncadd.tile.s32 @!p0 $0x1;
	_ =	shalt  }
.Lfunc_end2:
_tile_overlayer_lowered:
.L_overlay_start_2:
0x354: {  	(tag) =	ssettag $0x2  }
0x355: {  	s0 =	rddreg [dreg:$0x0];
	s2 =	stileid.u32  }
0x356: {  	s1 =	rddreg [dreg:$0x1];
	p0 =	sne.s32 s2, $0x0  }
0x357: {  	s3 =	rddreg [dreg:$0x2];
	[bflag:$0x3] =	sbarrier.arrive $0xFFFF;
	s2 =	simm.s32 @!p0 $0x1C02  }
0x358: {  	[timem:s3], [sflag:s2] =	dma.local @!p0 [hbm:s0], s1  }
0x359: {  	s0 =	simm.s32 @!p0 $0x2  }
0x35a: {  	_ =	swait.ge @!p0 [sflag:s0], s1  }
0x35b: {  	s1 =	ssub.s32 @!p0 $0x0, s1;
	[sflag:s0] =	ssyncset.done @!p0 $0x0  }
0x35c: {  	[sflag:s0] =	ssyncadd.s32 @!p0 s1  }
0x35d: {  	[bflag:$0x3] =	sbarrier.arrive $0xFFFF  }
0x35e: {  	_ =	shalt  }

</sc_bundles>
